<compile_context>
chip_gen: v7x
topology: tpu7x:2x2x1
jax: 0.10.2.dev20260603
libtpu: 0.0.44.dev20260713+nightly
codegen_flags: <defaults>
</compile_context>

<pallas_src>
import functools

import jax
import jax.numpy as jnp
from jax import lax
from jax.experimental import pallas as pl
from jax.experimental.pallas import tpu as pltpu
from jax.experimental.pallas import tpu_sc as plsc

N_NODES = 10000
D_FEAT = 128
N_EDGES = 320000
R_DEC = 2.0
T_DEC = 1.0

_info = plsc.get_sparse_core_info()
NC, NS, L = _info.num_cores, _info.num_subcores, _info.num_lanes
NW = NC * NS
EPW = N_EDGES // NW
B = 80
NB = EPW // B
UNROLL = 8


def _normalize_body(h_ref, o_ref):
    x = h_ref[...]
    n2 = jnp.sum(x * x, axis=1, keepdims=True)
    norm = jnp.sqrt(n2)
    scale = jnp.minimum(jnp.float32(1.0),
                        jnp.float32(1.0) / jnp.maximum(norm, jnp.float32(1e-12)))
    o_ref[...] = x * scale


def _normalize(h):
    rb = 1000
    return pl.pallas_call(
        _normalize_body,
        out_shape=jax.ShapeDtypeStruct((N_NODES, D_FEAT), jnp.float32),
        grid=(N_NODES // rb,),
        in_specs=[pl.BlockSpec((rb, D_FEAT), lambda i: (i, 0))],
        out_specs=pl.BlockSpec((rb, D_FEAT), lambda i: (i, 0)),
    )(h)


@functools.partial(
    pl.kernel,
    out_type=jax.ShapeDtypeStruct((N_EDGES,), jnp.float32),
    mesh=plsc.VectorSubcoreMesh(core_axis_name="c", subcore_axis_name="s"),
    compiler_params=pltpu.CompilerParams(needs_layout_passes=False),
    scratch_types=[
        pltpu.VMEM((EPW,), jnp.int32),
        pltpu.VMEM((EPW,), jnp.int32),
        pltpu.VMEM((EPW,), jnp.float32),
        pltpu.VMEM((B, D_FEAT), jnp.float32),
        pltpu.VMEM((B, D_FEAT), jnp.float32),
        pltpu.VMEM((B, D_FEAT), jnp.float32),
        pltpu.VMEM((B, D_FEAT), jnp.float32),
        pltpu.SemaphoreType.DMA,
        pltpu.SemaphoreType.DMA,
    ],
)
def _sc_decode(h_hbm, ei_hbm, out_hbm, idx_i, idx_j, out_v,
               xi0, xj0, xi1, xj1, sem0, sem1):
    wid = lax.axis_index("s") * NC + lax.axis_index("c")
    base = pl.multiple_of(wid * EPW, 8)
    pltpu.sync_copy(ei_hbm.at[pl.ds(base, EPW)], idx_i)
    pltpu.sync_copy(ei_hbm.at[pl.ds(N_EDGES + base, EPW)], idx_j)

    bufs = ((xi0, xj0, sem0), (xi1, xj1, sem1))

    def start(blk, b):
        xi, xj, sem = bufs[b]
        off = pl.multiple_of(blk * B, 8)
        pltpu.async_copy(h_hbm.at[idx_i.at[pl.ds(off, B)]], xi, sem)
        pltpu.async_copy(h_hbm.at[idx_j.at[pl.ds(off, B)]], xj, sem)

    def wait(blk, b):
        xi, xj, sem = bufs[b]
        off = pl.multiple_of(blk * B, 8)
        pltpu.make_async_copy(h_hbm.at[idx_i.at[pl.ds(off, B)]], xi, sem).wait()
        pltpu.make_async_copy(h_hbm.at[idx_j.at[pl.ds(off, B)]], xj, sem).wait()

    def compute(blk, b):
        xi, xj, _ = bufs[b]
        lane = lax.iota(jnp.int32, L)
        for g in range(B // L):
            rows = jnp.int32(g * L) + lane
            acc0 = (jnp.zeros((L,), jnp.float32), jnp.zeros((L,), jnp.float32))

            def dstep(d, accs):
                acc_a, acc_b = accs
                for u in range(UNROLL):
                    col = (d * UNROLL + u + lane) & jnp.int32(D_FEAT - 1)
                    a = plsc.load_gather(xi, [rows, col])
                    c = plsc.load_gather(xj, [rows, col])
                    t = a - c
                    if u % 2 == 0:
                        acc_a = acc_a + t * t
                    else:
                        acc_b = acc_b + t * t
                return acc_a, acc_b

            acc_a, acc_b = lax.fori_loop(0, D_FEAT // UNROLL, dstep, acc0)
            acc = acc_a + acc_b
            probs = jnp.float32(1.0) / (
                jnp.exp((acc - jnp.float32(R_DEC)) / jnp.float32(T_DEC))
                + jnp.float32(1.0))
            out_v[pl.ds(pl.multiple_of(blk * B + g * L, 8), L)] = probs

    start(0, 0)
    start(1, 1)

    def pair(p, carry):
        g = p * 2
        wait(g, 0)
        compute(g, 0)

        @pl.when(g + 2 < NB)
        def _():
            start(g + 2, 0)

        wait(g + 1, 1)
        compute(g + 1, 1)

        @pl.when(g + 3 < NB)
        def _():
            start(g + 3, 1)

        return carry

    lax.fori_loop(0, (NB - 1) // 2, pair, 0)
    wait(NB - 1, 0)
    compute(NB - 1, 0)

    pltpu.sync_copy(out_v, out_hbm.at[pl.ds(base, EPW)])


def kernel(h, edge_index):
    h_norm = _normalize(h)
    ei_flat = edge_index.astype(jnp.int32).reshape(-1)
    return _sc_decode(h_norm, ei_flat)

# --- scband reference (transcript-rebuilt; emitter-appended) ---
"""Pipeline reference for scband-gcmodel-49246095016338 (READ-ONLY COPY).

The authoritative reference and input builder live on the scoring server;
editing this copy changes nothing except your own understanding.
"""

import jax, jax.numpy as jnp
import numpy as np

R = 2.0
T = 1.0
N_NODES = 10000
D_FEAT = 128
N_EDGES = 320000


def setup_inputs(seed: int = 0) -> dict:
    key = jax.random.key(seed)
    k1, k2 = jax.random.split(key)
    h = jax.random.normal(k1, (N_NODES, D_FEAT), dtype=jnp.float32)
    edge_index = jax.random.randint(k2, (2, N_EDGES), 0, N_NODES, dtype=jnp.int64)
    return {"h": h, "edge_index": edge_index}


def reference(h, edge_index):
    # Euclidean manifold normalize: renorm rows to max L2 norm of 1.0
    norms = jnp.linalg.norm(h, axis=-1, keepdims=True)
    scale = jnp.minimum(jnp.float32(1.0), jnp.float32(1.0) / jnp.maximum(norms, jnp.float32(1e-12)))
    h = h * scale
    # gather endpoint embeddings (F.embedding == row gather)
    edge_i = edge_index[0]
    edge_j = edge_index[1]
    x_i = jnp.take(h, edge_i, axis=0)
    x_j = jnp.take(h, edge_j, axis=0)
    # Euclidean sqdist
    sqdist = jnp.sum((x_i - x_j) ** 2, axis=-1)
    # FermiDirac decoder: probs = 1 / (exp((d - r)/t) + 1)
    probs = jnp.float32(1.0) / (jnp.exp((sqdist - jnp.float32(R)) / jnp.float32(T)) + jnp.float32(1.0))
    return probs

if __name__ == "__main__":
    import jax
    _d = setup_inputs()
    print(jax.jit(kernel)(*tuple(_d.values())))

</pallas_src>

<mosaic_0001>
#map = affine_map<(d0, d1) -> (0, 0)>
#map1 = affine_map<(d0, d1) -> (0)>
module attributes {stable_mosaic.version = 14 : i64} {
  func.func @_sc_decode(%arg0: i32, %arg1: i32, %arg2: memref<10000x128xf32, #tpu.memory_space<hbm>>, %arg3: memref<640000xi32, #tpu.memory_space<hbm>>, %arg4: memref<320000xf32, #tpu.memory_space<hbm>>, %arg5: memref<10000xi32, #tpu.memory_space<vmem>>, %arg6: memref<10000xi32, #tpu.memory_space<vmem>>, %arg7: memref<10000xf32, #tpu.memory_space<vmem>>, %arg8: memref<80x128xf32, #tpu.memory_space<vmem>>, %arg9: memref<80x128xf32, #tpu.memory_space<vmem>>, %arg10: memref<80x128xf32, #tpu.memory_space<vmem>>, %arg11: memref<80x128xf32, #tpu.memory_space<vmem>>, %arg12: memref<!tpu.dma_semaphore, #tpu.memory_space<semaphore_mem>>, %arg13: memref<!tpu.dma_semaphore, #tpu.memory_space<semaphore_mem>>) attributes {dimension_semantics = [#tpu.dimension_semantics<core_parallel>, #tpu.dimension_semantics<subcore_parallel>], iteration_bounds = array<i64: 2, 16>, scalar_prefetch = 0 : i64, scratch_operands = 9 : i64, tpu.core_type = #tpu.core_type<sc_vector_subcore>, window_params = [{transform_indices = #map}, {transform_indices = #map1}, {transform_indices = #map1}]} {
    %mul3A = arith.constant 2 : i32
    %mul3A_0 = arith.muli %arg1, %mul3A : i32
    %add3A = arith.addi %mul3A_0, %arg0 : i32
    %mul3A_1 = arith.constant 10000 : i32
    %mul3A_2 = arith.muli %add3A, %mul3A_1 : i32
    %multiple_of3A = tpu.assume_multiple %mul3A_2, 8 : i32
    "tpu.region"() ({
      %run_scoped3A = tpu.sem_alloc : memref<!tpu.dma_semaphore, #tpu.memory_space<semaphore_mem>>
      %dma_start3A_188 = tpu.memref_slice %arg3[%multiple_of3A] : memref<640000xi32, #tpu.memory_space<hbm>> -> memref<10000xi32, #tpu.memory_space<hbm>>
      %dma_start3A_189 = tpu.memref_slice %arg3[%multiple_of3A] : memref<640000xi32, #tpu.memory_space<hbm>> -> memref<10000xi32, #tpu.memory_space<hbm>>
      tpu.enqueue_dma source(%dma_start3A_189 : memref<10000xi32, #tpu.memory_space<hbm>>) target(%arg5 : memref<10000xi32, #tpu.memory_space<vmem>>) target_semaphore(%run_scoped3A : memref<!tpu.dma_semaphore, #tpu.memory_space<semaphore_mem>>)
      %dma_wait3A_190 = tpu.memref_slice %arg3[%multiple_of3A] : memref<640000xi32, #tpu.memory_space<hbm>> -> memref<10000xi32, #tpu.memory_space<hbm>>
      %dma_wait3A_191 = tpu.memref_slice %arg3[%multiple_of3A] : memref<640000xi32, #tpu.memory_space<hbm>> -> memref<10000xi32, #tpu.memory_space<hbm>>
      tpu.wait_dma2 semaphore(%run_scoped3A : memref<!tpu.dma_semaphore, #tpu.memory_space<semaphore_mem>>) src(%dma_wait3A_191 : memref<10000xi32, #tpu.memory_space<hbm>>) dst(%arg5 : memref<10000xi32, #tpu.memory_space<vmem>>)
      tpu.yield
    }) : () -> ()
    %add3A_3 = arith.constant 320000 : i32
    %add3A_4 = arith.addi %add3A_3, %multiple_of3A : i32
    "tpu.region"() ({
      %run_scoped3A = tpu.sem_alloc : memref<!tpu.dma_semaphore, #tpu.memory_space<semaphore_mem>>
      %dma_start3A_188 = tpu.memref_slice %arg3[%add3A_4] : memref<640000xi32, #tpu.memory_space<hbm>> -> memref<10000xi32, #tpu.memory_space<hbm>>
      %dma_start3A_189 = tpu.memref_slice %arg3[%add3A_4] : memref<640000xi32, #tpu.memory_space<hbm>> -> memref<10000xi32, #tpu.memory_space<hbm>>
      tpu.enqueue_dma source(%dma_start3A_189 : memref<10000xi32, #tpu.memory_space<hbm>>) target(%arg6 : memref<10000xi32, #tpu.memory_space<vmem>>) target_semaphore(%run_scoped3A : memref<!tpu.dma_semaphore, #tpu.memory_space<semaphore_mem>>)
      %dma_wait3A_190 = tpu.memref_slice %arg3[%add3A_4] : memref<640000xi32, #tpu.memory_space<hbm>> -> memref<10000xi32, #tpu.memory_space<hbm>>
      %dma_wait3A_191 = tpu.memref_slice %arg3[%add3A_4] : memref<640000xi32, #tpu.memory_space<hbm>> -> memref<10000xi32, #tpu.memory_space<hbm>>
      tpu.wait_dma2 semaphore(%run_scoped3A : memref<!tpu.dma_semaphore, #tpu.memory_space<semaphore_mem>>) src(%dma_wait3A_191 : memref<10000xi32, #tpu.memory_space<hbm>>) dst(%arg6 : memref<10000xi32, #tpu.memory_space<vmem>>)
      tpu.yield
    }) : () -> ()
    %multiple_of3A_5 = arith.constant 0 : i32
    %multiple_of3A_6 = tpu.assume_multiple %multiple_of3A_5, 8 : i32
    %dma_start3A = tpu.memref_slice %arg5[%multiple_of3A_6] : memref<10000xi32, #tpu.memory_space<vmem>> -> memref<80xi32, #tpu.memory_space<vmem>>
    %dma_start3A_7 = arith.constant 0 : i32
    %dma_start3A_8 = arith.constant 0 : i32
    %dma_start3A_9 = tpu.memref_slice %arg2[%dma_start3A_7, %dma_start3A_8] : memref<10000x128xf32, #tpu.memory_space<hbm>> -> memref<10000x128xf32, #tpu.memory_space<hbm>>
    tpu.enqueue_indirect_dma source(%dma_start3A_9 : memref<10000x128xf32, #tpu.memory_space<hbm>>) target(%arg8 : memref<80x128xf32, #tpu.memory_space<vmem>>) offsets(%dma_start3A : memref<80xi32, #tpu.memory_space<vmem>>) semaphore(%arg12 : memref<!tpu.dma_semaphore, #tpu.memory_space<semaphore_mem>>)
    %dma_start3A_10 = tpu.memref_slice %arg6[%multiple_of3A_6] : memref<10000xi32, #tpu.memory_space<vmem>> -> memref<80xi32, #tpu.memory_space<vmem>>
    %dma_start3A_11 = arith.constant 0 : i32
    %dma_start3A_12 = arith.constant 0 : i32
    %dma_start3A_13 = tpu.memref_slice %arg2[%dma_start3A_11, %dma_start3A_12] : memref<10000x128xf32, #tpu.memory_space<hbm>> -> memref<10000x128xf32, #tpu.memory_space<hbm>>
    tpu.enqueue_indirect_dma source(%dma_start3A_13 : memref<10000x128xf32, #tpu.memory_space<hbm>>) target(%arg9 : memref<80x128xf32, #tpu.memory_space<vmem>>) offsets(%dma_start3A_10 : memref<80xi32, #tpu.memory_space<vmem>>) semaphore(%arg12 : memref<!tpu.dma_semaphore, #tpu.memory_space<semaphore_mem>>)
    %multiple_of3A_14 = arith.constant 80 : i32
    %multiple_of3A_15 = tpu.assume_multiple %multiple_of3A_14, 8 : i32
    %dma_start3A_16 = tpu.memref_slice %arg5[%multiple_of3A_15] : memref<10000xi32, #tpu.memory_space<vmem>> -> memref<80xi32, #tpu.memory_space<vmem>>
    %dma_start3A_17 = arith.constant 0 : i32
    %dma_start3A_18 = arith.constant 0 : i32
    %dma_start3A_19 = tpu.memref_slice %arg2[%dma_start3A_17, %dma_start3A_18] : memref<10000x128xf32, #tpu.memory_space<hbm>> -> memref<10000x128xf32, #tpu.memory_space<hbm>>
    tpu.enqueue_indirect_dma source(%dma_start3A_19 : memref<10000x128xf32, #tpu.memory_space<hbm>>) target(%arg10 : memref<80x128xf32, #tpu.memory_space<vmem>>) offsets(%dma_start3A_16 : memref<80xi32, #tpu.memory_space<vmem>>) semaphore(%arg13 : memref<!tpu.dma_semaphore, #tpu.memory_space<semaphore_mem>>)
    %dma_start3A_20 = tpu.memref_slice %arg6[%multiple_of3A_15] : memref<10000xi32, #tpu.memory_space<vmem>> -> memref<80xi32, #tpu.memory_space<vmem>>
    %dma_start3A_21 = arith.constant 0 : i32
    %dma_start3A_22 = arith.constant 0 : i32
    %dma_start3A_23 = tpu.memref_slice %arg2[%dma_start3A_21, %dma_start3A_22] : memref<10000x128xf32, #tpu.memory_space<hbm>> -> memref<10000x128xf32, #tpu.memory_space<hbm>>
    tpu.enqueue_indirect_dma source(%dma_start3A_23 : memref<10000x128xf32, #tpu.memory_space<hbm>>) target(%arg11 : memref<80x128xf32, #tpu.memory_space<vmem>>) offsets(%dma_start3A_20 : memref<80xi32, #tpu.memory_space<vmem>>) semaphore(%arg13 : memref<!tpu.dma_semaphore, #tpu.memory_space<semaphore_mem>>)
    %scan3A = arith.constant 0 : i32
    %scan3A_24 = arith.constant 0 : i32
    %scan3A_25 = arith.constant 62 : i32
    %scan3A_26 = arith.addi %scan3A_24, %scan3A_25 : i32
    %scan3A_27 = arith.constant 1 : i32
    scf.for %scan3A_188 = %scan3A_24 to %scan3A_26 step %scan3A_27  : i32 {
      %mul3A_189 = arith.constant 2 : i32
      %mul3A_190 = arith.muli %scan3A_188, %mul3A_189 : i32
      %mul3A_191 = arith.constant 80 : i32
      %mul3A_192 = arith.muli %mul3A_190, %mul3A_191 : i32
      %multiple_of3A_193 = tpu.assume_multiple %mul3A_192, 8 : i32
      %dma_wait3A_194 = tpu.memref_slice %arg5[%multiple_of3A_193] : memref<10000xi32, #tpu.memory_space<vmem>> -> memref<80xi32, #tpu.memory_space<vmem>>
      %dma_wait3A_195 = arith.constant 0 : i32
      %dma_wait3A_196 = arith.constant 0 : i32
      %dma_wait3A_197 = tpu.memref_slice %arg2[%dma_wait3A_195, %dma_wait3A_196] : memref<10000x128xf32, #tpu.memory_space<hbm>> -> memref<10000x128xf32, #tpu.memory_space<hbm>>
      tpu.wait_indirect_dma semaphore(%arg12 : memref<!tpu.dma_semaphore, #tpu.memory_space<semaphore_mem>>) src(%dma_wait3A_197 : memref<10000x128xf32, #tpu.memory_space<hbm>>) dst(%arg8 : memref<80x128xf32, #tpu.memory_space<vmem>>)
      %dma_wait3A_198 = tpu.memref_slice %arg6[%multiple_of3A_193] : memref<10000xi32, #tpu.memory_space<vmem>> -> memref<80xi32, #tpu.memory_space<vmem>>
      %dma_wait3A_199 = arith.constant 0 : i32
      %dma_wait3A_200 = arith.constant 0 : i32
      %dma_wait3A_201 = tpu.memref_slice %arg2[%dma_wait3A_199, %dma_wait3A_200] : memref<10000x128xf32, #tpu.memory_space<hbm>> -> memref<10000x128xf32, #tpu.memory_space<hbm>>
      tpu.wait_indirect_dma semaphore(%arg12 : memref<!tpu.dma_semaphore, #tpu.memory_space<semaphore_mem>>) src(%dma_wait3A_201 : memref<10000x128xf32, #tpu.memory_space<hbm>>) dst(%arg9 : memref<80x128xf32, #tpu.memory_space<vmem>>)
      %iota3A_202 = tpu.iota {dimensions = array<i32: 0>} : vector<16xi32>
      %add3A_203 = arith.constant 0 : i32
      %add3A_204 = vector.broadcast %add3A_203 : i32 to vector<16xi32>
      %add3A_205 = arith.addi %add3A_204, %iota3A_202 : vector<16xi32>
      %broadcast_in_dim3A_206 = arith.constant 0.000000e+00 : f32
      %broadcast_in_dim3A_207 = vector.broadcast %broadcast_in_dim3A_206 : f32 to vector<16xf32>
      %broadcast_in_dim3A_208 = arith.constant 0.000000e+00 : f32
      %broadcast_in_dim3A_209 = vector.broadcast %broadcast_in_dim3A_208 : f32 to vector<16xf32>
      %scan3A_210 = arith.constant 0 : i32
      %scan3A_211 = arith.constant 16 : i32
      %scan3A_212 = arith.addi %scan3A_210, %scan3A_211 : i32
      %scan3A_213 = arith.constant 1 : i32
      %scan3A_214:2 = scf.for %scan3A_570 = %scan3A_210 to %scan3A_212 step %scan3A_213 iter_args(%scan3A_571 = %broadcast_in_dim3A_207, %scan3A_572 = %broadcast_in_dim3A_209) -> (vector<16xf32>, vector<16xf32>)  : i32 {
        %mul3A_573 = arith.constant 8 : i32
        %mul3A_574 = arith.muli %scan3A_570, %mul3A_573 : i32
        %add3A_575 = arith.constant 0 : i32
        %add3A_576 = arith.addi %mul3A_574, %add3A_575 : i32
        %add3A_577 = vector.broadcast %add3A_576 : i32 to vector<16xi32>
        %add3A_578 = arith.addi %add3A_577, %iota3A_202 : vector<16xi32>
        %and3A = arith.constant 127 : i32
        %and3A_579 = vector.broadcast %and3A : i32 to vector<16xi32>
        %and3A_580 = arith.andi %add3A_578, %and3A_579 : vector<16xi32>
        %gather3A = tpu.vector_load_idx %arg8[%add3A_205, %and3A_580] : memref<80x128xf32, #tpu.memory_space<vmem>>[vector<16xi32>, vector<16xi32>], vector<16xf32>,
        %gather3A_581 = tpu.vector_load_idx %arg9[%add3A_205, %and3A_580] : memref<80x128xf32, #tpu.memory_space<vmem>>[vector<16xi32>, vector<16xi32>], vector<16xf32>,
        %sub3A_582 = arith.subf %gather3A, %gather3A_581 : vector<16xf32>
        %mul3A_583 = arith.mulf %sub3A_582, %sub3A_582 : vector<16xf32>
        %add3A_584 = arith.addf %scan3A_571, %mul3A_583 : vector<16xf32>
        %mul3A_585 = arith.constant 8 : i32
        %mul3A_586 = arith.muli %scan3A_570, %mul3A_585 : i32
        %add3A_587 = arith.constant 1 : i32
        %add3A_588 = arith.addi %mul3A_586, %add3A_587 : i32
        %add3A_589 = vector.broadcast %add3A_588 : i32 to vector<16xi32>
        %add3A_590 = arith.addi %add3A_589, %iota3A_202 : vector<16xi32>
        %and3A_591 = arith.constant 127 : i32
        %and3A_592 = vector.broadcast %and3A_591 : i32 to vector<16xi32>
        %and3A_593 = arith.andi %add3A_590, %and3A_592 : vector<16xi32>
        %gather3A_594 = tpu.vector_load_idx %arg8[%add3A_205, %and3A_593] : memref<80x128xf32, #tpu.memory_space<vmem>>[vector<16xi32>, vector<16xi32>], vector<16xf32>,
        %gather3A_595 = tpu.vector_load_idx %arg9[%add3A_205, %and3A_593] : memref<80x128xf32, #tpu.memory_space<vmem>>[vector<16xi32>, vector<16xi32>], vector<16xf32>,
        %sub3A_596 = arith.subf %gather3A_594, %gather3A_595 : vector<16xf32>
        %mul3A_597 = arith.mulf %sub3A_596, %sub3A_596 : vector<16xf32>
        %add3A_598 = arith.addf %scan3A_572, %mul3A_597 : vector<16xf32>
        %mul3A_599 = arith.constant 8 : i32
        %mul3A_600 = arith.muli %scan3A_570, %mul3A_599 : i32
        %add3A_601 = arith.constant 2 : i32
        %add3A_602 = arith.addi %mul3A_600, %add3A_601 : i32
        %add3A_603 = vector.broadcast %add3A_602 : i32 to vector<16xi32>
        %add3A_604 = arith.addi %add3A_603, %iota3A_202 : vector<16xi32>
        %and3A_605 = arith.constant 127 : i32
        %and3A_606 = vector.broadcast %and3A_605 : i32 to vector<16xi32>
        %and3A_607 = arith.andi %add3A_604, %and3A_606 : vector<16xi32>
        %gather3A_608 = tpu.vector_load_idx %arg8[%add3A_205, %and3A_607] : memref<80x128xf32, #tpu.memory_space<vmem>>[vector<16xi32>, vector<16xi32>], vector<16xf32>,
        %gather3A_609 = tpu.vector_load_idx %arg9[%add3A_205, %and3A_607] : memref<80x128xf32, #tpu.memory_space<vmem>>[vector<16xi32>, vector<16xi32>], vector<16xf32>,
        %sub3A_610 = arith.subf %gather3A_608, %gather3A_609 : vector<16xf32>
        %mul3A_611 = arith.mulf %sub3A_610, %sub3A_610 : vector<16xf32>
        %add3A_612 = arith.addf %add3A_584, %mul3A_611 : vector<16xf32>
        %mul3A_613 = arith.constant 8 : i32
        %mul3A_614 = arith.muli %scan3A_570, %mul3A_613 : i32
        %add3A_615 = arith.constant 3 : i32
        %add3A_616 = arith.addi %mul3A_614, %add3A_615 : i32
        %add3A_617 = vector.broadcast %add3A_616 : i32 to vector<16xi32>
        %add3A_618 = arith.addi %add3A_617, %iota3A_202 : vector<16xi32>
        %and3A_619 = arith.constant 127 : i32
        %and3A_620 = vector.broadcast %and3A_619 : i32 to vector<16xi32>
        %and3A_621 = arith.andi %add3A_618, %and3A_620 : vector<16xi32>
        %gather3A_622 = tpu.vector_load_idx %arg8[%add3A_205, %and3A_621] : memref<80x128xf32, #tpu.memory_space<vmem>>[vector<16xi32>, vector<16xi32>], vector<16xf32>,
        %gather3A_623 = tpu.vector_load_idx %arg9[%add3A_205, %and3A_621] : memref<80x128xf32, #tpu.memory_space<vmem>>[vector<16xi32>, vector<16xi32>], vector<16xf32>,
        %sub3A_624 = arith.subf %gather3A_622, %gather3A_623 : vector<16xf32>
        %mul3A_625 = arith.mulf %sub3A_624, %sub3A_624 : vector<16xf32>
        %add3A_626 = arith.addf %add3A_598, %mul3A_625 : vector<16xf32>
        %mul3A_627 = arith.constant 8 : i32
        %mul3A_628 = arith.muli %scan3A_570, %mul3A_627 : i32
        %add3A_629 = arith.constant 4 : i32
        %add3A_630 = arith.addi %mul3A_628, %add3A_629 : i32
        %add3A_631 = vector.broadcast %add3A_630 : i32 to vector<16xi32>
        %add3A_632 = arith.addi %add3A_631, %iota3A_202 : vector<16xi32>
        %and3A_633 = arith.constant 127 : i32
        %and3A_634 = vector.broadcast %and3A_633 : i32 to vector<16xi32>
        %and3A_635 = arith.andi %add3A_632, %and3A_634 : vector<16xi32>
        %gather3A_636 = tpu.vector_load_idx %arg8[%add3A_205, %and3A_635] : memref<80x128xf32, #tpu.memory_space<vmem>>[vector<16xi32>, vector<16xi32>], vector<16xf32>,
        %gather3A_637 = tpu.vector_load_idx %arg9[%add3A_205, %and3A_635] : memref<80x128xf32, #tpu.memory_space<vmem>>[vector<16xi32>, vector<16xi32>], vector<16xf32>,
        %sub3A_638 = arith.subf %gather3A_636, %gather3A_637 : vector<16xf32>
        %mul3A_639 = arith.mulf %sub3A_638, %sub3A_638 : vector<16xf32>
        %add3A_640 = arith.addf %add3A_612, %mul3A_639 : vector<16xf32>
        %mul3A_641 = arith.constant 8 : i32
        %mul3A_642 = arith.muli %scan3A_570, %mul3A_641 : i32
        %add3A_643 = arith.constant 5 : i32
        %add3A_644 = arith.addi %mul3A_642, %add3A_643 : i32
        %add3A_645 = vector.broadcast %add3A_644 : i32 to vector<16xi32>
        %add3A_646 = arith.addi %add3A_645, %iota3A_202 : vector<16xi32>
        %and3A_647 = arith.constant 127 : i32
        %and3A_648 = vector.broadcast %and3A_647 : i32 to vector<16xi32>
        %and3A_649 = arith.andi %add3A_646, %and3A_648 : vector<16xi32>
        %gather3A_650 = tpu.vector_load_idx %arg8[%add3A_205, %and3A_649] : memref<80x128xf32, #tpu.memory_space<vmem>>[vector<16xi32>, vector<16xi32>], vector<16xf32>,
        %gather3A_651 = tpu.vector_load_idx %arg9[%add3A_205, %and3A_649] : memref<80x128xf32, #tpu.memory_space<vmem>>[vector<16xi32>, vector<16xi32>], vector<16xf32>,
        %sub3A_652 = arith.subf %gather3A_650, %gather3A_651 : vector<16xf32>
        %mul3A_653 = arith.mulf %sub3A_652, %sub3A_652 : vector<16xf32>
        %add3A_654 = arith.addf %add3A_626, %mul3A_653 : vector<16xf32>
        %mul3A_655 = arith.constant 8 : i32
        %mul3A_656 = arith.muli %scan3A_570, %mul3A_655 : i32
        %add3A_657 = arith.constant 6 : i32
        %add3A_658 = arith.addi %mul3A_656, %add3A_657 : i32
        %add3A_659 = vector.broadcast %add3A_658 : i32 to vector<16xi32>
        %add3A_660 = arith.addi %add3A_659, %iota3A_202 : vector<16xi32>
        %and3A_661 = arith.constant 127 : i32
        %and3A_662 = vector.broadcast %and3A_661 : i32 to vector<16xi32>
        %and3A_663 = arith.andi %add3A_660, %and3A_662 : vector<16xi32>
        %gather3A_664 = tpu.vector_load_idx %arg8[%add3A_205, %and3A_663] : memref<80x128xf32, #tpu.memory_space<vmem>>[vector<16xi32>, vector<16xi32>], vector<16xf32>,
        %gather3A_665 = tpu.vector_load_idx %arg9[%add3A_205, %and3A_663] : memref<80x128xf32, #tpu.memory_space<vmem>>[vector<16xi32>, vector<16xi32>], vector<16xf32>,
        %sub3A_666 = arith.subf %gather3A_664, %gather3A_665 : vector<16xf32>
        %mul3A_667 = arith.mulf %sub3A_666, %sub3A_666 : vector<16xf32>
        %add3A_668 = arith.addf %add3A_640, %mul3A_667 : vector<16xf32>
        %mul3A_669 = arith.constant 8 : i32
        %mul3A_670 = arith.muli %scan3A_570, %mul3A_669 : i32
        %add3A_671 = arith.constant 7 : i32
        %add3A_672 = arith.addi %mul3A_670, %add3A_671 : i32
        %add3A_673 = vector.broadcast %add3A_672 : i32 to vector<16xi32>
        %add3A_674 = arith.addi %add3A_673, %iota3A_202 : vector<16xi32>
        %and3A_675 = arith.constant 127 : i32
        %and3A_676 = vector.broadcast %and3A_675 : i32 to vector<16xi32>
        %and3A_677 = arith.andi %add3A_674, %and3A_676 : vector<16xi32>
        %gather3A_678 = tpu.vector_load_idx %arg8[%add3A_205, %and3A_677] : memref<80x128xf32, #tpu.memory_space<vmem>>[vector<16xi32>, vector<16xi32>], vector<16xf32>,
        %gather3A_679 = tpu.vector_load_idx %arg9[%add3A_205, %and3A_677] : memref<80x128xf32, #tpu.memory_space<vmem>>[vector<16xi32>, vector<16xi32>], vector<16xf32>,
        %sub3A_680 = arith.subf %gather3A_678, %gather3A_679 : vector<16xf32>
        %mul3A_681 = arith.mulf %sub3A_680, %sub3A_680 : vector<16xf32>
        %add3A_682 = arith.addf %add3A_654, %mul3A_681 : vector<16xf32>
        scf.yield %add3A_668, %add3A_682 : vector<16xf32>, vector<16xf32>
      }
      %scan3A_215 = arith.constant 16 : i32
      %add3A_216 = arith.addf %scan3A_214#0, %scan3A_214#1 : vector<16xf32>
      %sub3A_217 = arith.constant 2.000000e+00 : f32
      %sub3A_218 = vector.broadcast %sub3A_217 : f32 to vector<16xf32>
      %sub3A_219 = arith.subf %add3A_216, %sub3A_218 : vector<16xf32>
      %div3A_220 = arith.constant 1.000000e+00 : f32
      %div3A_221 = vector.broadcast %div3A_220 : f32 to vector<16xf32>
      %div3A_222 = arith.divf %sub3A_219, %div3A_221 : vector<16xf32>
      %exp3A_223 = math.exp %div3A_222 : vector<16xf32>
      %add3A_224 = arith.constant 1.000000e+00 : f32
      %add3A_225 = vector.broadcast %add3A_224 : f32 to vector<16xf32>
      %add3A_226 = arith.addf %exp3A_223, %add3A_225 : vector<16xf32>
      %div3A_227 = arith.constant 1.000000e+00 : f32
      %div3A_228 = vector.broadcast %div3A_227 : f32 to vector<16xf32>
      %div3A_229 = arith.divf %div3A_228, %add3A_226 : vector<16xf32>
      %mul3A_230 = arith.constant 80 : i32
      %mul3A_231 = arith.muli %mul3A_190, %mul3A_230 : i32
      %add3A_232 = arith.constant 0 : i32
      %add3A_233 = arith.addi %mul3A_231, %add3A_232 : i32
      %multiple_of3A_234 = tpu.assume_multiple %add3A_233, 8 : i32
      %swap3A_235 = arith.index_cast %multiple_of3A_234 : i32 to index
      %swap3A_236 = tpu.vector_load %arg7[%swap3A_235] {strides = array<i32>} : memref<10000xf32, #tpu.memory_space<vmem>>, vector<16xf32>,
      tpu.vector_store %arg7[%swap3A_235], %div3A_229 {strides = array<i32>} : memref<10000xf32, #tpu.memory_space<vmem>>, vector<16xf32>,
      %add3A_237 = arith.constant 16 : i32
      %add3A_238 = vector.broadcast %add3A_237 : i32 to vector<16xi32>
      %add3A_239 = arith.addi %add3A_238, %iota3A_202 : vector<16xi32>
      %broadcast_in_dim3A_240 = arith.constant 0.000000e+00 : f32
      %broadcast_in_dim3A_241 = vector.broadcast %broadcast_in_dim3A_240 : f32 to vector<16xf32>
      %broadcast_in_dim3A_242 = arith.constant 0.000000e+00 : f32
      %broadcast_in_dim3A_243 = vector.broadcast %broadcast_in_dim3A_242 : f32 to vector<16xf32>
      %scan3A_244 = arith.constant 0 : i32
      %scan3A_245 = arith.constant 16 : i32
      %scan3A_246 = arith.addi %scan3A_244, %scan3A_245 : i32
      %scan3A_247 = arith.constant 1 : i32
      %scan3A_248:2 = scf.for %scan3A_570 = %scan3A_244 to %scan3A_246 step %scan3A_247 iter_args(%scan3A_571 = %broadcast_in_dim3A_241, %scan3A_572 = %broadcast_in_dim3A_243) -> (vector<16xf32>, vector<16xf32>)  : i32 {
        %mul3A_573 = arith.constant 8 : i32
        %mul3A_574 = arith.muli %scan3A_570, %mul3A_573 : i32
        %add3A_575 = arith.constant 0 : i32
        %add3A_576 = arith.addi %mul3A_574, %add3A_575 : i32
        %add3A_577 = vector.broadcast %add3A_576 : i32 to vector<16xi32>
        %add3A_578 = arith.addi %add3A_577, %iota3A_202 : vector<16xi32>
        %and3A = arith.constant 127 : i32
        %and3A_579 = vector.broadcast %and3A : i32 to vector<16xi32>
        %and3A_580 = arith.andi %add3A_578, %and3A_579 : vector<16xi32>
        %gather3A = tpu.vector_load_idx %arg8[%add3A_239, %and3A_580] : memref<80x128xf32, #tpu.memory_space<vmem>>[vector<16xi32>, vector<16xi32>], vector<16xf32>,
        %gather3A_581 = tpu.vector_load_idx %arg9[%add3A_239, %and3A_580] : memref<80x128xf32, #tpu.memory_space<vmem>>[vector<16xi32>, vector<16xi32>], vector<16xf32>,
        %sub3A_582 = arith.subf %gather3A, %gather3A_581 : vector<16xf32>
        %mul3A_583 = arith.mulf %sub3A_582, %sub3A_582 : vector<16xf32>
        %add3A_584 = arith.addf %scan3A_571, %mul3A_583 : vector<16xf32>
        %mul3A_585 = arith.constant 8 : i32
        %mul3A_586 = arith.muli %scan3A_570, %mul3A_585 : i32
        %add3A_587 = arith.constant 1 : i32
        %add3A_588 = arith.addi %mul3A_586, %add3A_587 : i32
        %add3A_589 = vector.broadcast %add3A_588 : i32 to vector<16xi32>
        %add3A_590 = arith.addi %add3A_589, %iota3A_202 : vector<16xi32>
        %and3A_591 = arith.constant 127 : i32
        %and3A_592 = vector.broadcast %and3A_591 : i32 to vector<16xi32>
        %and3A_593 = arith.andi %add3A_590, %and3A_592 : vector<16xi32>
        %gather3A_594 = tpu.vector_load_idx %arg8[%add3A_239, %and3A_593] : memref<80x128xf32, #tpu.memory_space<vmem>>[vector<16xi32>, vector<16xi32>], vector<16xf32>,
        %gather3A_595 = tpu.vector_load_idx %arg9[%add3A_239, %and3A_593] : memref<80x128xf32, #tpu.memory_space<vmem>>[vector<16xi32>, vector<16xi32>], vector<16xf32>,
        %sub3A_596 = arith.subf %gather3A_594, %gather3A_595 : vector<16xf32>
        %mul3A_597 = arith.mulf %sub3A_596, %sub3A_596 : vector<16xf32>
        %add3A_598 = arith.addf %scan3A_572, %mul3A_597 : vector<16xf32>
        %mul3A_599 = arith.constant 8 : i32
        %mul3A_600 = arith.muli %scan3A_570, %mul3A_599 : i32
        %add3A_601 = arith.constant 2 : i32
        %add3A_602 = arith.addi %mul3A_600, %add3A_601 : i32
        %add3A_603 = vector.broadcast %add3A_602 : i32 to vector<16xi32>
        %add3A_604 = arith.addi %add3A_603, %iota3A_202 : vector<16xi32>
        %and3A_605 = arith.constant 127 : i32
        %and3A_606 = vector.broadcast %and3A_605 : i32 to vector<16xi32>
        %and3A_607 = arith.andi %add3A_604, %and3A_606 : vector<16xi32>
        %gather3A_608 = tpu.vector_load_idx %arg8[%add3A_239, %and3A_607] : memref<80x128xf32, #tpu.memory_space<vmem>>[vector<16xi32>, vector<16xi32>], vector<16xf32>,
        %gather3A_609 = tpu.vector_load_idx %arg9[%add3A_239, %and3A_607] : memref<80x128xf32, #tpu.memory_space<vmem>>[vector<16xi32>, vector<16xi32>], vector<16xf32>,
        %sub3A_610 = arith.subf %gather3A_608, %gather3A_609 : vector<16xf32>
        %mul3A_611 = arith.mulf %sub3A_610, %sub3A_610 : vector<16xf32>
        %add3A_612 = arith.addf %add3A_584, %mul3A_611 : vector<16xf32>
        %mul3A_613 = arith.constant 8 : i32
        %mul3A_614 = arith.muli %scan3A_570, %mul3A_613 : i32
        %add3A_615 = arith.constant 3 : i32
        %add3A_616 = arith.addi %mul3A_614, %add3A_615 : i32
        %add3A_617 = vector.broadcast %add3A_616 : i32 to vector<16xi32>
        %add3A_618 = arith.addi %add3A_617, %iota3A_202 : vector<16xi32>
        %and3A_619 = arith.constant 127 : i32
        %and3A_620 = vector.broadcast %and3A_619 : i32 to vector<16xi32>
        %and3A_621 = arith.andi %add3A_618, %and3A_620 : vector<16xi32>
        %gather3A_622 = tpu.vector_load_idx %arg8[%add3A_239, %and3A_621] : memref<80x128xf32, #tpu.memory_space<vmem>>[vector<16xi32>, vector<16xi32>], vector<16xf32>,
        %gather3A_623 = tpu.vector_load_idx %arg9[%add3A_239, %and3A_621] : memref<80x128xf32, #tpu.memory_space<vmem>>[vector<16xi32>, vector<16xi32>], vector<16xf32>,
        %sub3A_624 = arith.subf %gather3A_622, %gather3A_623 : vector<16xf32>
        %mul3A_625 = arith.mulf %sub3A_624, %sub3A_624 : vector<16xf32>
        %add3A_626 = arith.addf %add3A_598, %mul3A_625 : vector<16xf32>
        %mul3A_627 = arith.constant 8 : i32
        %mul3A_628 = arith.muli %scan3A_570, %mul3A_627 : i32
        %add3A_629 = arith.constant 4 : i32
        %add3A_630 = arith.addi %mul3A_628, %add3A_629 : i32
        %add3A_631 = vector.broadcast %add3A_630 : i32 to vector<16xi32>
        %add3A_632 = arith.addi %add3A_631, %iota3A_202 : vector<16xi32>
        %and3A_633 = arith.constant 127 : i32
        %and3A_634 = vector.broadcast %and3A_633 : i32 to vector<16xi32>
        %and3A_635 = arith.andi %add3A_632, %and3A_634 : vector<16xi32>
        %gather3A_636 = tpu.vector_load_idx %arg8[%add3A_239, %and3A_635] : memref<80x128xf32, #tpu.memory_space<vmem>>[vector<16xi32>, vector<16xi32>], vector<16xf32>,
        %gather3A_637 = tpu.vector_load_idx %arg9[%add3A_239, %and3A_635] : memref<80x128xf32, #tpu.memory_space<vmem>>[vector<16xi32>, vector<16xi32>], vector<16xf32>,
        %sub3A_638 = arith.subf %gather3A_636, %gather3A_637 : vector<16xf32>
        %mul3A_639 = arith.mulf %sub3A_638, %sub3A_638 : vector<16xf32>
        %add3A_640 = arith.addf %add3A_612, %mul3A_639 : vector<16xf32>
        %mul3A_641 = arith.constant 8 : i32
        %mul3A_642 = arith.muli %scan3A_570, %mul3A_641 : i32
        %add3A_643 = arith.constant 5 : i32
        %add3A_644 = arith.addi %mul3A_642, %add3A_643 : i32
        %add3A_645 = vector.broadcast %add3A_644 : i32 to vector<16xi32>
        %add3A_646 = arith.addi %add3A_645, %iota3A_202 : vector<16xi32>
        %and3A_647 = arith.constant 127 : i32
        %and3A_648 = vector.broadcast %and3A_647 : i32 to vector<16xi32>
        %and3A_649 = arith.andi %add3A_646, %and3A_648 : vector<16xi32>
        %gather3A_650 = tpu.vector_load_idx %arg8[%add3A_239, %and3A_649] : memref<80x128xf32, #tpu.memory_space<vmem>>[vector<16xi32>, vector<16xi32>], vector<16xf32>,
        %gather3A_651 = tpu.vector_load_idx %arg9[%add3A_239, %and3A_649] : memref<80x128xf32, #tpu.memory_space<vmem>>[vector<16xi32>, vector<16xi32>], vector<16xf32>,
        %sub3A_652 = arith.subf %gather3A_650, %gather3A_651 : vector<16xf32>
        %mul3A_653 = arith.mulf %sub3A_652, %sub3A_652 : vector<16xf32>
        %add3A_654 = arith.addf %add3A_626, %mul3A_653 : vector<16xf32>
        %mul3A_655 = arith.constant 8 : i32
        %mul3A_656 = arith.muli %scan3A_570, %mul3A_655 : i32
        %add3A_657 = arith.constant 6 : i32
        %add3A_658 = arith.addi %mul3A_656, %add3A_657 : i32
        %add3A_659 = vector.broadcast %add3A_658 : i32 to vector<16xi32>
        %add3A_660 = arith.addi %add3A_659, %iota3A_202 : vector<16xi32>
        %and3A_661 = arith.constant 127 : i32
        %and3A_662 = vector.broadcast %and3A_661 : i32 to vector<16xi32>
        %and3A_663 = arith.andi %add3A_660, %and3A_662 : vector<16xi32>
        %gather3A_664 = tpu.vector_load_idx %arg8[%add3A_239, %and3A_663] : memref<80x128xf32, #tpu.memory_space<vmem>>[vector<16xi32>, vector<16xi32>], vector<16xf32>,
        %gather3A_665 = tpu.vector_load_idx %arg9[%add3A_239, %and3A_663] : memref<80x128xf32, #tpu.memory_space<vmem>>[vector<16xi32>, vector<16xi32>], vector<16xf32>,
        %sub3A_666 = arith.subf %gather3A_664, %gather3A_665 : vector<16xf32>
        %mul3A_667 = arith.mulf %sub3A_666, %sub3A_666 : vector<16xf32>
        %add3A_668 = arith.addf %add3A_640, %mul3A_667 : vector<16xf32>
        %mul3A_669 = arith.constant 8 : i32
        %mul3A_670 = arith.muli %scan3A_570, %mul3A_669 : i32
        %add3A_671 = arith.constant 7 : i32
        %add3A_672 = arith.addi %mul3A_670, %add3A_671 : i32
        %add3A_673 = vector.broadcast %add3A_672 : i32 to vector<16xi32>
        %add3A_674 = arith.addi %add3A_673, %iota3A_202 : vector<16xi32>
        %and3A_675 = arith.constant 127 : i32
        %and3A_676 = vector.broadcast %and3A_675 : i32 to vector<16xi32>
        %and3A_677 = arith.andi %add3A_674, %and3A_676 : vector<16xi32>
        %gather3A_678 = tpu.vector_load_idx %arg8[%add3A_239, %and3A_677] : memref<80x128xf32, #tpu.memory_space<vmem>>[vector<16xi32>, vector<16xi32>], vector<16xf32>,
        %gather3A_679 = tpu.vector_load_idx %arg9[%add3A_239, %and3A_677] : memref<80x128xf32, #tpu.memory_space<vmem>>[vector<16xi32>, vector<16xi32>], vector<16xf32>,
        %sub3A_680 = arith.subf %gather3A_678, %gather3A_679 : vector<16xf32>
        %mul3A_681 = arith.mulf %sub3A_680, %sub3A_680 : vector<16xf32>
        %add3A_682 = arith.addf %add3A_654, %mul3A_681 : vector<16xf32>
        scf.yield %add3A_668, %add3A_682 : vector<16xf32>, vector<16xf32>
      }
      %scan3A_249 = arith.constant 16 : i32
      %add3A_250 = arith.addf %scan3A_248#0, %scan3A_248#1 : vector<16xf32>
      %sub3A_251 = arith.constant 2.000000e+00 : f32
      %sub3A_252 = vector.broadcast %sub3A_251 : f32 to vector<16xf32>
      %sub3A_253 = arith.subf %add3A_250, %sub3A_252 : vector<16xf32>
      %div3A_254 = arith.constant 1.000000e+00 : f32
      %div3A_255 = vector.broadcast %div3A_254 : f32 to vector<16xf32>
      %div3A_256 = arith.divf %sub3A_253, %div3A_255 : vector<16xf32>
      %exp3A_257 = math.exp %div3A_256 : vector<16xf32>
      %add3A_258 = arith.constant 1.000000e+00 : f32
      %add3A_259 = vector.broadcast %add3A_258 : f32 to vector<16xf32>
      %add3A_260 = arith.addf %exp3A_257, %add3A_259 : vector<16xf32>
      %div3A_261 = arith.constant 1.000000e+00 : f32
      %div3A_262 = vector.broadcast %div3A_261 : f32 to vector<16xf32>
      %div3A_263 = arith.divf %div3A_262, %add3A_260 : vector<16xf32>
      %mul3A_264 = arith.constant 80 : i32
      %mul3A_265 = arith.muli %mul3A_190, %mul3A_264 : i32
      %add3A_266 = arith.constant 16 : i32
      %add3A_267 = arith.addi %mul3A_265, %add3A_266 : i32
      %multiple_of3A_268 = tpu.assume_multiple %add3A_267, 8 : i32
      %swap3A_269 = arith.index_cast %multiple_of3A_268 : i32 to index
      %swap3A_270 = tpu.vector_load %arg7[%swap3A_269] {strides = array<i32>} : memref<10000xf32, #tpu.memory_space<vmem>>, vector<16xf32>,
      tpu.vector_store %arg7[%swap3A_269], %div3A_263 {strides = array<i32>} : memref<10000xf32, #tpu.memory_space<vmem>>, vector<16xf32>,
      %add3A_271 = arith.constant 32 : i32
      %add3A_272 = vector.broadcast %add3A_271 : i32 to vector<16xi32>
      %add3A_273 = arith.addi %add3A_272, %iota3A_202 : vector<16xi32>
      %broadcast_in_dim3A_274 = arith.constant 0.000000e+00 : f32
      %broadcast_in_dim3A_275 = vector.broadcast %broadcast_in_dim3A_274 : f32 to vector<16xf32>
      %broadcast_in_dim3A_276 = arith.constant 0.000000e+00 : f32
      %broadcast_in_dim3A_277 = vector.broadcast %broadcast_in_dim3A_276 : f32 to vector<16xf32>
      %scan3A_278 = arith.constant 0 : i32
      %scan3A_279 = arith.constant 16 : i32
      %scan3A_280 = arith.addi %scan3A_278, %scan3A_279 : i32
      %scan3A_281 = arith.constant 1 : i32
      %scan3A_282:2 = scf.for %scan3A_570 = %scan3A_278 to %scan3A_280 step %scan3A_281 iter_args(%scan3A_571 = %broadcast_in_dim3A_275, %scan3A_572 = %broadcast_in_dim3A_277) -> (vector<16xf32>, vector<16xf32>)  : i32 {
        %mul3A_573 = arith.constant 8 : i32
        %mul3A_574 = arith.muli %scan3A_570, %mul3A_573 : i32
        %add3A_575 = arith.constant 0 : i32
        %add3A_576 = arith.addi %mul3A_574, %add3A_575 : i32
        %add3A_577 = vector.broadcast %add3A_576 : i32 to vector<16xi32>
        %add3A_578 = arith.addi %add3A_577, %iota3A_202 : vector<16xi32>
        %and3A = arith.constant 127 : i32
        %and3A_579 = vector.broadcast %and3A : i32 to vector<16xi32>
        %and3A_580 = arith.andi %add3A_578, %and3A_579 : vector<16xi32>
        %gather3A = tpu.vector_load_idx %arg8[%add3A_273, %and3A_580] : memref<80x128xf32, #tpu.memory_space<vmem>>[vector<16xi32>, vector<16xi32>], vector<16xf32>,
        %gather3A_581 = tpu.vector_load_idx %arg9[%add3A_273, %and3A_580] : memref<80x128xf32, #tpu.memory_space<vmem>>[vector<16xi32>, vector<16xi32>], vector<16xf32>,
        %sub3A_582 = arith.subf %gather3A, %gather3A_581 : vector<16xf32>
        %mul3A_583 = arith.mulf %sub3A_582, %sub3A_582 : vector<16xf32>
        %add3A_584 = arith.addf %scan3A_571, %mul3A_583 : vector<16xf32>
        %mul3A_585 = arith.constant 8 : i32
        %mul3A_586 = arith.muli %scan3A_570, %mul3A_585 : i32
        %add3A_587 = arith.constant 1 : i32
        %add3A_588 = arith.addi %mul3A_586, %add3A_587 : i32
        %add3A_589 = vector.broadcast %add3A_588 : i32 to vector<16xi32>
        %add3A_590 = arith.addi %add3A_589, %iota3A_202 : vector<16xi32>
        %and3A_591 = arith.constant 127 : i32
        %and3A_592 = vector.broadcast %and3A_591 : i32 to vector<16xi32>
        %and3A_593 = arith.andi %add3A_590, %and3A_592 : vector<16xi32>
        %gather3A_594 = tpu.vector_load_idx %arg8[%add3A_273, %and3A_593] : memref<80x128xf32, #tpu.memory_space<vmem>>[vector<16xi32>, vector<16xi32>], vector<16xf32>,
        %gather3A_595 = tpu.vector_load_idx %arg9[%add3A_273, %and3A_593] : memref<80x128xf32, #tpu.memory_space<vmem>>[vector<16xi32>, vector<16xi32>], vector<16xf32>,
        %sub3A_596 = arith.subf %gather3A_594, %gather3A_595 : vector<16xf32>
        %mul3A_597 = arith.mulf %sub3A_596, %sub3A_596 : vector<16xf32>
        %add3A_598 = arith.addf %scan3A_572, %mul3A_597 : vector<16xf32>
        %mul3A_599 = arith.constant 8 : i32
        %mul3A_600 = arith.muli %scan3A_570, %mul3A_599 : i32
        %add3A_601 = arith.constant 2 : i32
        %add3A_602 = arith.addi %mul3A_600, %add3A_601 : i32
        %add3A_603 = vector.broadcast %add3A_602 : i32 to vector<16xi32>
        %add3A_604 = arith.addi %add3A_603, %iota3A_202 : vector<16xi32>
        %and3A_605 = arith.constant 127 : i32
        %and3A_606 = vector.broadcast %and3A_605 : i32 to vector<16xi32>
        %and3A_607 = arith.andi %add3A_604, %and3A_606 : vector<16xi32>
        %gather3A_608 = tpu.vector_load_idx %arg8[%add3A_273, %and3A_607] : memref<80x128xf32, #tpu.memory_space<vmem>>[vector<16xi32>, vector<16xi32>], vector<16xf32>,
        %gather3A_609 = tpu.vector_load_idx %arg9[%add3A_273, %and3A_607] : memref<80x128xf32, #tpu.memory_space<vmem>>[vector<16xi32>, vector<16xi32>], vector<16xf32>,
        %sub3A_610 = arith.subf %gather3A_608, %gather3A_609 : vector<16xf32>
        %mul3A_611 = arith.mulf %sub3A_610, %sub3A_610 : vector<16xf32>
        %add3A_612 = arith.addf %add3A_584, %mul3A_611 : vector<16xf32>
        %mul3A_613 = arith.constant 8 : i32
        %mul3A_614 = arith.muli %scan3A_570, %mul3A_613 : i32
        %add3A_615 = arith.constant 3 : i32
        %add3A_616 = arith.addi %mul3A_614, %add3A_615 : i32
        %add3A_617 = vector.broadcast %add3A_616 : i32 to vector<16xi32>
        %add3A_618 = arith.addi %add3A_617, %iota3A_202 : vector<16xi32>
        %and3A_619 = arith.constant 127 : i32
        %and3A_620 = vector.broadcast %and3A_619 : i32 to vector<16xi32>
        %and3A_621 = arith.andi %add3A_618, %and3A_620 : vector<16xi32>
        %gather3A_622 = tpu.vector_load_idx %arg8[%add3A_273, %and3A_621] : memref<80x128xf32, #tpu.memory_space<vmem>>[vector<16xi32>, vector<16xi32>], vector<16xf32>,
        %gather3A_623 = tpu.vector_load_idx %arg9[%add3A_273, %and3A_621] : memref<80x128xf32, #tpu.memory_space<vmem>>[vector<16xi32>, vector<16xi32>], vector<16xf32>,
        %sub3A_624 = arith.subf %gather3A_622, %gather3A_623 : vector<16xf32>
        %mul3A_625 = arith.mulf %sub3A_624, %sub3A_624 : vector<16xf32>
        %add3A_626 = arith.addf %add3A_598, %mul3A_625 : vector<16xf32>
        %mul3A_627 = arith.constant 8 : i32
        %mul3A_628 = arith.muli %scan3A_570, %mul3A_627 : i32
        %add3A_629 = arith.constant 4 : i32
        %add3A_630 = arith.addi %mul3A_628, %add3A_629 : i32
        %add3A_631 = vector.broadcast %add3A_630 : i32 to vector<16xi32>
        %add3A_632 = arith.addi %add3A_631, %iota3A_202 : vector<16xi32>
        %and3A_633 = arith.constant 127 : i32
        %and3A_634 = vector.broadcast %and3A_633 : i32 to vector<16xi32>
        %and3A_635 = arith.andi %add3A_632, %and3A_634 : vector<16xi32>
        %gather3A_636 = tpu.vector_load_idx %arg8[%add3A_273, %and3A_635] : memref<80x128xf32, #tpu.memory_space<vmem>>[vector<16xi32>, vector<16xi32>], vector<16xf32>,
        %gather3A_637 = tpu.vector_load_idx %arg9[%add3A_273, %and3A_635] : memref<80x128xf32, #tpu.memory_space<vmem>>[vector<16xi32>, vector<16xi32>], vector<16xf32>,
        %sub3A_638 = arith.subf %gather3A_636, %gather3A_637 : vector<16xf32>
        %mul3A_639 = arith.mulf %sub3A_638, %sub3A_638 : vector<16xf32>
        %add3A_640 = arith.addf %add3A_612, %mul3A_639 : vector<16xf32>
        %mul3A_641 = arith.constant 8 : i32
        %mul3A_642 = arith.muli %scan3A_570, %mul3A_641 : i32
        %add3A_643 = arith.constant 5 : i32
        %add3A_644 = arith.addi %mul3A_642, %add3A_643 : i32
        %add3A_645 = vector.broadcast %add3A_644 : i32 to vector<16xi32>
        %add3A_646 = arith.addi %add3A_645, %iota3A_202 : vector<16xi32>
        %and3A_647 = arith.constant 127 : i32
        %and3A_648 = vector.broadcast %and3A_647 : i32 to vector<16xi32>
        %and3A_649 = arith.andi %add3A_646, %and3A_648 : vector<16xi32>
        %gather3A_650 = tpu.vector_load_idx %arg8[%add3A_273, %and3A_649] : memref<80x128xf32, #tpu.memory_space<vmem>>[vector<16xi32>, vector<16xi32>], vector<16xf32>,
        %gather3A_651 = tpu.vector_load_idx %arg9[%add3A_273, %and3A_649] : memref<80x128xf32, #tpu.memory_space<vmem>>[vector<16xi32>, vector<16xi32>], vector<16xf32>,
        %sub3A_652 = arith.subf %gather3A_650, %gather3A_651 : vector<16xf32>
        %mul3A_653 = arith.mulf %sub3A_652, %sub3A_652 : vector<16xf32>
        %add3A_654 = arith.addf %add3A_626, %mul3A_653 : vector<16xf32>
        %mul3A_655 = arith.constant 8 : i32
        %mul3A_656 = arith.muli %scan3A_570, %mul3A_655 : i32
        %add3A_657 = arith.constant 6 : i32
        %add3A_658 = arith.addi %mul3A_656, %add3A_657 : i32
        %add3A_659 = vector.broadcast %add3A_658 : i32 to vector<16xi32>
        %add3A_660 = arith.addi %add3A_659, %iota3A_202 : vector<16xi32>
        %and3A_661 = arith.constant 127 : i32
        %and3A_662 = vector.broadcast %and3A_661 : i32 to vector<16xi32>
        %and3A_663 = arith.andi %add3A_660, %and3A_662 : vector<16xi32>
        %gather3A_664 = tpu.vector_load_idx %arg8[%add3A_273, %and3A_663] : memref<80x128xf32, #tpu.memory_space<vmem>>[vector<16xi32>, vector<16xi32>], vector<16xf32>,
        %gather3A_665 = tpu.vector_load_idx %arg9[%add3A_273, %and3A_663] : memref<80x128xf32, #tpu.memory_space<vmem>>[vector<16xi32>, vector<16xi32>], vector<16xf32>,
        %sub3A_666 = arith.subf %gather3A_664, %gather3A_665 : vector<16xf32>
        %mul3A_667 = arith.mulf %sub3A_666, %sub3A_666 : vector<16xf32>
        %add3A_668 = arith.addf %add3A_640, %mul3A_667 : vector<16xf32>
        %mul3A_669 = arith.constant 8 : i32
        %mul3A_670 = arith.muli %scan3A_570, %mul3A_669 : i32
        %add3A_671 = arith.constant 7 : i32
        %add3A_672 = arith.addi %mul3A_670, %add3A_671 : i32
        %add3A_673 = vector.broadcast %add3A_672 : i32 to vector<16xi32>
        %add3A_674 = arith.addi %add3A_673, %iota3A_202 : vector<16xi32>
        %and3A_675 = arith.constant 127 : i32
        %and3A_676 = vector.broadcast %and3A_675 : i32 to vector<16xi32>
        %and3A_677 = arith.andi %add3A_674, %and3A_676 : vector<16xi32>
        %gather3A_678 = tpu.vector_load_idx %arg8[%add3A_273, %and3A_677] : memref<80x128xf32, #tpu.memory_space<vmem>>[vector<16xi32>, vector<16xi32>], vector<16xf32>,
        %gather3A_679 = tpu.vector_load_idx %arg9[%add3A_273, %and3A_677] : memref<80x128xf32, #tpu.memory_space<vmem>>[vector<16xi32>, vector<16xi32>], vector<16xf32>,
        %sub3A_680 = arith.subf %gather3A_678, %gather3A_679 : vector<16xf32>
        %mul3A_681 = arith.mulf %sub3A_680, %sub3A_680 : vector<16xf32>
        %add3A_682 = arith.addf %add3A_654, %mul3A_681 : vector<16xf32>
        scf.yield %add3A_668, %add3A_682 : vector<16xf32>, vector<16xf32>
      }
      %scan3A_283 = arith.constant 16 : i32
      %add3A_284 = arith.addf %scan3A_282#0, %scan3A_282#1 : vector<16xf32>
      %sub3A_285 = arith.constant 2.000000e+00 : f32
      %sub3A_286 = vector.broadcast %sub3A_285 : f32 to vector<16xf32>
      %sub3A_287 = arith.subf %add3A_284, %sub3A_286 : vector<16xf32>
      %div3A_288 = arith.constant 1.000000e+00 : f32
      %div3A_289 = vector.broadcast %div3A_288 : f32 to vector<16xf32>
      %div3A_290 = arith.divf %sub3A_287, %div3A_289 : vector<16xf32>
      %exp3A_291 = math.exp %div3A_290 : vector<16xf32>
      %add3A_292 = arith.constant 1.000000e+00 : f32
      %add3A_293 = vector.broadcast %add3A_292 : f32 to vector<16xf32>
      %add3A_294 = arith.addf %exp3A_291, %add3A_293 : vector<16xf32>
      %div3A_295 = arith.constant 1.000000e+00 : f32
      %div3A_296 = vector.broadcast %div3A_295 : f32 to vector<16xf32>
      %div3A_297 = arith.divf %div3A_296, %add3A_294 : vector<16xf32>
      %mul3A_298 = arith.constant 80 : i32
      %mul3A_299 = arith.muli %mul3A_190, %mul3A_298 : i32
      %add3A_300 = arith.constant 32 : i32
      %add3A_301 = arith.addi %mul3A_299, %add3A_300 : i32
      %multiple_of3A_302 = tpu.assume_multiple %add3A_301, 8 : i32
      %swap3A_303 = arith.index_cast %multiple_of3A_302 : i32 to index
      %swap3A_304 = tpu.vector_load %arg7[%swap3A_303] {strides = array<i32>} : memref<10000xf32, #tpu.memory_space<vmem>>, vector<16xf32>,
      tpu.vector_store %arg7[%swap3A_303], %div3A_297 {strides = array<i32>} : memref<10000xf32, #tpu.memory_space<vmem>>, vector<16xf32>,
      %add3A_305 = arith.constant 48 : i32
      %add3A_306 = vector.broadcast %add3A_305 : i32 to vector<16xi32>
      %add3A_307 = arith.addi %add3A_306, %iota3A_202 : vector<16xi32>
      %broadcast_in_dim3A_308 = arith.constant 0.000000e+00 : f32
      %broadcast_in_dim3A_309 = vector.broadcast %broadcast_in_dim3A_308 : f32 to vector<16xf32>
      %broadcast_in_dim3A_310 = arith.constant 0.000000e+00 : f32
      %broadcast_in_dim3A_311 = vector.broadcast %broadcast_in_dim3A_310 : f32 to vector<16xf32>
      %scan3A_312 = arith.constant 0 : i32
      %scan3A_313 = arith.constant 16 : i32
      %scan3A_314 = arith.addi %scan3A_312, %scan3A_313 : i32
      %scan3A_315 = arith.constant 1 : i32
      %scan3A_316:2 = scf.for %scan3A_570 = %scan3A_312 to %scan3A_314 step %scan3A_315 iter_args(%scan3A_571 = %broadcast_in_dim3A_309, %scan3A_572 = %broadcast_in_dim3A_311) -> (vector<16xf32>, vector<16xf32>)  : i32 {
        %mul3A_573 = arith.constant 8 : i32
        %mul3A_574 = arith.muli %scan3A_570, %mul3A_573 : i32
        %add3A_575 = arith.constant 0 : i32
        %add3A_576 = arith.addi %mul3A_574, %add3A_575 : i32
        %add3A_577 = vector.broadcast %add3A_576 : i32 to vector<16xi32>
        %add3A_578 = arith.addi %add3A_577, %iota3A_202 : vector<16xi32>
        %and3A = arith.constant 127 : i32
        %and3A_579 = vector.broadcast %and3A : i32 to vector<16xi32>
        %and3A_580 = arith.andi %add3A_578, %and3A_579 : vector<16xi32>
        %gather3A = tpu.vector_load_idx %arg8[%add3A_307, %and3A_580] : memref<80x128xf32, #tpu.memory_space<vmem>>[vector<16xi32>, vector<16xi32>], vector<16xf32>,
        %gather3A_581 = tpu.vector_load_idx %arg9[%add3A_307, %and3A_580] : memref<80x128xf32, #tpu.memory_space<vmem>>[vector<16xi32>, vector<16xi32>], vector<16xf32>,
        %sub3A_582 = arith.subf %gather3A, %gather3A_581 : vector<16xf32>
        %mul3A_583 = arith.mulf %sub3A_582, %sub3A_582 : vector<16xf32>
        %add3A_584 = arith.addf %scan3A_571, %mul3A_583 : vector<16xf32>
        %mul3A_585 = arith.constant 8 : i32
        %mul3A_586 = arith.muli %scan3A_570, %mul3A_585 : i32
        %add3A_587 = arith.constant 1 : i32
        %add3A_588 = arith.addi %mul3A_586, %add3A_587 : i32
        %add3A_589 = vector.broadcast %add3A_588 : i32 to vector<16xi32>
        %add3A_590 = arith.addi %add3A_589, %iota3A_202 : vector<16xi32>
        %and3A_591 = arith.constant 127 : i32
        %and3A_592 = vector.broadcast %and3A_591 : i32 to vector<16xi32>
        %and3A_593 = arith.andi %add3A_590, %and3A_592 : vector<16xi32>
        %gather3A_594 = tpu.vector_load_idx %arg8[%add3A_307, %and3A_593] : memref<80x128xf32, #tpu.memory_space<vmem>>[vector<16xi32>, vector<16xi32>], vector<16xf32>,
        %gather3A_595 = tpu.vector_load_idx %arg9[%add3A_307, %and3A_593] : memref<80x128xf32, #tpu.memory_space<vmem>>[vector<16xi32>, vector<16xi32>], vector<16xf32>,
        %sub3A_596 = arith.subf %gather3A_594, %gather3A_595 : vector<16xf32>
        %mul3A_597 = arith.mulf %sub3A_596, %sub3A_596 : vector<16xf32>
        %add3A_598 = arith.addf %scan3A_572, %mul3A_597 : vector<16xf32>
        %mul3A_599 = arith.constant 8 : i32
        %mul3A_600 = arith.muli %scan3A_570, %mul3A_599 : i32
        %add3A_601 = arith.constant 2 : i32
        %add3A_602 = arith.addi %mul3A_600, %add3A_601 : i32
        %add3A_603 = vector.broadcast %add3A_602 : i32 to vector<16xi32>
        %add3A_604 = arith.addi %add3A_603, %iota3A_202 : vector<16xi32>
        %and3A_605 = arith.constant 127 : i32
        %and3A_606 = vector.broadcast %and3A_605 : i32 to vector<16xi32>
        %and3A_607 = arith.andi %add3A_604, %and3A_606 : vector<16xi32>
        %gather3A_608 = tpu.vector_load_idx %arg8[%add3A_307, %and3A_607] : memref<80x128xf32, #tpu.memory_space<vmem>>[vector<16xi32>, vector<16xi32>], vector<16xf32>,
        %gather3A_609 = tpu.vector_load_idx %arg9[%add3A_307, %and3A_607] : memref<80x128xf32, #tpu.memory_space<vmem>>[vector<16xi32>, vector<16xi32>], vector<16xf32>,
        %sub3A_610 = arith.subf %gather3A_608, %gather3A_609 : vector<16xf32>
        %mul3A_611 = arith.mulf %sub3A_610, %sub3A_610 : vector<16xf32>
        %add3A_612 = arith.addf %add3A_584, %mul3A_611 : vector<16xf32>
        %mul3A_613 = arith.constant 8 : i32
        %mul3A_614 = arith.muli %scan3A_570, %mul3A_613 : i32
        %add3A_615 = arith.constant 3 : i32
        %add3A_616 = arith.addi %mul3A_614, %add3A_615 : i32
        %add3A_617 = vector.broadcast %add3A_616 : i32 to vector<16xi32>
        %add3A_618 = arith.addi %add3A_617, %iota3A_202 : vector<16xi32>
        %and3A_619 = arith.constant 127 : i32
        %and3A_620 = vector.broadcast %and3A_619 : i32 to vector<16xi32>
        %and3A_621 = arith.andi %add3A_618, %and3A_620 : vector<16xi32>
        %gather3A_622 = tpu.vector_load_idx %arg8[%add3A_307, %and3A_621] : memref<80x128xf32, #tpu.memory_space<vmem>>[vector<16xi32>, vector<16xi32>], vector<16xf32>,
        %gather3A_623 = tpu.vector_load_idx %arg9[%add3A_307, %and3A_621] : memref<80x128xf32, #tpu.memory_space<vmem>>[vector<16xi32>, vector<16xi32>], vector<16xf32>,
        %sub3A_624 = arith.subf %gather3A_622, %gather3A_623 : vector<16xf32>
        %mul3A_625 = arith.mulf %sub3A_624, %sub3A_624 : vector<16xf32>
        %add3A_626 = arith.addf %add3A_598, %mul3A_625 : vector<16xf32>
        %mul3A_627 = arith.constant 8 : i32
        %mul3A_628 = arith.muli %scan3A_570, %mul3A_627 : i32
        %add3A_629 = arith.constant 4 : i32
        %add3A_630 = arith.addi %mul3A_628, %add3A_629 : i32
        %add3A_631 = vector.broadcast %add3A_630 : i32 to vector<16xi32>
        %add3A_632 = arith.addi %add3A_631, %iota3A_202 : vector<16xi32>
        %and3A_633 = arith.constant 127 : i32
        %and3A_634 = vector.broadcast %and3A_633 : i32 to vector<16xi32>
        %and3A_635 = arith.andi %add3A_632, %and3A_634 : vector<16xi32>
        %gather3A_636 = tpu.vector_load_idx %arg8[%add3A_307, %and3A_635] : memref<80x128xf32, #tpu.memory_space<vmem>>[vector<16xi32>, vector<16xi32>], vector<16xf32>,
        %gather3A_637 = tpu.vector_load_idx %arg9[%add3A_307, %and3A_635] : memref<80x128xf32, #tpu.memory_space<vmem>>[vector<16xi32>, vector<16xi32>], vector<16xf32>,
        %sub3A_638 = arith.subf %gather3A_636, %gather3A_637 : vector<16xf32>
        %mul3A_639 = arith.mulf %sub3A_638, %sub3A_638 : vector<16xf32>
        %add3A_640 = arith.addf %add3A_612, %mul3A_639 : vector<16xf32>
        %mul3A_641 = arith.constant 8 : i32
        %mul3A_642 = arith.muli %scan3A_570, %mul3A_641 : i32
        %add3A_643 = arith.constant 5 : i32
        %add3A_644 = arith.addi %mul3A_642, %add3A_643 : i32
        %add3A_645 = vector.broadcast %add3A_644 : i32 to vector<16xi32>
        %add3A_646 = arith.addi %add3A_645, %iota3A_202 : vector<16xi32>
        %and3A_647 = arith.constant 127 : i32
        %and3A_648 = vector.broadcast %and3A_647 : i32 to vector<16xi32>
        %and3A_649 = arith.andi %add3A_646, %and3A_648 : vector<16xi32>
        %gather3A_650 = tpu.vector_load_idx %arg8[%add3A_307, %and3A_649] : memref<80x128xf32, #tpu.memory_space<vmem>>[vector<16xi32>, vector<16xi32>], vector<16xf32>,
        %gather3A_651 = tpu.vector_load_idx %arg9[%add3A_307, %and3A_649] : memref<80x128xf32, #tpu.memory_space<vmem>>[vector<16xi32>, vector<16xi32>], vector<16xf32>,
        %sub3A_652 = arith.subf %gather3A_650, %gather3A_651 : vector<16xf32>
        %mul3A_653 = arith.mulf %sub3A_652, %sub3A_652 : vector<16xf32>
        %add3A_654 = arith.addf %add3A_626, %mul3A_653 : vector<16xf32>
        %mul3A_655 = arith.constant 8 : i32
        %mul3A_656 = arith.muli %scan3A_570, %mul3A_655 : i32
        %add3A_657 = arith.constant 6 : i32
        %add3A_658 = arith.addi %mul3A_656, %add3A_657 : i32
        %add3A_659 = vector.broadcast %add3A_658 : i32 to vector<16xi32>
        %add3A_660 = arith.addi %add3A_659, %iota3A_202 : vector<16xi32>
        %and3A_661 = arith.constant 127 : i32
        %and3A_662 = vector.broadcast %and3A_661 : i32 to vector<16xi32>
        %and3A_663 = arith.andi %add3A_660, %and3A_662 : vector<16xi32>
        %gather3A_664 = tpu.vector_load_idx %arg8[%add3A_307, %and3A_663] : memref<80x128xf32, #tpu.memory_space<vmem>>[vector<16xi32>, vector<16xi32>], vector<16xf32>,
        %gather3A_665 = tpu.vector_load_idx %arg9[%add3A_307, %and3A_663] : memref<80x128xf32, #tpu.memory_space<vmem>>[vector<16xi32>, vector<16xi32>], vector<16xf32>,
        %sub3A_666 = arith.subf %gather3A_664, %gather3A_665 : vector<16xf32>
        %mul3A_667 = arith.mulf %sub3A_666, %sub3A_666 : vector<16xf32>
        %add3A_668 = arith.addf %add3A_640, %mul3A_667 : vector<16xf32>
        %mul3A_669 = arith.constant 8 : i32
        %mul3A_670 = arith.muli %scan3A_570, %mul3A_669 : i32
        %add3A_671 = arith.constant 7 : i32
        %add3A_672 = arith.addi %mul3A_670, %add3A_671 : i32
        %add3A_673 = vector.broadcast %add3A_672 : i32 to vector<16xi32>
        %add3A_674 = arith.addi %add3A_673, %iota3A_202 : vector<16xi32>
        %and3A_675 = arith.constant 127 : i32
        %and3A_676 = vector.broadcast %and3A_675 : i32 to vector<16xi32>
        %and3A_677 = arith.andi %add3A_674, %and3A_676 : vector<16xi32>
        %gather3A_678 = tpu.vector_load_idx %arg8[%add3A_307, %and3A_677] : memref<80x128xf32, #tpu.memory_space<vmem>>[vector<16xi32>, vector<16xi32>], vector<16xf32>,
        %gather3A_679 = tpu.vector_load_idx %arg9[%add3A_307, %and3A_677] : memref<80x128xf32, #tpu.memory_space<vmem>>[vector<16xi32>, vector<16xi32>], vector<16xf32>,
        %sub3A_680 = arith.subf %gather3A_678, %gather3A_679 : vector<16xf32>
        %mul3A_681 = arith.mulf %sub3A_680, %sub3A_680 : vector<16xf32>
        %add3A_682 = arith.addf %add3A_654, %mul3A_681 : vector<16xf32>
        scf.yield %add3A_668, %add3A_682 : vector<16xf32>, vector<16xf32>
      }
      %scan3A_317 = arith.constant 16 : i32
      %add3A_318 = arith.addf %scan3A_316#0, %scan3A_316#1 : vector<16xf32>
      %sub3A_319 = arith.constant 2.000000e+00 : f32
      %sub3A_320 = vector.broadcast %sub3A_319 : f32 to vector<16xf32>
      %sub3A_321 = arith.subf %add3A_318, %sub3A_320 : vector<16xf32>
      %div3A_322 = arith.constant 1.000000e+00 : f32
      %div3A_323 = vector.broadcast %div3A_322 : f32 to vector<16xf32>
      %div3A_324 = arith.divf %sub3A_321, %div3A_323 : vector<16xf32>
      %exp3A_325 = math.exp %div3A_324 : vector<16xf32>
      %add3A_326 = arith.constant 1.000000e+00 : f32
      %add3A_327 = vector.broadcast %add3A_326 : f32 to vector<16xf32>
      %add3A_328 = arith.addf %exp3A_325, %add3A_327 : vector<16xf32>
      %div3A_329 = arith.constant 1.000000e+00 : f32
      %div3A_330 = vector.broadcast %div3A_329 : f32 to vector<16xf32>
      %div3A_331 = arith.divf %div3A_330, %add3A_328 : vector<16xf32>
      %mul3A_332 = arith.constant 80 : i32
      %mul3A_333 = arith.muli %mul3A_190, %mul3A_332 : i32
      %add3A_334 = arith.constant 48 : i32
      %add3A_335 = arith.addi %mul3A_333, %add3A_334 : i32
      %multiple_of3A_336 = tpu.assume_multiple %add3A_335, 8 : i32
      %swap3A_337 = arith.index_cast %multiple_of3A_336 : i32 to index
      %swap3A_338 = tpu.vector_load %arg7[%swap3A_337] {strides = array<i32>} : memref<10000xf32, #tpu.memory_space<vmem>>, vector<16xf32>,
      tpu.vector_store %arg7[%swap3A_337], %div3A_331 {strides = array<i32>} : memref<10000xf32, #tpu.memory_space<vmem>>, vector<16xf32>,
      %add3A_339 = arith.constant 64 : i32
      %add3A_340 = vector.broadcast %add3A_339 : i32 to vector<16xi32>
      %add3A_341 = arith.addi %add3A_340, %iota3A_202 : vector<16xi32>
      %broadcast_in_dim3A_342 = arith.constant 0.000000e+00 : f32
      %broadcast_in_dim3A_343 = vector.broadcast %broadcast_in_dim3A_342 : f32 to vector<16xf32>
      %broadcast_in_dim3A_344 = arith.constant 0.000000e+00 : f32
      %broadcast_in_dim3A_345 = vector.broadcast %broadcast_in_dim3A_344 : f32 to vector<16xf32>
      %scan3A_346 = arith.constant 0 : i32
      %scan3A_347 = arith.constant 16 : i32
      %scan3A_348 = arith.addi %scan3A_346, %scan3A_347 : i32
      %scan3A_349 = arith.constant 1 : i32
      %scan3A_350:2 = scf.for %scan3A_570 = %scan3A_346 to %scan3A_348 step %scan3A_349 iter_args(%scan3A_571 = %broadcast_in_dim3A_343, %scan3A_572 = %broadcast_in_dim3A_345) -> (vector<16xf32>, vector<16xf32>)  : i32 {
        %mul3A_573 = arith.constant 8 : i32
        %mul3A_574 = arith.muli %scan3A_570, %mul3A_573 : i32
        %add3A_575 = arith.constant 0 : i32
        %add3A_576 = arith.addi %mul3A_574, %add3A_575 : i32
        %add3A_577 = vector.broadcast %add3A_576 : i32 to vector<16xi32>
        %add3A_578 = arith.addi %add3A_577, %iota3A_202 : vector<16xi32>
        %and3A = arith.constant 127 : i32
        %and3A_579 = vector.broadcast %and3A : i32 to vector<16xi32>
        %and3A_580 = arith.andi %add3A_578, %and3A_579 : vector<16xi32>
        %gather3A = tpu.vector_load_idx %arg8[%add3A_341, %and3A_580] : memref<80x128xf32, #tpu.memory_space<vmem>>[vector<16xi32>, vector<16xi32>], vector<16xf32>,
        %gather3A_581 = tpu.vector_load_idx %arg9[%add3A_341, %and3A_580] : memref<80x128xf32, #tpu.memory_space<vmem>>[vector<16xi32>, vector<16xi32>], vector<16xf32>,
        %sub3A_582 = arith.subf %gather3A, %gather3A_581 : vector<16xf32>
        %mul3A_583 = arith.mulf %sub3A_582, %sub3A_582 : vector<16xf32>
        %add3A_584 = arith.addf %scan3A_571, %mul3A_583 : vector<16xf32>
        %mul3A_585 = arith.constant 8 : i32
        %mul3A_586 = arith.muli %scan3A_570, %mul3A_585 : i32
        %add3A_587 = arith.constant 1 : i32
        %add3A_588 = arith.addi %mul3A_586, %add3A_587 : i32
        %add3A_589 = vector.broadcast %add3A_588 : i32 to vector<16xi32>
        %add3A_590 = arith.addi %add3A_589, %iota3A_202 : vector<16xi32>
        %and3A_591 = arith.constant 127 : i32
        %and3A_592 = vector.broadcast %and3A_591 : i32 to vector<16xi32>
        %and3A_593 = arith.andi %add3A_590, %and3A_592 : vector<16xi32>
        %gather3A_594 = tpu.vector_load_idx %arg8[%add3A_341, %and3A_593] : memref<80x128xf32, #tpu.memory_space<vmem>>[vector<16xi32>, vector<16xi32>], vector<16xf32>,
        %gather3A_595 = tpu.vector_load_idx %arg9[%add3A_341, %and3A_593] : memref<80x128xf32, #tpu.memory_space<vmem>>[vector<16xi32>, vector<16xi32>], vector<16xf32>,
        %sub3A_596 = arith.subf %gather3A_594, %gather3A_595 : vector<16xf32>
        %mul3A_597 = arith.mulf %sub3A_596, %sub3A_596 : vector<16xf32>
        %add3A_598 = arith.addf %scan3A_572, %mul3A_597 : vector<16xf32>
        %mul3A_599 = arith.constant 8 : i32
        %mul3A_600 = arith.muli %scan3A_570, %mul3A_599 : i32
        %add3A_601 = arith.constant 2 : i32
        %add3A_602 = arith.addi %mul3A_600, %add3A_601 : i32
        %add3A_603 = vector.broadcast %add3A_602 : i32 to vector<16xi32>
        %add3A_604 = arith.addi %add3A_603, %iota3A_202 : vector<16xi32>
        %and3A_605 = arith.constant 127 : i32
        %and3A_606 = vector.broadcast %and3A_605 : i32 to vector<16xi32>
        %and3A_607 = arith.andi %add3A_604, %and3A_606 : vector<16xi32>
        %gather3A_608 = tpu.vector_load_idx %arg8[%add3A_341, %and3A_607] : memref<80x128xf32, #tpu.memory_space<vmem>>[vector<16xi32>, vector<16xi32>], vector<16xf32>,
        %gather3A_609 = tpu.vector_load_idx %arg9[%add3A_341, %and3A_607] : memref<80x128xf32, #tpu.memory_space<vmem>>[vector<16xi32>, vector<16xi32>], vector<16xf32>,
        %sub3A_610 = arith.subf %gather3A_608, %gather3A_609 : vector<16xf32>
        %mul3A_611 = arith.mulf %sub3A_610, %sub3A_610 : vector<16xf32>
        %add3A_612 = arith.addf %add3A_584, %mul3A_611 : vector<16xf32>
        %mul3A_613 = arith.constant 8 : i32
        %mul3A_614 = arith.muli %scan3A_570, %mul3A_613 : i32
        %add3A_615 = arith.constant 3 : i32
        %add3A_616 = arith.addi %mul3A_614, %add3A_615 : i32
        %add3A_617 = vector.broadcast %add3A_616 : i32 to vector<16xi32>
        %add3A_618 = arith.addi %add3A_617, %iota3A_202 : vector<16xi32>
        %and3A_619 = arith.constant 127 : i32
        %and3A_620 = vector.broadcast %and3A_619 : i32 to vector<16xi32>
        %and3A_621 = arith.andi %add3A_618, %and3A_620 : vector<16xi32>
        %gather3A_622 = tpu.vector_load_idx %arg8[%add3A_341, %and3A_621] : memref<80x128xf32, #tpu.memory_space<vmem>>[vector<16xi32>, vector<16xi32>], vector<16xf32>,
        %gather3A_623 = tpu.vector_load_idx %arg9[%add3A_341, %and3A_621] : memref<80x128xf32, #tpu.memory_space<vmem>>[vector<16xi32>, vector<16xi32>], vector<16xf32>,
        %sub3A_624 = arith.subf %gather3A_622, %gather3A_623 : vector<16xf32>
        %mul3A_625 = arith.mulf %sub3A_624, %sub3A_624 : vector<16xf32>
        %add3A_626 = arith.addf %add3A_598, %mul3A_625 : vector<16xf32>
        %mul3A_627 = arith.constant 8 : i32
        %mul3A_628 = arith.muli %scan3A_570, %mul3A_627 : i32
        %add3A_629 = arith.constant 4 : i32
        %add3A_630 = arith.addi %mul3A_628, %add3A_629 : i32
        %add3A_631 = vector.broadcast %add3A_630 : i32 to vector<16xi32>
        %add3A_632 = arith.addi %add3A_631, %iota3A_202 : vector<16xi32>
        %and3A_633 = arith.constant 127 : i32
        %and3A_634 = vector.broadcast %and3A_633 : i32 to vector<16xi32>
        %and3A_635 = arith.andi %add3A_632, %and3A_634 : vector<16xi32>
        %gather3A_636 = tpu.vector_load_idx %arg8[%add3A_341, %and3A_635] : memref<80x128xf32, #tpu.memory_space<vmem>>[vector<16xi32>, vector<16xi32>], vector<16xf32>,
        %gather3A_637 = tpu.vector_load_idx %arg9[%add3A_341, %and3A_635] : memref<80x128xf32, #tpu.memory_space<vmem>>[vector<16xi32>, vector<16xi32>], vector<16xf32>,
        %sub3A_638 = arith.subf %gather3A_636, %gather3A_637 : vector<16xf32>
        %mul3A_639 = arith.mulf %sub3A_638, %sub3A_638 : vector<16xf32>
        %add3A_640 = arith.addf %add3A_612, %mul3A_639 : vector<16xf32>
        %mul3A_641 = arith.constant 8 : i32
        %mul3A_642 = arith.muli %scan3A_570, %mul3A_641 : i32
        %add3A_643 = arith.constant 5 : i32
        %add3A_644 = arith.addi %mul3A_642, %add3A_643 : i32
        %add3A_645 = vector.broadcast %add3A_644 : i32 to vector<16xi32>
        %add3A_646 = arith.addi %add3A_645, %iota3A_202 : vector<16xi32>
        %and3A_647 = arith.constant 127 : i32
        %and3A_648 = vector.broadcast %and3A_647 : i32 to vector<16xi32>
        %and3A_649 = arith.andi %add3A_646, %and3A_648 : vector<16xi32>
        %gather3A_650 = tpu.vector_load_idx %arg8[%add3A_341, %and3A_649] : memref<80x128xf32, #tpu.memory_space<vmem>>[vector<16xi32>, vector<16xi32>], vector<16xf32>,
        %gather3A_651 = tpu.vector_load_idx %arg9[%add3A_341, %and3A_649] : memref<80x128xf32, #tpu.memory_space<vmem>>[vector<16xi32>, vector<16xi32>], vector<16xf32>,
        %sub3A_652 = arith.subf %gather3A_650, %gather3A_651 : vector<16xf32>
        %mul3A_653 = arith.mulf %sub3A_652, %sub3A_652 : vector<16xf32>
        %add3A_654 = arith.addf %add3A_626, %mul3A_653 : vector<16xf32>
        %mul3A_655 = arith.constant 8 : i32
        %mul3A_656 = arith.muli %scan3A_570, %mul3A_655 : i32
        %add3A_657 = arith.constant 6 : i32
        %add3A_658 = arith.addi %mul3A_656, %add3A_657 : i32
        %add3A_659 = vector.broadcast %add3A_658 : i32 to vector<16xi32>
        %add3A_660 = arith.addi %add3A_659, %iota3A_202 : vector<16xi32>
        %and3A_661 = arith.constant 127 : i32
        %and3A_662 = vector.broadcast %and3A_661 : i32 to vector<16xi32>
        %and3A_663 = arith.andi %add3A_660, %and3A_662 : vector<16xi32>
        %gather3A_664 = tpu.vector_load_idx %arg8[%add3A_341, %and3A_663] : memref<80x128xf32, #tpu.memory_space<vmem>>[vector<16xi32>, vector<16xi32>], vector<16xf32>,
        %gather3A_665 = tpu.vector_load_idx %arg9[%add3A_341, %and3A_663] : memref<80x128xf32, #tpu.memory_space<vmem>>[vector<16xi32>, vector<16xi32>], vector<16xf32>,
        %sub3A_666 = arith.subf %gather3A_664, %gather3A_665 : vector<16xf32>
        %mul3A_667 = arith.mulf %sub3A_666, %sub3A_666 : vector<16xf32>
        %add3A_668 = arith.addf %add3A_640, %mul3A_667 : vector<16xf32>
        %mul3A_669 = arith.constant 8 : i32
        %mul3A_670 = arith.muli %scan3A_570, %mul3A_669 : i32
        %add3A_671 = arith.constant 7 : i32
        %add3A_672 = arith.addi %mul3A_670, %add3A_671 : i32
        %add3A_673 = vector.broadcast %add3A_672 : i32 to vector<16xi32>
        %add3A_674 = arith.addi %add3A_673, %iota3A_202 : vector<16xi32>
        %and3A_675 = arith.constant 127 : i32
        %and3A_676 = vector.broadcast %and3A_675 : i32 to vector<16xi32>
        %and3A_677 = arith.andi %add3A_674, %and3A_676 : vector<16xi32>
        %gather3A_678 = tpu.vector_load_idx %arg8[%add3A_341, %and3A_677] : memref<80x128xf32, #tpu.memory_space<vmem>>[vector<16xi32>, vector<16xi32>], vector<16xf32>,
        %gather3A_679 = tpu.vector_load_idx %arg9[%add3A_341, %and3A_677] : memref<80x128xf32, #tpu.memory_space<vmem>>[vector<16xi32>, vector<16xi32>], vector<16xf32>,
        %sub3A_680 = arith.subf %gather3A_678, %gather3A_679 : vector<16xf32>
        %mul3A_681 = arith.mulf %sub3A_680, %sub3A_680 : vector<16xf32>
        %add3A_682 = arith.addf %add3A_654, %mul3A_681 : vector<16xf32>
        scf.yield %add3A_668, %add3A_682 : vector<16xf32>, vector<16xf32>
      }
      %scan3A_351 = arith.constant 16 : i32
      %add3A_352 = arith.addf %scan3A_350#0, %scan3A_350#1 : vector<16xf32>
      %sub3A_353 = arith.constant 2.000000e+00 : f32
      %sub3A_354 = vector.broadcast %sub3A_353 : f32 to vector<16xf32>
      %sub3A_355 = arith.subf %add3A_352, %sub3A_354 : vector<16xf32>
      %div3A_356 = arith.constant 1.000000e+00 : f32
      %div3A_357 = vector.broadcast %div3A_356 : f32 to vector<16xf32>
      %div3A_358 = arith.divf %sub3A_355, %div3A_357 : vector<16xf32>
      %exp3A_359 = math.exp %div3A_358 : vector<16xf32>
      %add3A_360 = arith.constant 1.000000e+00 : f32
      %add3A_361 = vector.broadcast %add3A_360 : f32 to vector<16xf32>
      %add3A_362 = arith.addf %exp3A_359, %add3A_361 : vector<16xf32>
      %div3A_363 = arith.constant 1.000000e+00 : f32
      %div3A_364 = vector.broadcast %div3A_363 : f32 to vector<16xf32>
      %div3A_365 = arith.divf %div3A_364, %add3A_362 : vector<16xf32>
      %mul3A_366 = arith.constant 80 : i32
      %mul3A_367 = arith.muli %mul3A_190, %mul3A_366 : i32
      %add3A_368 = arith.constant 64 : i32
      %add3A_369 = arith.addi %mul3A_367, %add3A_368 : i32
      %multiple_of3A_370 = tpu.assume_multiple %add3A_369, 8 : i32
      %swap3A_371 = arith.index_cast %multiple_of3A_370 : i32 to index
      %swap3A_372 = tpu.vector_load %arg7[%swap3A_371] {strides = array<i32>} : memref<10000xf32, #tpu.memory_space<vmem>>, vector<16xf32>,
      tpu.vector_store %arg7[%swap3A_371], %div3A_365 {strides = array<i32>} : memref<10000xf32, #tpu.memory_space<vmem>>, vector<16xf32>,
      %add3A_373 = arith.constant 2 : i32
      %add3A_374 = arith.addi %mul3A_190, %add3A_373 : i32
      %lt3A = arith.constant 125 : i32
      %lt3A_375 = arith.cmpi slt, %add3A_374, %lt3A : i32
      %convert_element_type3A = arith.extui %lt3A_375 : i1 to i32
      %cond3A = arith.constant 0 : i32
      %cond3A_376 = arith.cmpi ne, %convert_element_type3A, %cond3A : i32
      scf.if %cond3A_376 {
        %add3A_570 = arith.constant 2 : i32
        %add3A_571 = arith.addi %mul3A_190, %add3A_570 : i32
        %mul3A_572 = arith.constant 80 : i32
        %mul3A_573 = arith.muli %add3A_571, %mul3A_572 : i32
        %multiple_of3A_574 = tpu.assume_multiple %mul3A_573, 8 : i32
        %dma_start3A_575 = tpu.memref_slice %arg5[%multiple_of3A_574] : memref<10000xi32, #tpu.memory_space<vmem>> -> memref<80xi32, #tpu.memory_space<vmem>>
        %dma_start3A_576 = arith.constant 0 : i32
        %dma_start3A_577 = arith.constant 0 : i32
        %dma_start3A_578 = tpu.memref_slice %arg2[%dma_start3A_576, %dma_start3A_577] : memref<10000x128xf32, #tpu.memory_space<hbm>> -> memref<10000x128xf32, #tpu.memory_space<hbm>>
        tpu.enqueue_indirect_dma source(%dma_start3A_578 : memref<10000x128xf32, #tpu.memory_space<hbm>>) target(%arg8 : memref<80x128xf32, #tpu.memory_space<vmem>>) offsets(%dma_start3A_575 : memref<80xi32, #tpu.memory_space<vmem>>) semaphore(%arg12 : memref<!tpu.dma_semaphore, #tpu.memory_space<semaphore_mem>>)
        %dma_start3A_579 = tpu.memref_slice %arg6[%multiple_of3A_574] : memref<10000xi32, #tpu.memory_space<vmem>> -> memref<80xi32, #tpu.memory_space<vmem>>
        %dma_start3A_580 = arith.constant 0 : i32
        %dma_start3A_581 = arith.constant 0 : i32
        %dma_start3A_582 = tpu.memref_slice %arg2[%dma_start3A_580, %dma_start3A_581] : memref<10000x128xf32, #tpu.memory_space<hbm>> -> memref<10000x128xf32, #tpu.memory_space<hbm>>
        tpu.enqueue_indirect_dma source(%dma_start3A_582 : memref<10000x128xf32, #tpu.memory_space<hbm>>) target(%arg9 : memref<80x128xf32, #tpu.memory_space<vmem>>) offsets(%dma_start3A_579 : memref<80xi32, #tpu.memory_space<vmem>>) semaphore(%arg12 : memref<!tpu.dma_semaphore, #tpu.memory_space<semaphore_mem>>)
      } else {
      }
      %add3A_377 = arith.constant 1 : i32
      %add3A_378 = arith.addi %mul3A_190, %add3A_377 : i32
      %mul3A_379 = arith.constant 80 : i32
      %mul3A_380 = arith.muli %add3A_378, %mul3A_379 : i32
      %multiple_of3A_381 = tpu.assume_multiple %mul3A_380, 8 : i32
      %dma_wait3A_382 = tpu.memref_slice %arg5[%multiple_of3A_381] : memref<10000xi32, #tpu.memory_space<vmem>> -> memref<80xi32, #tpu.memory_space<vmem>>
      %dma_wait3A_383 = arith.constant 0 : i32
      %dma_wait3A_384 = arith.constant 0 : i32
      %dma_wait3A_385 = tpu.memref_slice %arg2[%dma_wait3A_383, %dma_wait3A_384] : memref<10000x128xf32, #tpu.memory_space<hbm>> -> memref<10000x128xf32, #tpu.memory_space<hbm>>
      tpu.wait_indirect_dma semaphore(%arg13 : memref<!tpu.dma_semaphore, #tpu.memory_space<semaphore_mem>>) src(%dma_wait3A_385 : memref<10000x128xf32, #tpu.memory_space<hbm>>) dst(%arg10 : memref<80x128xf32, #tpu.memory_space<vmem>>)
      %dma_wait3A_386 = tpu.memref_slice %arg6[%multiple_of3A_381] : memref<10000xi32, #tpu.memory_space<vmem>> -> memref<80xi32, #tpu.memory_space<vmem>>
      %dma_wait3A_387 = arith.constant 0 : i32
      %dma_wait3A_388 = arith.constant 0 : i32
      %dma_wait3A_389 = tpu.memref_slice %arg2[%dma_wait3A_387, %dma_wait3A_388] : memref<10000x128xf32, #tpu.memory_space<hbm>> -> memref<10000x128xf32, #tpu.memory_space<hbm>>
      tpu.wait_indirect_dma semaphore(%arg13 : memref<!tpu.dma_semaphore, #tpu.memory_space<semaphore_mem>>) src(%dma_wait3A_389 : memref<10000x128xf32, #tpu.memory_space<hbm>>) dst(%arg11 : memref<80x128xf32, #tpu.memory_space<vmem>>)
      %add3A_390 = arith.constant 1 : i32
      %add3A_391 = arith.addi %mul3A_190, %add3A_390 : i32
      %iota3A_392 = tpu.iota {dimensions = array<i32: 0>} : vector<16xi32>
      %add3A_393 = arith.constant 0 : i32
      %add3A_394 = vector.broadcast %add3A_393 : i32 to vector<16xi32>
      %add3A_395 = arith.addi %add3A_394, %iota3A_392 : vector<16xi32>
      %broadcast_in_dim3A_396 = arith.constant 0.000000e+00 : f32
      %broadcast_in_dim3A_397 = vector.broadcast %broadcast_in_dim3A_396 : f32 to vector<16xf32>
      %broadcast_in_dim3A_398 = arith.constant 0.000000e+00 : f32
      %broadcast_in_dim3A_399 = vector.broadcast %broadcast_in_dim3A_398 : f32 to vector<16xf32>
      %scan3A_400 = arith.constant 0 : i32
      %scan3A_401 = arith.constant 16 : i32
      %scan3A_402 = arith.addi %scan3A_400, %scan3A_401 : i32
      %scan3A_403 = arith.constant 1 : i32
      %scan3A_404:2 = scf.for %scan3A_570 = %scan3A_400 to %scan3A_402 step %scan3A_403 iter_args(%scan3A_571 = %broadcast_in_dim3A_397, %scan3A_572 = %broadcast_in_dim3A_399) -> (vector<16xf32>, vector<16xf32>)  : i32 {
        %mul3A_573 = arith.constant 8 : i32
        %mul3A_574 = arith.muli %scan3A_570, %mul3A_573 : i32
        %add3A_575 = arith.constant 0 : i32
        %add3A_576 = arith.addi %mul3A_574, %add3A_575 : i32
        %add3A_577 = vector.broadcast %add3A_576 : i32 to vector<16xi32>
        %add3A_578 = arith.addi %add3A_577, %iota3A_392 : vector<16xi32>
        %and3A = arith.constant 127 : i32
        %and3A_579 = vector.broadcast %and3A : i32 to vector<16xi32>
        %and3A_580 = arith.andi %add3A_578, %and3A_579 : vector<16xi32>
        %gather3A = tpu.vector_load_idx %arg10[%add3A_395, %and3A_580] : memref<80x128xf32, #tpu.memory_space<vmem>>[vector<16xi32>, vector<16xi32>], vector<16xf32>,
        %gather3A_581 = tpu.vector_load_idx %arg11[%add3A_395, %and3A_580] : memref<80x128xf32, #tpu.memory_space<vmem>>[vector<16xi32>, vector<16xi32>], vector<16xf32>,
        %sub3A_582 = arith.subf %gather3A, %gather3A_581 : vector<16xf32>
        %mul3A_583 = arith.mulf %sub3A_582, %sub3A_582 : vector<16xf32>
        %add3A_584 = arith.addf %scan3A_571, %mul3A_583 : vector<16xf32>
        %mul3A_585 = arith.constant 8 : i32
        %mul3A_586 = arith.muli %scan3A_570, %mul3A_585 : i32
        %add3A_587 = arith.constant 1 : i32
        %add3A_588 = arith.addi %mul3A_586, %add3A_587 : i32
        %add3A_589 = vector.broadcast %add3A_588 : i32 to vector<16xi32>
        %add3A_590 = arith.addi %add3A_589, %iota3A_392 : vector<16xi32>
        %and3A_591 = arith.constant 127 : i32
        %and3A_592 = vector.broadcast %and3A_591 : i32 to vector<16xi32>
        %and3A_593 = arith.andi %add3A_590, %and3A_592 : vector<16xi32>
        %gather3A_594 = tpu.vector_load_idx %arg10[%add3A_395, %and3A_593] : memref<80x128xf32, #tpu.memory_space<vmem>>[vector<16xi32>, vector<16xi32>], vector<16xf32>,
        %gather3A_595 = tpu.vector_load_idx %arg11[%add3A_395, %and3A_593] : memref<80x128xf32, #tpu.memory_space<vmem>>[vector<16xi32>, vector<16xi32>], vector<16xf32>,
        %sub3A_596 = arith.subf %gather3A_594, %gather3A_595 : vector<16xf32>
        %mul3A_597 = arith.mulf %sub3A_596, %sub3A_596 : vector<16xf32>
        %add3A_598 = arith.addf %scan3A_572, %mul3A_597 : vector<16xf32>
        %mul3A_599 = arith.constant 8 : i32
        %mul3A_600 = arith.muli %scan3A_570, %mul3A_599 : i32
        %add3A_601 = arith.constant 2 : i32
        %add3A_602 = arith.addi %mul3A_600, %add3A_601 : i32
        %add3A_603 = vector.broadcast %add3A_602 : i32 to vector<16xi32>
        %add3A_604 = arith.addi %add3A_603, %iota3A_392 : vector<16xi32>
        %and3A_605 = arith.constant 127 : i32
        %and3A_606 = vector.broadcast %and3A_605 : i32 to vector<16xi32>
        %and3A_607 = arith.andi %add3A_604, %and3A_606 : vector<16xi32>
        %gather3A_608 = tpu.vector_load_idx %arg10[%add3A_395, %and3A_607] : memref<80x128xf32, #tpu.memory_space<vmem>>[vector<16xi32>, vector<16xi32>], vector<16xf32>,
        %gather3A_609 = tpu.vector_load_idx %arg11[%add3A_395, %and3A_607] : memref<80x128xf32, #tpu.memory_space<vmem>>[vector<16xi32>, vector<16xi32>], vector<16xf32>,
        %sub3A_610 = arith.subf %gather3A_608, %gather3A_609 : vector<16xf32>
        %mul3A_611 = arith.mulf %sub3A_610, %sub3A_610 : vector<16xf32>
        %add3A_612 = arith.addf %add3A_584, %mul3A_611 : vector<16xf32>
        %mul3A_613 = arith.constant 8 : i32
        %mul3A_614 = arith.muli %scan3A_570, %mul3A_613 : i32
        %add3A_615 = arith.constant 3 : i32
        %add3A_616 = arith.addi %mul3A_614, %add3A_615 : i32
        %add3A_617 = vector.broadcast %add3A_616 : i32 to vector<16xi32>
        %add3A_618 = arith.addi %add3A_617, %iota3A_392 : vector<16xi32>
        %and3A_619 = arith.constant 127 : i32
        %and3A_620 = vector.broadcast %and3A_619 : i32 to vector<16xi32>
        %and3A_621 = arith.andi %add3A_618, %and3A_620 : vector<16xi32>
        %gather3A_622 = tpu.vector_load_idx %arg10[%add3A_395, %and3A_621] : memref<80x128xf32, #tpu.memory_space<vmem>>[vector<16xi32>, vector<16xi32>], vector<16xf32>,
        %gather3A_623 = tpu.vector_load_idx %arg11[%add3A_395, %and3A_621] : memref<80x128xf32, #tpu.memory_space<vmem>>[vector<16xi32>, vector<16xi32>], vector<16xf32>,
        %sub3A_624 = arith.subf %gather3A_622, %gather3A_623 : vector<16xf32>
        %mul3A_625 = arith.mulf %sub3A_624, %sub3A_624 : vector<16xf32>
        %add3A_626 = arith.addf %add3A_598, %mul3A_625 : vector<16xf32>
        %mul3A_627 = arith.constant 8 : i32
        %mul3A_628 = arith.muli %scan3A_570, %mul3A_627 : i32
        %add3A_629 = arith.constant 4 : i32
        %add3A_630 = arith.addi %mul3A_628, %add3A_629 : i32
        %add3A_631 = vector.broadcast %add3A_630 : i32 to vector<16xi32>
        %add3A_632 = arith.addi %add3A_631, %iota3A_392 : vector<16xi32>
        %and3A_633 = arith.constant 127 : i32
        %and3A_634 = vector.broadcast %and3A_633 : i32 to vector<16xi32>
        %and3A_635 = arith.andi %add3A_632, %and3A_634 : vector<16xi32>
        %gather3A_636 = tpu.vector_load_idx %arg10[%add3A_395, %and3A_635] : memref<80x128xf32, #tpu.memory_space<vmem>>[vector<16xi32>, vector<16xi32>], vector<16xf32>,
        %gather3A_637 = tpu.vector_load_idx %arg11[%add3A_395, %and3A_635] : memref<80x128xf32, #tpu.memory_space<vmem>>[vector<16xi32>, vector<16xi32>], vector<16xf32>,
        %sub3A_638 = arith.subf %gather3A_636, %gather3A_637 : vector<16xf32>
        %mul3A_639 = arith.mulf %sub3A_638, %sub3A_638 : vector<16xf32>
        %add3A_640 = arith.addf %add3A_612, %mul3A_639 : vector<16xf32>
        %mul3A_641 = arith.constant 8 : i32
        %mul3A_642 = arith.muli %scan3A_570, %mul3A_641 : i32
        %add3A_643 = arith.constant 5 : i32
        %add3A_644 = arith.addi %mul3A_642, %add3A_643 : i32
        %add3A_645 = vector.broadcast %add3A_644 : i32 to vector<16xi32>
        %add3A_646 = arith.addi %add3A_645, %iota3A_392 : vector<16xi32>
        %and3A_647 = arith.constant 127 : i32
        %and3A_648 = vector.broadcast %and3A_647 : i32 to vector<16xi32>
        %and3A_649 = arith.andi %add3A_646, %and3A_648 : vector<16xi32>
        %gather3A_650 = tpu.vector_load_idx %arg10[%add3A_395, %and3A_649] : memref<80x128xf32, #tpu.memory_space<vmem>>[vector<16xi32>, vector<16xi32>], vector<16xf32>,
        %gather3A_651 = tpu.vector_load_idx %arg11[%add3A_395, %and3A_649] : memref<80x128xf32, #tpu.memory_space<vmem>>[vector<16xi32>, vector<16xi32>], vector<16xf32>,
        %sub3A_652 = arith.subf %gather3A_650, %gather3A_651 : vector<16xf32>
        %mul3A_653 = arith.mulf %sub3A_652, %sub3A_652 : vector<16xf32>
        %add3A_654 = arith.addf %add3A_626, %mul3A_653 : vector<16xf32>
        %mul3A_655 = arith.constant 8 : i32
        %mul3A_656 = arith.muli %scan3A_570, %mul3A_655 : i32
        %add3A_657 = arith.constant 6 : i32
        %add3A_658 = arith.addi %mul3A_656, %add3A_657 : i32
        %add3A_659 = vector.broadcast %add3A_658 : i32 to vector<16xi32>
        %add3A_660 = arith.addi %add3A_659, %iota3A_392 : vector<16xi32>
        %and3A_661 = arith.constant 127 : i32
        %and3A_662 = vector.broadcast %and3A_661 : i32 to vector<16xi32>
        %and3A_663 = arith.andi %add3A_660, %and3A_662 : vector<16xi32>
        %gather3A_664 = tpu.vector_load_idx %arg10[%add3A_395, %and3A_663] : memref<80x128xf32, #tpu.memory_space<vmem>>[vector<16xi32>, vector<16xi32>], vector<16xf32>,
        %gather3A_665 = tpu.vector_load_idx %arg11[%add3A_395, %and3A_663] : memref<80x128xf32, #tpu.memory_space<vmem>>[vector<16xi32>, vector<16xi32>], vector<16xf32>,
        %sub3A_666 = arith.subf %gather3A_664, %gather3A_665 : vector<16xf32>
        %mul3A_667 = arith.mulf %sub3A_666, %sub3A_666 : vector<16xf32>
        %add3A_668 = arith.addf %add3A_640, %mul3A_667 : vector<16xf32>
        %mul3A_669 = arith.constant 8 : i32
        %mul3A_670 = arith.muli %scan3A_570, %mul3A_669 : i32
        %add3A_671 = arith.constant 7 : i32
        %add3A_672 = arith.addi %mul3A_670, %add3A_671 : i32
        %add3A_673 = vector.broadcast %add3A_672 : i32 to vector<16xi32>
        %add3A_674 = arith.addi %add3A_673, %iota3A_392 : vector<16xi32>
        %and3A_675 = arith.constant 127 : i32
        %and3A_676 = vector.broadcast %and3A_675 : i32 to vector<16xi32>
        %and3A_677 = arith.andi %add3A_674, %and3A_676 : vector<16xi32>
        %gather3A_678 = tpu.vector_load_idx %arg10[%add3A_395, %and3A_677] : memref<80x128xf32, #tpu.memory_space<vmem>>[vector<16xi32>, vector<16xi32>], vector<16xf32>,
        %gather3A_679 = tpu.vector_load_idx %arg11[%add3A_395, %and3A_677] : memref<80x128xf32, #tpu.memory_space<vmem>>[vector<16xi32>, vector<16xi32>], vector<16xf32>,
        %sub3A_680 = arith.subf %gather3A_678, %gather3A_679 : vector<16xf32>
        %mul3A_681 = arith.mulf %sub3A_680, %sub3A_680 : vector<16xf32>
        %add3A_682 = arith.addf %add3A_654, %mul3A_681 : vector<16xf32>
        scf.yield %add3A_668, %add3A_682 : vector<16xf32>, vector<16xf32>
      }
      %scan3A_405 = arith.constant 16 : i32
      %add3A_406 = arith.addf %scan3A_404#0, %scan3A_404#1 : vector<16xf32>
      %sub3A_407 = arith.constant 2.000000e+00 : f32
      %sub3A_408 = vector.broadcast %sub3A_407 : f32 to vector<16xf32>
      %sub3A_409 = arith.subf %add3A_406, %sub3A_408 : vector<16xf32>
      %div3A_410 = arith.constant 1.000000e+00 : f32
      %div3A_411 = vector.broadcast %div3A_410 : f32 to vector<16xf32>
      %div3A_412 = arith.divf %sub3A_409, %div3A_411 : vector<16xf32>
      %exp3A_413 = math.exp %div3A_412 : vector<16xf32>
      %add3A_414 = arith.constant 1.000000e+00 : f32
      %add3A_415 = vector.broadcast %add3A_414 : f32 to vector<16xf32>
      %add3A_416 = arith.addf %exp3A_413, %add3A_415 : vector<16xf32>
      %div3A_417 = arith.constant 1.000000e+00 : f32
      %div3A_418 = vector.broadcast %div3A_417 : f32 to vector<16xf32>
      %div3A_419 = arith.divf %div3A_418, %add3A_416 : vector<16xf32>
      %mul3A_420 = arith.constant 80 : i32
      %mul3A_421 = arith.muli %add3A_391, %mul3A_420 : i32
      %add3A_422 = arith.constant 0 : i32
      %add3A_423 = arith.addi %mul3A_421, %add3A_422 : i32
      %multiple_of3A_424 = tpu.assume_multiple %add3A_423, 8 : i32
      %swap3A_425 = arith.index_cast %multiple_of3A_424 : i32 to index
      %swap3A_426 = tpu.vector_load %arg7[%swap3A_425] {strides = array<i32>} : memref<10000xf32, #tpu.memory_space<vmem>>, vector<16xf32>,
      tpu.vector_store %arg7[%swap3A_425], %div3A_419 {strides = array<i32>} : memref<10000xf32, #tpu.memory_space<vmem>>, vector<16xf32>,
      %add3A_427 = arith.constant 16 : i32
      %add3A_428 = vector.broadcast %add3A_427 : i32 to vector<16xi32>
      %add3A_429 = arith.addi %add3A_428, %iota3A_392 : vector<16xi32>
      %broadcast_in_dim3A_430 = arith.constant 0.000000e+00 : f32
      %broadcast_in_dim3A_431 = vector.broadcast %broadcast_in_dim3A_430 : f32 to vector<16xf32>
      %broadcast_in_dim3A_432 = arith.constant 0.000000e+00 : f32
      %broadcast_in_dim3A_433 = vector.broadcast %broadcast_in_dim3A_432 : f32 to vector<16xf32>
      %scan3A_434 = arith.constant 0 : i32
      %scan3A_435 = arith.constant 16 : i32
      %scan3A_436 = arith.addi %scan3A_434, %scan3A_435 : i32
      %scan3A_437 = arith.constant 1 : i32
      %scan3A_438:2 = scf.for %scan3A_570 = %scan3A_434 to %scan3A_436 step %scan3A_437 iter_args(%scan3A_571 = %broadcast_in_dim3A_431, %scan3A_572 = %broadcast_in_dim3A_433) -> (vector<16xf32>, vector<16xf32>)  : i32 {
        %mul3A_573 = arith.constant 8 : i32
        %mul3A_574 = arith.muli %scan3A_570, %mul3A_573 : i32
        %add3A_575 = arith.constant 0 : i32
        %add3A_576 = arith.addi %mul3A_574, %add3A_575 : i32
        %add3A_577 = vector.broadcast %add3A_576 : i32 to vector<16xi32>
        %add3A_578 = arith.addi %add3A_577, %iota3A_392 : vector<16xi32>
        %and3A = arith.constant 127 : i32
        %and3A_579 = vector.broadcast %and3A : i32 to vector<16xi32>
        %and3A_580 = arith.andi %add3A_578, %and3A_579 : vector<16xi32>
        %gather3A = tpu.vector_load_idx %arg10[%add3A_429, %and3A_580] : memref<80x128xf32, #tpu.memory_space<vmem>>[vector<16xi32>, vector<16xi32>], vector<16xf32>,
        %gather3A_581 = tpu.vector_load_idx %arg11[%add3A_429, %and3A_580] : memref<80x128xf32, #tpu.memory_space<vmem>>[vector<16xi32>, vector<16xi32>], vector<16xf32>,
        %sub3A_582 = arith.subf %gather3A, %gather3A_581 : vector<16xf32>
        %mul3A_583 = arith.mulf %sub3A_582, %sub3A_582 : vector<16xf32>
        %add3A_584 = arith.addf %scan3A_571, %mul3A_583 : vector<16xf32>
        %mul3A_585 = arith.constant 8 : i32
        %mul3A_586 = arith.muli %scan3A_570, %mul3A_585 : i32
        %add3A_587 = arith.constant 1 : i32
        %add3A_588 = arith.addi %mul3A_586, %add3A_587 : i32
        %add3A_589 = vector.broadcast %add3A_588 : i32 to vector<16xi32>
        %add3A_590 = arith.addi %add3A_589, %iota3A_392 : vector<16xi32>
        %and3A_591 = arith.constant 127 : i32
        %and3A_592 = vector.broadcast %and3A_591 : i32 to vector<16xi32>
        %and3A_593 = arith.andi %add3A_590, %and3A_592 : vector<16xi32>
        %gather3A_594 = tpu.vector_load_idx %arg10[%add3A_429, %and3A_593] : memref<80x128xf32, #tpu.memory_space<vmem>>[vector<16xi32>, vector<16xi32>], vector<16xf32>,
        %gather3A_595 = tpu.vector_load_idx %arg11[%add3A_429, %and3A_593] : memref<80x128xf32, #tpu.memory_space<vmem>>[vector<16xi32>, vector<16xi32>], vector<16xf32>,
        %sub3A_596 = arith.subf %gather3A_594, %gather3A_595 : vector<16xf32>
        %mul3A_597 = arith.mulf %sub3A_596, %sub3A_596 : vector<16xf32>
        %add3A_598 = arith.addf %scan3A_572, %mul3A_597 : vector<16xf32>
        %mul3A_599 = arith.constant 8 : i32
        %mul3A_600 = arith.muli %scan3A_570, %mul3A_599 : i32
        %add3A_601 = arith.constant 2 : i32
        %add3A_602 = arith.addi %mul3A_600, %add3A_601 : i32
        %add3A_603 = vector.broadcast %add3A_602 : i32 to vector<16xi32>
        %add3A_604 = arith.addi %add3A_603, %iota3A_392 : vector<16xi32>
        %and3A_605 = arith.constant 127 : i32
        %and3A_606 = vector.broadcast %and3A_605 : i32 to vector<16xi32>
        %and3A_607 = arith.andi %add3A_604, %and3A_606 : vector<16xi32>
        %gather3A_608 = tpu.vector_load_idx %arg10[%add3A_429, %and3A_607] : memref<80x128xf32, #tpu.memory_space<vmem>>[vector<16xi32>, vector<16xi32>], vector<16xf32>,
        %gather3A_609 = tpu.vector_load_idx %arg11[%add3A_429, %and3A_607] : memref<80x128xf32, #tpu.memory_space<vmem>>[vector<16xi32>, vector<16xi32>], vector<16xf32>,
        %sub3A_610 = arith.subf %gather3A_608, %gather3A_609 : vector<16xf32>
        %mul3A_611 = arith.mulf %sub3A_610, %sub3A_610 : vector<16xf32>
        %add3A_612 = arith.addf %add3A_584, %mul3A_611 : vector<16xf32>
        %mul3A_613 = arith.constant 8 : i32
        %mul3A_614 = arith.muli %scan3A_570, %mul3A_613 : i32
        %add3A_615 = arith.constant 3 : i32
        %add3A_616 = arith.addi %mul3A_614, %add3A_615 : i32
        %add3A_617 = vector.broadcast %add3A_616 : i32 to vector<16xi32>
        %add3A_618 = arith.addi %add3A_617, %iota3A_392 : vector<16xi32>
        %and3A_619 = arith.constant 127 : i32
        %and3A_620 = vector.broadcast %and3A_619 : i32 to vector<16xi32>
        %and3A_621 = arith.andi %add3A_618, %and3A_620 : vector<16xi32>
        %gather3A_622 = tpu.vector_load_idx %arg10[%add3A_429, %and3A_621] : memref<80x128xf32, #tpu.memory_space<vmem>>[vector<16xi32>, vector<16xi32>], vector<16xf32>,
        %gather3A_623 = tpu.vector_load_idx %arg11[%add3A_429, %and3A_621] : memref<80x128xf32, #tpu.memory_space<vmem>>[vector<16xi32>, vector<16xi32>], vector<16xf32>,
        %sub3A_624 = arith.subf %gather3A_622, %gather3A_623 : vector<16xf32>
        %mul3A_625 = arith.mulf %sub3A_624, %sub3A_624 : vector<16xf32>
        %add3A_626 = arith.addf %add3A_598, %mul3A_625 : vector<16xf32>
        %mul3A_627 = arith.constant 8 : i32
        %mul3A_628 = arith.muli %scan3A_570, %mul3A_627 : i32
        %add3A_629 = arith.constant 4 : i32
        %add3A_630 = arith.addi %mul3A_628, %add3A_629 : i32
        %add3A_631 = vector.broadcast %add3A_630 : i32 to vector<16xi32>
        %add3A_632 = arith.addi %add3A_631, %iota3A_392 : vector<16xi32>
        %and3A_633 = arith.constant 127 : i32
        %and3A_634 = vector.broadcast %and3A_633 : i32 to vector<16xi32>
        %and3A_635 = arith.andi %add3A_632, %and3A_634 : vector<16xi32>
        %gather3A_636 = tpu.vector_load_idx %arg10[%add3A_429, %and3A_635] : memref<80x128xf32, #tpu.memory_space<vmem>>[vector<16xi32>, vector<16xi32>], vector<16xf32>,
        %gather3A_637 = tpu.vector_load_idx %arg11[%add3A_429, %and3A_635] : memref<80x128xf32, #tpu.memory_space<vmem>>[vector<16xi32>, vector<16xi32>], vector<16xf32>,
        %sub3A_638 = arith.subf %gather3A_636, %gather3A_637 : vector<16xf32>
        %mul3A_639 = arith.mulf %sub3A_638, %sub3A_638 : vector<16xf32>
        %add3A_640 = arith.addf %add3A_612, %mul3A_639 : vector<16xf32>
        %mul3A_641 = arith.constant 8 : i32
        %mul3A_642 = arith.muli %scan3A_570, %mul3A_641 : i32
        %add3A_643 = arith.constant 5 : i32
        %add3A_644 = arith.addi %mul3A_642, %add3A_643 : i32
        %add3A_645 = vector.broadcast %add3A_644 : i32 to vector<16xi32>
        %add3A_646 = arith.addi %add3A_645, %iota3A_392 : vector<16xi32>
        %and3A_647 = arith.constant 127 : i32
        %and3A_648 = vector.broadcast %and3A_647 : i32 to vector<16xi32>
        %and3A_649 = arith.andi %add3A_646, %and3A_648 : vector<16xi32>
        %gather3A_650 = tpu.vector_load_idx %arg10[%add3A_429, %and3A_649] : memref<80x128xf32, #tpu.memory_space<vmem>>[vector<16xi32>, vector<16xi32>], vector<16xf32>,
        %gather3A_651 = tpu.vector_load_idx %arg11[%add3A_429, %and3A_649] : memref<80x128xf32, #tpu.memory_space<vmem>>[vector<16xi32>, vector<16xi32>], vector<16xf32>,
        %sub3A_652 = arith.subf %gather3A_650, %gather3A_651 : vector<16xf32>
        %mul3A_653 = arith.mulf %sub3A_652, %sub3A_652 : vector<16xf32>
        %add3A_654 = arith.addf %add3A_626, %mul3A_653 : vector<16xf32>
        %mul3A_655 = arith.constant 8 : i32
        %mul3A_656 = arith.muli %scan3A_570, %mul3A_655 : i32
        %add3A_657 = arith.constant 6 : i32
        %add3A_658 = arith.addi %mul3A_656, %add3A_657 : i32
        %add3A_659 = vector.broadcast %add3A_658 : i32 to vector<16xi32>
        %add3A_660 = arith.addi %add3A_659, %iota3A_392 : vector<16xi32>
        %and3A_661 = arith.constant 127 : i32
        %and3A_662 = vector.broadcast %and3A_661 : i32 to vector<16xi32>
        %and3A_663 = arith.andi %add3A_660, %and3A_662 : vector<16xi32>
        %gather3A_664 = tpu.vector_load_idx %arg10[%add3A_429, %and3A_663] : memref<80x128xf32, #tpu.memory_space<vmem>>[vector<16xi32>, vector<16xi32>], vector<16xf32>,
        %gather3A_665 = tpu.vector_load_idx %arg11[%add3A_429, %and3A_663] : memref<80x128xf32, #tpu.memory_space<vmem>>[vector<16xi32>, vector<16xi32>], vector<16xf32>,
        %sub3A_666 = arith.subf %gather3A_664, %gather3A_665 : vector<16xf32>
        %mul3A_667 = arith.mulf %sub3A_666, %sub3A_666 : vector<16xf32>
        %add3A_668 = arith.addf %add3A_640, %mul3A_667 : vector<16xf32>
        %mul3A_669 = arith.constant 8 : i32
        %mul3A_670 = arith.muli %scan3A_570, %mul3A_669 : i32
        %add3A_671 = arith.constant 7 : i32
        %add3A_672 = arith.addi %mul3A_670, %add3A_671 : i32
        %add3A_673 = vector.broadcast %add3A_672 : i32 to vector<16xi32>
        %add3A_674 = arith.addi %add3A_673, %iota3A_392 : vector<16xi32>
        %and3A_675 = arith.constant 127 : i32
        %and3A_676 = vector.broadcast %and3A_675 : i32 to vector<16xi32>
        %and3A_677 = arith.andi %add3A_674, %and3A_676 : vector<16xi32>
        %gather3A_678 = tpu.vector_load_idx %arg10[%add3A_429, %and3A_677] : memref<80x128xf32, #tpu.memory_space<vmem>>[vector<16xi32>, vector<16xi32>], vector<16xf32>,
        %gather3A_679 = tpu.vector_load_idx %arg11[%add3A_429, %and3A_677] : memref<80x128xf32, #tpu.memory_space<vmem>>[vector<16xi32>, vector<16xi32>], vector<16xf32>,
        %sub3A_680 = arith.subf %gather3A_678, %gather3A_679 : vector<16xf32>
        %mul3A_681 = arith.mulf %sub3A_680, %sub3A_680 : vector<16xf32>
        %add3A_682 = arith.addf %add3A_654, %mul3A_681 : vector<16xf32>
        scf.yield %add3A_668, %add3A_682 : vector<16xf32>, vector<16xf32>
      }
      %scan3A_439 = arith.constant 16 : i32
      %add3A_440 = arith.addf %scan3A_438#0, %scan3A_438#1 : vector<16xf32>
      %sub3A_441 = arith.constant 2.000000e+00 : f32
      %sub3A_442 = vector.broadcast %sub3A_441 : f32 to vector<16xf32>
      %sub3A_443 = arith.subf %add3A_440, %sub3A_442 : vector<16xf32>
      %div3A_444 = arith.constant 1.000000e+00 : f32
      %div3A_445 = vector.broadcast %div3A_444 : f32 to vector<16xf32>
      %div3A_446 = arith.divf %sub3A_443, %div3A_445 : vector<16xf32>
      %exp3A_447 = math.exp %div3A_446 : vector<16xf32>
      %add3A_448 = arith.constant 1.000000e+00 : f32
      %add3A_449 = vector.broadcast %add3A_448 : f32 to vector<16xf32>
      %add3A_450 = arith.addf %exp3A_447, %add3A_449 : vector<16xf32>
      %div3A_451 = arith.constant 1.000000e+00 : f32
      %div3A_452 = vector.broadcast %div3A_451 : f32 to vector<16xf32>
      %div3A_453 = arith.divf %div3A_452, %add3A_450 : vector<16xf32>
      %mul3A_454 = arith.constant 80 : i32
      %mul3A_455 = arith.muli %add3A_391, %mul3A_454 : i32
      %add3A_456 = arith.constant 16 : i32
      %add3A_457 = arith.addi %mul3A_455, %add3A_456 : i32
      %multiple_of3A_458 = tpu.assume_multiple %add3A_457, 8 : i32
      %swap3A_459 = arith.index_cast %multiple_of3A_458 : i32 to index
      %swap3A_460 = tpu.vector_load %arg7[%swap3A_459] {strides = array<i32>} : memref<10000xf32, #tpu.memory_space<vmem>>, vector<16xf32>,
      tpu.vector_store %arg7[%swap3A_459], %div3A_453 {strides = array<i32>} : memref<10000xf32, #tpu.memory_space<vmem>>, vector<16xf32>,
      %add3A_461 = arith.constant 32 : i32
      %add3A_462 = vector.broadcast %add3A_461 : i32 to vector<16xi32>
      %add3A_463 = arith.addi %add3A_462, %iota3A_392 : vector<16xi32>
      %broadcast_in_dim3A_464 = arith.constant 0.000000e+00 : f32
      %broadcast_in_dim3A_465 = vector.broadcast %broadcast_in_dim3A_464 : f32 to vector<16xf32>
      %broadcast_in_dim3A_466 = arith.constant 0.000000e+00 : f32
      %broadcast_in_dim3A_467 = vector.broadcast %broadcast_in_dim3A_466 : f32 to vector<16xf32>
      %scan3A_468 = arith.constant 0 : i32
      %scan3A_469 = arith.constant 16 : i32
      %scan3A_470 = arith.addi %scan3A_468, %scan3A_469 : i32
      %scan3A_471 = arith.constant 1 : i32
      %scan3A_472:2 = scf.for %scan3A_570 = %scan3A_468 to %scan3A_470 step %scan3A_471 iter_args(%scan3A_571 = %broadcast_in_dim3A_465, %scan3A_572 = %broadcast_in_dim3A_467) -> (vector<16xf32>, vector<16xf32>)  : i32 {
        %mul3A_573 = arith.constant 8 : i32
        %mul3A_574 = arith.muli %scan3A_570, %mul3A_573 : i32
        %add3A_575 = arith.constant 0 : i32
        %add3A_576 = arith.addi %mul3A_574, %add3A_575 : i32
        %add3A_577 = vector.broadcast %add3A_576 : i32 to vector<16xi32>
        %add3A_578 = arith.addi %add3A_577, %iota3A_392 : vector<16xi32>
        %and3A = arith.constant 127 : i32
        %and3A_579 = vector.broadcast %and3A : i32 to vector<16xi32>
        %and3A_580 = arith.andi %add3A_578, %and3A_579 : vector<16xi32>
        %gather3A = tpu.vector_load_idx %arg10[%add3A_463, %and3A_580] : memref<80x128xf32, #tpu.memory_space<vmem>>[vector<16xi32>, vector<16xi32>], vector<16xf32>,
        %gather3A_581 = tpu.vector_load_idx %arg11[%add3A_463, %and3A_580] : memref<80x128xf32, #tpu.memory_space<vmem>>[vector<16xi32>, vector<16xi32>], vector<16xf32>,
        %sub3A_582 = arith.subf %gather3A, %gather3A_581 : vector<16xf32>
        %mul3A_583 = arith.mulf %sub3A_582, %sub3A_582 : vector<16xf32>
        %add3A_584 = arith.addf %scan3A_571, %mul3A_583 : vector<16xf32>
        %mul3A_585 = arith.constant 8 : i32
        %mul3A_586 = arith.muli %scan3A_570, %mul3A_585 : i32
        %add3A_587 = arith.constant 1 : i32
        %add3A_588 = arith.addi %mul3A_586, %add3A_587 : i32
        %add3A_589 = vector.broadcast %add3A_588 : i32 to vector<16xi32>
        %add3A_590 = arith.addi %add3A_589, %iota3A_392 : vector<16xi32>
        %and3A_591 = arith.constant 127 : i32
        %and3A_592 = vector.broadcast %and3A_591 : i32 to vector<16xi32>
        %and3A_593 = arith.andi %add3A_590, %and3A_592 : vector<16xi32>
        %gather3A_594 = tpu.vector_load_idx %arg10[%add3A_463, %and3A_593] : memref<80x128xf32, #tpu.memory_space<vmem>>[vector<16xi32>, vector<16xi32>], vector<16xf32>,
        %gather3A_595 = tpu.vector_load_idx %arg11[%add3A_463, %and3A_593] : memref<80x128xf32, #tpu.memory_space<vmem>>[vector<16xi32>, vector<16xi32>], vector<16xf32>,
        %sub3A_596 = arith.subf %gather3A_594, %gather3A_595 : vector<16xf32>
        %mul3A_597 = arith.mulf %sub3A_596, %sub3A_596 : vector<16xf32>
        %add3A_598 = arith.addf %scan3A_572, %mul3A_597 : vector<16xf32>
        %mul3A_599 = arith.constant 8 : i32
        %mul3A_600 = arith.muli %scan3A_570, %mul3A_599 : i32
        %add3A_601 = arith.constant 2 : i32
        %add3A_602 = arith.addi %mul3A_600, %add3A_601 : i32
        %add3A_603 = vector.broadcast %add3A_602 : i32 to vector<16xi32>
        %add3A_604 = arith.addi %add3A_603, %iota3A_392 : vector<16xi32>
        %and3A_605 = arith.constant 127 : i32
        %and3A_606 = vector.broadcast %and3A_605 : i32 to vector<16xi32>
        %and3A_607 = arith.andi %add3A_604, %and3A_606 : vector<16xi32>
        %gather3A_608 = tpu.vector_load_idx %arg10[%add3A_463, %and3A_607] : memref<80x128xf32, #tpu.memory_space<vmem>>[vector<16xi32>, vector<16xi32>], vector<16xf32>,
        %gather3A_609 = tpu.vector_load_idx %arg11[%add3A_463, %and3A_607] : memref<80x128xf32, #tpu.memory_space<vmem>>[vector<16xi32>, vector<16xi32>], vector<16xf32>,
        %sub3A_610 = arith.subf %gather3A_608, %gather3A_609 : vector<16xf32>
        %mul3A_611 = arith.mulf %sub3A_610, %sub3A_610 : vector<16xf32>
        %add3A_612 = arith.addf %add3A_584, %mul3A_611 : vector<16xf32>
        %mul3A_613 = arith.constant 8 : i32
        %mul3A_614 = arith.muli %scan3A_570, %mul3A_613 : i32
        %add3A_615 = arith.constant 3 : i32
        %add3A_616 = arith.addi %mul3A_614, %add3A_615 : i32
        %add3A_617 = vector.broadcast %add3A_616 : i32 to vector<16xi32>
        %add3A_618 = arith.addi %add3A_617, %iota3A_392 : vector<16xi32>
        %and3A_619 = arith.constant 127 : i32
        %and3A_620 = vector.broadcast %and3A_619 : i32 to vector<16xi32>
        %and3A_621 = arith.andi %add3A_618, %and3A_620 : vector<16xi32>
        %gather3A_622 = tpu.vector_load_idx %arg10[%add3A_463, %and3A_621] : memref<80x128xf32, #tpu.memory_space<vmem>>[vector<16xi32>, vector<16xi32>], vector<16xf32>,
        %gather3A_623 = tpu.vector_load_idx %arg11[%add3A_463, %and3A_621] : memref<80x128xf32, #tpu.memory_space<vmem>>[vector<16xi32>, vector<16xi32>], vector<16xf32>,
        %sub3A_624 = arith.subf %gather3A_622, %gather3A_623 : vector<16xf32>
        %mul3A_625 = arith.mulf %sub3A_624, %sub3A_624 : vector<16xf32>
        %add3A_626 = arith.addf %add3A_598, %mul3A_625 : vector<16xf32>
        %mul3A_627 = arith.constant 8 : i32
        %mul3A_628 = arith.muli %scan3A_570, %mul3A_627 : i32
        %add3A_629 = arith.constant 4 : i32
        %add3A_630 = arith.addi %mul3A_628, %add3A_629 : i32
        %add3A_631 = vector.broadcast %add3A_630 : i32 to vector<16xi32>
        %add3A_632 = arith.addi %add3A_631, %iota3A_392 : vector<16xi32>
        %and3A_633 = arith.constant 127 : i32
        %and3A_634 = vector.broadcast %and3A_633 : i32 to vector<16xi32>
        %and3A_635 = arith.andi %add3A_632, %and3A_634 : vector<16xi32>
        %gather3A_636 = tpu.vector_load_idx %arg10[%add3A_463, %and3A_635] : memref<80x128xf32, #tpu.memory_space<vmem>>[vector<16xi32>, vector<16xi32>], vector<16xf32>,
        %gather3A_637 = tpu.vector_load_idx %arg11[%add3A_463, %and3A_635] : memref<80x128xf32, #tpu.memory_space<vmem>>[vector<16xi32>, vector<16xi32>], vector<16xf32>,
        %sub3A_638 = arith.subf %gather3A_636, %gather3A_637 : vector<16xf32>
        %mul3A_639 = arith.mulf %sub3A_638, %sub3A_638 : vector<16xf32>
        %add3A_640 = arith.addf %add3A_612, %mul3A_639 : vector<16xf32>
        %mul3A_641 = arith.constant 8 : i32
        %mul3A_642 = arith.muli %scan3A_570, %mul3A_641 : i32
        %add3A_643 = arith.constant 5 : i32
        %add3A_644 = arith.addi %mul3A_642, %add3A_643 : i32
        %add3A_645 = vector.broadcast %add3A_644 : i32 to vector<16xi32>
        %add3A_646 = arith.addi %add3A_645, %iota3A_392 : vector<16xi32>
        %and3A_647 = arith.constant 127 : i32
        %and3A_648 = vector.broadcast %and3A_647 : i32 to vector<16xi32>
        %and3A_649 = arith.andi %add3A_646, %and3A_648 : vector<16xi32>
        %gather3A_650 = tpu.vector_load_idx %arg10[%add3A_463, %and3A_649] : memref<80x128xf32, #tpu.memory_space<vmem>>[vector<16xi32>, vector<16xi32>], vector<16xf32>,
        %gather3A_651 = tpu.vector_load_idx %arg11[%add3A_463, %and3A_649] : memref<80x128xf32, #tpu.memory_space<vmem>>[vector<16xi32>, vector<16xi32>], vector<16xf32>,
        %sub3A_652 = arith.subf %gather3A_650, %gather3A_651 : vector<16xf32>
        %mul3A_653 = arith.mulf %sub3A_652, %sub3A_652 : vector<16xf32>
        %add3A_654 = arith.addf %add3A_626, %mul3A_653 : vector<16xf32>
        %mul3A_655 = arith.constant 8 : i32
        %mul3A_656 = arith.muli %scan3A_570, %mul3A_655 : i32
        %add3A_657 = arith.constant 6 : i32
        %add3A_658 = arith.addi %mul3A_656, %add3A_657 : i32
        %add3A_659 = vector.broadcast %add3A_658 : i32 to vector<16xi32>
        %add3A_660 = arith.addi %add3A_659, %iota3A_392 : vector<16xi32>
        %and3A_661 = arith.constant 127 : i32
        %and3A_662 = vector.broadcast %and3A_661 : i32 to vector<16xi32>
        %and3A_663 = arith.andi %add3A_660, %and3A_662 : vector<16xi32>
        %gather3A_664 = tpu.vector_load_idx %arg10[%add3A_463, %and3A_663] : memref<80x128xf32, #tpu.memory_space<vmem>>[vector<16xi32>, vector<16xi32>], vector<16xf32>,
        %gather3A_665 = tpu.vector_load_idx %arg11[%add3A_463, %and3A_663] : memref<80x128xf32, #tpu.memory_space<vmem>>[vector<16xi32>, vector<16xi32>], vector<16xf32>,
        %sub3A_666 = arith.subf %gather3A_664, %gather3A_665 : vector<16xf32>
        %mul3A_667 = arith.mulf %sub3A_666, %sub3A_666 : vector<16xf32>
        %add3A_668 = arith.addf %add3A_640, %mul3A_667 : vector<16xf32>
        %mul3A_669 = arith.constant 8 : i32
        %mul3A_670 = arith.muli %scan3A_570, %mul3A_669 : i32
        %add3A_671 = arith.constant 7 : i32
        %add3A_672 = arith.addi %mul3A_670, %add3A_671 : i32
        %add3A_673 = vector.broadcast %add3A_672 : i32 to vector<16xi32>
        %add3A_674 = arith.addi %add3A_673, %iota3A_392 : vector<16xi32>
        %and3A_675 = arith.constant 127 : i32
        %and3A_676 = vector.broadcast %and3A_675 : i32 to vector<16xi32>
        %and3A_677 = arith.andi %add3A_674, %and3A_676 : vector<16xi32>
        %gather3A_678 = tpu.vector_load_idx %arg10[%add3A_463, %and3A_677] : memref<80x128xf32, #tpu.memory_space<vmem>>[vector<16xi32>, vector<16xi32>], vector<16xf32>,
        %gather3A_679 = tpu.vector_load_idx %arg11[%add3A_463, %and3A_677] : memref<80x128xf32, #tpu.memory_space<vmem>>[vector<16xi32>, vector<16xi32>], vector<16xf32>,
        %sub3A_680 = arith.subf %gather3A_678, %gather3A_679 : vector<16xf32>
        %mul3A_681 = arith.mulf %sub3A_680, %sub3A_680 : vector<16xf32>
        %add3A_682 = arith.addf %add3A_654, %mul3A_681 : vector<16xf32>
        scf.yield %add3A_668, %add3A_682 : vector<16xf32>, vector<16xf32>
      }
      %scan3A_473 = arith.constant 16 : i32
      %add3A_474 = arith.addf %scan3A_472#0, %scan3A_472#1 : vector<16xf32>
      %sub3A_475 = arith.constant 2.000000e+00 : f32
      %sub3A_476 = vector.broadcast %sub3A_475 : f32 to vector<16xf32>
      %sub3A_477 = arith.subf %add3A_474, %sub3A_476 : vector<16xf32>
      %div3A_478 = arith.constant 1.000000e+00 : f32
      %div3A_479 = vector.broadcast %div3A_478 : f32 to vector<16xf32>
      %div3A_480 = arith.divf %sub3A_477, %div3A_479 : vector<16xf32>
      %exp3A_481 = math.exp %div3A_480 : vector<16xf32>
      %add3A_482 = arith.constant 1.000000e+00 : f32
      %add3A_483 = vector.broadcast %add3A_482 : f32 to vector<16xf32>
      %add3A_484 = arith.addf %exp3A_481, %add3A_483 : vector<16xf32>
      %div3A_485 = arith.constant 1.000000e+00 : f32
      %div3A_486 = vector.broadcast %div3A_485 : f32 to vector<16xf32>
      %div3A_487 = arith.divf %div3A_486, %add3A_484 : vector<16xf32>
      %mul3A_488 = arith.constant 80 : i32
      %mul3A_489 = arith.muli %add3A_391, %mul3A_488 : i32
      %add3A_490 = arith.constant 32 : i32
      %add3A_491 = arith.addi %mul3A_489, %add3A_490 : i32
      %multiple_of3A_492 = tpu.assume_multiple %add3A_491, 8 : i32
      %swap3A_493 = arith.index_cast %multiple_of3A_492 : i32 to index
      %swap3A_494 = tpu.vector_load %arg7[%swap3A_493] {strides = array<i32>} : memref<10000xf32, #tpu.memory_space<vmem>>, vector<16xf32>,
      tpu.vector_store %arg7[%swap3A_493], %div3A_487 {strides = array<i32>} : memref<10000xf32, #tpu.memory_space<vmem>>, vector<16xf32>,
      %add3A_495 = arith.constant 48 : i32
      %add3A_496 = vector.broadcast %add3A_495 : i32 to vector<16xi32>
      %add3A_497 = arith.addi %add3A_496, %iota3A_392 : vector<16xi32>
      %broadcast_in_dim3A_498 = arith.constant 0.000000e+00 : f32
      %broadcast_in_dim3A_499 = vector.broadcast %broadcast_in_dim3A_498 : f32 to vector<16xf32>
      %broadcast_in_dim3A_500 = arith.constant 0.000000e+00 : f32
      %broadcast_in_dim3A_501 = vector.broadcast %broadcast_in_dim3A_500 : f32 to vector<16xf32>
      %scan3A_502 = arith.constant 0 : i32
      %scan3A_503 = arith.constant 16 : i32
      %scan3A_504 = arith.addi %scan3A_502, %scan3A_503 : i32
      %scan3A_505 = arith.constant 1 : i32
      %scan3A_506:2 = scf.for %scan3A_570 = %scan3A_502 to %scan3A_504 step %scan3A_505 iter_args(%scan3A_571 = %broadcast_in_dim3A_499, %scan3A_572 = %broadcast_in_dim3A_501) -> (vector<16xf32>, vector<16xf32>)  : i32 {
        %mul3A_573 = arith.constant 8 : i32
        %mul3A_574 = arith.muli %scan3A_570, %mul3A_573 : i32
        %add3A_575 = arith.constant 0 : i32
        %add3A_576 = arith.addi %mul3A_574, %add3A_575 : i32
        %add3A_577 = vector.broadcast %add3A_576 : i32 to vector<16xi32>
        %add3A_578 = arith.addi %add3A_577, %iota3A_392 : vector<16xi32>
        %and3A = arith.constant 127 : i32
        %and3A_579 = vector.broadcast %and3A : i32 to vector<16xi32>
        %and3A_580 = arith.andi %add3A_578, %and3A_579 : vector<16xi32>
        %gather3A = tpu.vector_load_idx %arg10[%add3A_497, %and3A_580] : memref<80x128xf32, #tpu.memory_space<vmem>>[vector<16xi32>, vector<16xi32>], vector<16xf32>,
        %gather3A_581 = tpu.vector_load_idx %arg11[%add3A_497, %and3A_580] : memref<80x128xf32, #tpu.memory_space<vmem>>[vector<16xi32>, vector<16xi32>], vector<16xf32>,
        %sub3A_582 = arith.subf %gather3A, %gather3A_581 : vector<16xf32>
        %mul3A_583 = arith.mulf %sub3A_582, %sub3A_582 : vector<16xf32>
        %add3A_584 = arith.addf %scan3A_571, %mul3A_583 : vector<16xf32>
        %mul3A_585 = arith.constant 8 : i32
        %mul3A_586 = arith.muli %scan3A_570, %mul3A_585 : i32
        %add3A_587 = arith.constant 1 : i32
        %add3A_588 = arith.addi %mul3A_586, %add3A_587 : i32
        %add3A_589 = vector.broadcast %add3A_588 : i32 to vector<16xi32>
        %add3A_590 = arith.addi %add3A_589, %iota3A_392 : vector<16xi32>
        %and3A_591 = arith.constant 127 : i32
        %and3A_592 = vector.broadcast %and3A_591 : i32 to vector<16xi32>
        %and3A_593 = arith.andi %add3A_590, %and3A_592 : vector<16xi32>
        %gather3A_594 = tpu.vector_load_idx %arg10[%add3A_497, %and3A_593] : memref<80x128xf32, #tpu.memory_space<vmem>>[vector<16xi32>, vector<16xi32>], vector<16xf32>,
        %gather3A_595 = tpu.vector_load_idx %arg11[%add3A_497, %and3A_593] : memref<80x128xf32, #tpu.memory_space<vmem>>[vector<16xi32>, vector<16xi32>], vector<16xf32>,
        %sub3A_596 = arith.subf %gather3A_594, %gather3A_595 : vector<16xf32>
        %mul3A_597 = arith.mulf %sub3A_596, %sub3A_596 : vector<16xf32>
        %add3A_598 = arith.addf %scan3A_572, %mul3A_597 : vector<16xf32>
        %mul3A_599 = arith.constant 8 : i32
        %mul3A_600 = arith.muli %scan3A_570, %mul3A_599 : i32
        %add3A_601 = arith.constant 2 : i32
        %add3A_602 = arith.addi %mul3A_600, %add3A_601 : i32
        %add3A_603 = vector.broadcast %add3A_602 : i32 to vector<16xi32>
        %add3A_604 = arith.addi %add3A_603, %iota3A_392 : vector<16xi32>
        %and3A_605 = arith.constant 127 : i32
        %and3A_606 = vector.broadcast %and3A_605 : i32 to vector<16xi32>
        %and3A_607 = arith.andi %add3A_604, %and3A_606 : vector<16xi32>
        %gather3A_608 = tpu.vector_load_idx %arg10[%add3A_497, %and3A_607] : memref<80x128xf32, #tpu.memory_space<vmem>>[vector<16xi32>, vector<16xi32>], vector<16xf32>,
        %gather3A_609 = tpu.vector_load_idx %arg11[%add3A_497, %and3A_607] : memref<80x128xf32, #tpu.memory_space<vmem>>[vector<16xi32>, vector<16xi32>], vector<16xf32>,
        %sub3A_610 = arith.subf %gather3A_608, %gather3A_609 : vector<16xf32>
        %mul3A_611 = arith.mulf %sub3A_610, %sub3A_610 : vector<16xf32>
        %add3A_612 = arith.addf %add3A_584, %mul3A_611 : vector<16xf32>
        %mul3A_613 = arith.constant 8 : i32
        %mul3A_614 = arith.muli %scan3A_570, %mul3A_613 : i32
        %add3A_615 = arith.constant 3 : i32
        %add3A_616 = arith.addi %mul3A_614, %add3A_615 : i32
        %add3A_617 = vector.broadcast %add3A_616 : i32 to vector<16xi32>
        %add3A_618 = arith.addi %add3A_617, %iota3A_392 : vector<16xi32>
        %and3A_619 = arith.constant 127 : i32
        %and3A_620 = vector.broadcast %and3A_619 : i32 to vector<16xi32>
        %and3A_621 = arith.andi %add3A_618, %and3A_620 : vector<16xi32>
        %gather3A_622 = tpu.vector_load_idx %arg10[%add3A_497, %and3A_621] : memref<80x128xf32, #tpu.memory_space<vmem>>[vector<16xi32>, vector<16xi32>], vector<16xf32>,
        %gather3A_623 = tpu.vector_load_idx %arg11[%add3A_497, %and3A_621] : memref<80x128xf32, #tpu.memory_space<vmem>>[vector<16xi32>, vector<16xi32>], vector<16xf32>,
        %sub3A_624 = arith.subf %gather3A_622, %gather3A_623 : vector<16xf32>
        %mul3A_625 = arith.mulf %sub3A_624, %sub3A_624 : vector<16xf32>
        %add3A_626 = arith.addf %add3A_598, %mul3A_625 : vector<16xf32>
        %mul3A_627 = arith.constant 8 : i32
        %mul3A_628 = arith.muli %scan3A_570, %mul3A_627 : i32
        %add3A_629 = arith.constant 4 : i32
        %add3A_630 = arith.addi %mul3A_628, %add3A_629 : i32
        %add3A_631 = vector.broadcast %add3A_630 : i32 to vector<16xi32>
        %add3A_632 = arith.addi %add3A_631, %iota3A_392 : vector<16xi32>
        %and3A_633 = arith.constant 127 : i32
        %and3A_634 = vector.broadcast %and3A_633 : i32 to vector<16xi32>
        %and3A_635 = arith.andi %add3A_632, %and3A_634 : vector<16xi32>
        %gather3A_636 = tpu.vector_load_idx %arg10[%add3A_497, %and3A_635] : memref<80x128xf32, #tpu.memory_space<vmem>>[vector<16xi32>, vector<16xi32>], vector<16xf32>,
        %gather3A_637 = tpu.vector_load_idx %arg11[%add3A_497, %and3A_635] : memref<80x128xf32, #tpu.memory_space<vmem>>[vector<16xi32>, vector<16xi32>], vector<16xf32>,
        %sub3A_638 = arith.subf %gather3A_636, %gather3A_637 : vector<16xf32>
        %mul3A_639 = arith.mulf %sub3A_638, %sub3A_638 : vector<16xf32>
        %add3A_640 = arith.addf %add3A_612, %mul3A_639 : vector<16xf32>
        %mul3A_641 = arith.constant 8 : i32
        %mul3A_642 = arith.muli %scan3A_570, %mul3A_641 : i32
        %add3A_643 = arith.constant 5 : i32
        %add3A_644 = arith.addi %mul3A_642, %add3A_643 : i32
        %add3A_645 = vector.broadcast %add3A_644 : i32 to vector<16xi32>
        %add3A_646 = arith.addi %add3A_645, %iota3A_392 : vector<16xi32>
        %and3A_647 = arith.constant 127 : i32
        %and3A_648 = vector.broadcast %and3A_647 : i32 to vector<16xi32>
        %and3A_649 = arith.andi %add3A_646, %and3A_648 : vector<16xi32>
        %gather3A_650 = tpu.vector_load_idx %arg10[%add3A_497, %and3A_649] : memref<80x128xf32, #tpu.memory_space<vmem>>[vector<16xi32>, vector<16xi32>], vector<16xf32>,
        %gather3A_651 = tpu.vector_load_idx %arg11[%add3A_497, %and3A_649] : memref<80x128xf32, #tpu.memory_space<vmem>>[vector<16xi32>, vector<16xi32>], vector<16xf32>,
        %sub3A_652 = arith.subf %gather3A_650, %gather3A_651 : vector<16xf32>
        %mul3A_653 = arith.mulf %sub3A_652, %sub3A_652 : vector<16xf32>
        %add3A_654 = arith.addf %add3A_626, %mul3A_653 : vector<16xf32>
        %mul3A_655 = arith.constant 8 : i32
        %mul3A_656 = arith.muli %scan3A_570, %mul3A_655 : i32
        %add3A_657 = arith.constant 6 : i32
        %add3A_658 = arith.addi %mul3A_656, %add3A_657 : i32
        %add3A_659 = vector.broadcast %add3A_658 : i32 to vector<16xi32>
        %add3A_660 = arith.addi %add3A_659, %iota3A_392 : vector<16xi32>
        %and3A_661 = arith.constant 127 : i32
        %and3A_662 = vector.broadcast %and3A_661 : i32 to vector<16xi32>
        %and3A_663 = arith.andi %add3A_660, %and3A_662 : vector<16xi32>
        %gather3A_664 = tpu.vector_load_idx %arg10[%add3A_497, %and3A_663] : memref<80x128xf32, #tpu.memory_space<vmem>>[vector<16xi32>, vector<16xi32>], vector<16xf32>,
        %gather3A_665 = tpu.vector_load_idx %arg11[%add3A_497, %and3A_663] : memref<80x128xf32, #tpu.memory_space<vmem>>[vector<16xi32>, vector<16xi32>], vector<16xf32>,
        %sub3A_666 = arith.subf %gather3A_664, %gather3A_665 : vector<16xf32>
        %mul3A_667 = arith.mulf %sub3A_666, %sub3A_666 : vector<16xf32>
        %add3A_668 = arith.addf %add3A_640, %mul3A_667 : vector<16xf32>
        %mul3A_669 = arith.constant 8 : i32
        %mul3A_670 = arith.muli %scan3A_570, %mul3A_669 : i32
        %add3A_671 = arith.constant 7 : i32
        %add3A_672 = arith.addi %mul3A_670, %add3A_671 : i32
        %add3A_673 = vector.broadcast %add3A_672 : i32 to vector<16xi32>
        %add3A_674 = arith.addi %add3A_673, %iota3A_392 : vector<16xi32>
        %and3A_675 = arith.constant 127 : i32
        %and3A_676 = vector.broadcast %and3A_675 : i32 to vector<16xi32>
        %and3A_677 = arith.andi %add3A_674, %and3A_676 : vector<16xi32>
        %gather3A_678 = tpu.vector_load_idx %arg10[%add3A_497, %and3A_677] : memref<80x128xf32, #tpu.memory_space<vmem>>[vector<16xi32>, vector<16xi32>], vector<16xf32>,
        %gather3A_679 = tpu.vector_load_idx %arg11[%add3A_497, %and3A_677] : memref<80x128xf32, #tpu.memory_space<vmem>>[vector<16xi32>, vector<16xi32>], vector<16xf32>,
        %sub3A_680 = arith.subf %gather3A_678, %gather3A_679 : vector<16xf32>
        %mul3A_681 = arith.mulf %sub3A_680, %sub3A_680 : vector<16xf32>
        %add3A_682 = arith.addf %add3A_654, %mul3A_681 : vector<16xf32>
        scf.yield %add3A_668, %add3A_682 : vector<16xf32>, vector<16xf32>
      }
      %scan3A_507 = arith.constant 16 : i32
      %add3A_508 = arith.addf %scan3A_506#0, %scan3A_506#1 : vector<16xf32>
      %sub3A_509 = arith.constant 2.000000e+00 : f32
      %sub3A_510 = vector.broadcast %sub3A_509 : f32 to vector<16xf32>
      %sub3A_511 = arith.subf %add3A_508, %sub3A_510 : vector<16xf32>
      %div3A_512 = arith.constant 1.000000e+00 : f32
      %div3A_513 = vector.broadcast %div3A_512 : f32 to vector<16xf32>
      %div3A_514 = arith.divf %sub3A_511, %div3A_513 : vector<16xf32>
      %exp3A_515 = math.exp %div3A_514 : vector<16xf32>
      %add3A_516 = arith.constant 1.000000e+00 : f32
      %add3A_517 = vector.broadcast %add3A_516 : f32 to vector<16xf32>
      %add3A_518 = arith.addf %exp3A_515, %add3A_517 : vector<16xf32>
      %div3A_519 = arith.constant 1.000000e+00 : f32
      %div3A_520 = vector.broadcast %div3A_519 : f32 to vector<16xf32>
      %div3A_521 = arith.divf %div3A_520, %add3A_518 : vector<16xf32>
      %mul3A_522 = arith.constant 80 : i32
      %mul3A_523 = arith.muli %add3A_391, %mul3A_522 : i32
      %add3A_524 = arith.constant 48 : i32
      %add3A_525 = arith.addi %mul3A_523, %add3A_524 : i32
      %multiple_of3A_526 = tpu.assume_multiple %add3A_525, 8 : i32
      %swap3A_527 = arith.index_cast %multiple_of3A_526 : i32 to index
      %swap3A_528 = tpu.vector_load %arg7[%swap3A_527] {strides = array<i32>} : memref<10000xf32, #tpu.memory_space<vmem>>, vector<16xf32>,
      tpu.vector_store %arg7[%swap3A_527], %div3A_521 {strides = array<i32>} : memref<10000xf32, #tpu.memory_space<vmem>>, vector<16xf32>,
      %add3A_529 = arith.constant 64 : i32
      %add3A_530 = vector.broadcast %add3A_529 : i32 to vector<16xi32>
      %add3A_531 = arith.addi %add3A_530, %iota3A_392 : vector<16xi32>
      %broadcast_in_dim3A_532 = arith.constant 0.000000e+00 : f32
      %broadcast_in_dim3A_533 = vector.broadcast %broadcast_in_dim3A_532 : f32 to vector<16xf32>
      %broadcast_in_dim3A_534 = arith.constant 0.000000e+00 : f32
      %broadcast_in_dim3A_535 = vector.broadcast %broadcast_in_dim3A_534 : f32 to vector<16xf32>
      %scan3A_536 = arith.constant 0 : i32
      %scan3A_537 = arith.constant 16 : i32
      %scan3A_538 = arith.addi %scan3A_536, %scan3A_537 : i32
      %scan3A_539 = arith.constant 1 : i32
      %scan3A_540:2 = scf.for %scan3A_570 = %scan3A_536 to %scan3A_538 step %scan3A_539 iter_args(%scan3A_571 = %broadcast_in_dim3A_533, %scan3A_572 = %broadcast_in_dim3A_535) -> (vector<16xf32>, vector<16xf32>)  : i32 {
        %mul3A_573 = arith.constant 8 : i32
        %mul3A_574 = arith.muli %scan3A_570, %mul3A_573 : i32
        %add3A_575 = arith.constant 0 : i32
        %add3A_576 = arith.addi %mul3A_574, %add3A_575 : i32
        %add3A_577 = vector.broadcast %add3A_576 : i32 to vector<16xi32>
        %add3A_578 = arith.addi %add3A_577, %iota3A_392 : vector<16xi32>
        %and3A = arith.constant 127 : i32
        %and3A_579 = vector.broadcast %and3A : i32 to vector<16xi32>
        %and3A_580 = arith.andi %add3A_578, %and3A_579 : vector<16xi32>
        %gather3A = tpu.vector_load_idx %arg10[%add3A_531, %and3A_580] : memref<80x128xf32, #tpu.memory_space<vmem>>[vector<16xi32>, vector<16xi32>], vector<16xf32>,
        %gather3A_581 = tpu.vector_load_idx %arg11[%add3A_531, %and3A_580] : memref<80x128xf32, #tpu.memory_space<vmem>>[vector<16xi32>, vector<16xi32>], vector<16xf32>,
        %sub3A_582 = arith.subf %gather3A, %gather3A_581 : vector<16xf32>
        %mul3A_583 = arith.mulf %sub3A_582, %sub3A_582 : vector<16xf32>
        %add3A_584 = arith.addf %scan3A_571, %mul3A_583 : vector<16xf32>
        %mul3A_585 = arith.constant 8 : i32
        %mul3A_586 = arith.muli %scan3A_570, %mul3A_585 : i32
        %add3A_587 = arith.constant 1 : i32
        %add3A_588 = arith.addi %mul3A_586, %add3A_587 : i32
        %add3A_589 = vector.broadcast %add3A_588 : i32 to vector<16xi32>
        %add3A_590 = arith.addi %add3A_589, %iota3A_392 : vector<16xi32>
        %and3A_591 = arith.constant 127 : i32
        %and3A_592 = vector.broadcast %and3A_591 : i32 to vector<16xi32>
        %and3A_593 = arith.andi %add3A_590, %and3A_592 : vector<16xi32>
        %gather3A_594 = tpu.vector_load_idx %arg10[%add3A_531, %and3A_593] : memref<80x128xf32, #tpu.memory_space<vmem>>[vector<16xi32>, vector<16xi32>], vector<16xf32>,
        %gather3A_595 = tpu.vector_load_idx %arg11[%add3A_531, %and3A_593] : memref<80x128xf32, #tpu.memory_space<vmem>>[vector<16xi32>, vector<16xi32>], vector<16xf32>,
        %sub3A_596 = arith.subf %gather3A_594, %gather3A_595 : vector<16xf32>
        %mul3A_597 = arith.mulf %sub3A_596, %sub3A_596 : vector<16xf32>
        %add3A_598 = arith.addf %scan3A_572, %mul3A_597 : vector<16xf32>
        %mul3A_599 = arith.constant 8 : i32
        %mul3A_600 = arith.muli %scan3A_570, %mul3A_599 : i32
        %add3A_601 = arith.constant 2 : i32
        %add3A_602 = arith.addi %mul3A_600, %add3A_601 : i32
        %add3A_603 = vector.broadcast %add3A_602 : i32 to vector<16xi32>
        %add3A_604 = arith.addi %add3A_603, %iota3A_392 : vector<16xi32>
        %and3A_605 = arith.constant 127 : i32
        %and3A_606 = vector.broadcast %and3A_605 : i32 to vector<16xi32>
        %and3A_607 = arith.andi %add3A_604, %and3A_606 : vector<16xi32>
        %gather3A_608 = tpu.vector_load_idx %arg10[%add3A_531, %and3A_607] : memref<80x128xf32, #tpu.memory_space<vmem>>[vector<16xi32>, vector<16xi32>], vector<16xf32>,
        %gather3A_609 = tpu.vector_load_idx %arg11[%add3A_531, %and3A_607] : memref<80x128xf32, #tpu.memory_space<vmem>>[vector<16xi32>, vector<16xi32>], vector<16xf32>,
        %sub3A_610 = arith.subf %gather3A_608, %gather3A_609 : vector<16xf32>
        %mul3A_611 = arith.mulf %sub3A_610, %sub3A_610 : vector<16xf32>
        %add3A_612 = arith.addf %add3A_584, %mul3A_611 : vector<16xf32>
        %mul3A_613 = arith.constant 8 : i32
        %mul3A_614 = arith.muli %scan3A_570, %mul3A_613 : i32
        %add3A_615 = arith.constant 3 : i32
        %add3A_616 = arith.addi %mul3A_614, %add3A_615 : i32
        %add3A_617 = vector.broadcast %add3A_616 : i32 to vector<16xi32>
        %add3A_618 = arith.addi %add3A_617, %iota3A_392 : vector<16xi32>
        %and3A_619 = arith.constant 127 : i32
        %and3A_620 = vector.broadcast %and3A_619 : i32 to vector<16xi32>
        %and3A_621 = arith.andi %add3A_618, %and3A_620 : vector<16xi32>
        %gather3A_622 = tpu.vector_load_idx %arg10[%add3A_531, %and3A_621] : memref<80x128xf32, #tpu.memory_space<vmem>>[vector<16xi32>, vector<16xi32>], vector<16xf32>,
        %gather3A_623 = tpu.vector_load_idx %arg11[%add3A_531, %and3A_621] : memref<80x128xf32, #tpu.memory_space<vmem>>[vector<16xi32>, vector<16xi32>], vector<16xf32>,
        %sub3A_624 = arith.subf %gather3A_622, %gather3A_623 : vector<16xf32>
        %mul3A_625 = arith.mulf %sub3A_624, %sub3A_624 : vector<16xf32>
        %add3A_626 = arith.addf %add3A_598, %mul3A_625 : vector<16xf32>
        %mul3A_627 = arith.constant 8 : i32
        %mul3A_628 = arith.muli %scan3A_570, %mul3A_627 : i32
        %add3A_629 = arith.constant 4 : i32
        %add3A_630 = arith.addi %mul3A_628, %add3A_629 : i32
        %add3A_631 = vector.broadcast %add3A_630 : i32 to vector<16xi32>
        %add3A_632 = arith.addi %add3A_631, %iota3A_392 : vector<16xi32>
        %and3A_633 = arith.constant 127 : i32
        %and3A_634 = vector.broadcast %and3A_633 : i32 to vector<16xi32>
        %and3A_635 = arith.andi %add3A_632, %and3A_634 : vector<16xi32>
        %gather3A_636 = tpu.vector_load_idx %arg10[%add3A_531, %and3A_635] : memref<80x128xf32, #tpu.memory_space<vmem>>[vector<16xi32>, vector<16xi32>], vector<16xf32>,
        %gather3A_637 = tpu.vector_load_idx %arg11[%add3A_531, %and3A_635] : memref<80x128xf32, #tpu.memory_space<vmem>>[vector<16xi32>, vector<16xi32>], vector<16xf32>,
        %sub3A_638 = arith.subf %gather3A_636, %gather3A_637 : vector<16xf32>
        %mul3A_639 = arith.mulf %sub3A_638, %sub3A_638 : vector<16xf32>
        %add3A_640 = arith.addf %add3A_612, %mul3A_639 : vector<16xf32>
        %mul3A_641 = arith.constant 8 : i32
        %mul3A_642 = arith.muli %scan3A_570, %mul3A_641 : i32
        %add3A_643 = arith.constant 5 : i32
        %add3A_644 = arith.addi %mul3A_642, %add3A_643 : i32
        %add3A_645 = vector.broadcast %add3A_644 : i32 to vector<16xi32>
        %add3A_646 = arith.addi %add3A_645, %iota3A_392 : vector<16xi32>
        %and3A_647 = arith.constant 127 : i32
        %and3A_648 = vector.broadcast %and3A_647 : i32 to vector<16xi32>
        %and3A_649 = arith.andi %add3A_646, %and3A_648 : vector<16xi32>
        %gather3A_650 = tpu.vector_load_idx %arg10[%add3A_531, %and3A_649] : memref<80x128xf32, #tpu.memory_space<vmem>>[vector<16xi32>, vector<16xi32>], vector<16xf32>,
        %gather3A_651 = tpu.vector_load_idx %arg11[%add3A_531, %and3A_649] : memref<80x128xf32, #tpu.memory_space<vmem>>[vector<16xi32>, vector<16xi32>], vector<16xf32>,
        %sub3A_652 = arith.subf %gather3A_650, %gather3A_651 : vector<16xf32>
        %mul3A_653 = arith.mulf %sub3A_652, %sub3A_652 : vector<16xf32>
        %add3A_654 = arith.addf %add3A_626, %mul3A_653 : vector<16xf32>
        %mul3A_655 = arith.constant 8 : i32
        %mul3A_656 = arith.muli %scan3A_570, %mul3A_655 : i32
        %add3A_657 = arith.constant 6 : i32
        %add3A_658 = arith.addi %mul3A_656, %add3A_657 : i32
        %add3A_659 = vector.broadcast %add3A_658 : i32 to vector<16xi32>
        %add3A_660 = arith.addi %add3A_659, %iota3A_392 : vector<16xi32>
        %and3A_661 = arith.constant 127 : i32
        %and3A_662 = vector.broadcast %and3A_661 : i32 to vector<16xi32>
        %and3A_663 = arith.andi %add3A_660, %and3A_662 : vector<16xi32>
        %gather3A_664 = tpu.vector_load_idx %arg10[%add3A_531, %and3A_663] : memref<80x128xf32, #tpu.memory_space<vmem>>[vector<16xi32>, vector<16xi32>], vector<16xf32>,
        %gather3A_665 = tpu.vector_load_idx %arg11[%add3A_531, %and3A_663] : memref<80x128xf32, #tpu.memory_space<vmem>>[vector<16xi32>, vector<16xi32>], vector<16xf32>,
        %sub3A_666 = arith.subf %gather3A_664, %gather3A_665 : vector<16xf32>
        %mul3A_667 = arith.mulf %sub3A_666, %sub3A_666 : vector<16xf32>
        %add3A_668 = arith.addf %add3A_640, %mul3A_667 : vector<16xf32>
        %mul3A_669 = arith.constant 8 : i32
        %mul3A_670 = arith.muli %scan3A_570, %mul3A_669 : i32
        %add3A_671 = arith.constant 7 : i32
        %add3A_672 = arith.addi %mul3A_670, %add3A_671 : i32
        %add3A_673 = vector.broadcast %add3A_672 : i32 to vector<16xi32>
        %add3A_674 = arith.addi %add3A_673, %iota3A_392 : vector<16xi32>
        %and3A_675 = arith.constant 127 : i32
        %and3A_676 = vector.broadcast %and3A_675 : i32 to vector<16xi32>
        %and3A_677 = arith.andi %add3A_674, %and3A_676 : vector<16xi32>
        %gather3A_678 = tpu.vector_load_idx %arg10[%add3A_531, %and3A_677] : memref<80x128xf32, #tpu.memory_space<vmem>>[vector<16xi32>, vector<16xi32>], vector<16xf32>,
        %gather3A_679 = tpu.vector_load_idx %arg11[%add3A_531, %and3A_677] : memref<80x128xf32, #tpu.memory_space<vmem>>[vector<16xi32>, vector<16xi32>], vector<16xf32>,
        %sub3A_680 = arith.subf %gather3A_678, %gather3A_679 : vector<16xf32>
        %mul3A_681 = arith.mulf %sub3A_680, %sub3A_680 : vector<16xf32>
        %add3A_682 = arith.addf %add3A_654, %mul3A_681 : vector<16xf32>
        scf.yield %add3A_668, %add3A_682 : vector<16xf32>, vector<16xf32>
      }
      %scan3A_541 = arith.constant 16 : i32
      %add3A_542 = arith.addf %scan3A_540#0, %scan3A_540#1 : vector<16xf32>
      %sub3A_543 = arith.constant 2.000000e+00 : f32
      %sub3A_544 = vector.broadcast %sub3A_543 : f32 to vector<16xf32>
      %sub3A_545 = arith.subf %add3A_542, %sub3A_544 : vector<16xf32>
      %div3A_546 = arith.constant 1.000000e+00 : f32
      %div3A_547 = vector.broadcast %div3A_546 : f32 to vector<16xf32>
      %div3A_548 = arith.divf %sub3A_545, %div3A_547 : vector<16xf32>
      %exp3A_549 = math.exp %div3A_548 : vector<16xf32>
      %add3A_550 = arith.constant 1.000000e+00 : f32
      %add3A_551 = vector.broadcast %add3A_550 : f32 to vector<16xf32>
      %add3A_552 = arith.addf %exp3A_549, %add3A_551 : vector<16xf32>
      %div3A_553 = arith.constant 1.000000e+00 : f32
      %div3A_554 = vector.broadcast %div3A_553 : f32 to vector<16xf32>
      %div3A_555 = arith.divf %div3A_554, %add3A_552 : vector<16xf32>
      %mul3A_556 = arith.constant 80 : i32
      %mul3A_557 = arith.muli %add3A_391, %mul3A_556 : i32
      %add3A_558 = arith.constant 64 : i32
      %add3A_559 = arith.addi %mul3A_557, %add3A_558 : i32
      %multiple_of3A_560 = tpu.assume_multiple %add3A_559, 8 : i32
      %swap3A_561 = arith.index_cast %multiple_of3A_560 : i32 to index
      %swap3A_562 = tpu.vector_load %arg7[%swap3A_561] {strides = array<i32>} : memref<10000xf32, #tpu.memory_space<vmem>>, vector<16xf32>,
      tpu.vector_store %arg7[%swap3A_561], %div3A_555 {strides = array<i32>} : memref<10000xf32, #tpu.memory_space<vmem>>, vector<16xf32>,
      %add3A_563 = arith.constant 3 : i32
      %add3A_564 = arith.addi %mul3A_190, %add3A_563 : i32
      %lt3A_565 = arith.constant 125 : i32
      %lt3A_566 = arith.cmpi slt, %add3A_564, %lt3A_565 : i32
      %convert_element_type3A_567 = arith.extui %lt3A_566 : i1 to i32
      %cond3A_568 = arith.constant 0 : i32
      %cond3A_569 = arith.cmpi ne, %convert_element_type3A_567, %cond3A_568 : i32
      scf.if %cond3A_569 {
        %add3A_570 = arith.constant 3 : i32
        %add3A_571 = arith.addi %mul3A_190, %add3A_570 : i32
        %mul3A_572 = arith.constant 80 : i32
        %mul3A_573 = arith.muli %add3A_571, %mul3A_572 : i32
        %multiple_of3A_574 = tpu.assume_multiple %mul3A_573, 8 : i32
        %dma_start3A_575 = tpu.memref_slice %arg5[%multiple_of3A_574] : memref<10000xi32, #tpu.memory_space<vmem>> -> memref<80xi32, #tpu.memory_space<vmem>>
        %dma_start3A_576 = arith.constant 0 : i32
        %dma_start3A_577 = arith.constant 0 : i32
        %dma_start3A_578 = tpu.memref_slice %arg2[%dma_start3A_576, %dma_start3A_577] : memref<10000x128xf32, #tpu.memory_space<hbm>> -> memref<10000x128xf32, #tpu.memory_space<hbm>>
        tpu.enqueue_indirect_dma source(%dma_start3A_578 : memref<10000x128xf32, #tpu.memory_space<hbm>>) target(%arg10 : memref<80x128xf32, #tpu.memory_space<vmem>>) offsets(%dma_start3A_575 : memref<80xi32, #tpu.memory_space<vmem>>) semaphore(%arg13 : memref<!tpu.dma_semaphore, #tpu.memory_space<semaphore_mem>>)
        %dma_start3A_579 = tpu.memref_slice %arg6[%multiple_of3A_574] : memref<10000xi32, #tpu.memory_space<vmem>> -> memref<80xi32, #tpu.memory_space<vmem>>
        %dma_start3A_580 = arith.constant 0 : i32
        %dma_start3A_581 = arith.constant 0 : i32
        %dma_start3A_582 = tpu.memref_slice %arg2[%dma_start3A_580, %dma_start3A_581] : memref<10000x128xf32, #tpu.memory_space<hbm>> -> memref<10000x128xf32, #tpu.memory_space<hbm>>
        tpu.enqueue_indirect_dma source(%dma_start3A_582 : memref<10000x128xf32, #tpu.memory_space<hbm>>) target(%arg11 : memref<80x128xf32, #tpu.memory_space<vmem>>) offsets(%dma_start3A_579 : memref<80xi32, #tpu.memory_space<vmem>>) semaphore(%arg13 : memref<!tpu.dma_semaphore, #tpu.memory_space<semaphore_mem>>)
      } else {
      }
    }
    %scan3A_28 = arith.constant 62 : i32
    %multiple_of3A_29 = arith.constant 9920 : i32
    %multiple_of3A_30 = tpu.assume_multiple %multiple_of3A_29, 8 : i32
    %dma_wait3A = tpu.memref_slice %arg5[%multiple_of3A_30] : memref<10000xi32, #tpu.memory_space<vmem>> -> memref<80xi32, #tpu.memory_space<vmem>>
    %dma_wait3A_31 = arith.constant 0 : i32
    %dma_wait3A_32 = arith.constant 0 : i32
    %dma_wait3A_33 = tpu.memref_slice %arg2[%dma_wait3A_31, %dma_wait3A_32] : memref<10000x128xf32, #tpu.memory_space<hbm>> -> memref<10000x128xf32, #tpu.memory_space<hbm>>
    tpu.wait_indirect_dma semaphore(%arg12 : memref<!tpu.dma_semaphore, #tpu.memory_space<semaphore_mem>>) src(%dma_wait3A_33 : memref<10000x128xf32, #tpu.memory_space<hbm>>) dst(%arg8 : memref<80x128xf32, #tpu.memory_space<vmem>>)
    %dma_wait3A_34 = tpu.memref_slice %arg6[%multiple_of3A_30] : memref<10000xi32, #tpu.memory_space<vmem>> -> memref<80xi32, #tpu.memory_space<vmem>>
    %dma_wait3A_35 = arith.constant 0 : i32
    %dma_wait3A_36 = arith.constant 0 : i32
    %dma_wait3A_37 = tpu.memref_slice %arg2[%dma_wait3A_35, %dma_wait3A_36] : memref<10000x128xf32, #tpu.memory_space<hbm>> -> memref<10000x128xf32, #tpu.memory_space<hbm>>
    tpu.wait_indirect_dma semaphore(%arg12 : memref<!tpu.dma_semaphore, #tpu.memory_space<semaphore_mem>>) src(%dma_wait3A_37 : memref<10000x128xf32, #tpu.memory_space<hbm>>) dst(%arg9 : memref<80x128xf32, #tpu.memory_space<vmem>>)
    %iota3A = tpu.iota {dimensions = array<i32: 0>} : vector<16xi32>
    %add3A_38 = arith.constant 0 : i32
    %add3A_39 = vector.broadcast %add3A_38 : i32 to vector<16xi32>
    %add3A_40 = arith.addi %add3A_39, %iota3A : vector<16xi32>
    %broadcast_in_dim3A = arith.constant 0.000000e+00 : f32
    %broadcast_in_dim3A_41 = vector.broadcast %broadcast_in_dim3A : f32 to vector<16xf32>
    %broadcast_in_dim3A_42 = arith.constant 0.000000e+00 : f32
    %broadcast_in_dim3A_43 = vector.broadcast %broadcast_in_dim3A_42 : f32 to vector<16xf32>
    %scan3A_44 = arith.constant 0 : i32
    %scan3A_45 = arith.constant 16 : i32
    %scan3A_46 = arith.addi %scan3A_44, %scan3A_45 : i32
    %scan3A_47 = arith.constant 1 : i32
    %scan3A_48:2 = scf.for %scan3A_188 = %scan3A_44 to %scan3A_46 step %scan3A_47 iter_args(%scan3A_189 = %broadcast_in_dim3A_41, %scan3A_190 = %broadcast_in_dim3A_43) -> (vector<16xf32>, vector<16xf32>)  : i32 {
      %mul3A_191 = arith.constant 8 : i32
      %mul3A_192 = arith.muli %scan3A_188, %mul3A_191 : i32
      %add3A_193 = arith.constant 0 : i32
      %add3A_194 = arith.addi %mul3A_192, %add3A_193 : i32
      %add3A_195 = vector.broadcast %add3A_194 : i32 to vector<16xi32>
      %add3A_196 = arith.addi %add3A_195, %iota3A : vector<16xi32>
      %and3A = arith.constant 127 : i32
      %and3A_197 = vector.broadcast %and3A : i32 to vector<16xi32>
      %and3A_198 = arith.andi %add3A_196, %and3A_197 : vector<16xi32>
      %gather3A = tpu.vector_load_idx %arg8[%add3A_40, %and3A_198] : memref<80x128xf32, #tpu.memory_space<vmem>>[vector<16xi32>, vector<16xi32>], vector<16xf32>,
      %gather3A_199 = tpu.vector_load_idx %arg9[%add3A_40, %and3A_198] : memref<80x128xf32, #tpu.memory_space<vmem>>[vector<16xi32>, vector<16xi32>], vector<16xf32>,
      %sub3A_200 = arith.subf %gather3A, %gather3A_199 : vector<16xf32>
      %mul3A_201 = arith.mulf %sub3A_200, %sub3A_200 : vector<16xf32>
      %add3A_202 = arith.addf %scan3A_189, %mul3A_201 : vector<16xf32>
      %mul3A_203 = arith.constant 8 : i32
      %mul3A_204 = arith.muli %scan3A_188, %mul3A_203 : i32
      %add3A_205 = arith.constant 1 : i32
      %add3A_206 = arith.addi %mul3A_204, %add3A_205 : i32
      %add3A_207 = vector.broadcast %add3A_206 : i32 to vector<16xi32>
      %add3A_208 = arith.addi %add3A_207, %iota3A : vector<16xi32>
      %and3A_209 = arith.constant 127 : i32
      %and3A_210 = vector.broadcast %and3A_209 : i32 to vector<16xi32>
      %and3A_211 = arith.andi %add3A_208, %and3A_210 : vector<16xi32>
      %gather3A_212 = tpu.vector_load_idx %arg8[%add3A_40, %and3A_211] : memref<80x128xf32, #tpu.memory_space<vmem>>[vector<16xi32>, vector<16xi32>], vector<16xf32>,
      %gather3A_213 = tpu.vector_load_idx %arg9[%add3A_40, %and3A_211] : memref<80x128xf32, #tpu.memory_space<vmem>>[vector<16xi32>, vector<16xi32>], vector<16xf32>,
      %sub3A_214 = arith.subf %gather3A_212, %gather3A_213 : vector<16xf32>
      %mul3A_215 = arith.mulf %sub3A_214, %sub3A_214 : vector<16xf32>
      %add3A_216 = arith.addf %scan3A_190, %mul3A_215 : vector<16xf32>
      %mul3A_217 = arith.constant 8 : i32
      %mul3A_218 = arith.muli %scan3A_188, %mul3A_217 : i32
      %add3A_219 = arith.constant 2 : i32
      %add3A_220 = arith.addi %mul3A_218, %add3A_219 : i32
      %add3A_221 = vector.broadcast %add3A_220 : i32 to vector<16xi32>
      %add3A_222 = arith.addi %add3A_221, %iota3A : vector<16xi32>
      %and3A_223 = arith.constant 127 : i32
      %and3A_224 = vector.broadcast %and3A_223 : i32 to vector<16xi32>
      %and3A_225 = arith.andi %add3A_222, %and3A_224 : vector<16xi32>
      %gather3A_226 = tpu.vector_load_idx %arg8[%add3A_40, %and3A_225] : memref<80x128xf32, #tpu.memory_space<vmem>>[vector<16xi32>, vector<16xi32>], vector<16xf32>,
      %gather3A_227 = tpu.vector_load_idx %arg9[%add3A_40, %and3A_225] : memref<80x128xf32, #tpu.memory_space<vmem>>[vector<16xi32>, vector<16xi32>], vector<16xf32>,
      %sub3A_228 = arith.subf %gather3A_226, %gather3A_227 : vector<16xf32>
      %mul3A_229 = arith.mulf %sub3A_228, %sub3A_228 : vector<16xf32>
      %add3A_230 = arith.addf %add3A_202, %mul3A_229 : vector<16xf32>
      %mul3A_231 = arith.constant 8 : i32
      %mul3A_232 = arith.muli %scan3A_188, %mul3A_231 : i32
      %add3A_233 = arith.constant 3 : i32
      %add3A_234 = arith.addi %mul3A_232, %add3A_233 : i32
      %add3A_235 = vector.broadcast %add3A_234 : i32 to vector<16xi32>
      %add3A_236 = arith.addi %add3A_235, %iota3A : vector<16xi32>
      %and3A_237 = arith.constant 127 : i32
      %and3A_238 = vector.broadcast %and3A_237 : i32 to vector<16xi32>
      %and3A_239 = arith.andi %add3A_236, %and3A_238 : vector<16xi32>
      %gather3A_240 = tpu.vector_load_idx %arg8[%add3A_40, %and3A_239] : memref<80x128xf32, #tpu.memory_space<vmem>>[vector<16xi32>, vector<16xi32>], vector<16xf32>,
      %gather3A_241 = tpu.vector_load_idx %arg9[%add3A_40, %and3A_239] : memref<80x128xf32, #tpu.memory_space<vmem>>[vector<16xi32>, vector<16xi32>], vector<16xf32>,
      %sub3A_242 = arith.subf %gather3A_240, %gather3A_241 : vector<16xf32>
      %mul3A_243 = arith.mulf %sub3A_242, %sub3A_242 : vector<16xf32>
      %add3A_244 = arith.addf %add3A_216, %mul3A_243 : vector<16xf32>
      %mul3A_245 = arith.constant 8 : i32
      %mul3A_246 = arith.muli %scan3A_188, %mul3A_245 : i32
      %add3A_247 = arith.constant 4 : i32
      %add3A_248 = arith.addi %mul3A_246, %add3A_247 : i32
      %add3A_249 = vector.broadcast %add3A_248 : i32 to vector<16xi32>
      %add3A_250 = arith.addi %add3A_249, %iota3A : vector<16xi32>
      %and3A_251 = arith.constant 127 : i32
      %and3A_252 = vector.broadcast %and3A_251 : i32 to vector<16xi32>
      %and3A_253 = arith.andi %add3A_250, %and3A_252 : vector<16xi32>
      %gather3A_254 = tpu.vector_load_idx %arg8[%add3A_40, %and3A_253] : memref<80x128xf32, #tpu.memory_space<vmem>>[vector<16xi32>, vector<16xi32>], vector<16xf32>,
      %gather3A_255 = tpu.vector_load_idx %arg9[%add3A_40, %and3A_253] : memref<80x128xf32, #tpu.memory_space<vmem>>[vector<16xi32>, vector<16xi32>], vector<16xf32>,
      %sub3A_256 = arith.subf %gather3A_254, %gather3A_255 : vector<16xf32>
      %mul3A_257 = arith.mulf %sub3A_256, %sub3A_256 : vector<16xf32>
      %add3A_258 = arith.addf %add3A_230, %mul3A_257 : vector<16xf32>
      %mul3A_259 = arith.constant 8 : i32
      %mul3A_260 = arith.muli %scan3A_188, %mul3A_259 : i32
      %add3A_261 = arith.constant 5 : i32
      %add3A_262 = arith.addi %mul3A_260, %add3A_261 : i32
      %add3A_263 = vector.broadcast %add3A_262 : i32 to vector<16xi32>
      %add3A_264 = arith.addi %add3A_263, %iota3A : vector<16xi32>
      %and3A_265 = arith.constant 127 : i32
      %and3A_266 = vector.broadcast %and3A_265 : i32 to vector<16xi32>
      %and3A_267 = arith.andi %add3A_264, %and3A_266 : vector<16xi32>
      %gather3A_268 = tpu.vector_load_idx %arg8[%add3A_40, %and3A_267] : memref<80x128xf32, #tpu.memory_space<vmem>>[vector<16xi32>, vector<16xi32>], vector<16xf32>,
      %gather3A_269 = tpu.vector_load_idx %arg9[%add3A_40, %and3A_267] : memref<80x128xf32, #tpu.memory_space<vmem>>[vector<16xi32>, vector<16xi32>], vector<16xf32>,
      %sub3A_270 = arith.subf %gather3A_268, %gather3A_269 : vector<16xf32>
      %mul3A_271 = arith.mulf %sub3A_270, %sub3A_270 : vector<16xf32>
      %add3A_272 = arith.addf %add3A_244, %mul3A_271 : vector<16xf32>
      %mul3A_273 = arith.constant 8 : i32
      %mul3A_274 = arith.muli %scan3A_188, %mul3A_273 : i32
      %add3A_275 = arith.constant 6 : i32
      %add3A_276 = arith.addi %mul3A_274, %add3A_275 : i32
      %add3A_277 = vector.broadcast %add3A_276 : i32 to vector<16xi32>
      %add3A_278 = arith.addi %add3A_277, %iota3A : vector<16xi32>
      %and3A_279 = arith.constant 127 : i32
      %and3A_280 = vector.broadcast %and3A_279 : i32 to vector<16xi32>
      %and3A_281 = arith.andi %add3A_278, %and3A_280 : vector<16xi32>
      %gather3A_282 = tpu.vector_load_idx %arg8[%add3A_40, %and3A_281] : memref<80x128xf32, #tpu.memory_space<vmem>>[vector<16xi32>, vector<16xi32>], vector<16xf32>,
      %gather3A_283 = tpu.vector_load_idx %arg9[%add3A_40, %and3A_281] : memref<80x128xf32, #tpu.memory_space<vmem>>[vector<16xi32>, vector<16xi32>], vector<16xf32>,
      %sub3A_284 = arith.subf %gather3A_282, %gather3A_283 : vector<16xf32>
      %mul3A_285 = arith.mulf %sub3A_284, %sub3A_284 : vector<16xf32>
      %add3A_286 = arith.addf %add3A_258, %mul3A_285 : vector<16xf32>
      %mul3A_287 = arith.constant 8 : i32
      %mul3A_288 = arith.muli %scan3A_188, %mul3A_287 : i32
      %add3A_289 = arith.constant 7 : i32
      %add3A_290 = arith.addi %mul3A_288, %add3A_289 : i32
      %add3A_291 = vector.broadcast %add3A_290 : i32 to vector<16xi32>
      %add3A_292 = arith.addi %add3A_291, %iota3A : vector<16xi32>
      %and3A_293 = arith.constant 127 : i32
      %and3A_294 = vector.broadcast %and3A_293 : i32 to vector<16xi32>
      %and3A_295 = arith.andi %add3A_292, %and3A_294 : vector<16xi32>
      %gather3A_296 = tpu.vector_load_idx %arg8[%add3A_40, %and3A_295] : memref<80x128xf32, #tpu.memory_space<vmem>>[vector<16xi32>, vector<16xi32>], vector<16xf32>,
      %gather3A_297 = tpu.vector_load_idx %arg9[%add3A_40, %and3A_295] : memref<80x128xf32, #tpu.memory_space<vmem>>[vector<16xi32>, vector<16xi32>], vector<16xf32>,
      %sub3A_298 = arith.subf %gather3A_296, %gather3A_297 : vector<16xf32>
      %mul3A_299 = arith.mulf %sub3A_298, %sub3A_298 : vector<16xf32>
      %add3A_300 = arith.addf %add3A_272, %mul3A_299 : vector<16xf32>
      scf.yield %add3A_286, %add3A_300 : vector<16xf32>, vector<16xf32>
    }
    %scan3A_49 = arith.constant 16 : i32
    %add3A_50 = arith.addf %scan3A_48#0, %scan3A_48#1 : vector<16xf32>
    %sub3A = arith.constant 2.000000e+00 : f32
    %sub3A_51 = vector.broadcast %sub3A : f32 to vector<16xf32>
    %sub3A_52 = arith.subf %add3A_50, %sub3A_51 : vector<16xf32>
    %div3A = arith.constant 1.000000e+00 : f32
    %div3A_53 = vector.broadcast %div3A : f32 to vector<16xf32>
    %div3A_54 = arith.divf %sub3A_52, %div3A_53 : vector<16xf32>
    %exp3A = math.exp %div3A_54 : vector<16xf32>
    %add3A_55 = arith.constant 1.000000e+00 : f32
    %add3A_56 = vector.broadcast %add3A_55 : f32 to vector<16xf32>
    %add3A_57 = arith.addf %exp3A, %add3A_56 : vector<16xf32>
    %div3A_58 = arith.constant 1.000000e+00 : f32
    %div3A_59 = vector.broadcast %div3A_58 : f32 to vector<16xf32>
    %div3A_60 = arith.divf %div3A_59, %add3A_57 : vector<16xf32>
    %multiple_of3A_61 = arith.constant 9920 : i32
    %multiple_of3A_62 = tpu.assume_multiple %multiple_of3A_61, 8 : i32
    %swap3A = arith.index_cast %multiple_of3A_62 : i32 to index
    %swap3A_63 = tpu.vector_load %arg7[%swap3A] {strides = array<i32>} : memref<10000xf32, #tpu.memory_space<vmem>>, vector<16xf32>,
    tpu.vector_store %arg7[%swap3A], %div3A_60 {strides = array<i32>} : memref<10000xf32, #tpu.memory_space<vmem>>, vector<16xf32>,
    %add3A_64 = arith.constant 16 : i32
    %add3A_65 = vector.broadcast %add3A_64 : i32 to vector<16xi32>
    %add3A_66 = arith.addi %add3A_65, %iota3A : vector<16xi32>
    %broadcast_in_dim3A_67 = arith.constant 0.000000e+00 : f32
    %broadcast_in_dim3A_68 = vector.broadcast %broadcast_in_dim3A_67 : f32 to vector<16xf32>
    %broadcast_in_dim3A_69 = arith.constant 0.000000e+00 : f32
    %broadcast_in_dim3A_70 = vector.broadcast %broadcast_in_dim3A_69 : f32 to vector<16xf32>
    %scan3A_71 = arith.constant 0 : i32
    %scan3A_72 = arith.constant 16 : i32
    %scan3A_73 = arith.addi %scan3A_71, %scan3A_72 : i32
    %scan3A_74 = arith.constant 1 : i32
    %scan3A_75:2 = scf.for %scan3A_188 = %scan3A_71 to %scan3A_73 step %scan3A_74 iter_args(%scan3A_189 = %broadcast_in_dim3A_68, %scan3A_190 = %broadcast_in_dim3A_70) -> (vector<16xf32>, vector<16xf32>)  : i32 {
      %mul3A_191 = arith.constant 8 : i32
      %mul3A_192 = arith.muli %scan3A_188, %mul3A_191 : i32
      %add3A_193 = arith.constant 0 : i32
      %add3A_194 = arith.addi %mul3A_192, %add3A_193 : i32
      %add3A_195 = vector.broadcast %add3A_194 : i32 to vector<16xi32>
      %add3A_196 = arith.addi %add3A_195, %iota3A : vector<16xi32>
      %and3A = arith.constant 127 : i32
      %and3A_197 = vector.broadcast %and3A : i32 to vector<16xi32>
      %and3A_198 = arith.andi %add3A_196, %and3A_197 : vector<16xi32>
      %gather3A = tpu.vector_load_idx %arg8[%add3A_66, %and3A_198] : memref<80x128xf32, #tpu.memory_space<vmem>>[vector<16xi32>, vector<16xi32>], vector<16xf32>,
      %gather3A_199 = tpu.vector_load_idx %arg9[%add3A_66, %and3A_198] : memref<80x128xf32, #tpu.memory_space<vmem>>[vector<16xi32>, vector<16xi32>], vector<16xf32>,
      %sub3A_200 = arith.subf %gather3A, %gather3A_199 : vector<16xf32>
      %mul3A_201 = arith.mulf %sub3A_200, %sub3A_200 : vector<16xf32>
      %add3A_202 = arith.addf %scan3A_189, %mul3A_201 : vector<16xf32>
      %mul3A_203 = arith.constant 8 : i32
      %mul3A_204 = arith.muli %scan3A_188, %mul3A_203 : i32
      %add3A_205 = arith.constant 1 : i32
      %add3A_206 = arith.addi %mul3A_204, %add3A_205 : i32
      %add3A_207 = vector.broadcast %add3A_206 : i32 to vector<16xi32>
      %add3A_208 = arith.addi %add3A_207, %iota3A : vector<16xi32>
      %and3A_209 = arith.constant 127 : i32
      %and3A_210 = vector.broadcast %and3A_209 : i32 to vector<16xi32>
      %and3A_211 = arith.andi %add3A_208, %and3A_210 : vector<16xi32>
      %gather3A_212 = tpu.vector_load_idx %arg8[%add3A_66, %and3A_211] : memref<80x128xf32, #tpu.memory_space<vmem>>[vector<16xi32>, vector<16xi32>], vector<16xf32>,
      %gather3A_213 = tpu.vector_load_idx %arg9[%add3A_66, %and3A_211] : memref<80x128xf32, #tpu.memory_space<vmem>>[vector<16xi32>, vector<16xi32>], vector<16xf32>,
      %sub3A_214 = arith.subf %gather3A_212, %gather3A_213 : vector<16xf32>
      %mul3A_215 = arith.mulf %sub3A_214, %sub3A_214 : vector<16xf32>
      %add3A_216 = arith.addf %scan3A_190, %mul3A_215 : vector<16xf32>
      %mul3A_217 = arith.constant 8 : i32
      %mul3A_218 = arith.muli %scan3A_188, %mul3A_217 : i32
      %add3A_219 = arith.constant 2 : i32
      %add3A_220 = arith.addi %mul3A_218, %add3A_219 : i32
      %add3A_221 = vector.broadcast %add3A_220 : i32 to vector<16xi32>
      %add3A_222 = arith.addi %add3A_221, %iota3A : vector<16xi32>
      %and3A_223 = arith.constant 127 : i32
      %and3A_224 = vector.broadcast %and3A_223 : i32 to vector<16xi32>
      %and3A_225 = arith.andi %add3A_222, %and3A_224 : vector<16xi32>
      %gather3A_226 = tpu.vector_load_idx %arg8[%add3A_66, %and3A_225] : memref<80x128xf32, #tpu.memory_space<vmem>>[vector<16xi32>, vector<16xi32>], vector<16xf32>,
      %gather3A_227 = tpu.vector_load_idx %arg9[%add3A_66, %and3A_225] : memref<80x128xf32, #tpu.memory_space<vmem>>[vector<16xi32>, vector<16xi32>], vector<16xf32>,
      %sub3A_228 = arith.subf %gather3A_226, %gather3A_227 : vector<16xf32>
      %mul3A_229 = arith.mulf %sub3A_228, %sub3A_228 : vector<16xf32>
      %add3A_230 = arith.addf %add3A_202, %mul3A_229 : vector<16xf32>
      %mul3A_231 = arith.constant 8 : i32
      %mul3A_232 = arith.muli %scan3A_188, %mul3A_231 : i32
      %add3A_233 = arith.constant 3 : i32
      %add3A_234 = arith.addi %mul3A_232, %add3A_233 : i32
      %add3A_235 = vector.broadcast %add3A_234 : i32 to vector<16xi32>
      %add3A_236 = arith.addi %add3A_235, %iota3A : vector<16xi32>
      %and3A_237 = arith.constant 127 : i32
      %and3A_238 = vector.broadcast %and3A_237 : i32 to vector<16xi32>
      %and3A_239 = arith.andi %add3A_236, %and3A_238 : vector<16xi32>
      %gather3A_240 = tpu.vector_load_idx %arg8[%add3A_66, %and3A_239] : memref<80x128xf32, #tpu.memory_space<vmem>>[vector<16xi32>, vector<16xi32>], vector<16xf32>,
      %gather3A_241 = tpu.vector_load_idx %arg9[%add3A_66, %and3A_239] : memref<80x128xf32, #tpu.memory_space<vmem>>[vector<16xi32>, vector<16xi32>], vector<16xf32>,
      %sub3A_242 = arith.subf %gather3A_240, %gather3A_241 : vector<16xf32>
      %mul3A_243 = arith.mulf %sub3A_242, %sub3A_242 : vector<16xf32>
      %add3A_244 = arith.addf %add3A_216, %mul3A_243 : vector<16xf32>
      %mul3A_245 = arith.constant 8 : i32
      %mul3A_246 = arith.muli %scan3A_188, %mul3A_245 : i32
      %add3A_247 = arith.constant 4 : i32
      %add3A_248 = arith.addi %mul3A_246, %add3A_247 : i32
      %add3A_249 = vector.broadcast %add3A_248 : i32 to vector<16xi32>
      %add3A_250 = arith.addi %add3A_249, %iota3A : vector<16xi32>
      %and3A_251 = arith.constant 127 : i32
      %and3A_252 = vector.broadcast %and3A_251 : i32 to vector<16xi32>
      %and3A_253 = arith.andi %add3A_250, %and3A_252 : vector<16xi32>
      %gather3A_254 = tpu.vector_load_idx %arg8[%add3A_66, %and3A_253] : memref<80x128xf32, #tpu.memory_space<vmem>>[vector<16xi32>, vector<16xi32>], vector<16xf32>,
      %gather3A_255 = tpu.vector_load_idx %arg9[%add3A_66, %and3A_253] : memref<80x128xf32, #tpu.memory_space<vmem>>[vector<16xi32>, vector<16xi32>], vector<16xf32>,
      %sub3A_256 = arith.subf %gather3A_254, %gather3A_255 : vector<16xf32>
      %mul3A_257 = arith.mulf %sub3A_256, %sub3A_256 : vector<16xf32>
      %add3A_258 = arith.addf %add3A_230, %mul3A_257 : vector<16xf32>
      %mul3A_259 = arith.constant 8 : i32
      %mul3A_260 = arith.muli %scan3A_188, %mul3A_259 : i32
      %add3A_261 = arith.constant 5 : i32
      %add3A_262 = arith.addi %mul3A_260, %add3A_261 : i32
      %add3A_263 = vector.broadcast %add3A_262 : i32 to vector<16xi32>
      %add3A_264 = arith.addi %add3A_263, %iota3A : vector<16xi32>
      %and3A_265 = arith.constant 127 : i32
      %and3A_266 = vector.broadcast %and3A_265 : i32 to vector<16xi32>
      %and3A_267 = arith.andi %add3A_264, %and3A_266 : vector<16xi32>
      %gather3A_268 = tpu.vector_load_idx %arg8[%add3A_66, %and3A_267] : memref<80x128xf32, #tpu.memory_space<vmem>>[vector<16xi32>, vector<16xi32>], vector<16xf32>,
      %gather3A_269 = tpu.vector_load_idx %arg9[%add3A_66, %and3A_267] : memref<80x128xf32, #tpu.memory_space<vmem>>[vector<16xi32>, vector<16xi32>], vector<16xf32>,
      %sub3A_270 = arith.subf %gather3A_268, %gather3A_269 : vector<16xf32>
      %mul3A_271 = arith.mulf %sub3A_270, %sub3A_270 : vector<16xf32>
      %add3A_272 = arith.addf %add3A_244, %mul3A_271 : vector<16xf32>
      %mul3A_273 = arith.constant 8 : i32
      %mul3A_274 = arith.muli %scan3A_188, %mul3A_273 : i32
      %add3A_275 = arith.constant 6 : i32
      %add3A_276 = arith.addi %mul3A_274, %add3A_275 : i32
      %add3A_277 = vector.broadcast %add3A_276 : i32 to vector<16xi32>
      %add3A_278 = arith.addi %add3A_277, %iota3A : vector<16xi32>
      %and3A_279 = arith.constant 127 : i32
      %and3A_280 = vector.broadcast %and3A_279 : i32 to vector<16xi32>
      %and3A_281 = arith.andi %add3A_278, %and3A_280 : vector<16xi32>
      %gather3A_282 = tpu.vector_load_idx %arg8[%add3A_66, %and3A_281] : memref<80x128xf32, #tpu.memory_space<vmem>>[vector<16xi32>, vector<16xi32>], vector<16xf32>,
      %gather3A_283 = tpu.vector_load_idx %arg9[%add3A_66, %and3A_281] : memref<80x128xf32, #tpu.memory_space<vmem>>[vector<16xi32>, vector<16xi32>], vector<16xf32>,
      %sub3A_284 = arith.subf %gather3A_282, %gather3A_283 : vector<16xf32>
      %mul3A_285 = arith.mulf %sub3A_284, %sub3A_284 : vector<16xf32>
      %add3A_286 = arith.addf %add3A_258, %mul3A_285 : vector<16xf32>
      %mul3A_287 = arith.constant 8 : i32
      %mul3A_288 = arith.muli %scan3A_188, %mul3A_287 : i32
      %add3A_289 = arith.constant 7 : i32
      %add3A_290 = arith.addi %mul3A_288, %add3A_289 : i32
      %add3A_291 = vector.broadcast %add3A_290 : i32 to vector<16xi32>
      %add3A_292 = arith.addi %add3A_291, %iota3A : vector<16xi32>
      %and3A_293 = arith.constant 127 : i32
      %and3A_294 = vector.broadcast %and3A_293 : i32 to vector<16xi32>
      %and3A_295 = arith.andi %add3A_292, %and3A_294 : vector<16xi32>
      %gather3A_296 = tpu.vector_load_idx %arg8[%add3A_66, %and3A_295] : memref<80x128xf32, #tpu.memory_space<vmem>>[vector<16xi32>, vector<16xi32>], vector<16xf32>,
      %gather3A_297 = tpu.vector_load_idx %arg9[%add3A_66, %and3A_295] : memref<80x128xf32, #tpu.memory_space<vmem>>[vector<16xi32>, vector<16xi32>], vector<16xf32>,
      %sub3A_298 = arith.subf %gather3A_296, %gather3A_297 : vector<16xf32>
      %mul3A_299 = arith.mulf %sub3A_298, %sub3A_298 : vector<16xf32>
      %add3A_300 = arith.addf %add3A_272, %mul3A_299 : vector<16xf32>
      scf.yield %add3A_286, %add3A_300 : vector<16xf32>, vector<16xf32>
    }
    %scan3A_76 = arith.constant 16 : i32
    %add3A_77 = arith.addf %scan3A_75#0, %scan3A_75#1 : vector<16xf32>
    %sub3A_78 = arith.constant 2.000000e+00 : f32
    %sub3A_79 = vector.broadcast %sub3A_78 : f32 to vector<16xf32>
    %sub3A_80 = arith.subf %add3A_77, %sub3A_79 : vector<16xf32>
    %div3A_81 = arith.constant 1.000000e+00 : f32
    %div3A_82 = vector.broadcast %div3A_81 : f32 to vector<16xf32>
    %div3A_83 = arith.divf %sub3A_80, %div3A_82 : vector<16xf32>
    %exp3A_84 = math.exp %div3A_83 : vector<16xf32>
    %add3A_85 = arith.constant 1.000000e+00 : f32
    %add3A_86 = vector.broadcast %add3A_85 : f32 to vector<16xf32>
    %add3A_87 = arith.addf %exp3A_84, %add3A_86 : vector<16xf32>
    %div3A_88 = arith.constant 1.000000e+00 : f32
    %div3A_89 = vector.broadcast %div3A_88 : f32 to vector<16xf32>
    %div3A_90 = arith.divf %div3A_89, %add3A_87 : vector<16xf32>
    %multiple_of3A_91 = arith.constant 9936 : i32
    %multiple_of3A_92 = tpu.assume_multiple %multiple_of3A_91, 8 : i32
    %swap3A_93 = arith.index_cast %multiple_of3A_92 : i32 to index
    %swap3A_94 = tpu.vector_load %arg7[%swap3A_93] {strides = array<i32>} : memref<10000xf32, #tpu.memory_space<vmem>>, vector<16xf32>,
    tpu.vector_store %arg7[%swap3A_93], %div3A_90 {strides = array<i32>} : memref<10000xf32, #tpu.memory_space<vmem>>, vector<16xf32>,
    %add3A_95 = arith.constant 32 : i32
    %add3A_96 = vector.broadcast %add3A_95 : i32 to vector<16xi32>
    %add3A_97 = arith.addi %add3A_96, %iota3A : vector<16xi32>
    %broadcast_in_dim3A_98 = arith.constant 0.000000e+00 : f32
    %broadcast_in_dim3A_99 = vector.broadcast %broadcast_in_dim3A_98 : f32 to vector<16xf32>
    %broadcast_in_dim3A_100 = arith.constant 0.000000e+00 : f32
    %broadcast_in_dim3A_101 = vector.broadcast %broadcast_in_dim3A_100 : f32 to vector<16xf32>
    %scan3A_102 = arith.constant 0 : i32
    %scan3A_103 = arith.constant 16 : i32
    %scan3A_104 = arith.addi %scan3A_102, %scan3A_103 : i32
    %scan3A_105 = arith.constant 1 : i32
    %scan3A_106:2 = scf.for %scan3A_188 = %scan3A_102 to %scan3A_104 step %scan3A_105 iter_args(%scan3A_189 = %broadcast_in_dim3A_99, %scan3A_190 = %broadcast_in_dim3A_101) -> (vector<16xf32>, vector<16xf32>)  : i32 {
      %mul3A_191 = arith.constant 8 : i32
      %mul3A_192 = arith.muli %scan3A_188, %mul3A_191 : i32
      %add3A_193 = arith.constant 0 : i32
      %add3A_194 = arith.addi %mul3A_192, %add3A_193 : i32
      %add3A_195 = vector.broadcast %add3A_194 : i32 to vector<16xi32>
      %add3A_196 = arith.addi %add3A_195, %iota3A : vector<16xi32>
      %and3A = arith.constant 127 : i32
      %and3A_197 = vector.broadcast %and3A : i32 to vector<16xi32>
      %and3A_198 = arith.andi %add3A_196, %and3A_197 : vector<16xi32>
      %gather3A = tpu.vector_load_idx %arg8[%add3A_97, %and3A_198] : memref<80x128xf32, #tpu.memory_space<vmem>>[vector<16xi32>, vector<16xi32>], vector<16xf32>,
      %gather3A_199 = tpu.vector_load_idx %arg9[%add3A_97, %and3A_198] : memref<80x128xf32, #tpu.memory_space<vmem>>[vector<16xi32>, vector<16xi32>], vector<16xf32>,
      %sub3A_200 = arith.subf %gather3A, %gather3A_199 : vector<16xf32>
      %mul3A_201 = arith.mulf %sub3A_200, %sub3A_200 : vector<16xf32>
      %add3A_202 = arith.addf %scan3A_189, %mul3A_201 : vector<16xf32>
      %mul3A_203 = arith.constant 8 : i32
      %mul3A_204 = arith.muli %scan3A_188, %mul3A_203 : i32
      %add3A_205 = arith.constant 1 : i32
      %add3A_206 = arith.addi %mul3A_204, %add3A_205 : i32
      %add3A_207 = vector.broadcast %add3A_206 : i32 to vector<16xi32>
      %add3A_208 = arith.addi %add3A_207, %iota3A : vector<16xi32>
      %and3A_209 = arith.constant 127 : i32
      %and3A_210 = vector.broadcast %and3A_209 : i32 to vector<16xi32>
      %and3A_211 = arith.andi %add3A_208, %and3A_210 : vector<16xi32>
      %gather3A_212 = tpu.vector_load_idx %arg8[%add3A_97, %and3A_211] : memref<80x128xf32, #tpu.memory_space<vmem>>[vector<16xi32>, vector<16xi32>], vector<16xf32>,
      %gather3A_213 = tpu.vector_load_idx %arg9[%add3A_97, %and3A_211] : memref<80x128xf32, #tpu.memory_space<vmem>>[vector<16xi32>, vector<16xi32>], vector<16xf32>,
      %sub3A_214 = arith.subf %gather3A_212, %gather3A_213 : vector<16xf32>
      %mul3A_215 = arith.mulf %sub3A_214, %sub3A_214 : vector<16xf32>
      %add3A_216 = arith.addf %scan3A_190, %mul3A_215 : vector<16xf32>
      %mul3A_217 = arith.constant 8 : i32
      %mul3A_218 = arith.muli %scan3A_188, %mul3A_217 : i32
      %add3A_219 = arith.constant 2 : i32
      %add3A_220 = arith.addi %mul3A_218, %add3A_219 : i32
      %add3A_221 = vector.broadcast %add3A_220 : i32 to vector<16xi32>
      %add3A_222 = arith.addi %add3A_221, %iota3A : vector<16xi32>
      %and3A_223 = arith.constant 127 : i32
      %and3A_224 = vector.broadcast %and3A_223 : i32 to vector<16xi32>
      %and3A_225 = arith.andi %add3A_222, %and3A_224 : vector<16xi32>
      %gather3A_226 = tpu.vector_load_idx %arg8[%add3A_97, %and3A_225] : memref<80x128xf32, #tpu.memory_space<vmem>>[vector<16xi32>, vector<16xi32>], vector<16xf32>,
      %gather3A_227 = tpu.vector_load_idx %arg9[%add3A_97, %and3A_225] : memref<80x128xf32, #tpu.memory_space<vmem>>[vector<16xi32>, vector<16xi32>], vector<16xf32>,
      %sub3A_228 = arith.subf %gather3A_226, %gather3A_227 : vector<16xf32>
      %mul3A_229 = arith.mulf %sub3A_228, %sub3A_228 : vector<16xf32>
      %add3A_230 = arith.addf %add3A_202, %mul3A_229 : vector<16xf32>
      %mul3A_231 = arith.constant 8 : i32
      %mul3A_232 = arith.muli %scan3A_188, %mul3A_231 : i32
      %add3A_233 = arith.constant 3 : i32
      %add3A_234 = arith.addi %mul3A_232, %add3A_233 : i32
      %add3A_235 = vector.broadcast %add3A_234 : i32 to vector<16xi32>
      %add3A_236 = arith.addi %add3A_235, %iota3A : vector<16xi32>
      %and3A_237 = arith.constant 127 : i32
      %and3A_238 = vector.broadcast %and3A_237 : i32 to vector<16xi32>
      %and3A_239 = arith.andi %add3A_236, %and3A_238 : vector<16xi32>
      %gather3A_240 = tpu.vector_load_idx %arg8[%add3A_97, %and3A_239] : memref<80x128xf32, #tpu.memory_space<vmem>>[vector<16xi32>, vector<16xi32>], vector<16xf32>,
      %gather3A_241 = tpu.vector_load_idx %arg9[%add3A_97, %and3A_239] : memref<80x128xf32, #tpu.memory_space<vmem>>[vector<16xi32>, vector<16xi32>], vector<16xf32>,
      %sub3A_242 = arith.subf %gather3A_240, %gather3A_241 : vector<16xf32>
      %mul3A_243 = arith.mulf %sub3A_242, %sub3A_242 : vector<16xf32>
      %add3A_244 = arith.addf %add3A_216, %mul3A_243 : vector<16xf32>
      %mul3A_245 = arith.constant 8 : i32
      %mul3A_246 = arith.muli %scan3A_188, %mul3A_245 : i32
      %add3A_247 = arith.constant 4 : i32
      %add3A_248 = arith.addi %mul3A_246, %add3A_247 : i32
      %add3A_249 = vector.broadcast %add3A_248 : i32 to vector<16xi32>
      %add3A_250 = arith.addi %add3A_249, %iota3A : vector<16xi32>
      %and3A_251 = arith.constant 127 : i32
      %and3A_252 = vector.broadcast %and3A_251 : i32 to vector<16xi32>
      %and3A_253 = arith.andi %add3A_250, %and3A_252 : vector<16xi32>
      %gather3A_254 = tpu.vector_load_idx %arg8[%add3A_97, %and3A_253] : memref<80x128xf32, #tpu.memory_space<vmem>>[vector<16xi32>, vector<16xi32>], vector<16xf32>,
      %gather3A_255 = tpu.vector_load_idx %arg9[%add3A_97, %and3A_253] : memref<80x128xf32, #tpu.memory_space<vmem>>[vector<16xi32>, vector<16xi32>], vector<16xf32>,
      %sub3A_256 = arith.subf %gather3A_254, %gather3A_255 : vector<16xf32>
      %mul3A_257 = arith.mulf %sub3A_256, %sub3A_256 : vector<16xf32>
      %add3A_258 = arith.addf %add3A_230, %mul3A_257 : vector<16xf32>
      %mul3A_259 = arith.constant 8 : i32
      %mul3A_260 = arith.muli %scan3A_188, %mul3A_259 : i32
      %add3A_261 = arith.constant 5 : i32
      %add3A_262 = arith.addi %mul3A_260, %add3A_261 : i32
      %add3A_263 = vector.broadcast %add3A_262 : i32 to vector<16xi32>
      %add3A_264 = arith.addi %add3A_263, %iota3A : vector<16xi32>
      %and3A_265 = arith.constant 127 : i32
      %and3A_266 = vector.broadcast %and3A_265 : i32 to vector<16xi32>
      %and3A_267 = arith.andi %add3A_264, %and3A_266 : vector<16xi32>
      %gather3A_268 = tpu.vector_load_idx %arg8[%add3A_97, %and3A_267] : memref<80x128xf32, #tpu.memory_space<vmem>>[vector<16xi32>, vector<16xi32>], vector<16xf32>,
      %gather3A_269 = tpu.vector_load_idx %arg9[%add3A_97, %and3A_267] : memref<80x128xf32, #tpu.memory_space<vmem>>[vector<16xi32>, vector<16xi32>], vector<16xf32>,
      %sub3A_270 = arith.subf %gather3A_268, %gather3A_269 : vector<16xf32>
      %mul3A_271 = arith.mulf %sub3A_270, %sub3A_270 : vector<16xf32>
      %add3A_272 = arith.addf %add3A_244, %mul3A_271 : vector<16xf32>
      %mul3A_273 = arith.constant 8 : i32
      %mul3A_274 = arith.muli %scan3A_188, %mul3A_273 : i32
      %add3A_275 = arith.constant 6 : i32
      %add3A_276 = arith.addi %mul3A_274, %add3A_275 : i32
      %add3A_277 = vector.broadcast %add3A_276 : i32 to vector<16xi32>
      %add3A_278 = arith.addi %add3A_277, %iota3A : vector<16xi32>
      %and3A_279 = arith.constant 127 : i32
      %and3A_280 = vector.broadcast %and3A_279 : i32 to vector<16xi32>
      %and3A_281 = arith.andi %add3A_278, %and3A_280 : vector<16xi32>
      %gather3A_282 = tpu.vector_load_idx %arg8[%add3A_97, %and3A_281] : memref<80x128xf32, #tpu.memory_space<vmem>>[vector<16xi32>, vector<16xi32>], vector<16xf32>,
      %gather3A_283 = tpu.vector_load_idx %arg9[%add3A_97, %and3A_281] : memref<80x128xf32, #tpu.memory_space<vmem>>[vector<16xi32>, vector<16xi32>], vector<16xf32>,
      %sub3A_284 = arith.subf %gather3A_282, %gather3A_283 : vector<16xf32>
      %mul3A_285 = arith.mulf %sub3A_284, %sub3A_284 : vector<16xf32>
      %add3A_286 = arith.addf %add3A_258, %mul3A_285 : vector<16xf32>
      %mul3A_287 = arith.constant 8 : i32
      %mul3A_288 = arith.muli %scan3A_188, %mul3A_287 : i32
      %add3A_289 = arith.constant 7 : i32
      %add3A_290 = arith.addi %mul3A_288, %add3A_289 : i32
      %add3A_291 = vector.broadcast %add3A_290 : i32 to vector<16xi32>
      %add3A_292 = arith.addi %add3A_291, %iota3A : vector<16xi32>
      %and3A_293 = arith.constant 127 : i32
      %and3A_294 = vector.broadcast %and3A_293 : i32 to vector<16xi32>
      %and3A_295 = arith.andi %add3A_292, %and3A_294 : vector<16xi32>
      %gather3A_296 = tpu.vector_load_idx %arg8[%add3A_97, %and3A_295] : memref<80x128xf32, #tpu.memory_space<vmem>>[vector<16xi32>, vector<16xi32>], vector<16xf32>,
      %gather3A_297 = tpu.vector_load_idx %arg9[%add3A_97, %and3A_295] : memref<80x128xf32, #tpu.memory_space<vmem>>[vector<16xi32>, vector<16xi32>], vector<16xf32>,
      %sub3A_298 = arith.subf %gather3A_296, %gather3A_297 : vector<16xf32>
      %mul3A_299 = arith.mulf %sub3A_298, %sub3A_298 : vector<16xf32>
      %add3A_300 = arith.addf %add3A_272, %mul3A_299 : vector<16xf32>
      scf.yield %add3A_286, %add3A_300 : vector<16xf32>, vector<16xf32>
    }
    %scan3A_107 = arith.constant 16 : i32
    %add3A_108 = arith.addf %scan3A_106#0, %scan3A_106#1 : vector<16xf32>
    %sub3A_109 = arith.constant 2.000000e+00 : f32
    %sub3A_110 = vector.broadcast %sub3A_109 : f32 to vector<16xf32>
    %sub3A_111 = arith.subf %add3A_108, %sub3A_110 : vector<16xf32>
    %div3A_112 = arith.constant 1.000000e+00 : f32
    %div3A_113 = vector.broadcast %div3A_112 : f32 to vector<16xf32>
    %div3A_114 = arith.divf %sub3A_111, %div3A_113 : vector<16xf32>
    %exp3A_115 = math.exp %div3A_114 : vector<16xf32>
    %add3A_116 = arith.constant 1.000000e+00 : f32
    %add3A_117 = vector.broadcast %add3A_116 : f32 to vector<16xf32>
    %add3A_118 = arith.addf %exp3A_115, %add3A_117 : vector<16xf32>
    %div3A_119 = arith.constant 1.000000e+00 : f32
    %div3A_120 = vector.broadcast %div3A_119 : f32 to vector<16xf32>
    %div3A_121 = arith.divf %div3A_120, %add3A_118 : vector<16xf32>
    %multiple_of3A_122 = arith.constant 9952 : i32
    %multiple_of3A_123 = tpu.assume_multiple %multiple_of3A_122, 8 : i32
    %swap3A_124 = arith.index_cast %multiple_of3A_123 : i32 to index
    %swap3A_125 = tpu.vector_load %arg7[%swap3A_124] {strides = array<i32>} : memref<10000xf32, #tpu.memory_space<vmem>>, vector<16xf32>,
    tpu.vector_store %arg7[%swap3A_124], %div3A_121 {strides = array<i32>} : memref<10000xf32, #tpu.memory_space<vmem>>, vector<16xf32>,
    %add3A_126 = arith.constant 48 : i32
    %add3A_127 = vector.broadcast %add3A_126 : i32 to vector<16xi32>
    %add3A_128 = arith.addi %add3A_127, %iota3A : vector<16xi32>
    %broadcast_in_dim3A_129 = arith.constant 0.000000e+00 : f32
    %broadcast_in_dim3A_130 = vector.broadcast %broadcast_in_dim3A_129 : f32 to vector<16xf32>
    %broadcast_in_dim3A_131 = arith.constant 0.000000e+00 : f32
    %broadcast_in_dim3A_132 = vector.broadcast %broadcast_in_dim3A_131 : f32 to vector<16xf32>
    %scan3A_133 = arith.constant 0 : i32
    %scan3A_134 = arith.constant 16 : i32
    %scan3A_135 = arith.addi %scan3A_133, %scan3A_134 : i32
    %scan3A_136 = arith.constant 1 : i32
    %scan3A_137:2 = scf.for %scan3A_188 = %scan3A_133 to %scan3A_135 step %scan3A_136 iter_args(%scan3A_189 = %broadcast_in_dim3A_130, %scan3A_190 = %broadcast_in_dim3A_132) -> (vector<16xf32>, vector<16xf32>)  : i32 {
      %mul3A_191 = arith.constant 8 : i32
      %mul3A_192 = arith.muli %scan3A_188, %mul3A_191 : i32
      %add3A_193 = arith.constant 0 : i32
      %add3A_194 = arith.addi %mul3A_192, %add3A_193 : i32
      %add3A_195 = vector.broadcast %add3A_194 : i32 to vector<16xi32>
      %add3A_196 = arith.addi %add3A_195, %iota3A : vector<16xi32>
      %and3A = arith.constant 127 : i32
      %and3A_197 = vector.broadcast %and3A : i32 to vector<16xi32>
      %and3A_198 = arith.andi %add3A_196, %and3A_197 : vector<16xi32>
      %gather3A = tpu.vector_load_idx %arg8[%add3A_128, %and3A_198] : memref<80x128xf32, #tpu.memory_space<vmem>>[vector<16xi32>, vector<16xi32>], vector<16xf32>,
      %gather3A_199 = tpu.vector_load_idx %arg9[%add3A_128, %and3A_198] : memref<80x128xf32, #tpu.memory_space<vmem>>[vector<16xi32>, vector<16xi32>], vector<16xf32>,
      %sub3A_200 = arith.subf %gather3A, %gather3A_199 : vector<16xf32>
      %mul3A_201 = arith.mulf %sub3A_200, %sub3A_200 : vector<16xf32>
      %add3A_202 = arith.addf %scan3A_189, %mul3A_201 : vector<16xf32>
      %mul3A_203 = arith.constant 8 : i32
      %mul3A_204 = arith.muli %scan3A_188, %mul3A_203 : i32
      %add3A_205 = arith.constant 1 : i32
      %add3A_206 = arith.addi %mul3A_204, %add3A_205 : i32
      %add3A_207 = vector.broadcast %add3A_206 : i32 to vector<16xi32>
      %add3A_208 = arith.addi %add3A_207, %iota3A : vector<16xi32>
      %and3A_209 = arith.constant 127 : i32
      %and3A_210 = vector.broadcast %and3A_209 : i32 to vector<16xi32>
      %and3A_211 = arith.andi %add3A_208, %and3A_210 : vector<16xi32>
      %gather3A_212 = tpu.vector_load_idx %arg8[%add3A_128, %and3A_211] : memref<80x128xf32, #tpu.memory_space<vmem>>[vector<16xi32>, vector<16xi32>], vector<16xf32>,
      %gather3A_213 = tpu.vector_load_idx %arg9[%add3A_128, %and3A_211] : memref<80x128xf32, #tpu.memory_space<vmem>>[vector<16xi32>, vector<16xi32>], vector<16xf32>,
      %sub3A_214 = arith.subf %gather3A_212, %gather3A_213 : vector<16xf32>
      %mul3A_215 = arith.mulf %sub3A_214, %sub3A_214 : vector<16xf32>
      %add3A_216 = arith.addf %scan3A_190, %mul3A_215 : vector<16xf32>
      %mul3A_217 = arith.constant 8 : i32
      %mul3A_218 = arith.muli %scan3A_188, %mul3A_217 : i32
      %add3A_219 = arith.constant 2 : i32
      %add3A_220 = arith.addi %mul3A_218, %add3A_219 : i32
      %add3A_221 = vector.broadcast %add3A_220 : i32 to vector<16xi32>
      %add3A_222 = arith.addi %add3A_221, %iota3A : vector<16xi32>
      %and3A_223 = arith.constant 127 : i32
      %and3A_224 = vector.broadcast %and3A_223 : i32 to vector<16xi32>
      %and3A_225 = arith.andi %add3A_222, %and3A_224 : vector<16xi32>
      %gather3A_226 = tpu.vector_load_idx %arg8[%add3A_128, %and3A_225] : memref<80x128xf32, #tpu.memory_space<vmem>>[vector<16xi32>, vector<16xi32>], vector<16xf32>,
      %gather3A_227 = tpu.vector_load_idx %arg9[%add3A_128, %and3A_225] : memref<80x128xf32, #tpu.memory_space<vmem>>[vector<16xi32>, vector<16xi32>], vector<16xf32>,
      %sub3A_228 = arith.subf %gather3A_226, %gather3A_227 : vector<16xf32>
      %mul3A_229 = arith.mulf %sub3A_228, %sub3A_228 : vector<16xf32>
      %add3A_230 = arith.addf %add3A_202, %mul3A_229 : vector<16xf32>
      %mul3A_231 = arith.constant 8 : i32
      %mul3A_232 = arith.muli %scan3A_188, %mul3A_231 : i32
      %add3A_233 = arith.constant 3 : i32
      %add3A_234 = arith.addi %mul3A_232, %add3A_233 : i32
      %add3A_235 = vector.broadcast %add3A_234 : i32 to vector<16xi32>
      %add3A_236 = arith.addi %add3A_235, %iota3A : vector<16xi32>
      %and3A_237 = arith.constant 127 : i32
      %and3A_238 = vector.broadcast %and3A_237 : i32 to vector<16xi32>
      %and3A_239 = arith.andi %add3A_236, %and3A_238 : vector<16xi32>
      %gather3A_240 = tpu.vector_load_idx %arg8[%add3A_128, %and3A_239] : memref<80x128xf32, #tpu.memory_space<vmem>>[vector<16xi32>, vector<16xi32>], vector<16xf32>,
      %gather3A_241 = tpu.vector_load_idx %arg9[%add3A_128, %and3A_239] : memref<80x128xf32, #tpu.memory_space<vmem>>[vector<16xi32>, vector<16xi32>], vector<16xf32>,
      %sub3A_242 = arith.subf %gather3A_240, %gather3A_241 : vector<16xf32>
      %mul3A_243 = arith.mulf %sub3A_242, %sub3A_242 : vector<16xf32>
      %add3A_244 = arith.addf %add3A_216, %mul3A_243 : vector<16xf32>
      %mul3A_245 = arith.constant 8 : i32
      %mul3A_246 = arith.muli %scan3A_188, %mul3A_245 : i32
      %add3A_247 = arith.constant 4 : i32
      %add3A_248 = arith.addi %mul3A_246, %add3A_247 : i32
      %add3A_249 = vector.broadcast %add3A_248 : i32 to vector<16xi32>
      %add3A_250 = arith.addi %add3A_249, %iota3A : vector<16xi32>
      %and3A_251 = arith.constant 127 : i32
      %and3A_252 = vector.broadcast %and3A_251 : i32 to vector<16xi32>
      %and3A_253 = arith.andi %add3A_250, %and3A_252 : vector<16xi32>
      %gather3A_254 = tpu.vector_load_idx %arg8[%add3A_128, %and3A_253] : memref<80x128xf32, #tpu.memory_space<vmem>>[vector<16xi32>, vector<16xi32>], vector<16xf32>,
      %gather3A_255 = tpu.vector_load_idx %arg9[%add3A_128, %and3A_253] : memref<80x128xf32, #tpu.memory_space<vmem>>[vector<16xi32>, vector<16xi32>], vector<16xf32>,
      %sub3A_256 = arith.subf %gather3A_254, %gather3A_255 : vector<16xf32>
      %mul3A_257 = arith.mulf %sub3A_256, %sub3A_256 : vector<16xf32>
      %add3A_258 = arith.addf %add3A_230, %mul3A_257 : vector<16xf32>
      %mul3A_259 = arith.constant 8 : i32
      %mul3A_260 = arith.muli %scan3A_188, %mul3A_259 : i32
      %add3A_261 = arith.constant 5 : i32
      %add3A_262 = arith.addi %mul3A_260, %add3A_261 : i32
      %add3A_263 = vector.broadcast %add3A_262 : i32 to vector<16xi32>
      %add3A_264 = arith.addi %add3A_263, %iota3A : vector<16xi32>
      %and3A_265 = arith.constant 127 : i32
      %and3A_266 = vector.broadcast %and3A_265 : i32 to vector<16xi32>
      %and3A_267 = arith.andi %add3A_264, %and3A_266 : vector<16xi32>
      %gather3A_268 = tpu.vector_load_idx %arg8[%add3A_128, %and3A_267] : memref<80x128xf32, #tpu.memory_space<vmem>>[vector<16xi32>, vector<16xi32>], vector<16xf32>,
      %gather3A_269 = tpu.vector_load_idx %arg9[%add3A_128, %and3A_267] : memref<80x128xf32, #tpu.memory_space<vmem>>[vector<16xi32>, vector<16xi32>], vector<16xf32>,
      %sub3A_270 = arith.subf %gather3A_268, %gather3A_269 : vector<16xf32>
      %mul3A_271 = arith.mulf %sub3A_270, %sub3A_270 : vector<16xf32>
      %add3A_272 = arith.addf %add3A_244, %mul3A_271 : vector<16xf32>
      %mul3A_273 = arith.constant 8 : i32
      %mul3A_274 = arith.muli %scan3A_188, %mul3A_273 : i32
      %add3A_275 = arith.constant 6 : i32
      %add3A_276 = arith.addi %mul3A_274, %add3A_275 : i32
      %add3A_277 = vector.broadcast %add3A_276 : i32 to vector<16xi32>
      %add3A_278 = arith.addi %add3A_277, %iota3A : vector<16xi32>
      %and3A_279 = arith.constant 127 : i32
      %and3A_280 = vector.broadcast %and3A_279 : i32 to vector<16xi32>
      %and3A_281 = arith.andi %add3A_278, %and3A_280 : vector<16xi32>
      %gather3A_282 = tpu.vector_load_idx %arg8[%add3A_128, %and3A_281] : memref<80x128xf32, #tpu.memory_space<vmem>>[vector<16xi32>, vector<16xi32>], vector<16xf32>,
      %gather3A_283 = tpu.vector_load_idx %arg9[%add3A_128, %and3A_281] : memref<80x128xf32, #tpu.memory_space<vmem>>[vector<16xi32>, vector<16xi32>], vector<16xf32>,
      %sub3A_284 = arith.subf %gather3A_282, %gather3A_283 : vector<16xf32>
      %mul3A_285 = arith.mulf %sub3A_284, %sub3A_284 : vector<16xf32>
      %add3A_286 = arith.addf %add3A_258, %mul3A_285 : vector<16xf32>
      %mul3A_287 = arith.constant 8 : i32
      %mul3A_288 = arith.muli %scan3A_188, %mul3A_287 : i32
      %add3A_289 = arith.constant 7 : i32
      %add3A_290 = arith.addi %mul3A_288, %add3A_289 : i32
      %add3A_291 = vector.broadcast %add3A_290 : i32 to vector<16xi32>
      %add3A_292 = arith.addi %add3A_291, %iota3A : vector<16xi32>
      %and3A_293 = arith.constant 127 : i32
      %and3A_294 = vector.broadcast %and3A_293 : i32 to vector<16xi32>
      %and3A_295 = arith.andi %add3A_292, %and3A_294 : vector<16xi32>
      %gather3A_296 = tpu.vector_load_idx %arg8[%add3A_128, %and3A_295] : memref<80x128xf32, #tpu.memory_space<vmem>>[vector<16xi32>, vector<16xi32>], vector<16xf32>,
      %gather3A_297 = tpu.vector_load_idx %arg9[%add3A_128, %and3A_295] : memref<80x128xf32, #tpu.memory_space<vmem>>[vector<16xi32>, vector<16xi32>], vector<16xf32>,
      %sub3A_298 = arith.subf %gather3A_296, %gather3A_297 : vector<16xf32>
      %mul3A_299 = arith.mulf %sub3A_298, %sub3A_298 : vector<16xf32>
      %add3A_300 = arith.addf %add3A_272, %mul3A_299 : vector<16xf32>
      scf.yield %add3A_286, %add3A_300 : vector<16xf32>, vector<16xf32>
    }
    %scan3A_138 = arith.constant 16 : i32
    %add3A_139 = arith.addf %scan3A_137#0, %scan3A_137#1 : vector<16xf32>
    %sub3A_140 = arith.constant 2.000000e+00 : f32
    %sub3A_141 = vector.broadcast %sub3A_140 : f32 to vector<16xf32>
    %sub3A_142 = arith.subf %add3A_139, %sub3A_141 : vector<16xf32>
    %div3A_143 = arith.constant 1.000000e+00 : f32
    %div3A_144 = vector.broadcast %div3A_143 : f32 to vector<16xf32>
    %div3A_145 = arith.divf %sub3A_142, %div3A_144 : vector<16xf32>
    %exp3A_146 = math.exp %div3A_145 : vector<16xf32>
    %add3A_147 = arith.constant 1.000000e+00 : f32
    %add3A_148 = vector.broadcast %add3A_147 : f32 to vector<16xf32>
    %add3A_149 = arith.addf %exp3A_146, %add3A_148 : vector<16xf32>
    %div3A_150 = arith.constant 1.000000e+00 : f32
    %div3A_151 = vector.broadcast %div3A_150 : f32 to vector<16xf32>
    %div3A_152 = arith.divf %div3A_151, %add3A_149 : vector<16xf32>
    %multiple_of3A_153 = arith.constant 9968 : i32
    %multiple_of3A_154 = tpu.assume_multiple %multiple_of3A_153, 8 : i32
    %swap3A_155 = arith.index_cast %multiple_of3A_154 : i32 to index
    %swap3A_156 = tpu.vector_load %arg7[%swap3A_155] {strides = array<i32>} : memref<10000xf32, #tpu.memory_space<vmem>>, vector<16xf32>,
    tpu.vector_store %arg7[%swap3A_155], %div3A_152 {strides = array<i32>} : memref<10000xf32, #tpu.memory_space<vmem>>, vector<16xf32>,
    %add3A_157 = arith.constant 64 : i32
    %add3A_158 = vector.broadcast %add3A_157 : i32 to vector<16xi32>
    %add3A_159 = arith.addi %add3A_158, %iota3A : vector<16xi32>
    %broadcast_in_dim3A_160 = arith.constant 0.000000e+00 : f32
    %broadcast_in_dim3A_161 = vector.broadcast %broadcast_in_dim3A_160 : f32 to vector<16xf32>
    %broadcast_in_dim3A_162 = arith.constant 0.000000e+00 : f32
    %broadcast_in_dim3A_163 = vector.broadcast %broadcast_in_dim3A_162 : f32 to vector<16xf32>
    %scan3A_164 = arith.constant 0 : i32
    %scan3A_165 = arith.constant 16 : i32
    %scan3A_166 = arith.addi %scan3A_164, %scan3A_165 : i32
    %scan3A_167 = arith.constant 1 : i32
    %scan3A_168:2 = scf.for %scan3A_188 = %scan3A_164 to %scan3A_166 step %scan3A_167 iter_args(%scan3A_189 = %broadcast_in_dim3A_161, %scan3A_190 = %broadcast_in_dim3A_163) -> (vector<16xf32>, vector<16xf32>)  : i32 {
      %mul3A_191 = arith.constant 8 : i32
      %mul3A_192 = arith.muli %scan3A_188, %mul3A_191 : i32
      %add3A_193 = arith.constant 0 : i32
      %add3A_194 = arith.addi %mul3A_192, %add3A_193 : i32
      %add3A_195 = vector.broadcast %add3A_194 : i32 to vector<16xi32>
      %add3A_196 = arith.addi %add3A_195, %iota3A : vector<16xi32>
      %and3A = arith.constant 127 : i32
      %and3A_197 = vector.broadcast %and3A : i32 to vector<16xi32>
      %and3A_198 = arith.andi %add3A_196, %and3A_197 : vector<16xi32>
      %gather3A = tpu.vector_load_idx %arg8[%add3A_159, %and3A_198] : memref<80x128xf32, #tpu.memory_space<vmem>>[vector<16xi32>, vector<16xi32>], vector<16xf32>,
      %gather3A_199 = tpu.vector_load_idx %arg9[%add3A_159, %and3A_198] : memref<80x128xf32, #tpu.memory_space<vmem>>[vector<16xi32>, vector<16xi32>], vector<16xf32>,
      %sub3A_200 = arith.subf %gather3A, %gather3A_199 : vector<16xf32>
      %mul3A_201 = arith.mulf %sub3A_200, %sub3A_200 : vector<16xf32>
      %add3A_202 = arith.addf %scan3A_189, %mul3A_201 : vector<16xf32>
      %mul3A_203 = arith.constant 8 : i32
      %mul3A_204 = arith.muli %scan3A_188, %mul3A_203 : i32
      %add3A_205 = arith.constant 1 : i32
      %add3A_206 = arith.addi %mul3A_204, %add3A_205 : i32
      %add3A_207 = vector.broadcast %add3A_206 : i32 to vector<16xi32>
      %add3A_208 = arith.addi %add3A_207, %iota3A : vector<16xi32>
      %and3A_209 = arith.constant 127 : i32
      %and3A_210 = vector.broadcast %and3A_209 : i32 to vector<16xi32>
      %and3A_211 = arith.andi %add3A_208, %and3A_210 : vector<16xi32>
      %gather3A_212 = tpu.vector_load_idx %arg8[%add3A_159, %and3A_211] : memref<80x128xf32, #tpu.memory_space<vmem>>[vector<16xi32>, vector<16xi32>], vector<16xf32>,
      %gather3A_213 = tpu.vector_load_idx %arg9[%add3A_159, %and3A_211] : memref<80x128xf32, #tpu.memory_space<vmem>>[vector<16xi32>, vector<16xi32>], vector<16xf32>,
      %sub3A_214 = arith.subf %gather3A_212, %gather3A_213 : vector<16xf32>
      %mul3A_215 = arith.mulf %sub3A_214, %sub3A_214 : vector<16xf32>
      %add3A_216 = arith.addf %scan3A_190, %mul3A_215 : vector<16xf32>
      %mul3A_217 = arith.constant 8 : i32
      %mul3A_218 = arith.muli %scan3A_188, %mul3A_217 : i32
      %add3A_219 = arith.constant 2 : i32
      %add3A_220 = arith.addi %mul3A_218, %add3A_219 : i32
      %add3A_221 = vector.broadcast %add3A_220 : i32 to vector<16xi32>
      %add3A_222 = arith.addi %add3A_221, %iota3A : vector<16xi32>
      %and3A_223 = arith.constant 127 : i32
      %and3A_224 = vector.broadcast %and3A_223 : i32 to vector<16xi32>
      %and3A_225 = arith.andi %add3A_222, %and3A_224 : vector<16xi32>
      %gather3A_226 = tpu.vector_load_idx %arg8[%add3A_159, %and3A_225] : memref<80x128xf32, #tpu.memory_space<vmem>>[vector<16xi32>, vector<16xi32>], vector<16xf32>,
      %gather3A_227 = tpu.vector_load_idx %arg9[%add3A_159, %and3A_225] : memref<80x128xf32, #tpu.memory_space<vmem>>[vector<16xi32>, vector<16xi32>], vector<16xf32>,
      %sub3A_228 = arith.subf %gather3A_226, %gather3A_227 : vector<16xf32>
      %mul3A_229 = arith.mulf %sub3A_228, %sub3A_228 : vector<16xf32>
      %add3A_230 = arith.addf %add3A_202, %mul3A_229 : vector<16xf32>
      %mul3A_231 = arith.constant 8 : i32
      %mul3A_232 = arith.muli %scan3A_188, %mul3A_231 : i32
      %add3A_233 = arith.constant 3 : i32
      %add3A_234 = arith.addi %mul3A_232, %add3A_233 : i32
      %add3A_235 = vector.broadcast %add3A_234 : i32 to vector<16xi32>
      %add3A_236 = arith.addi %add3A_235, %iota3A : vector<16xi32>
      %and3A_237 = arith.constant 127 : i32
      %and3A_238 = vector.broadcast %and3A_237 : i32 to vector<16xi32>
      %and3A_239 = arith.andi %add3A_236, %and3A_238 : vector<16xi32>
      %gather3A_240 = tpu.vector_load_idx %arg8[%add3A_159, %and3A_239] : memref<80x128xf32, #tpu.memory_space<vmem>>[vector<16xi32>, vector<16xi32>], vector<16xf32>,
      %gather3A_241 = tpu.vector_load_idx %arg9[%add3A_159, %and3A_239] : memref<80x128xf32, #tpu.memory_space<vmem>>[vector<16xi32>, vector<16xi32>], vector<16xf32>,
      %sub3A_242 = arith.subf %gather3A_240, %gather3A_241 : vector<16xf32>
      %mul3A_243 = arith.mulf %sub3A_242, %sub3A_242 : vector<16xf32>
      %add3A_244 = arith.addf %add3A_216, %mul3A_243 : vector<16xf32>
      %mul3A_245 = arith.constant 8 : i32
      %mul3A_246 = arith.muli %scan3A_188, %mul3A_245 : i32
      %add3A_247 = arith.constant 4 : i32
      %add3A_248 = arith.addi %mul3A_246, %add3A_247 : i32
      %add3A_249 = vector.broadcast %add3A_248 : i32 to vector<16xi32>
      %add3A_250 = arith.addi %add3A_249, %iota3A : vector<16xi32>
      %and3A_251 = arith.constant 127 : i32
      %and3A_252 = vector.broadcast %and3A_251 : i32 to vector<16xi32>
      %and3A_253 = arith.andi %add3A_250, %and3A_252 : vector<16xi32>
      %gather3A_254 = tpu.vector_load_idx %arg8[%add3A_159, %and3A_253] : memref<80x128xf32, #tpu.memory_space<vmem>>[vector<16xi32>, vector<16xi32>], vector<16xf32>,
      %gather3A_255 = tpu.vector_load_idx %arg9[%add3A_159, %and3A_253] : memref<80x128xf32, #tpu.memory_space<vmem>>[vector<16xi32>, vector<16xi32>], vector<16xf32>,
      %sub3A_256 = arith.subf %gather3A_254, %gather3A_255 : vector<16xf32>
      %mul3A_257 = arith.mulf %sub3A_256, %sub3A_256 : vector<16xf32>
      %add3A_258 = arith.addf %add3A_230, %mul3A_257 : vector<16xf32>
      %mul3A_259 = arith.constant 8 : i32
      %mul3A_260 = arith.muli %scan3A_188, %mul3A_259 : i32
      %add3A_261 = arith.constant 5 : i32
      %add3A_262 = arith.addi %mul3A_260, %add3A_261 : i32
      %add3A_263 = vector.broadcast %add3A_262 : i32 to vector<16xi32>
      %add3A_264 = arith.addi %add3A_263, %iota3A : vector<16xi32>
      %and3A_265 = arith.constant 127 : i32
      %and3A_266 = vector.broadcast %and3A_265 : i32 to vector<16xi32>
      %and3A_267 = arith.andi %add3A_264, %and3A_266 : vector<16xi32>
      %gather3A_268 = tpu.vector_load_idx %arg8[%add3A_159, %and3A_267] : memref<80x128xf32, #tpu.memory_space<vmem>>[vector<16xi32>, vector<16xi32>], vector<16xf32>,
      %gather3A_269 = tpu.vector_load_idx %arg9[%add3A_159, %and3A_267] : memref<80x128xf32, #tpu.memory_space<vmem>>[vector<16xi32>, vector<16xi32>], vector<16xf32>,
      %sub3A_270 = arith.subf %gather3A_268, %gather3A_269 : vector<16xf32>
      %mul3A_271 = arith.mulf %sub3A_270, %sub3A_270 : vector<16xf32>
      %add3A_272 = arith.addf %add3A_244, %mul3A_271 : vector<16xf32>
      %mul3A_273 = arith.constant 8 : i32
      %mul3A_274 = arith.muli %scan3A_188, %mul3A_273 : i32
      %add3A_275 = arith.constant 6 : i32
      %add3A_276 = arith.addi %mul3A_274, %add3A_275 : i32
      %add3A_277 = vector.broadcast %add3A_276 : i32 to vector<16xi32>
      %add3A_278 = arith.addi %add3A_277, %iota3A : vector<16xi32>
      %and3A_279 = arith.constant 127 : i32
      %and3A_280 = vector.broadcast %and3A_279 : i32 to vector<16xi32>
      %and3A_281 = arith.andi %add3A_278, %and3A_280 : vector<16xi32>
      %gather3A_282 = tpu.vector_load_idx %arg8[%add3A_159, %and3A_281] : memref<80x128xf32, #tpu.memory_space<vmem>>[vector<16xi32>, vector<16xi32>], vector<16xf32>,
      %gather3A_283 = tpu.vector_load_idx %arg9[%add3A_159, %and3A_281] : memref<80x128xf32, #tpu.memory_space<vmem>>[vector<16xi32>, vector<16xi32>], vector<16xf32>,
      %sub3A_284 = arith.subf %gather3A_282, %gather3A_283 : vector<16xf32>
      %mul3A_285 = arith.mulf %sub3A_284, %sub3A_284 : vector<16xf32>
      %add3A_286 = arith.addf %add3A_258, %mul3A_285 : vector<16xf32>
      %mul3A_287 = arith.constant 8 : i32
      %mul3A_288 = arith.muli %scan3A_188, %mul3A_287 : i32
      %add3A_289 = arith.constant 7 : i32
      %add3A_290 = arith.addi %mul3A_288, %add3A_289 : i32
      %add3A_291 = vector.broadcast %add3A_290 : i32 to vector<16xi32>
      %add3A_292 = arith.addi %add3A_291, %iota3A : vector<16xi32>
      %and3A_293 = arith.constant 127 : i32
      %and3A_294 = vector.broadcast %and3A_293 : i32 to vector<16xi32>
      %and3A_295 = arith.andi %add3A_292, %and3A_294 : vector<16xi32>
      %gather3A_296 = tpu.vector_load_idx %arg8[%add3A_159, %and3A_295] : memref<80x128xf32, #tpu.memory_space<vmem>>[vector<16xi32>, vector<16xi32>], vector<16xf32>,
      %gather3A_297 = tpu.vector_load_idx %arg9[%add3A_159, %and3A_295] : memref<80x128xf32, #tpu.memory_space<vmem>>[vector<16xi32>, vector<16xi32>], vector<16xf32>,
      %sub3A_298 = arith.subf %gather3A_296, %gather3A_297 : vector<16xf32>
      %mul3A_299 = arith.mulf %sub3A_298, %sub3A_298 : vector<16xf32>
      %add3A_300 = arith.addf %add3A_272, %mul3A_299 : vector<16xf32>
      scf.yield %add3A_286, %add3A_300 : vector<16xf32>, vector<16xf32>
    }
    %scan3A_169 = arith.constant 16 : i32
    %add3A_170 = arith.addf %scan3A_168#0, %scan3A_168#1 : vector<16xf32>
    %sub3A_171 = arith.constant 2.000000e+00 : f32
    %sub3A_172 = vector.broadcast %sub3A_171 : f32 to vector<16xf32>
    %sub3A_173 = arith.subf %add3A_170, %sub3A_172 : vector<16xf32>
    %div3A_174 = arith.constant 1.000000e+00 : f32
    %div3A_175 = vector.broadcast %div3A_174 : f32 to vector<16xf32>
    %div3A_176 = arith.divf %sub3A_173, %div3A_175 : vector<16xf32>
    %exp3A_177 = math.exp %div3A_176 : vector<16xf32>
    %add3A_178 = arith.constant 1.000000e+00 : f32
    %add3A_179 = vector.broadcast %add3A_178 : f32 to vector<16xf32>
    %add3A_180 = arith.addf %exp3A_177, %add3A_179 : vector<16xf32>
    %div3A_181 = arith.constant 1.000000e+00 : f32
    %div3A_182 = vector.broadcast %div3A_181 : f32 to vector<16xf32>
    %div3A_183 = arith.divf %div3A_182, %add3A_180 : vector<16xf32>
    %multiple_of3A_184 = arith.constant 9984 : i32
    %multiple_of3A_185 = tpu.assume_multiple %multiple_of3A_184, 8 : i32
    %swap3A_186 = arith.index_cast %multiple_of3A_185 : i32 to index
    %swap3A_187 = tpu.vector_load %arg7[%swap3A_186] {strides = array<i32>} : memref<10000xf32, #tpu.memory_space<vmem>>, vector<16xf32>,
    tpu.vector_store %arg7[%swap3A_186], %div3A_183 {strides = array<i32>} : memref<10000xf32, #tpu.memory_space<vmem>>, vector<16xf32>,
    "tpu.region"() ({
      %run_scoped3A = tpu.sem_alloc : memref<!tpu.dma_semaphore, #tpu.memory_space<semaphore_mem>>
      %dma_start3A_188 = tpu.memref_slice %arg4[%multiple_of3A] : memref<320000xf32, #tpu.memory_space<hbm>> -> memref<10000xf32, #tpu.memory_space<hbm>>
      %dma_start3A_189 = tpu.memref_slice %arg4[%multiple_of3A] : memref<320000xf32, #tpu.memory_space<hbm>> -> memref<10000xf32, #tpu.memory_space<hbm>>
      tpu.enqueue_dma source(%arg7 : memref<10000xf32, #tpu.memory_space<vmem>>) target(%dma_start3A_189 : memref<10000xf32, #tpu.memory_space<hbm>>) target_semaphore(%run_scoped3A : memref<!tpu.dma_semaphore, #tpu.memory_space<semaphore_mem>>)
      %dma_wait3A_190 = tpu.memref_slice %arg4[%multiple_of3A] : memref<320000xf32, #tpu.memory_space<hbm>> -> memref<10000xf32, #tpu.memory_space<hbm>>
      %dma_wait3A_191 = tpu.memref_slice %arg4[%multiple_of3A] : memref<320000xf32, #tpu.memory_space<hbm>> -> memref<10000xf32, #tpu.memory_space<hbm>>
      tpu.wait_dma2 semaphore(%run_scoped3A : memref<!tpu.dma_semaphore, #tpu.memory_space<semaphore_mem>>) src(%arg7 : memref<10000xf32, #tpu.memory_space<vmem>>) dst(%dma_wait3A_191 : memref<10000xf32, #tpu.memory_space<hbm>>)
      tpu.yield
    }) : () -> ()
    return
  }
}

module attributes {stable_mosaic.version = 14 : i64} {
  func.func @_normalize_body(%arg0: i32, %arg1: memref<1000x128xf32, #tpu.memory_space<vmem>>, %arg2: memref<1000x128xf32, #tpu.memory_space<vmem>>) attributes {dimension_semantics = [#tpu.dimension_semantics<arbitrary>], iteration_bounds = array<i64: 10>, scalar_prefetch = 0 : i64, scratch_operands = 0 : i64, tpu.core_type = #tpu.core_type<tc>, window_params = [{transform_indices = @transform_0, window_bounds = array<i64: 1000, 128>}, {transform_indices = @transform_1, window_bounds = array<i64: 1000, 128>}]} {
    %get3A = arith.constant 0 : index
    %get3A_0 = arith.constant 0 : index
    %get3A_1 = vector.load %arg1[%get3A, %get3A_0] : memref<1000x128xf32, #tpu.memory_space<vmem>>, vector<1000x128xf32>
    %mul3A = arith.mulf %get3A_1, %get3A_1 : vector<1000x128xf32>
    %reduce_sum3A = arith.constant dense<0.000000e+00> : vector<1000xf32>
    %reduce_sum3A_2 = vector.multi_reduction <add>, %mul3A, %reduce_sum3A [1] : vector<1000x128xf32> to vector<1000xf32>
    %broadcast_in_dim3A = vector.shape_cast %reduce_sum3A_2 : vector<1000xf32> to vector<1000x1xf32>
    %sqrt3A = math.sqrt %broadcast_in_dim3A : vector<1000x1xf32>
    %max3A = arith.constant 9.99999996E-13 : f32
    %max3A_3 = vector.broadcast %max3A : f32 to vector<1000x1xf32>
    %max3A_4 = arith.maximumf %sqrt3A, %max3A_3 : vector<1000x1xf32>
    %div3A = arith.constant 1.000000e+00 : f32
    %div3A_5 = vector.broadcast %div3A : f32 to vector<1000x1xf32>
    %div3A_6 = arith.divf %div3A_5, %max3A_4 : vector<1000x1xf32>
    %min3A = arith.constant 1.000000e+00 : f32
    %min3A_7 = vector.broadcast %min3A : f32 to vector<1000x1xf32>
    %min3A_8 = arith.minimumf %min3A_7, %div3A_6 : vector<1000x1xf32>
    %mul3A_9 = vector.broadcast %min3A_8 : vector<1000x1xf32> to vector<1000x128xf32>
    %mul3A_10 = arith.mulf %get3A_1, %mul3A_9 : vector<1000x128xf32>
    %swap3A = arith.constant 0 : index
    %swap3A_11 = arith.constant 0 : index
    %swap3A_12 = vector.load %arg2[%swap3A, %swap3A_11] : memref<1000x128xf32, #tpu.memory_space<vmem>>, vector<1000x128xf32>
    tpu.vector_store %arg2[%swap3A, %swap3A_11], %mul3A_10 {strides = array<i32>} : memref<1000x128xf32, #tpu.memory_space<vmem>>, vector<1000x128xf32>,
    return
  }
  func.func @transform_0(%arg0: i32) -> (i32, i32) {
    %c0_i32 = arith.constant 0 : i32
    %c0_i32_0 = arith.constant 0 : i32
    return %arg0, %c0_i32 : i32, i32
  }
  func.func @transform_1(%arg0: i32) -> (i32, i32) {
    %c0_i32 = arith.constant 0 : i32
    %c0_i32_0 = arith.constant 0 : i32
    return %arg0, %c0_i32 : i32, i32
  }
}

</mosaic_0001>

<sc_bundles>
// kernel: kernel.4.cloned.1.call-start
scs
__scs_entry_jumppad:
0x0: {  	(pc) =	sbr.rel $0x88, $3  }
0x1: {  	(tag) =	ssettag $0x0;
	lr =	simm.s32 $0x1  }
0x2: {  	[smem:$0x3F9F] =	sst lr;
	_ =	strace $0xD0000000  }
0x3: {  	_ = 	snop  }
0x4: {  	_ = 	snop  }
0x5: {  	_ = 	snop  }
0x6: {  	_ = 	snop  }
0x7: {  	_ = 	snop  }
__scs_overlays_trampoline_lowered:
0x8: {  	[smem:$0x3FAE] =	sst s0  }
0x9: {  	[smem:$0x3FAF] =	sst s1  }
0xa: {  	[smem:$0x3FB0] =	sst s2  }
0xb: {  	[smem:$0x3FB1] =	sst s3  }
0xc: {  	[smem:$0x3FB2] =	sst s4  }
0xd: {  	[smem:$0x3FB3] =	sst s5  }
0xe: {  	[smem:$0x3FB4] =	sst s6  }
0xf: {  	[smem:$0x3FB5] =	sst s7  }
0x10: {  	[smem:$0x3FB6] =	sst s8  }
0x11: {  	[smem:$0x3FB7] =	sst s9;
	s0 =	simm.s32 @!p0 $0x0  }
0x12: {  	s1 =	sld [smem:$0x3F9D];
	s0 =	simm.s32 @p0 $0x1  }
0x13: {  	[smem:$0x3FB8] =	sst s0;
	s0 =	simm.s32 @!p1 $0x0  }
0x14: {  	s2 =	sld [smem:$0x3F9C];
	s0 =	simm.s32 @p1 $0x1  }
0x15: {  	[smem:$0x3FB9] =	sst s0;
	s0 =	simm.s32 @!p2 $0x0  }
0x16: {  	s3 =	sld [smem:$0x3FDB];
	s0 =	simm.s32 @p2 $0x1  }
0x17: {  	s4 =	simm.s32 $0x1BF5;
	[smem:$0x3FBB] =	sst s0  }
0x18: {  	s0 =	sld [smem:$0x3F9E];
	_ =	swait.ge [sflag:s4], $0x0  }
0x19: {  	s7 =	sld [smem:$0x3F9F]  }
0x1a: {  	s8 =	sadd.s32 $0xFFFFE003, lr  }
0x1b: {  	s9 =	sadd.s32 $0xFFFFFEF7, lr;
	s5 =	simm.s32 $0xFFFFFFFF;
	p2 =	slt.u32 s8, $0xFFFFF086  }
0x1c: {  	p1 =	slt.u32 s9, $0xF7A;
	s5 =	simm.s32 @!p2 $0x0  }
0x1d: {  	s5 =	simm.s32 @p1 $0x1;
	p0 =	seq.s32 s7, s2  }
0x1e: {  	s7 =	smul.u32 @!p0 $0xF7A, s2;
	p2 =	seq.s32 @!p0 s5, $0x0  }
0x1f: {  	s9 =	smul.u32 $0xF7A, s1;
	s8 =	simm.s32 @!p0 $0x1BF5;
	p2 =	por !p2, p0  }
0x20: {  	[sflag:s8] =	ssyncset.s32 @!p0 $0xFFFFF086;
	s6 =	sadd.s32 @!p0 s3, s7;
	s7 =	simm.s32 @!p0 $0x108  }
0x21: {  	s3 =	sadd.s32 s3, s9;
	s6 =	sadd.s32 @!p0 $0x88, s6;
	s7 =	simm.s32 @p2 $0x1082  }
0x22: {  	[simem:s7], [sflag:s8] =	dma.local @!p0 [hbm:s6], $0xF7A  }
0x23: {  	s9 =	sor.u32 $0xD0000000, s2;
	s6 =	simm.s32 $0x108;
	_ =	swait.ge @!p0 [sflag:s8], $0x0  }
0x24: {  	s3 =	sadd.s32 $0x88, s3;
	s6 =	simm.s32 @!p1 $0x1082;
	[sflag:s4] =	ssyncset.s32 $0xFFFFF086  }
0x25: {  	[simem:s6], [sflag:s4] =	dma.local [hbm:s3], $0xF7A  }
0x26: {  	[smem:$0x3F9F] =	sst s1;
	(tag) =	ssettag s2;
	_ =	strace s9  }
0x27: {  	s1 =	sld [smem:$0x3FAF]  }
0x28: {  	s2 =	sld [smem:$0x3FB0]  }
0x29: {  	s4 =	sld [smem:$0x3FB2]  }
0x2a: {  	p0 =	seq.s32 s5, $0x0;
	s5 =	sld [smem:$0x3FB3]  }
0x2b: {  	s6 =	sld [smem:$0x3FB4]  }
0x2c: {  	s7 =	sld [smem:$0x3FB5]  }
0x2d: {  	s3 =	simm.s32 $0x108;
	s8 =	sld [smem:$0x3FB6]  }
0x2e: {  	s3 =	simm.s32 @!p0 $0x1082;
	s9 =	sld [smem:$0x3FB7]  }
0x2f: {  	lr =	sadd.s32 s0, s3;
	s0 =	sld [smem:$0x3FAE]  }
0x30: {  	s3 =	sld [smem:$0x3FB1]  }
0x31: {  	[smem:$0x3FBA] =	sst s10  }
0x32: {  	s10 =	sld [smem:$0x3FB8];
	_ =	sdelay $0x3  }
0x33: {  	p0 =	seq.s32 s10, $0x1;
	s10 =	sld [smem:$0x3FBA];
	_ =	sdelay $0x3  }
0x34: {  	[smem:$0x3FBA] =	sst s10  }
0x35: {  	s10 =	sld [smem:$0x3FB9];
	_ =	sdelay $0x3  }
0x36: {  	p1 =	seq.s32 s10, $0x1;
	s10 =	sld [smem:$0x3FBA];
	_ =	sdelay $0x3  }
0x37: {  	[smem:$0x3FBA] =	sst s10  }
0x38: {  	s10 =	sld [smem:$0x3FBB]  }
0x39: {  	_ = 	snop;
	(pc) =	sbr.ind lr, $3  }
0x3a: {  	_ = 	snop  }
0x3b: {  	_ = 	snop  }
0x3c: {  	p2 =	seq.s32 s10, $0x1;
	s10 =	sld [smem:$0x3FBA]  }
0x3d: {  	_ =	shalt  }
0x3e: {  	_ =	shalt  }
0x3f: {  	_ =	shalt  }
0x40: {  	_ =	shalt  }
0x41: {  	_ =	shalt  }
0x42: {  	_ =	shalt  }
0x43: {  	_ =	shalt  }
0x44: {  	_ =	shalt  }
0x45: {  	_ =	shalt  }
0x46: {  	_ =	shalt  }
0x47: {  	_ =	shalt  }
0x48: {  	_ =	shalt  }
0x49: {  	_ =	shalt  }
0x4a: {  	_ =	shalt  }
0x4b: {  	_ =	shalt  }
0x4c: {  	_ =	shalt  }
0x4d: {  	_ =	shalt  }
0x4e: {  	_ =	shalt  }
0x4f: {  	_ =	shalt  }
0x50: {  	_ =	shalt  }
0x51: {  	_ =	shalt  }
0x52: {  	_ =	shalt  }
0x53: {  	_ =	shalt  }
0x54: {  	_ =	shalt  }
0x55: {  	_ =	shalt  }
0x56: {  	_ =	shalt  }
0x57: {  	_ =	shalt  }
0x58: {  	_ =	shalt  }
0x59: {  	_ =	shalt  }
0x5a: {  	_ =	shalt  }
0x5b: {  	_ =	shalt  }
0x5c: {  	_ =	shalt  }
0x5d: {  	_ =	shalt  }
0x5e: {  	_ =	shalt  }
0x5f: {  	_ =	shalt  }
0x60: {  	_ =	shalt  }
0x61: {  	_ =	shalt  }
0x62: {  	_ =	shalt  }
0x63: {  	_ =	shalt  }
0x64: {  	_ =	shalt  }
0x65: {  	_ =	shalt  }
0x66: {  	_ =	shalt  }
0x67: {  	_ =	shalt  }
0x68: {  	_ =	shalt  }
0x69: {  	_ =	shalt  }
0x6a: {  	_ =	shalt  }
0x6b: {  	_ =	shalt  }
0x6c: {  	_ =	shalt  }
0x6d: {  	_ =	shalt  }
0x6e: {  	_ =	shalt  }
0x6f: {  	_ =	shalt  }
0x70: {  	_ =	shalt  }
0x71: {  	_ =	shalt  }
0x72: {  	_ =	shalt  }
0x73: {  	_ =	shalt  }
0x74: {  	_ =	shalt  }
0x75: {  	_ =	shalt  }
0x76: {  	_ =	shalt  }
0x77: {  	_ =	shalt  }
0x78: {  	_ =	shalt  }
0x79: {  	_ =	shalt  }
0x7a: {  	_ =	shalt  }
0x7b: {  	_ =	shalt  }
0x7c: {  	_ =	shalt  }
0x7d: {  	_ =	shalt  }
0x7e: {  	_ =	shalt  }
0x7f: {  	_ =	shalt  }
0x80: {  	_ =	shalt  }
0x81: {  	_ =	shalt  }
0x82: {  	_ =	shalt  }
0x83: {  	_ =	shalt  }
0x84: {  	_ =	shalt  }
0x85: {  	_ =	shalt  }
0x86: {  	_ =	shalt  }
0x87: {  	_ =	shalt  }
.Lfunc_end0:
.L_simem_size_0:
called_computation_lowered:
.L_overlay_start_0:
0x88: {  	s2 =	sld [smem:$0x3FD9]  }
0x89: {  	s3 =	sld [smem:$0x3FFE];
	_ =	sdelay $0x1  }
0x8a: {  	s1 =	srdreg.scid  }
0x8b: {  	s0 =	sand.u32 $0x1, s1  }
0x8c: {  	s17 =	sshll.u32 s0, $0xA;
	s2 =	sadd.s32 s3, s2  }
0x8d: {  	s2 =	sadd.s32 s2, s17  }
0x8e: {  	[smem:$0x3FC6] =	sst s2  }
0x8f: {  	_ = 	snop  }
0x90: {  	s2 =	sld [smem:$0x3FD0];
	(tm) =	ssettm $0x1  }
0x91: {  	s18 =	sld [smem:$0x3FFB];
	_ =	sdelay $0x3  }
0x92: {  	_ =	strace s18  }
0x93: {  	s3 =	sld [smem:$0x3FFC];
	_ =	sdelay $0x3  }
0x94: {  	_ =	strace s3  }
0x95: {  	s3 =	sld [smem:$0x3FFD];
	_ =	sdelay $0x3  }
0x96: {  	_ =	strace s3  }
0x97: {  	_ =	strace $0x8FFFFFFF  }
0x98: {  	s19 =	sld [smem:$0x3FDB];
	_ =	sdelay $0x1  }
0x99: {  	s4 =	simm.s32 $_scs_section_size  }
0x9a: {  	s5 =	simm.s32 $_size__tile_overlayer_lowered;
	s6 =	simm.s32 $_tile_overlayer_lowered  }
0x9b: {  	s22 =	simm.s32 $0x1BFF;
	s21 =	sshll.u32 s6, $0x1;
	s3 =	sadd.s32 s4, s19  }
0x9c: {  	s7 =	simm.s32 $0x0;
	s20 =	sshll.u32 s5, $0x1;
	s5 =	sadd.s32 s21, s3  }
0x9d: {  	[timem:s7], [sflag:s22] =	dma.local [hbm:s5], s20  }
0x9e: {  	_ =	swait.ge [sflag:s22], s20  }
0x9f: {  	s4 =	ssub.s32 $0x0, s20;
	[sflag:s22] =	ssyncset.done $0x0  }
0xa0: {  	[sflag:s22] =	ssyncadd.s32 s4;
	_ =	sdelay $0x1  }
0xa1: {  	s23 =	simm.s32 $0x1B8B  }
0xa2: {  	_ =	swait.ge [sflag:s23], $0x1  }
0xa3: {  	[sflag:s23] =	ssyncset.done $0x0  }
0xa4: {  	s25 =	simm.s32 $0x1B8E;
	s24 =	sld [smem:$0x3FFE];
	[sflag:s23] =	ssyncadd.s32 $0xFFFFFFFF  }
0xa5: {  	s26 =	simm.s32 $execute0_lowered;
	[smem:$0x3FD2] =	sst s25  }
0xa6: {  	s5 =	sshll.u32 s26, $0x1;
	_ =	strace $0x80000046;
	[dreg:$0x1] =	wrdreg $0xFFFFFFFF  }
0xa7: {  	s28 =	simm.s32 $_size_execute0_lowered;
	s3 =	sadd.s32 s3, s5;
	[dreg:$0x0] =	wrdreg $0x0  }
0xa8: {  	s5 =	sshll.u32 s28, $0x1;
	[dreg:$0x2] =	wrdreg s3  }
0xa9: {  	[dreg:$0x3] =	wrdreg s5  }
0xaa: {  	[dreg:$0x4] =	wrdreg $0xC0  }
0xab: {  	_ =	task [dreg:s7], $0x5FFFF  }
0xac: {  	[dreg:$0x1] =	wrdreg $0xFFFFFFFF  }
0xad: {  	[dreg:$0x0] =	wrdreg $0x60  }
0xae: {  	[dreg:$0x2] =	wrdreg s24  }
0xaf: {  	[dreg:$0x3] =	wrdreg s2  }
0xb0: {  	[dreg:$0x4] =	wrdreg $0x9  }
0xb1: {  	_ =	task.clear_ibuf [dreg:s7], $0x5FFFF;
	_ =	strace $0x90000046  }
0xb2: {  	s29 =	simm.s32 $0x9;
	_ =	strace $0x80000048  }
0xb3: {  	_ =	swait.ge [sflag:s29], $0x1  }
0xb4: {  	[sflag:s29] =	ssyncadd.s32 $0xFFFFFFFF  }
0xb5: {  	_ =	strace $0x90000048  }
0xb6: {  	_ =	sfence  }
0xb7: {  	s30 =	sld [smem:$0x0];
	_ =	sdelay $0x2  }
0xb8: {  	s31 =	sshll.u32 s1, $0xD;
	s1 =	sshrl.u32 s1, $0x2  }
0xb9: {  	s3 =	sand.u32 $0x4000, s31;
	s1 =	sadd.s32 s1, s30  }
0xba: {  	s0 =	sor.u32 s3, s0;
	s1 =	sshll.u32 s1, $0x11  }
0xbb: {  	s0 =	sor.u32 s1, s0  }
0xbc: {  	s0 =	sadd.s32 $0x8F2B, s0  }
0xbd: {  	[sflag:s0] =	ssyncadd.remote.s32 $0x1  }
0xbe: {  	_ =	sfence.sel $0xFFFF  }
0xbf: {  	[dreg:$0x0] =	wrdreg $0xFFFFFFFF;
	(pc) =	sbr.abs _section_cstart, $3  }
0xc0: {  	[dreg:$0x1] =	wrdreg $0xFFFFFFFF  }
0xc1: {  	_ =	task.clear_ibuf [dreg:s7], $0x2FFFF;
	_ =	strace $0x9FFFFFFF  }
0xc2: {  	(tm) =	ssettm $0x7FFFFFFF  }
0xc3: {  	_ =	shalt  }
tec
execute0_lowered:
.L_overlay_start_1:
0x0: {  	(tag) =	ssettag $0x1  }
0x1: {  	s1 =	srdreg.scid;
	s4 =	rddreg [dreg:$0x0]  }
0x2: {  	s0 =	stileid.u32;
	s6 =	rddreg [dreg:$0x1]  }
0x3: {  	s2 =	simm.s32 $0x0;
	s10 =	simm.s32 $0x50;
	s11 =	simm.s32 $0x7680  }
0x4: {  	s12 =	simm.s32 $0x9E80;
	s13 =	simm.s32 $0xC680;
	s14 =	simm.s32 $0x27D0  }
0x5: {  	s15 =	simm.s32 $0xEE80;
	s3 =	sand.u32 $0x1, s1;
	s30 =	sshll.u32 s0, $0x1  }
0x6: {  	s16 =	simm.s32 $0x1;
	s17 =	simm.s32 $0x2;
	s1 =	sor.u32 s3, s30  }
0x7: {  	s18 =	simm.s32 $0x4F00;
	s19 =	simm.s32 $0x0;
	s5 =	smul.u32 $0x2710, s1  }
0x8: {  	[smem:$0x7FF] =	sst s2;
	s31 =	ssub.s32 $0x2, s3;
	s3 =	sadd.s32 $0x14200, s4  }
0x9: {  	v0 =	vlaneseq.u32;
	s1 =	rddreg [dreg:$0x2];
	s9 =	sshrl.u32 s31, $0x1;
	s7 =	sshrl.u32 s5, $0x3  }
0xa: {  	v1 =	vmul.u32 $0x80, v0;
	_ =	strace $0x80000047;
	s9 =	ssub.s32 s31, s9;
	s8 =	sadd.s32 s7, s4  }
0xb: {  	s6 =	sadd.s32 s6, s7;
	s7 =	smax.u32 s9, $0x1;
	s9 =	simm.s32 $0x2780  }
0xc: {  	v2 =	vor.u32 $0x800, v1;
	v3 =	vor.u32 $0x1000, v1;
	v4 =	vor.u32 $0x1800, v1;
	s4 =	sadd.s32 $0x800, s8;
	s5 =	sadd.s32 $0xA440, s8;
	s8 =	simm.s32 $0x3  }
.LBB2_1:
0xd: {  	[tilespmem:s2], [sflag:$0x3] =	stream.linear.gather [hbm4b:s4+s2], $0x2710, $0x38;
	[tilespmem:$0x11680] =	vst v63  }
0xe: {  	_ =	swait.ge [sflag:s8], $0x2710  }
0xf: {  	[sflag:s8] =	ssyncset.done $0x0  }
0x10: {  	[sflag:s8] =	ssyncadd.s32 $0xFFFFD8F0  }
0x11: {  	[tilespmem:s9], [sflag:$0x3] =	stream.linear.gather [hbm4b:s5+s2], $0x2710, $0x38;
	[tilespmem:$0x11680] =	vst v63  }
0x12: {  	_ =	swait.ge [sflag:s8], $0x2710  }
0x13: {  	[sflag:s8] =	ssyncset.done $0x0  }
0x14: {  	[sflag:s8] =	ssyncadd.s32 $0xFFFFD8F0  }
0x15: {  	[tilespmem:s11], [sflag:$0x1] =	stream.indirect.gather [hbm4b:s3+s10], $0x80, s2, s10, $0xb8;
	[tilespmem:$0x11680] =	vst v63  }
0x16: {  	_ = 	snop  }
0x17: {  	[tilespmem:s12], [sflag:$0x1] =	stream.indirect.gather [hbm4b:s3+s10], $0x80, s9, s10, $0xb8;
	[tilespmem:$0x11680] =	vst v63  }
0x18: {  	_ = 	snop  }
0x19: {  	[tilespmem:s13], [sflag:$0x2] =	stream.indirect.gather [hbm4b:s3+s10], $0x80, s10, s10, $0xb8;
	[tilespmem:$0x11680] =	vst v63  }
0x1a: {  	s20 =	simm.s32 $0x0  }
0x1b: {  	[tilespmem:s15], [sflag:$0x2] =	stream.indirect.gather [hbm4b:s3+s10], $0x80, s14, s10, $0xb8;
	[tilespmem:$0x11680] =	vst v63  }
.LBB2_2:
0x1c: {  	s21 =	simm.s32 $0x7  }
0x1d: {  	v5 =	vadd.s32 s21, v0  }
0x1e: {  	_ =	swait.ge [sflag:s16], $0x2800;
	s31 =	simm.s32 $0x5;
	v5 =	vand.u32 $0x7F, v5  }
0x1f: {  	[sflag:s16] =	ssyncset.done $0x0;
	v6 =	vadd.s32 s31, v0;
	v5 =	vor.u32 v1, v5  }
0x20: {  	s22 =	simm.s32 $0x3;
	[sflag:s16] =	ssyncadd.s32 $0xFFFFD800;
	v6 =	vand.u32 $0x7F, v6  }
0x21: {  	v7 =	vadd.s32 s22, v0;
	_ =	swait.ge [sflag:s16], $0x2800;
	v6 =	vor.u32 v1, v6  }
0x22: {  	s23 =	simm.s32 $0x1;
	v7 =	vand.u32 $0x7F, v7;
	[sflag:s16] =	ssyncset.done $0x0  }
0x23: {  	v8 =	vadd.s32 s23, v0;
	v7 =	vor.u32 v1, v7;
	[sflag:s16] =	ssyncadd.s32 $0xFFFFD800  }
0x24: {  	s25 =	simm.s32 $0x2;
	v8 =	vand.u32 $0x7F, v8;
	v10 =	vld.idx.msk [tilespmem:v5+s11+$0x0], $0xffff  }
0x25: {  	s22 =	simm.s32 $0x0;
	v13 =	vadd.s32 s25, v0;
	v8 =	vor.u32 v1, v8;
	v5 =	vld.idx.msk [tilespmem:v5+s12+$0x0], $0xffff  }
0x26: {  	v11 =	vadd.s32 s22, v0;
	v13 =	vand.u32 $0x7F, v13;
	v12 =	vld.idx.msk [tilespmem:v6+s11+$0x0], $0xffff  }
0x27: {  	v11 =	vand.u32 $0x7F, v11;
	v13 =	vor.u32 v1, v13;
	v6 =	vld.idx.msk [tilespmem:v6+s12+$0x0], $0xffff  }
0x28: {  	s24 =	simm.s32 $0x4;
	v11 =	vor.u32 v1, v11;
	v14 =	vld.idx.msk [tilespmem:v7+s11+$0x0], $0xffff  }
0x29: {  	v9 =	vadd.s32 s24, v0;
	v15 =	vld.idx.msk [tilespmem:v7+s12+$0x0], $0xffff  }
0x2a: {  	s26 =	simm.s32 $0x6;
	v9 =	vand.u32 $0x7F, v9;
	v16 =	vld.idx.msk [tilespmem:v8+s11+$0x0], $0xffff  }
0x2b: {  	s28 =	simm.s32 $0xD;
	v9 =	vor.u32 v1, v9;
	v7 =	vadd.s32 s26, v0;
	v17 =	vld.idx.msk [tilespmem:v8+s12+$0x0], $0xffff  }
0x2c: {  	s21 =	simm.s32 $0xF;
	v20 =	vadd.s32 s28, v0;
	v26 =	vld.idx.msk [tilespmem:v13+s11+$0x0], $0xffff;
	v18 =	vand.u32 $0x7F, v7  }
0x2d: {  	s29 =	simm.s32 $0x9;
	v19 =	vadd.s32 s21, v0;
	v20 =	vand.u32 $0x7F, v20;
	v21 =	vld.idx.msk [tilespmem:v11+s11+$0x0], $0xffff;
	v22 =	vor.u32 v1, v18  }
0x2e: {  	s23 =	simm.s32 $0xB;
	v8 =	vimm.f32 $0.0e+00;
	v23 =	vld.idx.msk [tilespmem:v11+s12+$0x0], $0xffff;
	v11 =	vadd.s32 s29, v0;
	v18 =	vand.u32 $0x7F, v19  }
0x2f: {  	v27 =	vld.idx.msk [tilespmem:v13+s12+$0x0], $0xffff;
	v19 =	vadd.s32 s23, v0;
	v11 =	vand.u32 $0x7F, v11;
	v25 =	vor.u32 v1, v18  }
0x30: {  	v7 =	vld.idx.msk [tilespmem:v9+s11+$0x0], $0xffff;
	v24 =	vand.u32 $0x7F, v19;
	v19 =	vor.u32 v1, v20;
	v6 =	vsub.f32 v12, v6  }
0x31: {  	s31 =	simm.s32 $0xC;
	v18 =	vld.idx.msk [tilespmem:v9+s12+$0x0], $0xffff;
	v16 =	vsub.f32 v16, v17;
	v14 =	vsub.f32 v14, v15;
	v12 =	vor.u32 v1, v11  }
0x32: {  	v17 =	vor.u32 v1, v24;
	v11 =	vsub.f32 v10, v5;
	v10 =	vadd.s32 s31, v0;
	v13 =	vld.idx.msk [tilespmem:v22+s11+$0x0], $0xffff  }
0x33: {  	s30 =	simm.s32 $0xA;
	s24 =	simm.s32 $0x8;
	v15 =	vsub.f32 v21, v23;
	v24 =	vand.u32 $0x7F, v10;
	v20 =	vmul.f32 v16, v16;
	v16 =	vld.idx.msk [tilespmem:v22+s12+$0x0], $0xffff  }
0x34: {  	v9 =	vmul.f32 v6, v6;
	v6 =	vadd.s32 s30, v0;
	v22 =	vadd.s32 s24, v0;
	v5 =	vld.idx.msk [tilespmem:v25+s11+$0x0], $0xffff  }
0x35: {  	v14 =	vmul.f32 v14, v14;
	v21 =	vand.u32 $0x7F, v6;
	v6 =	vld.idx.msk [tilespmem:v25+s12+$0x0], $0xffff;
	v25 =	vand.u32 $0x7F, v22  }
0x36: {  	s22 =	simm.s32 $0x17;
	v10 =	vld.idx.msk [tilespmem:v19+s11+$0x0], $0xffff;
	v23 =	vmul.f32 v15, v15;
	v22 =	vsub.f32 v26, v27;
	v15 =	vimm.f32 $0.0e+00  }
.LBB2_3:
0x37: {  	p0 =	sne.s32 s22, $0x7F;
	v25 =	vor.u32 v1, v25;
	v24 =	vor.u32 v1, v24;
	v19 =	vld.idx.msk [tilespmem:v19+s12+$0x0], $0xffff;
	v7 =	vsub.f32 v7, v18  }
0x38: {  	s23 =	sadd.s32 $0xFFFFFFFF, s21;
	v15 =	vadd.f32 v20, v15;
	s21 =	smov.u32 s22;
	v18 =	vld.idx.msk [tilespmem:v17+s11+$0x0], $0xffff;
	v8 =	vadd.f32 v23, v8;
	v20 =	vmul.f32 v22, v22  }
0x39: {  	v21 =	vor.u32 v1, v21;
	v22 =	vadd.s32 s23, v0;
	v13 =	vsub.f32 v13, v16;
	v17 =	vld.idx.msk [tilespmem:v17+s12+$0x0], $0xffff  }
0x3a: {  	v14 =	vadd.f32 v14, v15;
	v15 =	vmul.f32 v7, v7;
	v16 =	vld.idx.msk [tilespmem:v12+s11+$0x0], $0xffff;
	v8 =	vadd.f32 v20, v8  }
0x3b: {  	v11 =	vmul.f32 v11, v11;
	v22 =	vand.u32 $0x7F, v22;
	v20 =	vadd.s32 s22, v0;
	v12 =	vld.idx.msk [tilespmem:v12+s12+$0x0], $0xffff  }
0x3c: {  	s23 =	sadd.s32 $0xFFFFFFFE, s22;
	v13 =	vmul.f32 v13, v13;
	v9 =	vadd.f32 v9, v14;
	v7 =	vld.idx.msk [tilespmem:v24+s11+$0x0], $0xffff;
	v8 =	vadd.f32 v15, v8  }
0x3d: {  	s24 =	sadd.s32 $0xFFFFFFFC, s22;
	v22 =	vor.u32 v1, v22;
	v14 =	vadd.s32 s23, v0;
	v20 =	vand.u32 $0x7F, v20;
	v23 =	vld.idx.msk [tilespmem:v25+s11+$0x0], $0xffff  }
0x3e: {  	v26 =	vadd.s32 s24, v0;
	s23 =	sadd.s32 $0xFFFFFFFA, s22;
	v15 =	vadd.f32 v11, v9;
	v25 =	vld.idx.msk [tilespmem:v25+s12+$0x0], $0xffff;
	v8 =	vadd.f32 v13, v8  }
0x3f: {  	v27 =	vor.u32 v1, v20;
	v9 =	vadd.s32 s23, v0;
	v11 =	vand.u32 $0x7F, v14;
	v28 =	vld.idx.msk [tilespmem:v21+s11+$0x0], $0xffff  }
0x40: {  	v10 =	vsub.f32 v10, v19;
	v9 =	vand.u32 $0x7F, v9;
	v13 =	vand.u32 $0x7F, v26;
	v26 =	vld.idx.msk [tilespmem:v21+s12+$0x0], $0xffff  }
0x41: {  	v19 =	vor.u32 v1, v11;
	v14 =	vsub.f32 v18, v17;
	v11 =	vsub.f32 v16, v12;
	v18 =	vld.idx.msk [tilespmem:v24+s12+$0x0], $0xffff  }
.Ltmp0:
0x42: {  	v17 =	vor.u32 v1, v13;
	v12 =	vor.u32 v1, v9;
	v9 =	vmul.f32 v10, v10;
	v13 =	vld.idx.msk [tilespmem:v22+s11+$0x0], $0xffff;
	(pc) =	sbr.rel @p0 .LBB2_3-.Ltmp0, $4  }
0x43: {  	s24 =	sadd.s32 $0xFFFFFFFD, s22;
	s23 =	sadd.s32 $0xFFFFFFFB, s22;
	v14 =	vmul.f32 v14, v14;
	v20 =	vmul.f32 v11, v11;
	v11 =	vsub.f32 v5, v6;
	v16 =	vld.idx.msk [tilespmem:v22+s12+$0x0], $0xffff  }
0x44: {  	s25 =	sadd.s32 $0xFFFFFFF9, s22;
	v10 =	vadd.s32 s24, v0;
	v6 =	vadd.s32 s23, v0;
	v22 =	vsub.f32 v23, v25;
	v5 =	vld.idx.msk [tilespmem:v27+s11+$0x0], $0xffff  }
0x45: {  	v24 =	vand.u32 $0x7F, v10;
	v23 =	vadd.s32 s25, v0;
	v21 =	vand.u32 $0x7F, v6;
	v6 =	vld.idx.msk [tilespmem:v27+s12+$0x0], $0xffff  }
0x46: {  	s22 =	sadd.s32 $0x8, s22;
	v25 =	vand.u32 $0x7F, v23;
	v23 =	vmul.f32 v22, v22;
	v22 =	vsub.f32 v28, v26;
	v10 =	vld.idx.msk [tilespmem:v19+s11+$0x0], $0xffff  }
0x47: {  	_ =	sdelay $0x3  }
0x48: {  	v24 =	vor.u32 v1, v24;
	v19 =	vld.idx.msk [tilespmem:v19+s12+$0x0], $0xffff  }
0x49: {  	v25 =	vor.u32 v1, v25;
	v26 =	vld.idx.msk [tilespmem:v17+s11+$0x0], $0xffff  }
0x4a: {  	v17 =	vld.idx.msk [tilespmem:v17+s12+$0x0], $0xffff  }
0x4b: {  	s21 =	sadd.s32 $0xFFFFFFFF, s21;
	v21 =	vor.u32 v1, v21;
	v27 =	vld.idx.msk [tilespmem:v12+s11+$0x0], $0xffff  }
0x4c: {  	v7 =	vsub.f32 v7, v18;
	v12 =	vld.idx.msk [tilespmem:v12+s12+$0x0], $0xffff;
	v18 =	vadd.s32 s21, v0  }
0x4d: {  	v8 =	vadd.f32 v23, v8;
	v22 =	vmul.f32 v22, v22;
	v18 =	vand.u32 $0x7F, v18;
	v23 =	vld.idx.msk [tilespmem:v24+s11+$0x0], $0xffff  }
0x4e: {  	v15 =	vadd.f32 v20, v15;
	v18 =	vor.u32 v1, v18;
	v20 =	vld.idx.msk [tilespmem:v25+s11+$0x0], $0xffff  }
0x4f: {  	v13 =	vsub.f32 v13, v16;
	v7 =	vmul.f32 v7, v7;
	v8 =	vadd.f32 v22, v8;
	v16 =	vld.idx.msk [tilespmem:v25+s12+$0x0], $0xffff  }
0x50: {  	v14 =	vadd.f32 v14, v15;
	v22 =	vld.idx.msk [tilespmem:v21+s11+$0x0], $0xffff  }
0x51: {  	v7 =	vadd.f32 v7, v8;
	v8 =	vmul.f32 v13, v13;
	v13 =	vld.idx.msk [tilespmem:v21+s12+$0x0], $0xffff  }
0x52: {  	v9 =	vadd.f32 v9, v14;
	v15 =	vld.idx.msk [tilespmem:v24+s12+$0x0], $0xffff  }
0x53: {  	v11 =	vmul.f32 v11, v11;
	v12 =	vsub.f32 v27, v12;
	v7 =	vadd.f32 v8, v7;
	v8 =	vld.idx.msk [tilespmem:v18+s11+$0x0], $0xffff  }
0x54: {  	v14 =	vld.idx.msk [tilespmem:v18+s12+$0x0], $0xffff;
	v16 =	vsub.f32 v20, v16  }
0x55: {  	v9 =	vadd.f32 v11, v9;
	v11 =	vsub.f32 v26, v17;
	v12 =	vmul.f32 v12, v12  }
0x56: {  	v13 =	vsub.f32 v22, v13;
	v16 =	vmul.f32 v16, v16  }
0x57: {  	v10 =	vsub.f32 v10, v19;
	v11 =	vmul.f32 v11, v11;
	v9 =	vadd.f32 v12, v9  }
0x58: {  	v15 =	vsub.f32 v23, v15;
	v12 =	vmul.f32 v13, v13;
	v7 =	vadd.f32 v16, v7  }
0x59: {  	v5 =	vsub.f32 v5, v6;
	v10 =	vmul.f32 v10, v10;
	v6 =	vsub.f32 v8, v14  }
0x5a: {  	v8 =	vadd.f32 v11, v9;
	v9 =	vmul.f32 v15, v15;
	v7 =	vadd.f32 v12, v7  }
0x5b: {  	v5 =	vmul.f32 v5, v5  }
0x5c: {  	v8 =	vadd.f32 v10, v8;
	v6 =	vmul.f32 v6, v6;
	v7 =	vadd.f32 v9, v7;
	_ =	sdelay $0x1  }
0x5d: {  	v5 =	vadd.f32 v5, v8;
	v6 =	vadd.f32 v6, v7;
	_ =	sdelay $0x1  }
0x5e: {  	v5 =	vadd.f32 v5, v6;
	_ =	sdelay $0x1  }
0x5f: {  	v5 =	vadd.f32 $-2.000000000e+00, v5;
	_ =	sdelay $0x1  }
0x60: {  	v5 =	vmul.f32 $1.442695020e+00, v5;
	_ =	sdelay $0x1  }
0x61: {  	(erf) = vpow2.f32 v5;
	_ =	sdelay $0x8  }
0x62: {  	v5 =	vpop (erf)  }
0x63: {  	v5 =	vadd.f32 $1.000000000e+00, v5;
	_ =	sdelay $0x1  }
0x64: {  	(erf) = vrcp.f32 v5;
	_ =	sdelay $0x2  }
0x65: {  	s31 =	simm.s32 $0x7  }
0x66: {  	v5 =	vadd.s32 s31, v0  }
0x67: {  	s22 =	simm.s32 $0x5;
	v5 =	vand.u32 $0x7F, v5  }
0x68: {  	v6 =	vadd.s32 s22, v0;
	v5 =	vor.u32 v2, v5  }
0x69: {  	s22 =	simm.s32 $0x3;
	v6 =	vand.u32 $0x7F, v6  }
0x6a: {  	s21 =	smul.u32 $0xA0, s20;
	v7 =	vadd.s32 s22, v0;
	v6 =	vor.u32 v2, v6  }
0x6b: {  	s25 =	simm.s32 $0x2;
	v7 =	vand.u32 $0x7F, v7;
	v8 =	vpop (erf)  }
0x6c: {  	v13 =	vadd.s32 s25, v0;
	v7 =	vor.u32 v2, v7;
	[tilespmem:s21+$0x4F00] =	vst v8  }
0x6d: {  	s23 =	simm.s32 $0x1;
	v13 =	vand.u32 $0x7F, v13;
	v10 =	vld.idx.msk [tilespmem:v5+s11+$0x0], $0xffff  }
0x6e: {  	v13 =	vor.u32 v2, v13;
	v8 =	vadd.s32 s23, v0;
	v5 =	vld.idx.msk [tilespmem:v5+s12+$0x0], $0xffff  }
0x6f: {  	s23 =	simm.s32 $0x0;
	v8 =	vand.u32 $0x7F, v8;
	v12 =	vld.idx.msk [tilespmem:v6+s11+$0x0], $0xffff  }
0x70: {  	v11 =	vadd.s32 s23, v0;
	v6 =	vld.idx.msk [tilespmem:v6+s12+$0x0], $0xffff;
	v8 =	vor.u32 v2, v8  }
0x71: {  	s24 =	simm.s32 $0x4;
	v14 =	vld.idx.msk [tilespmem:v7+s11+$0x0], $0xffff;
	v11 =	vand.u32 $0x7F, v11  }
0x72: {  	v9 =	vadd.s32 s24, v0;
	v15 =	vld.idx.msk [tilespmem:v7+s12+$0x0], $0xffff;
	v11 =	vor.u32 v2, v11  }
0x73: {  	s26 =	simm.s32 $0x6;
	v9 =	vand.u32 $0x7F, v9;
	v26 =	vld.idx.msk [tilespmem:v13+s11+$0x0], $0xffff  }
0x74: {  	v9 =	vor.u32 v2, v9;
	s22 =	simm.s32 $0xF;
	v7 =	vadd.s32 s26, v0;
	v27 =	vld.idx.msk [tilespmem:v13+s12+$0x0], $0xffff  }
0x75: {  	s28 =	simm.s32 $0xD;
	v19 =	vadd.s32 s22, v0;
	v18 =	vand.u32 $0x7F, v7;
	v16 =	vld.idx.msk [tilespmem:v8+s11+$0x0], $0xffff  }
0x76: {  	v20 =	vadd.s32 s28, v0;
	s24 =	simm.s32 $0xB;
	v22 =	vor.u32 v2, v18;
	v18 =	vand.u32 $0x7F, v19;
	v17 =	vld.idx.msk [tilespmem:v8+s12+$0x0], $0xffff  }
0x77: {  	v20 =	vand.u32 $0x7F, v20;
	v19 =	vadd.s32 s24, v0;
	v25 =	vor.u32 v2, v18;
	v21 =	vld.idx.msk [tilespmem:v11+s11+$0x0], $0xffff  }
0x78: {  	s29 =	simm.s32 $0x9;
	v24 =	vand.u32 $0x7F, v19;
	v6 =	vsub.f32 v12, v6;
	v14 =	vsub.f32 v14, v15;
	v23 =	vld.idx.msk [tilespmem:v11+s12+$0x0], $0xffff  }
0x79: {  	v7 =	vld.idx.msk [tilespmem:v9+s11+$0x0], $0xffff;
	v19 =	vor.u32 v2, v20;
	v8 =	vimm.f32 $0.0e+00;
	v11 =	vadd.s32 s29, v0  }
0x7a: {  	s30 =	simm.s32 $0xA;
	v18 =	vld.idx.msk [tilespmem:v9+s12+$0x0], $0xffff;
	v9 =	vmul.f32 v6, v6;
	v14 =	vmul.f32 v14, v14;
	v11 =	vand.u32 $0x7F, v11  }
0x7b: {  	s31 =	simm.s32 $0xC;
	v13 =	vld.idx.msk [tilespmem:v22+s11+$0x0], $0xffff;
	v6 =	vadd.s32 s30, v0;
	v12 =	vor.u32 v2, v11;
	v16 =	vsub.f32 v16, v17  }
0x7c: {  	s25 =	simm.s32 $0x8;
	v11 =	vsub.f32 v10, v5;
	v10 =	vadd.s32 s31, v0;
	v5 =	vld.idx.msk [tilespmem:v25+s11+$0x0], $0xffff;
	v17 =	vor.u32 v2, v24  }
0x7d: {  	v15 =	vsub.f32 v21, v23;
	v20 =	vmul.f32 v16, v16;
	v16 =	vld.idx.msk [tilespmem:v22+s12+$0x0], $0xffff;
	v22 =	vadd.s32 s25, v0  }
0x7e: {  	v24 =	vand.u32 $0x7F, v10;
	v21 =	vand.u32 $0x7F, v6;
	v6 =	vld.idx.msk [tilespmem:v25+s12+$0x0], $0xffff;
	v25 =	vand.u32 $0x7F, v22  }
0x7f: {  	s23 =	simm.s32 $0x17;
	v10 =	vld.idx.msk [tilespmem:v19+s11+$0x0], $0xffff;
	v23 =	vmul.f32 v15, v15;
	v22 =	vsub.f32 v26, v27;
	v15 =	vimm.f32 $0.0e+00  }
.LBB2_5:
0x80: {  	p0 =	sne.s32 s23, $0x7F;
	v25 =	vor.u32 v2, v25;
	v24 =	vor.u32 v2, v24;
	v19 =	vld.idx.msk [tilespmem:v19+s12+$0x0], $0xffff;
	v7 =	vsub.f32 v7, v18  }
0x81: {  	s24 =	sadd.s32 $0xFFFFFFFF, s22;
	v15 =	vadd.f32 v20, v15;
	s22 =	smov.u32 s23;
	v18 =	vld.idx.msk [tilespmem:v17+s11+$0x0], $0xffff;
	v8 =	vadd.f32 v23, v8;
	v20 =	vmul.f32 v22, v22  }
0x82: {  	v21 =	vor.u32 v2, v21;
	v22 =	vadd.s32 s24, v0;
	v13 =	vsub.f32 v13, v16;
	v17 =	vld.idx.msk [tilespmem:v17+s12+$0x0], $0xffff  }
0x83: {  	v14 =	vadd.f32 v14, v15;
	v15 =	vmul.f32 v7, v7;
	v16 =	vld.idx.msk [tilespmem:v12+s11+$0x0], $0xffff;
	v8 =	vadd.f32 v20, v8  }
0x84: {  	v11 =	vmul.f32 v11, v11;
	v22 =	vand.u32 $0x7F, v22;
	v20 =	vadd.s32 s23, v0;
	v12 =	vld.idx.msk [tilespmem:v12+s12+$0x0], $0xffff  }
0x85: {  	s24 =	sadd.s32 $0xFFFFFFFE, s23;
	v13 =	vmul.f32 v13, v13;
	v9 =	vadd.f32 v9, v14;
	v7 =	vld.idx.msk [tilespmem:v24+s11+$0x0], $0xffff;
	v8 =	vadd.f32 v15, v8  }
0x86: {  	s25 =	sadd.s32 $0xFFFFFFFC, s23;
	v22 =	vor.u32 v2, v22;
	v14 =	vadd.s32 s24, v0;
	v20 =	vand.u32 $0x7F, v20;
	v23 =	vld.idx.msk [tilespmem:v25+s11+$0x0], $0xffff  }
0x87: {  	v26 =	vadd.s32 s25, v0;
	s24 =	sadd.s32 $0xFFFFFFFA, s23;
	v15 =	vadd.f32 v11, v9;
	v25 =	vld.idx.msk [tilespmem:v25+s12+$0x0], $0xffff;
	v8 =	vadd.f32 v13, v8  }
0x88: {  	v27 =	vor.u32 v2, v20;
	v9 =	vadd.s32 s24, v0;
	v11 =	vand.u32 $0x7F, v14;
	v28 =	vld.idx.msk [tilespmem:v21+s11+$0x0], $0xffff  }
0x89: {  	v10 =	vsub.f32 v10, v19;
	v9 =	vand.u32 $0x7F, v9;
	v13 =	vand.u32 $0x7F, v26;
	v26 =	vld.idx.msk [tilespmem:v21+s12+$0x0], $0xffff  }
0x8a: {  	v19 =	vor.u32 v2, v11;
	v14 =	vsub.f32 v18, v17;
	v11 =	vsub.f32 v16, v12;
	v18 =	vld.idx.msk [tilespmem:v24+s12+$0x0], $0xffff  }
.Ltmp1:
0x8b: {  	v17 =	vor.u32 v2, v13;
	v12 =	vor.u32 v2, v9;
	v9 =	vmul.f32 v10, v10;
	v13 =	vld.idx.msk [tilespmem:v22+s11+$0x0], $0xffff;
	(pc) =	sbr.rel @p0 .LBB2_5-.Ltmp1, $4  }
0x8c: {  	s25 =	sadd.s32 $0xFFFFFFFD, s23;
	s24 =	sadd.s32 $0xFFFFFFFB, s23;
	v14 =	vmul.f32 v14, v14;
	v20 =	vmul.f32 v11, v11;
	v11 =	vsub.f32 v5, v6;
	v16 =	vld.idx.msk [tilespmem:v22+s12+$0x0], $0xffff  }
0x8d: {  	s26 =	sadd.s32 $0xFFFFFFF9, s23;
	v10 =	vadd.s32 s25, v0;
	v6 =	vadd.s32 s24, v0;
	v22 =	vsub.f32 v23, v25;
	v5 =	vld.idx.msk [tilespmem:v27+s11+$0x0], $0xffff  }
0x8e: {  	v24 =	vand.u32 $0x7F, v10;
	v23 =	vadd.s32 s26, v0;
	v21 =	vand.u32 $0x7F, v6;
	v6 =	vld.idx.msk [tilespmem:v27+s12+$0x0], $0xffff  }
0x8f: {  	s23 =	sadd.s32 $0x8, s23;
	v25 =	vand.u32 $0x7F, v23;
	v23 =	vmul.f32 v22, v22;
	v22 =	vsub.f32 v28, v26;
	v10 =	vld.idx.msk [tilespmem:v19+s11+$0x0], $0xffff  }
0x90: {  	_ =	sdelay $0x3  }
0x91: {  	v24 =	vor.u32 v2, v24;
	v19 =	vld.idx.msk [tilespmem:v19+s12+$0x0], $0xffff  }
0x92: {  	v25 =	vor.u32 v2, v25;
	v26 =	vld.idx.msk [tilespmem:v17+s11+$0x0], $0xffff  }
0x93: {  	v17 =	vld.idx.msk [tilespmem:v17+s12+$0x0], $0xffff  }
0x94: {  	s22 =	sadd.s32 $0xFFFFFFFF, s22;
	v21 =	vor.u32 v2, v21;
	v27 =	vld.idx.msk [tilespmem:v12+s11+$0x0], $0xffff  }
0x95: {  	v7 =	vsub.f32 v7, v18;
	v12 =	vld.idx.msk [tilespmem:v12+s12+$0x0], $0xffff;
	v18 =	vadd.s32 s22, v0  }
0x96: {  	v8 =	vadd.f32 v23, v8;
	v22 =	vmul.f32 v22, v22;
	v18 =	vand.u32 $0x7F, v18;
	v23 =	vld.idx.msk [tilespmem:v24+s11+$0x0], $0xffff  }
0x97: {  	v15 =	vadd.f32 v20, v15;
	v18 =	vor.u32 v2, v18;
	v20 =	vld.idx.msk [tilespmem:v25+s11+$0x0], $0xffff  }
0x98: {  	v13 =	vsub.f32 v13, v16;
	v7 =	vmul.f32 v7, v7;
	v8 =	vadd.f32 v22, v8;
	v16 =	vld.idx.msk [tilespmem:v25+s12+$0x0], $0xffff  }
0x99: {  	v14 =	vadd.f32 v14, v15;
	v22 =	vld.idx.msk [tilespmem:v21+s11+$0x0], $0xffff  }
0x9a: {  	v7 =	vadd.f32 v7, v8;
	v8 =	vmul.f32 v13, v13;
	v13 =	vld.idx.msk [tilespmem:v21+s12+$0x0], $0xffff  }
0x9b: {  	v9 =	vadd.f32 v9, v14;
	v15 =	vld.idx.msk [tilespmem:v24+s12+$0x0], $0xffff  }
0x9c: {  	v11 =	vmul.f32 v11, v11;
	v12 =	vsub.f32 v27, v12;
	v7 =	vadd.f32 v8, v7;
	v8 =	vld.idx.msk [tilespmem:v18+s11+$0x0], $0xffff  }
0x9d: {  	v14 =	vld.idx.msk [tilespmem:v18+s12+$0x0], $0xffff;
	v16 =	vsub.f32 v20, v16  }
0x9e: {  	v9 =	vadd.f32 v11, v9;
	v11 =	vsub.f32 v26, v17;
	v12 =	vmul.f32 v12, v12  }
0x9f: {  	v13 =	vsub.f32 v22, v13;
	v16 =	vmul.f32 v16, v16  }
0xa0: {  	v10 =	vsub.f32 v10, v19;
	v11 =	vmul.f32 v11, v11;
	v9 =	vadd.f32 v12, v9  }
0xa1: {  	v15 =	vsub.f32 v23, v15;
	v12 =	vmul.f32 v13, v13;
	v7 =	vadd.f32 v16, v7  }
0xa2: {  	v5 =	vsub.f32 v5, v6;
	v10 =	vmul.f32 v10, v10;
	v6 =	vsub.f32 v8, v14  }
0xa3: {  	v8 =	vadd.f32 v11, v9;
	v9 =	vmul.f32 v15, v15;
	v7 =	vadd.f32 v12, v7  }
0xa4: {  	v5 =	vmul.f32 v5, v5  }
0xa5: {  	v8 =	vadd.f32 v10, v8;
	v6 =	vmul.f32 v6, v6;
	v7 =	vadd.f32 v9, v7;
	_ =	sdelay $0x1  }
0xa6: {  	v5 =	vadd.f32 v5, v8;
	v6 =	vadd.f32 v6, v7;
	_ =	sdelay $0x1  }
0xa7: {  	v5 =	vadd.f32 v5, v6;
	_ =	sdelay $0x1  }
0xa8: {  	v5 =	vadd.f32 $-2.000000000e+00, v5;
	_ =	sdelay $0x1  }
0xa9: {  	v5 =	vmul.f32 $1.442695020e+00, v5;
	_ =	sdelay $0x1  }
0xaa: {  	(erf) = vpow2.f32 v5;
	_ =	sdelay $0x8  }
0xab: {  	v5 =	vpop (erf)  }
0xac: {  	v5 =	vadd.f32 $1.000000000e+00, v5;
	_ =	sdelay $0x1  }
0xad: {  	(erf) = vrcp.f32 v5;
	_ =	sdelay $0x2  }
0xae: {  	s29 =	simm.s32 $0x7  }
0xaf: {  	v5 =	vadd.s32 s29, v0  }
0xb0: {  	s30 =	simm.s32 $0x5;
	v5 =	vand.u32 $0x7F, v5  }
0xb1: {  	v6 =	vadd.s32 s30, v0;
	v5 =	vor.u32 v3, v5  }
0xb2: {  	s31 =	simm.s32 $0x3;
	v6 =	vand.u32 $0x7F, v6  }
0xb3: {  	v7 =	vadd.s32 s31, v0;
	v6 =	vor.u32 v3, v6  }
0xb4: {  	s25 =	simm.s32 $0x2;
	v7 =	vand.u32 $0x7F, v7;
	v8 =	vpop (erf)  }
0xb5: {  	v13 =	vadd.s32 s25, v0;
	v7 =	vor.u32 v3, v7;
	[tilespmem:s21+$0x4F10] =	vst v8  }
0xb6: {  	s23 =	simm.s32 $0x1;
	v13 =	vand.u32 $0x7F, v13;
	v10 =	vld.idx.msk [tilespmem:v5+s11+$0x0], $0xffff  }
0xb7: {  	v13 =	vor.u32 v3, v13;
	v8 =	vadd.s32 s23, v0;
	v5 =	vld.idx.msk [tilespmem:v5+s12+$0x0], $0xffff  }
0xb8: {  	s23 =	simm.s32 $0x0;
	v8 =	vand.u32 $0x7F, v8;
	v12 =	vld.idx.msk [tilespmem:v6+s11+$0x0], $0xffff  }
0xb9: {  	v11 =	vadd.s32 s23, v0;
	v6 =	vld.idx.msk [tilespmem:v6+s12+$0x0], $0xffff;
	v8 =	vor.u32 v3, v8  }
0xba: {  	s24 =	simm.s32 $0x4;
	v14 =	vld.idx.msk [tilespmem:v7+s11+$0x0], $0xffff;
	v11 =	vand.u32 $0x7F, v11  }
0xbb: {  	v9 =	vadd.s32 s24, v0;
	v15 =	vld.idx.msk [tilespmem:v7+s12+$0x0], $0xffff;
	v11 =	vor.u32 v3, v11  }
0xbc: {  	s26 =	simm.s32 $0x6;
	v9 =	vand.u32 $0x7F, v9;
	v26 =	vld.idx.msk [tilespmem:v13+s11+$0x0], $0xffff  }
0xbd: {  	s22 =	simm.s32 $0xF;
	v9 =	vor.u32 v3, v9;
	v7 =	vadd.s32 s26, v0;
	v27 =	vld.idx.msk [tilespmem:v13+s12+$0x0], $0xffff  }
0xbe: {  	s28 =	simm.s32 $0xD;
	v19 =	vadd.s32 s22, v0;
	v18 =	vand.u32 $0x7F, v7;
	v16 =	vld.idx.msk [tilespmem:v8+s11+$0x0], $0xffff  }
0xbf: {  	v20 =	vadd.s32 s28, v0;
	s24 =	simm.s32 $0xB;
	v22 =	vor.u32 v3, v18;
	v18 =	vand.u32 $0x7F, v19;
	v17 =	vld.idx.msk [tilespmem:v8+s12+$0x0], $0xffff  }
0xc0: {  	v20 =	vand.u32 $0x7F, v20;
	v19 =	vadd.s32 s24, v0;
	v25 =	vor.u32 v3, v18;
	v21 =	vld.idx.msk [tilespmem:v11+s11+$0x0], $0xffff  }
0xc1: {  	s29 =	simm.s32 $0x9;
	v24 =	vand.u32 $0x7F, v19;
	v6 =	vsub.f32 v12, v6;
	v14 =	vsub.f32 v14, v15;
	v23 =	vld.idx.msk [tilespmem:v11+s12+$0x0], $0xffff  }
0xc2: {  	v7 =	vld.idx.msk [tilespmem:v9+s11+$0x0], $0xffff;
	v19 =	vor.u32 v3, v20;
	v8 =	vimm.f32 $0.0e+00;
	v11 =	vadd.s32 s29, v0  }
0xc3: {  	s30 =	simm.s32 $0xA;
	v18 =	vld.idx.msk [tilespmem:v9+s12+$0x0], $0xffff;
	v9 =	vmul.f32 v6, v6;
	v14 =	vmul.f32 v14, v14;
	v11 =	vand.u32 $0x7F, v11  }
0xc4: {  	s31 =	simm.s32 $0xC;
	v13 =	vld.idx.msk [tilespmem:v22+s11+$0x0], $0xffff;
	v6 =	vadd.s32 s30, v0;
	v12 =	vor.u32 v3, v11;
	v16 =	vsub.f32 v16, v17  }
0xc5: {  	s25 =	simm.s32 $0x8;
	v11 =	vsub.f32 v10, v5;
	v10 =	vadd.s32 s31, v0;
	v5 =	vld.idx.msk [tilespmem:v25+s11+$0x0], $0xffff;
	v17 =	vor.u32 v3, v24  }
0xc6: {  	v15 =	vsub.f32 v21, v23;
	v20 =	vmul.f32 v16, v16;
	v16 =	vld.idx.msk [tilespmem:v22+s12+$0x0], $0xffff;
	v22 =	vadd.s32 s25, v0  }
0xc7: {  	v24 =	vand.u32 $0x7F, v10;
	v21 =	vand.u32 $0x7F, v6;
	v6 =	vld.idx.msk [tilespmem:v25+s12+$0x0], $0xffff;
	v25 =	vand.u32 $0x7F, v22  }
0xc8: {  	s23 =	simm.s32 $0x17;
	v10 =	vld.idx.msk [tilespmem:v19+s11+$0x0], $0xffff;
	v23 =	vmul.f32 v15, v15;
	v22 =	vsub.f32 v26, v27;
	v15 =	vimm.f32 $0.0e+00  }
.LBB2_7:
0xc9: {  	p0 =	sne.s32 s23, $0x7F;
	v25 =	vor.u32 v3, v25;
	v24 =	vor.u32 v3, v24;
	v19 =	vld.idx.msk [tilespmem:v19+s12+$0x0], $0xffff;
	v7 =	vsub.f32 v7, v18  }
0xca: {  	s24 =	sadd.s32 $0xFFFFFFFF, s22;
	v15 =	vadd.f32 v20, v15;
	s22 =	smov.u32 s23;
	v18 =	vld.idx.msk [tilespmem:v17+s11+$0x0], $0xffff;
	v8 =	vadd.f32 v23, v8;
	v20 =	vmul.f32 v22, v22  }
0xcb: {  	v21 =	vor.u32 v3, v21;
	v22 =	vadd.s32 s24, v0;
	v13 =	vsub.f32 v13, v16;
	v17 =	vld.idx.msk [tilespmem:v17+s12+$0x0], $0xffff  }
0xcc: {  	v14 =	vadd.f32 v14, v15;
	v15 =	vmul.f32 v7, v7;
	v16 =	vld.idx.msk [tilespmem:v12+s11+$0x0], $0xffff;
	v8 =	vadd.f32 v20, v8  }
0xcd: {  	v11 =	vmul.f32 v11, v11;
	v22 =	vand.u32 $0x7F, v22;
	v20 =	vadd.s32 s23, v0;
	v12 =	vld.idx.msk [tilespmem:v12+s12+$0x0], $0xffff  }
0xce: {  	s24 =	sadd.s32 $0xFFFFFFFE, s23;
	v13 =	vmul.f32 v13, v13;
	v9 =	vadd.f32 v9, v14;
	v7 =	vld.idx.msk [tilespmem:v24+s11+$0x0], $0xffff;
	v8 =	vadd.f32 v15, v8  }
0xcf: {  	s25 =	sadd.s32 $0xFFFFFFFC, s23;
	v22 =	vor.u32 v3, v22;
	v14 =	vadd.s32 s24, v0;
	v20 =	vand.u32 $0x7F, v20;
	v23 =	vld.idx.msk [tilespmem:v25+s11+$0x0], $0xffff  }
0xd0: {  	v26 =	vadd.s32 s25, v0;
	s24 =	sadd.s32 $0xFFFFFFFA, s23;
	v15 =	vadd.f32 v11, v9;
	v25 =	vld.idx.msk [tilespmem:v25+s12+$0x0], $0xffff;
	v8 =	vadd.f32 v13, v8  }
0xd1: {  	v27 =	vor.u32 v3, v20;
	v9 =	vadd.s32 s24, v0;
	v11 =	vand.u32 $0x7F, v14;
	v28 =	vld.idx.msk [tilespmem:v21+s11+$0x0], $0xffff  }
0xd2: {  	v10 =	vsub.f32 v10, v19;
	v9 =	vand.u32 $0x7F, v9;
	v13 =	vand.u32 $0x7F, v26;
	v26 =	vld.idx.msk [tilespmem:v21+s12+$0x0], $0xffff  }
0xd3: {  	v19 =	vor.u32 v3, v11;
	v14 =	vsub.f32 v18, v17;
	v11 =	vsub.f32 v16, v12;
	v18 =	vld.idx.msk [tilespmem:v24+s12+$0x0], $0xffff  }
.Ltmp2:
0xd4: {  	v17 =	vor.u32 v3, v13;
	v12 =	vor.u32 v3, v9;
	v9 =	vmul.f32 v10, v10;
	v13 =	vld.idx.msk [tilespmem:v22+s11+$0x0], $0xffff;
	(pc) =	sbr.rel @p0 .LBB2_7-.Ltmp2, $4  }
0xd5: {  	s25 =	sadd.s32 $0xFFFFFFFD, s23;
	s24 =	sadd.s32 $0xFFFFFFFB, s23;
	v14 =	vmul.f32 v14, v14;
	v20 =	vmul.f32 v11, v11;
	v11 =	vsub.f32 v5, v6;
	v16 =	vld.idx.msk [tilespmem:v22+s12+$0x0], $0xffff  }
0xd6: {  	s26 =	sadd.s32 $0xFFFFFFF9, s23;
	v10 =	vadd.s32 s25, v0;
	v6 =	vadd.s32 s24, v0;
	v22 =	vsub.f32 v23, v25;
	v5 =	vld.idx.msk [tilespmem:v27+s11+$0x0], $0xffff  }
0xd7: {  	v24 =	vand.u32 $0x7F, v10;
	v23 =	vadd.s32 s26, v0;
	v21 =	vand.u32 $0x7F, v6;
	v6 =	vld.idx.msk [tilespmem:v27+s12+$0x0], $0xffff  }
0xd8: {  	s23 =	sadd.s32 $0x8, s23;
	v25 =	vand.u32 $0x7F, v23;
	v23 =	vmul.f32 v22, v22;
	v22 =	vsub.f32 v28, v26;
	v10 =	vld.idx.msk [tilespmem:v19+s11+$0x0], $0xffff  }
0xd9: {  	_ =	sdelay $0x3  }
0xda: {  	v24 =	vor.u32 v3, v24;
	v19 =	vld.idx.msk [tilespmem:v19+s12+$0x0], $0xffff  }
0xdb: {  	v25 =	vor.u32 v3, v25;
	v26 =	vld.idx.msk [tilespmem:v17+s11+$0x0], $0xffff  }
0xdc: {  	v17 =	vld.idx.msk [tilespmem:v17+s12+$0x0], $0xffff  }
0xdd: {  	s22 =	sadd.s32 $0xFFFFFFFF, s22;
	v21 =	vor.u32 v3, v21;
	v27 =	vld.idx.msk [tilespmem:v12+s11+$0x0], $0xffff  }
0xde: {  	v7 =	vsub.f32 v7, v18;
	v12 =	vld.idx.msk [tilespmem:v12+s12+$0x0], $0xffff;
	v18 =	vadd.s32 s22, v0  }
0xdf: {  	v8 =	vadd.f32 v23, v8;
	v22 =	vmul.f32 v22, v22;
	v18 =	vand.u32 $0x7F, v18;
	v23 =	vld.idx.msk [tilespmem:v24+s11+$0x0], $0xffff  }
0xe0: {  	v15 =	vadd.f32 v20, v15;
	v18 =	vor.u32 v3, v18;
	v20 =	vld.idx.msk [tilespmem:v25+s11+$0x0], $0xffff  }
0xe1: {  	v13 =	vsub.f32 v13, v16;
	v7 =	vmul.f32 v7, v7;
	v8 =	vadd.f32 v22, v8;
	v16 =	vld.idx.msk [tilespmem:v25+s12+$0x0], $0xffff  }
0xe2: {  	v14 =	vadd.f32 v14, v15;
	v22 =	vld.idx.msk [tilespmem:v21+s11+$0x0], $0xffff  }
0xe3: {  	v7 =	vadd.f32 v7, v8;
	v8 =	vmul.f32 v13, v13;
	v13 =	vld.idx.msk [tilespmem:v21+s12+$0x0], $0xffff  }
0xe4: {  	v9 =	vadd.f32 v9, v14;
	v15 =	vld.idx.msk [tilespmem:v24+s12+$0x0], $0xffff  }
0xe5: {  	v11 =	vmul.f32 v11, v11;
	v12 =	vsub.f32 v27, v12;
	v7 =	vadd.f32 v8, v7;
	v8 =	vld.idx.msk [tilespmem:v18+s11+$0x0], $0xffff  }
0xe6: {  	v14 =	vld.idx.msk [tilespmem:v18+s12+$0x0], $0xffff;
	v16 =	vsub.f32 v20, v16  }
0xe7: {  	v9 =	vadd.f32 v11, v9;
	v11 =	vsub.f32 v26, v17;
	v12 =	vmul.f32 v12, v12  }
0xe8: {  	v13 =	vsub.f32 v22, v13;
	v16 =	vmul.f32 v16, v16  }
0xe9: {  	v10 =	vsub.f32 v10, v19;
	v11 =	vmul.f32 v11, v11;
	v9 =	vadd.f32 v12, v9  }
0xea: {  	v15 =	vsub.f32 v23, v15;
	v12 =	vmul.f32 v13, v13;
	v7 =	vadd.f32 v16, v7  }
0xeb: {  	v5 =	vsub.f32 v5, v6;
	v10 =	vmul.f32 v10, v10;
	v6 =	vsub.f32 v8, v14  }
0xec: {  	v8 =	vadd.f32 v11, v9;
	v9 =	vmul.f32 v15, v15;
	v7 =	vadd.f32 v12, v7  }
0xed: {  	v5 =	vmul.f32 v5, v5  }
0xee: {  	v8 =	vadd.f32 v10, v8;
	v6 =	vmul.f32 v6, v6;
	v7 =	vadd.f32 v9, v7;
	_ =	sdelay $0x1  }
0xef: {  	v5 =	vadd.f32 v5, v8;
	v6 =	vadd.f32 v6, v7;
	_ =	sdelay $0x1  }
0xf0: {  	v5 =	vadd.f32 v5, v6;
	_ =	sdelay $0x1  }
0xf1: {  	v5 =	vadd.f32 $-2.000000000e+00, v5;
	_ =	sdelay $0x1  }
0xf2: {  	v5 =	vmul.f32 $1.442695020e+00, v5;
	_ =	sdelay $0x1  }
0xf3: {  	(erf) = vpow2.f32 v5;
	_ =	sdelay $0x8  }
0xf4: {  	v5 =	vpop (erf)  }
0xf5: {  	v5 =	vadd.f32 $1.000000000e+00, v5;
	_ =	sdelay $0x1  }
0xf6: {  	(erf) = vrcp.f32 v5;
	_ =	sdelay $0x2  }
0xf7: {  	s29 =	simm.s32 $0x7  }
0xf8: {  	v5 =	vadd.s32 s29, v0  }
0xf9: {  	s30 =	simm.s32 $0x5;
	v5 =	vand.u32 $0x7F, v5  }
0xfa: {  	v6 =	vadd.s32 s30, v0;
	v5 =	vor.u32 v4, v5  }
0xfb: {  	s31 =	simm.s32 $0x3;
	v6 =	vand.u32 $0x7F, v6  }
0xfc: {  	v7 =	vadd.s32 s31, v0;
	v6 =	vor.u32 v4, v6  }
0xfd: {  	s25 =	simm.s32 $0x2;
	v7 =	vand.u32 $0x7F, v7;
	v8 =	vpop (erf)  }
0xfe: {  	v13 =	vadd.s32 s25, v0;
	v7 =	vor.u32 v4, v7;
	[tilespmem:s21+$0x4F20] =	vst v8  }
0xff: {  	s23 =	simm.s32 $0x1;
	v13 =	vand.u32 $0x7F, v13;
	v10 =	vld.idx.msk [tilespmem:v5+s11+$0x0], $0xffff  }
0x100: {  	v13 =	vor.u32 v4, v13;
	v8 =	vadd.s32 s23, v0;
	v5 =	vld.idx.msk [tilespmem:v5+s12+$0x0], $0xffff  }
0x101: {  	s23 =	simm.s32 $0x0;
	v8 =	vand.u32 $0x7F, v8;
	v12 =	vld.idx.msk [tilespmem:v6+s11+$0x0], $0xffff  }
0x102: {  	v11 =	vadd.s32 s23, v0;
	v6 =	vld.idx.msk [tilespmem:v6+s12+$0x0], $0xffff;
	v8 =	vor.u32 v4, v8  }
0x103: {  	s24 =	simm.s32 $0x4;
	v14 =	vld.idx.msk [tilespmem:v7+s11+$0x0], $0xffff;
	v11 =	vand.u32 $0x7F, v11  }
0x104: {  	v9 =	vadd.s32 s24, v0;
	v15 =	vld.idx.msk [tilespmem:v7+s12+$0x0], $0xffff;
	v11 =	vor.u32 v4, v11  }
0x105: {  	s26 =	simm.s32 $0x6;
	v9 =	vand.u32 $0x7F, v9;
	v26 =	vld.idx.msk [tilespmem:v13+s11+$0x0], $0xffff  }
0x106: {  	s22 =	simm.s32 $0xF;
	v9 =	vor.u32 v4, v9;
	v7 =	vadd.s32 s26, v0;
	v27 =	vld.idx.msk [tilespmem:v13+s12+$0x0], $0xffff  }
0x107: {  	s28 =	simm.s32 $0xD;
	v19 =	vadd.s32 s22, v0;
	v18 =	vand.u32 $0x7F, v7;
	v16 =	vld.idx.msk [tilespmem:v8+s11+$0x0], $0xffff  }
0x108: {  	v20 =	vadd.s32 s28, v0;
	s24 =	simm.s32 $0xB;
	v22 =	vor.u32 v4, v18;
	v18 =	vand.u32 $0x7F, v19;
	v17 =	vld.idx.msk [tilespmem:v8+s12+$0x0], $0xffff  }
0x109: {  	v20 =	vand.u32 $0x7F, v20;
	v19 =	vadd.s32 s24, v0;
	v25 =	vor.u32 v4, v18;
	v21 =	vld.idx.msk [tilespmem:v11+s11+$0x0], $0xffff  }
0x10a: {  	s29 =	simm.s32 $0x9;
	v24 =	vand.u32 $0x7F, v19;
	v6 =	vsub.f32 v12, v6;
	v14 =	vsub.f32 v14, v15;
	v23 =	vld.idx.msk [tilespmem:v11+s12+$0x0], $0xffff  }
0x10b: {  	v7 =	vld.idx.msk [tilespmem:v9+s11+$0x0], $0xffff;
	v19 =	vor.u32 v4, v20;
	v8 =	vimm.f32 $0.0e+00;
	v11 =	vadd.s32 s29, v0  }
0x10c: {  	s30 =	simm.s32 $0xA;
	v18 =	vld.idx.msk [tilespmem:v9+s12+$0x0], $0xffff;
	v9 =	vmul.f32 v6, v6;
	v14 =	vmul.f32 v14, v14;
	v11 =	vand.u32 $0x7F, v11  }
0x10d: {  	s31 =	simm.s32 $0xC;
	v13 =	vld.idx.msk [tilespmem:v22+s11+$0x0], $0xffff;
	v6 =	vadd.s32 s30, v0;
	v12 =	vor.u32 v4, v11;
	v16 =	vsub.f32 v16, v17  }
0x10e: {  	s25 =	simm.s32 $0x8;
	v11 =	vsub.f32 v10, v5;
	v10 =	vadd.s32 s31, v0;
	v5 =	vld.idx.msk [tilespmem:v25+s11+$0x0], $0xffff;
	v17 =	vor.u32 v4, v24  }
0x10f: {  	v15 =	vsub.f32 v21, v23;
	v20 =	vmul.f32 v16, v16;
	v16 =	vld.idx.msk [tilespmem:v22+s12+$0x0], $0xffff;
	v22 =	vadd.s32 s25, v0  }
0x110: {  	v24 =	vand.u32 $0x7F, v10;
	v21 =	vand.u32 $0x7F, v6;
	v6 =	vld.idx.msk [tilespmem:v25+s12+$0x0], $0xffff;
	v25 =	vand.u32 $0x7F, v22  }
0x111: {  	s23 =	simm.s32 $0x17;
	v10 =	vld.idx.msk [tilespmem:v19+s11+$0x0], $0xffff;
	v23 =	vmul.f32 v15, v15;
	v22 =	vsub.f32 v26, v27;
	v15 =	vimm.f32 $0.0e+00  }
.LBB2_9:
0x112: {  	p0 =	sne.s32 s23, $0x7F;
	v25 =	vor.u32 v4, v25;
	v24 =	vor.u32 v4, v24;
	v19 =	vld.idx.msk [tilespmem:v19+s12+$0x0], $0xffff;
	v7 =	vsub.f32 v7, v18  }
0x113: {  	s24 =	sadd.s32 $0xFFFFFFFF, s22;
	v15 =	vadd.f32 v20, v15;
	s22 =	smov.u32 s23;
	v18 =	vld.idx.msk [tilespmem:v17+s11+$0x0], $0xffff;
	v8 =	vadd.f32 v23, v8;
	v20 =	vmul.f32 v22, v22  }
0x114: {  	v21 =	vor.u32 v4, v21;
	v22 =	vadd.s32 s24, v0;
	v13 =	vsub.f32 v13, v16;
	v17 =	vld.idx.msk [tilespmem:v17+s12+$0x0], $0xffff  }
0x115: {  	v14 =	vadd.f32 v14, v15;
	v15 =	vmul.f32 v7, v7;
	v16 =	vld.idx.msk [tilespmem:v12+s11+$0x0], $0xffff;
	v8 =	vadd.f32 v20, v8  }
0x116: {  	v11 =	vmul.f32 v11, v11;
	v22 =	vand.u32 $0x7F, v22;
	v20 =	vadd.s32 s23, v0;
	v12 =	vld.idx.msk [tilespmem:v12+s12+$0x0], $0xffff  }
0x117: {  	s24 =	sadd.s32 $0xFFFFFFFE, s23;
	v13 =	vmul.f32 v13, v13;
	v9 =	vadd.f32 v9, v14;
	v7 =	vld.idx.msk [tilespmem:v24+s11+$0x0], $0xffff;
	v8 =	vadd.f32 v15, v8  }
0x118: {  	s25 =	sadd.s32 $0xFFFFFFFC, s23;
	v22 =	vor.u32 v4, v22;
	v14 =	vadd.s32 s24, v0;
	v20 =	vand.u32 $0x7F, v20;
	v23 =	vld.idx.msk [tilespmem:v25+s11+$0x0], $0xffff  }
0x119: {  	v26 =	vadd.s32 s25, v0;
	s24 =	sadd.s32 $0xFFFFFFFA, s23;
	v15 =	vadd.f32 v11, v9;
	v25 =	vld.idx.msk [tilespmem:v25+s12+$0x0], $0xffff;
	v8 =	vadd.f32 v13, v8  }
0x11a: {  	v27 =	vor.u32 v4, v20;
	v9 =	vadd.s32 s24, v0;
	v11 =	vand.u32 $0x7F, v14;
	v28 =	vld.idx.msk [tilespmem:v21+s11+$0x0], $0xffff  }
0x11b: {  	v10 =	vsub.f32 v10, v19;
	v9 =	vand.u32 $0x7F, v9;
	v13 =	vand.u32 $0x7F, v26;
	v26 =	vld.idx.msk [tilespmem:v21+s12+$0x0], $0xffff  }
0x11c: {  	v19 =	vor.u32 v4, v11;
	v14 =	vsub.f32 v18, v17;
	v11 =	vsub.f32 v16, v12;
	v18 =	vld.idx.msk [tilespmem:v24+s12+$0x0], $0xffff  }
.Ltmp3:
0x11d: {  	v17 =	vor.u32 v4, v13;
	v12 =	vor.u32 v4, v9;
	v9 =	vmul.f32 v10, v10;
	v13 =	vld.idx.msk [tilespmem:v22+s11+$0x0], $0xffff;
	(pc) =	sbr.rel @p0 .LBB2_9-.Ltmp3, $4  }
0x11e: {  	s25 =	sadd.s32 $0xFFFFFFFD, s23;
	s24 =	sadd.s32 $0xFFFFFFFB, s23;
	v14 =	vmul.f32 v14, v14;
	v20 =	vmul.f32 v11, v11;
	v11 =	vsub.f32 v5, v6;
	v16 =	vld.idx.msk [tilespmem:v22+s12+$0x0], $0xffff  }
0x11f: {  	s26 =	sadd.s32 $0xFFFFFFF9, s23;
	v10 =	vadd.s32 s25, v0;
	v6 =	vadd.s32 s24, v0;
	v22 =	vsub.f32 v23, v25;
	v5 =	vld.idx.msk [tilespmem:v27+s11+$0x0], $0xffff  }
0x120: {  	v24 =	vand.u32 $0x7F, v10;
	v23 =	vadd.s32 s26, v0;
	v21 =	vand.u32 $0x7F, v6;
	v6 =	vld.idx.msk [tilespmem:v27+s12+$0x0], $0xffff  }
0x121: {  	s23 =	sadd.s32 $0x8, s23;
	v25 =	vand.u32 $0x7F, v23;
	v23 =	vmul.f32 v22, v22;
	v22 =	vsub.f32 v28, v26;
	v10 =	vld.idx.msk [tilespmem:v19+s11+$0x0], $0xffff  }
0x122: {  	_ =	sdelay $0x3  }
0x123: {  	v24 =	vor.u32 v4, v24;
	v19 =	vld.idx.msk [tilespmem:v19+s12+$0x0], $0xffff  }
0x124: {  	v25 =	vor.u32 v4, v25;
	v26 =	vld.idx.msk [tilespmem:v17+s11+$0x0], $0xffff  }
0x125: {  	v17 =	vld.idx.msk [tilespmem:v17+s12+$0x0], $0xffff  }
0x126: {  	s22 =	sadd.s32 $0xFFFFFFFF, s22;
	v21 =	vor.u32 v4, v21;
	v27 =	vld.idx.msk [tilespmem:v12+s11+$0x0], $0xffff  }
0x127: {  	v7 =	vsub.f32 v7, v18;
	v12 =	vld.idx.msk [tilespmem:v12+s12+$0x0], $0xffff;
	v18 =	vadd.s32 s22, v0  }
0x128: {  	v8 =	vadd.f32 v23, v8;
	v22 =	vmul.f32 v22, v22;
	v18 =	vand.u32 $0x7F, v18;
	v23 =	vld.idx.msk [tilespmem:v24+s11+$0x0], $0xffff  }
0x129: {  	v15 =	vadd.f32 v20, v15;
	v18 =	vor.u32 v4, v18;
	v20 =	vld.idx.msk [tilespmem:v25+s11+$0x0], $0xffff  }
0x12a: {  	v13 =	vsub.f32 v13, v16;
	v7 =	vmul.f32 v7, v7;
	v8 =	vadd.f32 v22, v8;
	v16 =	vld.idx.msk [tilespmem:v25+s12+$0x0], $0xffff  }
0x12b: {  	v14 =	vadd.f32 v14, v15;
	v22 =	vld.idx.msk [tilespmem:v21+s11+$0x0], $0xffff  }
0x12c: {  	v7 =	vadd.f32 v7, v8;
	v8 =	vmul.f32 v13, v13;
	v13 =	vld.idx.msk [tilespmem:v21+s12+$0x0], $0xffff  }
0x12d: {  	v9 =	vadd.f32 v9, v14;
	v15 =	vld.idx.msk [tilespmem:v24+s12+$0x0], $0xffff  }
0x12e: {  	v11 =	vmul.f32 v11, v11;
	v12 =	vsub.f32 v27, v12;
	v7 =	vadd.f32 v8, v7;
	v8 =	vld.idx.msk [tilespmem:v18+s11+$0x0], $0xffff  }
0x12f: {  	v14 =	vld.idx.msk [tilespmem:v18+s12+$0x0], $0xffff;
	v16 =	vsub.f32 v20, v16  }
0x130: {  	v9 =	vadd.f32 v11, v9;
	v11 =	vsub.f32 v26, v17;
	v12 =	vmul.f32 v12, v12  }
0x131: {  	v13 =	vsub.f32 v22, v13;
	v16 =	vmul.f32 v16, v16  }
0x132: {  	v10 =	vsub.f32 v10, v19;
	v11 =	vmul.f32 v11, v11;
	v9 =	vadd.f32 v12, v9  }
0x133: {  	v15 =	vsub.f32 v23, v15;
	v12 =	vmul.f32 v13, v13;
	v7 =	vadd.f32 v16, v7  }
0x134: {  	v5 =	vsub.f32 v5, v6;
	v10 =	vmul.f32 v10, v10;
	v6 =	vsub.f32 v8, v14  }
0x135: {  	v8 =	vadd.f32 v11, v9;
	v9 =	vmul.f32 v15, v15;
	v7 =	vadd.f32 v12, v7  }
0x136: {  	v5 =	vmul.f32 v5, v5  }
0x137: {  	v8 =	vadd.f32 v10, v8;
	v6 =	vmul.f32 v6, v6;
	v7 =	vadd.f32 v9, v7;
	_ =	sdelay $0x1  }
0x138: {  	v5 =	vadd.f32 v5, v8;
	v6 =	vadd.f32 v6, v7;
	_ =	sdelay $0x1  }
0x139: {  	v5 =	vadd.f32 v5, v6;
	_ =	sdelay $0x1  }
0x13a: {  	v5 =	vadd.f32 $-2.000000000e+00, v5;
	_ =	sdelay $0x1  }
0x13b: {  	v5 =	vmul.f32 $1.442695020e+00, v5;
	_ =	sdelay $0x1  }
0x13c: {  	(erf) = vpow2.f32 v5;
	_ =	sdelay $0x8  }
0x13d: {  	v5 =	vpop (erf)  }
0x13e: {  	v5 =	vadd.f32 $1.000000000e+00, v5;
	_ =	sdelay $0x1  }
0x13f: {  	(erf) = vrcp.f32 v5;
	_ =	sdelay $0x2  }
0x140: {  	s29 =	simm.s32 $0x7  }
0x141: {  	s30 =	simm.s32 $0x4;
	v6 =	vadd.s32 s29, v0  }
0x142: {  	v7 =	vadd.s32 s30, v0;
	v6 =	vand.u32 $0x7F, v6;
	v5 =	vor.u32 $0x2000, v1  }
0x143: {  	s31 =	simm.s32 $0x5;
	v8 =	vor.u32 v5, v6;
	v6 =	vand.u32 $0x7F, v7  }
0x144: {  	v7 =	vadd.s32 s31, v0  }
0x145: {  	s23 =	simm.s32 $0x2;
	s24 =	simm.s32 $0x0;
	v9 =	vor.u32 v5, v6;
	v7 =	vand.u32 $0x7F, v7  }
0x146: {  	v10 =	vadd.s32 s23, v0;
	v11 =	vor.u32 v5, v7;
	v7 =	vadd.s32 s24, v0;
	v6 =	vpop (erf)  }
0x147: {  	v12 =	vand.u32 $0x7F, v7;
	[tilespmem:s21+$0x4F30] =	vst v6;
	v6 =	vand.u32 $0x7F, v10  }
0x148: {  	v12 =	vor.u32 v5, v12;
	v10 =	vor.u32 v5, v6;
	v6 =	vld.idx.msk [tilespmem:v8+s11+$0x0], $0xffff  }
0x149: {  	s25 =	simm.s32 $0x1;
	v7 =	vld.idx.msk [tilespmem:v8+s12+$0x0], $0xffff  }
0x14a: {  	v8 =	vadd.s32 s25, v0;
	v15 =	vld.idx.msk [tilespmem:v9+s11+$0x0], $0xffff  }
0x14b: {  	s26 =	simm.s32 $0x3;
	v21 =	vld.idx.msk [tilespmem:v9+s12+$0x0], $0xffff;
	v8 =	vand.u32 $0x7F, v8  }
0x14c: {  	v9 =	vadd.s32 s26, v0;
	v27 =	vld.idx.msk [tilespmem:v11+s11+$0x0], $0xffff;
	v8 =	vor.u32 v5, v8  }
0x14d: {  	v18 =	vld.idx.msk [tilespmem:v12+s11+$0x0], $0xffff;
	v9 =	vand.u32 $0x7F, v9  }
0x14e: {  	s28 =	simm.s32 $0x6;
	v12 =	vld.idx.msk [tilespmem:v12+s12+$0x0], $0xffff;
	v9 =	vor.u32 v5, v9  }
0x14f: {  	s22 =	simm.s32 $0xF;
	v14 =	vadd.s32 s28, v0;
	s30 =	simm.s32 $0xB;
	v13 =	vld.idx.msk [tilespmem:v10+s11+$0x0], $0xffff  }
0x150: {  	v16 =	vadd.s32 s22, v0;
	v14 =	vand.u32 $0x7F, v14;
	v26 =	vadd.s32 s30, v0;
	s29 =	simm.s32 $0xA;
	v17 =	vld.idx.msk [tilespmem:v10+s12+$0x0], $0xffff  }
0x151: {  	v19 =	vor.u32 v5, v14;
	v14 =	vand.u32 $0x7F, v16;
	v16 =	vadd.s32 s29, v0;
	s31 =	simm.s32 $0x9;
	v22 =	vld.idx.msk [tilespmem:v8+s11+$0x0], $0xffff  }
0x152: {  	v28 =	vor.u32 v5, v14;
	v29 =	vadd.s32 s31, v0;
	v31 =	vand.u32 $0x7F, v16;
	s24 =	simm.s32 $0xC;
	s25 =	simm.s32 $0xD;
	v8 =	vld.idx.msk [tilespmem:v8+s12+$0x0], $0xffff  }
0x153: {  	v14 =	vand.u32 $0x7F, v26;
	v20 =	vadd.s32 s24, v0;
	s26 =	simm.s32 $0x8;
	v23 =	vadd.s32 s25, v0;
	v25 =	vld.idx.msk [tilespmem:v9+s11+$0x0], $0xffff  }
0x154: {  	v24 =	vadd.s32 s26, v0;
	v23 =	vand.u32 $0x7F, v23;
	v30 =	vld.idx.msk [tilespmem:v9+s12+$0x0], $0xffff;
	v9 =	vand.u32 $0x7F, v20  }
0x155: {  	v32 =	vld.idx.msk [tilespmem:v11+s12+$0x0], $0xffff;
	v20 =	vor.u32 v5, v9;
	v9 =	vor.u32 v5, v23;
	v23 =	vsub.f32 v18, v12  }
0x156: {  	v16 =	vld.idx.msk [tilespmem:v19+s11+$0x0], $0xffff;
	v11 =	vand.u32 $0x7F, v24;
	v24 =	vand.u32 $0x7F, v29;
	v10 =	vimm.f32 $0.0e+00  }
0x157: {  	v18 =	vld.idx.msk [tilespmem:v19+s12+$0x0], $0xffff;
	v19 =	vor.u32 v5, v31;
	v26 =	vmul.f32 v23, v23;
	v8 =	vsub.f32 v22, v8  }
0x158: {  	v12 =	vld.idx.msk [tilespmem:v28+s11+$0x0], $0xffff;
	v22 =	vsub.f32 v13, v17;
	v17 =	vor.u32 v5, v11;
	v13 =	vor.u32 v5, v24  }
0x159: {  	v11 =	vld.idx.msk [tilespmem:v28+s12+$0x0], $0xffff;
	v24 =	vsub.f32 v25, v30;
	v25 =	vsub.f32 v15, v21;
	v23 =	vmul.f32 v8, v8  }
0x15a: {  	s23 =	simm.s32 $0x17;
	v21 =	vsub.f32 v27, v32;
	v15 =	vimm.f32 $0.0e+00;
	v22 =	vmul.f32 v22, v22;
	v8 =	vld.idx.msk [tilespmem:v20+s11+$0x0], $0xffff  }
.LBB2_11:
0x15b: {  	p0 =	sne.s32 s23, $0x7F;
	v27 =	vld.idx.msk [tilespmem:v20+s12+$0x0], $0xffff;
	v10 =	vadd.f32 v26, v10;
	v15 =	vadd.f32 v23, v15;
	v20 =	vmul.f32 v24, v24  }
0x15c: {  	v16 =	vsub.f32 v16, v18;
	v28 =	vld.idx.msk [tilespmem:v9+s11+$0x0], $0xffff;
	v23 =	vmul.f32 v25, v25;
	v25 =	vsub.f32 v6, v7  }
0x15d: {  	s24 =	sadd.s32 $0xFFFFFFFF, s22;
	s22 =	smov.u32 s23;
	v24 =	vld.idx.msk [tilespmem:v19+s11+$0x0], $0xffff;
	v22 =	vadd.f32 v22, v10;
	v10 =	vadd.f32 v20, v15;
	v15 =	vmul.f32 v21, v21  }
0x15e: {  	v14 =	vor.u32 v5, v14;
	v18 =	vadd.s32 s24, v0;
	v6 =	vmovc v12;
	v21 =	vld.idx.msk [tilespmem:v19+s12+$0x0], $0xffff;
	v19 =	vmul.f32 v25, v25  }
0x15f: {  	v12 =	vld.idx.msk [tilespmem:v17+s11+$0x0], $0xffff;
	v20 =	vadd.f32 v23, v22;
	v15 =	vadd.f32 v15, v10;
	v10 =	vmul.f32 v16, v16  }
0x160: {  	v18 =	vand.u32 $0x7F, v18;
	v7 =	vmov v11;
	v16 =	vadd.s32 s23, v0;
	v17 =	vld.idx.msk [tilespmem:v17+s12+$0x0], $0xffff  }
0x161: {  	v18 =	vor.u32 v5, v18;
	v11 =	vld.idx.msk [tilespmem:v13+s11+$0x0], $0xffff;
	v10 =	vadd.f32 v10, v20;
	v15 =	vadd.f32 v19, v15  }
0x162: {  	s25 =	sadd.s32 $0xFFFFFFFD, s23;
	s26 =	sadd.s32 $0xFFFFFFFE, s23;
	s24 =	sadd.s32 $0xFFFFFFFB, s23;
	v16 =	vand.u32 $0x7F, v16;
	v13 =	vld.idx.msk [tilespmem:v13+s12+$0x0], $0xffff  }
0x163: {  	s28 =	sadd.s32 $0xFFFFFFF9, s23;
	v22 =	vadd.s32 s26, v0;
	v19 =	vadd.s32 s24, v0;
	s24 =	sadd.s32 $0xFFFFFFFC, s23;
	v20 =	vadd.s32 s25, v0;
	v25 =	vld.idx.msk [tilespmem:v14+s11+$0x0], $0xffff  }
0x164: {  	v23 =	vadd.s32 s28, v0;
	s25 =	sadd.s32 $0xFFFFFFFA, s23;
	v29 =	vor.u32 v5, v16;
	v26 =	vadd.s32 s24, v0;
	v30 =	vld.idx.msk [tilespmem:v14+s12+$0x0], $0xffff  }
0x165: {  	v22 =	vand.u32 $0x7F, v22;
	v31 =	vadd.s32 s25, v0;
	v16 =	vand.u32 $0x7F, v20;
	v32 =	vld.idx.msk [tilespmem:v9+s12+$0x0], $0xffff  }
0x166: {  	v19 =	vand.u32 $0x7F, v19;
	v20 =	vor.u32 v5, v16;
	v14 =	vand.u32 $0x7F, v26;
	v16 =	vld.idx.msk [tilespmem:v18+s11+$0x0], $0xffff  }
.Ltmp4:
0x167: {  	v23 =	vand.u32 $0x7F, v23;
	v26 =	vand.u32 $0x7F, v31;
	v9 =	vor.u32 v5, v22;
	v18 =	vld.idx.msk [tilespmem:v18+s12+$0x0], $0xffff;
	(pc) =	sbr.rel @p0 .LBB2_11-.Ltmp4, $4  }
0x168: {  	v19 =	vor.u32 v5, v19;
	v22 =	vsub.f32 v12, v17;
	v31 =	vsub.f32 v11, v13  }
0x169: {  	v21 =	vsub.f32 v24, v21;
	v17 =	vor.u32 v5, v23;
	v13 =	vor.u32 v5, v26;
	v12 =	vld.idx.msk [tilespmem:v29+s11+$0x0], $0xffff  }
0x16a: {  	v26 =	vmul.f32 v22, v22;
	v23 =	vmul.f32 v31, v31;
	v24 =	vsub.f32 v25, v30;
	v11 =	vld.idx.msk [tilespmem:v29+s12+$0x0], $0xffff  }
0x16b: {  	s23 =	sadd.s32 $0x8, s23;
	v22 =	vmul.f32 v21, v21;
	v25 =	vsub.f32 v8, v27;
	v21 =	vsub.f32 v28, v32;
	v8 =	vld.idx.msk [tilespmem:v20+s11+$0x0], $0xffff  }
0x16c: {  	_ =	sdelay $0x3  }
0x16d: {  	v20 =	vld.idx.msk [tilespmem:v20+s12+$0x0], $0xffff  }
0x16e: {  	v28 =	vld.idx.msk [tilespmem:v19+s11+$0x0], $0xffff  }
0x16f: {  	v19 =	vld.idx.msk [tilespmem:v19+s12+$0x0], $0xffff;
	v14 =	vor.u32 v5, v14  }
0x170: {  	s22 =	sadd.s32 $0xFFFFFFFF, s22;
	v30 =	vld.idx.msk [tilespmem:v17+s11+$0x0], $0xffff  }
0x171: {  	v10 =	vadd.f32 v26, v10;
	v17 =	vld.idx.msk [tilespmem:v17+s12+$0x0], $0xffff;
	v29 =	vadd.s32 s22, v0  }
0x172: {  	v15 =	vadd.f32 v23, v15;
	v23 =	vmul.f32 v24, v24;
	v24 =	vld.idx.msk [tilespmem:v13+s11+$0x0], $0xffff;
	v26 =	vand.u32 $0x7F, v29  }
0x173: {  	v16 =	vsub.f32 v16, v18;
	v13 =	vld.idx.msk [tilespmem:v13+s12+$0x0], $0xffff;
	v6 =	vsub.f32 v6, v7;
	v26 =	vor.u32 v5, v26  }
0x174: {  	v18 =	vmul.f32 v25, v25;
	v10 =	vadd.f32 v22, v10;
	v7 =	vadd.f32 v23, v15;
	v15 =	vld.idx.msk [tilespmem:v14+s11+$0x0], $0xffff  }
0x175: {  	v21 =	vmul.f32 v21, v21;
	v14 =	vld.idx.msk [tilespmem:v14+s12+$0x0], $0xffff  }
0x176: {  	v27 =	vld.idx.msk [tilespmem:v9+s11+$0x0], $0xffff;
	v16 =	vmul.f32 v16, v16;
	v10 =	vadd.f32 v18, v10  }
0x177: {  	v9 =	vld.idx.msk [tilespmem:v9+s12+$0x0], $0xffff;
	v6 =	vmul.f32 v6, v6;
	v7 =	vadd.f32 v21, v7;
	v17 =	vsub.f32 v30, v17  }
0x178: {  	v13 =	vsub.f32 v24, v13;
	v10 =	vadd.f32 v16, v10;
	v16 =	vld.idx.msk [tilespmem:v26+s11+$0x0], $0xffff  }
0x179: {  	v6 =	vadd.f32 v6, v7;
	v7 =	vsub.f32 v28, v19;
	v17 =	vmul.f32 v17, v17;
	v18 =	vld.idx.msk [tilespmem:v26+s12+$0x0], $0xffff  }
0x17a: {  	v13 =	vmul.f32 v13, v13;
	v14 =	vsub.f32 v15, v14  }
0x17b: {  	v8 =	vsub.f32 v8, v20;
	v7 =	vmul.f32 v7, v7;
	v10 =	vadd.f32 v17, v10  }
0x17c: {  	v9 =	vsub.f32 v27, v9;
	v6 =	vadd.f32 v13, v6;
	v13 =	vmul.f32 v14, v14  }
0x17d: {  	v11 =	vsub.f32 v12, v11;
	v8 =	vmul.f32 v8, v8;
	v7 =	vadd.f32 v7, v10  }
0x17e: {  	v9 =	vmul.f32 v9, v9;
	v14 =	vsub.f32 v16, v18;
	v6 =	vadd.f32 v13, v6  }
0x17f: {  	v10 =	vmul.f32 v11, v11  }
0x180: {  	v7 =	vadd.f32 v8, v7;
	v8 =	vmul.f32 v14, v14;
	v6 =	vadd.f32 v9, v6;
	_ =	sdelay $0x1  }
0x181: {  	v7 =	vadd.f32 v8, v7;
	v6 =	vadd.f32 v10, v6;
	_ =	sdelay $0x1  }
0x182: {  	v6 =	vadd.f32 v6, v7;
	_ =	sdelay $0x1  }
0x183: {  	v6 =	vadd.f32 $-2.000000000e+00, v6;
	_ =	sdelay $0x1  }
0x184: {  	v6 =	vmul.f32 $1.442695020e+00, v6;
	_ =	sdelay $0x1  }
0x185: {  	(erf) = vpow2.f32 v6;
	_ =	sdelay $0x8  }
0x186: {  	v6 =	vpop (erf)  }
0x187: {  	v6 =	vadd.f32 $1.000000000e+00, v6;
	_ =	sdelay $0x1  }
0x188: {  	(erf) = vrcp.f32 v6;
	_ =	sdelay $0x8  }
0x189: {  	v6 =	vpop (erf)  }
0x18a: {  	s26 =	sadd.s32 $0xA0, s21;
	[tilespmem:s21+$0x4F40] =	vst v6  }
0x18b: {  	[tilespmem:s11], [sflag:$0x1] =	stream.indirect.gather [hbm4b:s3+s10], $0x80, s26, s10, $0xb8;
	[tilespmem:$0x11680] =	vst v63  }
0x18c: {  	s28 =	sadd.s32 $0x2820, s21;
	s23 =	simm.s32 $0x7  }
0x18d: {  	v6 =	vadd.s32 s23, v0;
	[tilespmem:s12], [sflag:$0x1] =	stream.indirect.gather [hbm4b:s3+s10], $0x80, s28, s10, $0xb8;
	[tilespmem:$0x11680] =	vst v63  }
0x18e: {  	s29 =	simm.s32 $0x5;
	v6 =	vand.u32 $0x7F, v6;
	_ =	swait.ge [sflag:s17], $0x2800  }
0x18f: {  	v7 =	vadd.s32 s29, v0;
	v6 =	vor.u32 v1, v6;
	[sflag:s17] =	ssyncset.done $0x0  }
0x190: {  	s30 =	simm.s32 $0x3;
	v7 =	vand.u32 $0x7F, v7;
	[sflag:s17] =	ssyncadd.s32 $0xFFFFD800  }
0x191: {  	v8 =	vadd.s32 s30, v0;
	v7 =	vor.u32 v1, v7;
	_ =	swait.ge [sflag:s17], $0x2800  }
0x192: {  	s31 =	simm.s32 $0x1;
	v8 =	vand.u32 $0x7F, v8;
	[sflag:s17] =	ssyncset.done $0x0  }
0x193: {  	v9 =	vadd.s32 s31, v0;
	v8 =	vor.u32 v1, v8;
	[sflag:s17] =	ssyncadd.s32 $0xFFFFD800  }
0x194: {  	s24 =	simm.s32 $0x0;
	v9 =	vand.u32 $0x7F, v9;
	v11 =	vld.idx.msk [tilespmem:v6+s13+$0x0], $0xffff  }
0x195: {  	v12 =	vadd.s32 s24, v0;
	v9 =	vor.u32 v1, v9;
	v6 =	vld.idx.msk [tilespmem:v6+s15+$0x0], $0xffff  }
0x196: {  	s25 =	simm.s32 $0x2;
	v12 =	vand.u32 $0x7F, v12;
	v13 =	vld.idx.msk [tilespmem:v7+s13+$0x0], $0xffff  }
0x197: {  	v12 =	vor.u32 v1, v12;
	v14 =	vadd.s32 s25, v0;
	v7 =	vld.idx.msk [tilespmem:v7+s15+$0x0], $0xffff  }
0x198: {  	v14 =	vand.u32 $0x7F, v14;
	s23 =	simm.s32 $0x4;
	v15 =	vld.idx.msk [tilespmem:v8+s13+$0x0], $0xffff  }
0x199: {  	v14 =	vor.u32 v1, v14;
	v10 =	vadd.s32 s23, v0;
	v16 =	vld.idx.msk [tilespmem:v8+s15+$0x0], $0xffff  }
0x19a: {  	s26 =	simm.s32 $0x6;
	v10 =	vand.u32 $0x7F, v10;
	v17 =	vld.idx.msk [tilespmem:v9+s13+$0x0], $0xffff  }
0x19b: {  	v10 =	vor.u32 v1, v10;
	s28 =	simm.s32 $0xD;
	v8 =	vadd.s32 s26, v0;
	v18 =	vld.idx.msk [tilespmem:v9+s15+$0x0], $0xffff  }
0x19c: {  	s22 =	simm.s32 $0xF;
	v21 =	vadd.s32 s28, v0;
	v22 =	vld.idx.msk [tilespmem:v12+s13+$0x0], $0xffff;
	v19 =	vand.u32 $0x7F, v8  }
0x19d: {  	v20 =	vadd.s32 s22, v0;
	s29 =	simm.s32 $0x9;
	v21 =	vand.u32 $0x7F, v21;
	v24 =	vld.idx.msk [tilespmem:v12+s15+$0x0], $0xffff;
	v23 =	vor.u32 v1, v19  }
0x19e: {  	s24 =	simm.s32 $0xB;
	v9 =	vimm.f32 $0.0e+00;
	v12 =	vadd.s32 s29, v0;
	v27 =	vld.idx.msk [tilespmem:v14+s13+$0x0], $0xffff;
	v19 =	vand.u32 $0x7F, v20  }
0x19f: {  	v63 =	vld.idx.msk [tilespmem:v14+s15+$0x0], $0xffff;
	v12 =	vand.u32 $0x7F, v12;
	v20 =	vadd.s32 s24, v0;
	v26 =	vor.u32 v1, v19  }
0x1a0: {  	v8 =	vld.idx.msk [tilespmem:v10+s13+$0x0], $0xffff;
	v25 =	vand.u32 $0x7F, v20;
	v20 =	vor.u32 v1, v21;
	v7 =	vsub.f32 v13, v7  }
0x1a1: {  	s31 =	simm.s32 $0xC;
	v19 =	vld.idx.msk [tilespmem:v10+s15+$0x0], $0xffff;
	v17 =	vsub.f32 v17, v18;
	v15 =	vsub.f32 v15, v16;
	v13 =	vor.u32 v1, v12  }
0x1a2: {  	v18 =	vor.u32 v1, v25;
	v12 =	vsub.f32 v11, v6;
	v11 =	vadd.s32 s31, v0;
	v14 =	vld.idx.msk [tilespmem:v23+s13+$0x0], $0xffff  }
0x1a3: {  	s30 =	simm.s32 $0xA;
	v16 =	vsub.f32 v22, v24;
	v25 =	vand.u32 $0x7F, v11;
	v21 =	vmul.f32 v17, v17;
	v17 =	vld.idx.msk [tilespmem:v23+s15+$0x0], $0xffff  }
0x1a4: {  	s25 =	simm.s32 $0x8;
	v10 =	vmul.f32 v7, v7;
	v15 =	vmul.f32 v15, v15;
	v7 =	vadd.s32 s30, v0;
	v6 =	vld.idx.msk [tilespmem:v26+s13+$0x0], $0xffff  }
0x1a5: {  	v23 =	vadd.s32 s25, v0;
	v24 =	vmul.f32 v16, v16;
	v22 =	vand.u32 $0x7F, v7;
	v7 =	vld.idx.msk [tilespmem:v26+s15+$0x0], $0xffff  }
0x1a6: {  	s23 =	simm.s32 $0x17;
	v16 =	vimm.f32 $0.0e+00;
	v26 =	vand.u32 $0x7F, v23;
	v11 =	vld.idx.msk [tilespmem:v20+s13+$0x0], $0xffff;
	v23 =	vsub.f32 v27, v63  }
.LBB2_13:
0x1a7: {  	p0 =	sne.s32 s23, $0x7F;
	v26 =	vor.u32 v1, v26;
	v25 =	vor.u32 v1, v25;
	v20 =	vld.idx.msk [tilespmem:v20+s15+$0x0], $0xffff;
	v8 =	vsub.f32 v8, v19  }
0x1a8: {  	s24 =	sadd.s32 $0xFFFFFFFF, s22;
	v16 =	vadd.f32 v21, v16;
	s22 =	smov.u32 s23;
	v19 =	vld.idx.msk [tilespmem:v18+s13+$0x0], $0xffff;
	v9 =	vadd.f32 v24, v9;
	v21 =	vmul.f32 v23, v23  }
0x1a9: {  	v22 =	vor.u32 v1, v22;
	v23 =	vadd.s32 s24, v0;
	v14 =	vsub.f32 v14, v17;
	v18 =	vld.idx.msk [tilespmem:v18+s15+$0x0], $0xffff  }
0x1aa: {  	v15 =	vadd.f32 v15, v16;
	v16 =	vmul.f32 v8, v8;
	v17 =	vld.idx.msk [tilespmem:v13+s13+$0x0], $0xffff;
	v9 =	vadd.f32 v21, v9  }
0x1ab: {  	v12 =	vmul.f32 v12, v12;
	v23 =	vand.u32 $0x7F, v23;
	v21 =	vadd.s32 s23, v0;
	v13 =	vld.idx.msk [tilespmem:v13+s15+$0x0], $0xffff  }
0x1ac: {  	s24 =	sadd.s32 $0xFFFFFFFE, s23;
	v14 =	vmul.f32 v14, v14;
	v10 =	vadd.f32 v10, v15;
	v8 =	vld.idx.msk [tilespmem:v25+s13+$0x0], $0xffff;
	v9 =	vadd.f32 v16, v9  }
0x1ad: {  	s25 =	sadd.s32 $0xFFFFFFFC, s23;
	v23 =	vor.u32 v1, v23;
	v15 =	vadd.s32 s24, v0;
	v21 =	vand.u32 $0x7F, v21;
	v24 =	vld.idx.msk [tilespmem:v26+s13+$0x0], $0xffff  }
0x1ae: {  	v27 =	vadd.s32 s25, v0;
	s24 =	sadd.s32 $0xFFFFFFFA, s23;
	v16 =	vadd.f32 v12, v10;
	v26 =	vld.idx.msk [tilespmem:v26+s15+$0x0], $0xffff;
	v9 =	vadd.f32 v14, v9  }
0x1af: {  	v28 =	vor.u32 v1, v21;
	v10 =	vadd.s32 s24, v0;
	v12 =	vand.u32 $0x7F, v15;
	v29 =	vld.idx.msk [tilespmem:v22+s13+$0x0], $0xffff  }
0x1b0: {  	v11 =	vsub.f32 v11, v20;
	v10 =	vand.u32 $0x7F, v10;
	v14 =	vand.u32 $0x7F, v27;
	v27 =	vld.idx.msk [tilespmem:v22+s15+$0x0], $0xffff  }
0x1b1: {  	v20 =	vor.u32 v1, v12;
	v15 =	vsub.f32 v19, v18;
	v12 =	vsub.f32 v17, v13;
	v19 =	vld.idx.msk [tilespmem:v25+s15+$0x0], $0xffff  }
.Ltmp5:
0x1b2: {  	v18 =	vor.u32 v1, v14;
	v13 =	vor.u32 v1, v10;
	v10 =	vmul.f32 v11, v11;
	v14 =	vld.idx.msk [tilespmem:v23+s13+$0x0], $0xffff;
	(pc) =	sbr.rel @p0 .LBB2_13-.Ltmp5, $4  }
0x1b3: {  	s25 =	sadd.s32 $0xFFFFFFFD, s23;
	s24 =	sadd.s32 $0xFFFFFFFB, s23;
	v15 =	vmul.f32 v15, v15;
	v21 =	vmul.f32 v12, v12;
	v12 =	vsub.f32 v6, v7;
	v17 =	vld.idx.msk [tilespmem:v23+s15+$0x0], $0xffff  }
0x1b4: {  	s26 =	sadd.s32 $0xFFFFFFF9, s23;
	v11 =	vadd.s32 s25, v0;
	v7 =	vadd.s32 s24, v0;
	v23 =	vsub.f32 v24, v26;
	v6 =	vld.idx.msk [tilespmem:v28+s13+$0x0], $0xffff  }
0x1b5: {  	v25 =	vand.u32 $0x7F, v11;
	v24 =	vadd.s32 s26, v0;
	v22 =	vand.u32 $0x7F, v7;
	v7 =	vld.idx.msk [tilespmem:v28+s15+$0x0], $0xffff  }
0x1b6: {  	s23 =	sadd.s32 $0x8, s23;
	v26 =	vand.u32 $0x7F, v24;
	v24 =	vmul.f32 v23, v23;
	v23 =	vsub.f32 v29, v27;
	v11 =	vld.idx.msk [tilespmem:v20+s13+$0x0], $0xffff  }
0x1b7: {  	_ =	sdelay $0x3  }
0x1b8: {  	v25 =	vor.u32 v1, v25;
	v20 =	vld.idx.msk [tilespmem:v20+s15+$0x0], $0xffff  }
0x1b9: {  	v26 =	vor.u32 v1, v26;
	v27 =	vld.idx.msk [tilespmem:v18+s13+$0x0], $0xffff  }
0x1ba: {  	v18 =	vld.idx.msk [tilespmem:v18+s15+$0x0], $0xffff  }
0x1bb: {  	s22 =	sadd.s32 $0xFFFFFFFF, s22;
	v22 =	vor.u32 v1, v22;
	v28 =	vld.idx.msk [tilespmem:v13+s13+$0x0], $0xffff  }
0x1bc: {  	v8 =	vsub.f32 v8, v19;
	v13 =	vld.idx.msk [tilespmem:v13+s15+$0x0], $0xffff;
	v19 =	vadd.s32 s22, v0  }
0x1bd: {  	v9 =	vadd.f32 v24, v9;
	v23 =	vmul.f32 v23, v23;
	v19 =	vand.u32 $0x7F, v19;
	v24 =	vld.idx.msk [tilespmem:v25+s13+$0x0], $0xffff  }
0x1be: {  	v16 =	vadd.f32 v21, v16;
	v19 =	vor.u32 v1, v19;
	v21 =	vld.idx.msk [tilespmem:v26+s13+$0x0], $0xffff  }
0x1bf: {  	v14 =	vsub.f32 v14, v17;
	v8 =	vmul.f32 v8, v8;
	v9 =	vadd.f32 v23, v9;
	v17 =	vld.idx.msk [tilespmem:v26+s15+$0x0], $0xffff  }
0x1c0: {  	v15 =	vadd.f32 v15, v16;
	v23 =	vld.idx.msk [tilespmem:v22+s13+$0x0], $0xffff  }
0x1c1: {  	v8 =	vadd.f32 v8, v9;
	v9 =	vmul.f32 v14, v14;
	v14 =	vld.idx.msk [tilespmem:v22+s15+$0x0], $0xffff  }
0x1c2: {  	v10 =	vadd.f32 v10, v15;
	v16 =	vld.idx.msk [tilespmem:v25+s15+$0x0], $0xffff  }
0x1c3: {  	v12 =	vmul.f32 v12, v12;
	v13 =	vsub.f32 v28, v13;
	v8 =	vadd.f32 v9, v8;
	v9 =	vld.idx.msk [tilespmem:v19+s13+$0x0], $0xffff  }
0x1c4: {  	v15 =	vld.idx.msk [tilespmem:v19+s15+$0x0], $0xffff;
	v17 =	vsub.f32 v21, v17  }
0x1c5: {  	v10 =	vadd.f32 v12, v10;
	v12 =	vsub.f32 v27, v18;
	v13 =	vmul.f32 v13, v13  }
0x1c6: {  	v14 =	vsub.f32 v23, v14;
	v17 =	vmul.f32 v17, v17  }
0x1c7: {  	v11 =	vsub.f32 v11, v20;
	v12 =	vmul.f32 v12, v12;
	v10 =	vadd.f32 v13, v10  }
0x1c8: {  	v16 =	vsub.f32 v24, v16;
	v13 =	vmul.f32 v14, v14;
	v8 =	vadd.f32 v17, v8  }
0x1c9: {  	v6 =	vsub.f32 v6, v7;
	v11 =	vmul.f32 v11, v11;
	v7 =	vsub.f32 v9, v15  }
0x1ca: {  	v9 =	vadd.f32 v12, v10;
	v10 =	vmul.f32 v16, v16;
	v8 =	vadd.f32 v13, v8  }
0x1cb: {  	v6 =	vmul.f32 v6, v6  }
0x1cc: {  	v9 =	vadd.f32 v11, v9;
	v7 =	vmul.f32 v7, v7;
	v8 =	vadd.f32 v10, v8;
	_ =	sdelay $0x1  }
0x1cd: {  	v6 =	vadd.f32 v6, v9;
	v7 =	vadd.f32 v7, v8;
	_ =	sdelay $0x1  }
0x1ce: {  	v6 =	vadd.f32 v6, v7;
	_ =	sdelay $0x1  }
0x1cf: {  	v6 =	vadd.f32 $-2.000000000e+00, v6;
	_ =	sdelay $0x1  }
0x1d0: {  	v6 =	vmul.f32 $1.442695020e+00, v6;
	_ =	sdelay $0x1  }
0x1d1: {  	(erf) = vpow2.f32 v6;
	_ =	sdelay $0x8  }
0x1d2: {  	v6 =	vpop (erf)  }
0x1d3: {  	v6 =	vadd.f32 $1.000000000e+00, v6;
	_ =	sdelay $0x1  }
0x1d4: {  	(erf) = vrcp.f32 v6;
	_ =	sdelay $0x2  }
0x1d5: {  	s29 =	simm.s32 $0x7  }
0x1d6: {  	v6 =	vadd.s32 s29, v0  }
0x1d7: {  	s30 =	simm.s32 $0x5;
	v6 =	vand.u32 $0x7F, v6  }
0x1d8: {  	v7 =	vadd.s32 s30, v0;
	v6 =	vor.u32 v2, v6  }
0x1d9: {  	s31 =	simm.s32 $0x3;
	v7 =	vand.u32 $0x7F, v7  }
0x1da: {  	v8 =	vadd.s32 s31, v0;
	v7 =	vor.u32 v2, v7  }
0x1db: {  	s25 =	simm.s32 $0x2;
	v8 =	vand.u32 $0x7F, v8;
	v9 =	vpop (erf)  }
0x1dc: {  	v14 =	vadd.s32 s25, v0;
	v8 =	vor.u32 v2, v8;
	[tilespmem:s21+$0x4F50] =	vst v9  }
0x1dd: {  	s23 =	simm.s32 $0x1;
	v14 =	vand.u32 $0x7F, v14;
	v11 =	vld.idx.msk [tilespmem:v6+s13+$0x0], $0xffff  }
0x1de: {  	v14 =	vor.u32 v2, v14;
	v9 =	vadd.s32 s23, v0;
	v6 =	vld.idx.msk [tilespmem:v6+s15+$0x0], $0xffff  }
0x1df: {  	s23 =	simm.s32 $0x0;
	v9 =	vand.u32 $0x7F, v9;
	v13 =	vld.idx.msk [tilespmem:v7+s13+$0x0], $0xffff  }
0x1e0: {  	v12 =	vadd.s32 s23, v0;
	v7 =	vld.idx.msk [tilespmem:v7+s15+$0x0], $0xffff;
	v9 =	vor.u32 v2, v9  }
0x1e1: {  	s24 =	simm.s32 $0x4;
	v15 =	vld.idx.msk [tilespmem:v8+s13+$0x0], $0xffff;
	v12 =	vand.u32 $0x7F, v12  }
0x1e2: {  	v10 =	vadd.s32 s24, v0;
	v16 =	vld.idx.msk [tilespmem:v8+s15+$0x0], $0xffff;
	v12 =	vor.u32 v2, v12  }
0x1e3: {  	s26 =	simm.s32 $0x6;
	v10 =	vand.u32 $0x7F, v10;
	v27 =	vld.idx.msk [tilespmem:v14+s13+$0x0], $0xffff  }
0x1e4: {  	s22 =	simm.s32 $0xF;
	v10 =	vor.u32 v2, v10;
	v8 =	vadd.s32 s26, v0;
	v63 =	vld.idx.msk [tilespmem:v14+s15+$0x0], $0xffff  }
0x1e5: {  	s28 =	simm.s32 $0xD;
	v20 =	vadd.s32 s22, v0;
	v19 =	vand.u32 $0x7F, v8;
	v17 =	vld.idx.msk [tilespmem:v9+s13+$0x0], $0xffff  }
0x1e6: {  	v21 =	vadd.s32 s28, v0;
	s24 =	simm.s32 $0xB;
	v23 =	vor.u32 v2, v19;
	v19 =	vand.u32 $0x7F, v20;
	v18 =	vld.idx.msk [tilespmem:v9+s15+$0x0], $0xffff  }
0x1e7: {  	v21 =	vand.u32 $0x7F, v21;
	v20 =	vadd.s32 s24, v0;
	v26 =	vor.u32 v2, v19;
	v22 =	vld.idx.msk [tilespmem:v12+s13+$0x0], $0xffff  }
0x1e8: {  	s29 =	simm.s32 $0x9;
	v25 =	vand.u32 $0x7F, v20;
	v7 =	vsub.f32 v13, v7;
	v15 =	vsub.f32 v15, v16;
	v24 =	vld.idx.msk [tilespmem:v12+s15+$0x0], $0xffff  }
0x1e9: {  	v8 =	vld.idx.msk [tilespmem:v10+s13+$0x0], $0xffff;
	v20 =	vor.u32 v2, v21;
	v9 =	vimm.f32 $0.0e+00;
	v12 =	vadd.s32 s29, v0  }
0x1ea: {  	s30 =	simm.s32 $0xA;
	v19 =	vld.idx.msk [tilespmem:v10+s15+$0x0], $0xffff;
	v10 =	vmul.f32 v7, v7;
	v15 =	vmul.f32 v15, v15;
	v12 =	vand.u32 $0x7F, v12  }
0x1eb: {  	s31 =	simm.s32 $0xC;
	v14 =	vld.idx.msk [tilespmem:v23+s13+$0x0], $0xffff;
	v7 =	vadd.s32 s30, v0;
	v13 =	vor.u32 v2, v12;
	v17 =	vsub.f32 v17, v18  }
0x1ec: {  	s25 =	simm.s32 $0x8;
	v12 =	vsub.f32 v11, v6;
	v11 =	vadd.s32 s31, v0;
	v6 =	vld.idx.msk [tilespmem:v26+s13+$0x0], $0xffff;
	v18 =	vor.u32 v2, v25  }
0x1ed: {  	v16 =	vsub.f32 v22, v24;
	v21 =	vmul.f32 v17, v17;
	v17 =	vld.idx.msk [tilespmem:v23+s15+$0x0], $0xffff;
	v23 =	vadd.s32 s25, v0  }
0x1ee: {  	v25 =	vand.u32 $0x7F, v11;
	v22 =	vand.u32 $0x7F, v7;
	v7 =	vld.idx.msk [tilespmem:v26+s15+$0x0], $0xffff;
	v26 =	vand.u32 $0x7F, v23  }
0x1ef: {  	s23 =	simm.s32 $0x17;
	v11 =	vld.idx.msk [tilespmem:v20+s13+$0x0], $0xffff;
	v24 =	vmul.f32 v16, v16;
	v23 =	vsub.f32 v27, v63;
	v16 =	vimm.f32 $0.0e+00  }
.LBB2_15:
0x1f0: {  	p0 =	sne.s32 s23, $0x7F;
	v26 =	vor.u32 v2, v26;
	v25 =	vor.u32 v2, v25;
	v20 =	vld.idx.msk [tilespmem:v20+s15+$0x0], $0xffff;
	v8 =	vsub.f32 v8, v19  }
0x1f1: {  	s24 =	sadd.s32 $0xFFFFFFFF, s22;
	v16 =	vadd.f32 v21, v16;
	s22 =	smov.u32 s23;
	v19 =	vld.idx.msk [tilespmem:v18+s13+$0x0], $0xffff;
	v9 =	vadd.f32 v24, v9;
	v21 =	vmul.f32 v23, v23  }
0x1f2: {  	v22 =	vor.u32 v2, v22;
	v23 =	vadd.s32 s24, v0;
	v14 =	vsub.f32 v14, v17;
	v18 =	vld.idx.msk [tilespmem:v18+s15+$0x0], $0xffff  }
0x1f3: {  	v15 =	vadd.f32 v15, v16;
	v16 =	vmul.f32 v8, v8;
	v17 =	vld.idx.msk [tilespmem:v13+s13+$0x0], $0xffff;
	v9 =	vadd.f32 v21, v9  }
0x1f4: {  	v12 =	vmul.f32 v12, v12;
	v23 =	vand.u32 $0x7F, v23;
	v21 =	vadd.s32 s23, v0;
	v13 =	vld.idx.msk [tilespmem:v13+s15+$0x0], $0xffff  }
0x1f5: {  	s24 =	sadd.s32 $0xFFFFFFFE, s23;
	v14 =	vmul.f32 v14, v14;
	v10 =	vadd.f32 v10, v15;
	v8 =	vld.idx.msk [tilespmem:v25+s13+$0x0], $0xffff;
	v9 =	vadd.f32 v16, v9  }
0x1f6: {  	s25 =	sadd.s32 $0xFFFFFFFC, s23;
	v23 =	vor.u32 v2, v23;
	v15 =	vadd.s32 s24, v0;
	v21 =	vand.u32 $0x7F, v21;
	v24 =	vld.idx.msk [tilespmem:v26+s13+$0x0], $0xffff  }
0x1f7: {  	v27 =	vadd.s32 s25, v0;
	s24 =	sadd.s32 $0xFFFFFFFA, s23;
	v16 =	vadd.f32 v12, v10;
	v26 =	vld.idx.msk [tilespmem:v26+s15+$0x0], $0xffff;
	v9 =	vadd.f32 v14, v9  }
0x1f8: {  	v28 =	vor.u32 v2, v21;
	v10 =	vadd.s32 s24, v0;
	v12 =	vand.u32 $0x7F, v15;
	v29 =	vld.idx.msk [tilespmem:v22+s13+$0x0], $0xffff  }
0x1f9: {  	v11 =	vsub.f32 v11, v20;
	v10 =	vand.u32 $0x7F, v10;
	v14 =	vand.u32 $0x7F, v27;
	v27 =	vld.idx.msk [tilespmem:v22+s15+$0x0], $0xffff  }
0x1fa: {  	v20 =	vor.u32 v2, v12;
	v15 =	vsub.f32 v19, v18;
	v12 =	vsub.f32 v17, v13;
	v19 =	vld.idx.msk [tilespmem:v25+s15+$0x0], $0xffff  }
.Ltmp6:
0x1fb: {  	v18 =	vor.u32 v2, v14;
	v13 =	vor.u32 v2, v10;
	v10 =	vmul.f32 v11, v11;
	v14 =	vld.idx.msk [tilespmem:v23+s13+$0x0], $0xffff;
	(pc) =	sbr.rel @p0 .LBB2_15-.Ltmp6, $4  }
0x1fc: {  	s25 =	sadd.s32 $0xFFFFFFFD, s23;
	s24 =	sadd.s32 $0xFFFFFFFB, s23;
	v15 =	vmul.f32 v15, v15;
	v21 =	vmul.f32 v12, v12;
	v12 =	vsub.f32 v6, v7;
	v17 =	vld.idx.msk [tilespmem:v23+s15+$0x0], $0xffff  }
0x1fd: {  	s26 =	sadd.s32 $0xFFFFFFF9, s23;
	v11 =	vadd.s32 s25, v0;
	v7 =	vadd.s32 s24, v0;
	v23 =	vsub.f32 v24, v26;
	v6 =	vld.idx.msk [tilespmem:v28+s13+$0x0], $0xffff  }
0x1fe: {  	v25 =	vand.u32 $0x7F, v11;
	v24 =	vadd.s32 s26, v0;
	v22 =	vand.u32 $0x7F, v7;
	v7 =	vld.idx.msk [tilespmem:v28+s15+$0x0], $0xffff  }
0x1ff: {  	s23 =	sadd.s32 $0x8, s23;
	v26 =	vand.u32 $0x7F, v24;
	v24 =	vmul.f32 v23, v23;
	v23 =	vsub.f32 v29, v27;
	v11 =	vld.idx.msk [tilespmem:v20+s13+$0x0], $0xffff  }
0x200: {  	_ =	sdelay $0x3  }
0x201: {  	v25 =	vor.u32 v2, v25;
	v20 =	vld.idx.msk [tilespmem:v20+s15+$0x0], $0xffff  }
0x202: {  	v26 =	vor.u32 v2, v26;
	v27 =	vld.idx.msk [tilespmem:v18+s13+$0x0], $0xffff  }
0x203: {  	v18 =	vld.idx.msk [tilespmem:v18+s15+$0x0], $0xffff  }
0x204: {  	s22 =	sadd.s32 $0xFFFFFFFF, s22;
	v22 =	vor.u32 v2, v22;
	v28 =	vld.idx.msk [tilespmem:v13+s13+$0x0], $0xffff  }
0x205: {  	v8 =	vsub.f32 v8, v19;
	v13 =	vld.idx.msk [tilespmem:v13+s15+$0x0], $0xffff;
	v19 =	vadd.s32 s22, v0  }
0x206: {  	v9 =	vadd.f32 v24, v9;
	v23 =	vmul.f32 v23, v23;
	v19 =	vand.u32 $0x7F, v19;
	v24 =	vld.idx.msk [tilespmem:v25+s13+$0x0], $0xffff  }
0x207: {  	v16 =	vadd.f32 v21, v16;
	v19 =	vor.u32 v2, v19;
	v21 =	vld.idx.msk [tilespmem:v26+s13+$0x0], $0xffff  }
0x208: {  	v14 =	vsub.f32 v14, v17;
	v8 =	vmul.f32 v8, v8;
	v9 =	vadd.f32 v23, v9;
	v17 =	vld.idx.msk [tilespmem:v26+s15+$0x0], $0xffff  }
0x209: {  	v15 =	vadd.f32 v15, v16;
	v23 =	vld.idx.msk [tilespmem:v22+s13+$0x0], $0xffff  }
0x20a: {  	v8 =	vadd.f32 v8, v9;
	v9 =	vmul.f32 v14, v14;
	v14 =	vld.idx.msk [tilespmem:v22+s15+$0x0], $0xffff  }
0x20b: {  	v10 =	vadd.f32 v10, v15;
	v16 =	vld.idx.msk [tilespmem:v25+s15+$0x0], $0xffff  }
0x20c: {  	v12 =	vmul.f32 v12, v12;
	v13 =	vsub.f32 v28, v13;
	v8 =	vadd.f32 v9, v8;
	v9 =	vld.idx.msk [tilespmem:v19+s13+$0x0], $0xffff  }
0x20d: {  	v15 =	vld.idx.msk [tilespmem:v19+s15+$0x0], $0xffff;
	v17 =	vsub.f32 v21, v17  }
0x20e: {  	v10 =	vadd.f32 v12, v10;
	v12 =	vsub.f32 v27, v18;
	v13 =	vmul.f32 v13, v13  }
0x20f: {  	v14 =	vsub.f32 v23, v14;
	v17 =	vmul.f32 v17, v17  }
0x210: {  	v11 =	vsub.f32 v11, v20;
	v12 =	vmul.f32 v12, v12;
	v10 =	vadd.f32 v13, v10  }
0x211: {  	v16 =	vsub.f32 v24, v16;
	v13 =	vmul.f32 v14, v14;
	v8 =	vadd.f32 v17, v8  }
0x212: {  	v6 =	vsub.f32 v6, v7;
	v11 =	vmul.f32 v11, v11;
	v7 =	vsub.f32 v9, v15  }
0x213: {  	v9 =	vadd.f32 v12, v10;
	v10 =	vmul.f32 v16, v16;
	v8 =	vadd.f32 v13, v8  }
0x214: {  	v6 =	vmul.f32 v6, v6  }
0x215: {  	v9 =	vadd.f32 v11, v9;
	v7 =	vmul.f32 v7, v7;
	v8 =	vadd.f32 v10, v8;
	_ =	sdelay $0x1  }
0x216: {  	v6 =	vadd.f32 v6, v9;
	v7 =	vadd.f32 v7, v8;
	_ =	sdelay $0x1  }
0x217: {  	v6 =	vadd.f32 v6, v7;
	_ =	sdelay $0x1  }
0x218: {  	v6 =	vadd.f32 $-2.000000000e+00, v6;
	_ =	sdelay $0x1  }
0x219: {  	v6 =	vmul.f32 $1.442695020e+00, v6;
	_ =	sdelay $0x1  }
0x21a: {  	(erf) = vpow2.f32 v6;
	_ =	sdelay $0x8  }
0x21b: {  	v6 =	vpop (erf)  }
0x21c: {  	v6 =	vadd.f32 $1.000000000e+00, v6;
	_ =	sdelay $0x1  }
0x21d: {  	(erf) = vrcp.f32 v6;
	_ =	sdelay $0x2  }
0x21e: {  	s29 =	simm.s32 $0x7  }
0x21f: {  	v6 =	vadd.s32 s29, v0  }
0x220: {  	s30 =	simm.s32 $0x5;
	v6 =	vand.u32 $0x7F, v6  }
0x221: {  	v7 =	vadd.s32 s30, v0;
	v6 =	vor.u32 v3, v6  }
0x222: {  	s31 =	simm.s32 $0x3;
	v7 =	vand.u32 $0x7F, v7  }
0x223: {  	v8 =	vadd.s32 s31, v0;
	v7 =	vor.u32 v3, v7  }
0x224: {  	s25 =	simm.s32 $0x2;
	v8 =	vand.u32 $0x7F, v8;
	v9 =	vpop (erf)  }
0x225: {  	v14 =	vadd.s32 s25, v0;
	v8 =	vor.u32 v3, v8;
	[tilespmem:s21+$0x4F60] =	vst v9  }
0x226: {  	s23 =	simm.s32 $0x1;
	v14 =	vand.u32 $0x7F, v14;
	v11 =	vld.idx.msk [tilespmem:v6+s13+$0x0], $0xffff  }
0x227: {  	v14 =	vor.u32 v3, v14;
	v9 =	vadd.s32 s23, v0;
	v6 =	vld.idx.msk [tilespmem:v6+s15+$0x0], $0xffff  }
0x228: {  	s23 =	simm.s32 $0x0;
	v9 =	vand.u32 $0x7F, v9;
	v13 =	vld.idx.msk [tilespmem:v7+s13+$0x0], $0xffff  }
0x229: {  	v12 =	vadd.s32 s23, v0;
	v7 =	vld.idx.msk [tilespmem:v7+s15+$0x0], $0xffff;
	v9 =	vor.u32 v3, v9  }
0x22a: {  	s24 =	simm.s32 $0x4;
	v15 =	vld.idx.msk [tilespmem:v8+s13+$0x0], $0xffff;
	v12 =	vand.u32 $0x7F, v12  }
0x22b: {  	v10 =	vadd.s32 s24, v0;
	v16 =	vld.idx.msk [tilespmem:v8+s15+$0x0], $0xffff;
	v12 =	vor.u32 v3, v12  }
0x22c: {  	s26 =	simm.s32 $0x6;
	v10 =	vand.u32 $0x7F, v10;
	v27 =	vld.idx.msk [tilespmem:v14+s13+$0x0], $0xffff  }
0x22d: {  	s22 =	simm.s32 $0xF;
	v10 =	vor.u32 v3, v10;
	v8 =	vadd.s32 s26, v0;
	v63 =	vld.idx.msk [tilespmem:v14+s15+$0x0], $0xffff  }
0x22e: {  	s28 =	simm.s32 $0xD;
	v20 =	vadd.s32 s22, v0;
	v19 =	vand.u32 $0x7F, v8;
	v17 =	vld.idx.msk [tilespmem:v9+s13+$0x0], $0xffff  }
0x22f: {  	v21 =	vadd.s32 s28, v0;
	s24 =	simm.s32 $0xB;
	v23 =	vor.u32 v3, v19;
	v19 =	vand.u32 $0x7F, v20;
	v18 =	vld.idx.msk [tilespmem:v9+s15+$0x0], $0xffff  }
0x230: {  	v21 =	vand.u32 $0x7F, v21;
	v20 =	vadd.s32 s24, v0;
	v26 =	vor.u32 v3, v19;
	v22 =	vld.idx.msk [tilespmem:v12+s13+$0x0], $0xffff  }
0x231: {  	s29 =	simm.s32 $0x9;
	v25 =	vand.u32 $0x7F, v20;
	v7 =	vsub.f32 v13, v7;
	v15 =	vsub.f32 v15, v16;
	v24 =	vld.idx.msk [tilespmem:v12+s15+$0x0], $0xffff  }
0x232: {  	v8 =	vld.idx.msk [tilespmem:v10+s13+$0x0], $0xffff;
	v20 =	vor.u32 v3, v21;
	v9 =	vimm.f32 $0.0e+00;
	v12 =	vadd.s32 s29, v0  }
0x233: {  	s30 =	simm.s32 $0xA;
	v19 =	vld.idx.msk [tilespmem:v10+s15+$0x0], $0xffff;
	v10 =	vmul.f32 v7, v7;
	v15 =	vmul.f32 v15, v15;
	v12 =	vand.u32 $0x7F, v12  }
0x234: {  	s31 =	simm.s32 $0xC;
	v14 =	vld.idx.msk [tilespmem:v23+s13+$0x0], $0xffff;
	v7 =	vadd.s32 s30, v0;
	v13 =	vor.u32 v3, v12;
	v17 =	vsub.f32 v17, v18  }
0x235: {  	s25 =	simm.s32 $0x8;
	v12 =	vsub.f32 v11, v6;
	v11 =	vadd.s32 s31, v0;
	v6 =	vld.idx.msk [tilespmem:v26+s13+$0x0], $0xffff;
	v18 =	vor.u32 v3, v25  }
0x236: {  	v16 =	vsub.f32 v22, v24;
	v21 =	vmul.f32 v17, v17;
	v17 =	vld.idx.msk [tilespmem:v23+s15+$0x0], $0xffff;
	v23 =	vadd.s32 s25, v0  }
0x237: {  	v25 =	vand.u32 $0x7F, v11;
	v22 =	vand.u32 $0x7F, v7;
	v7 =	vld.idx.msk [tilespmem:v26+s15+$0x0], $0xffff;
	v26 =	vand.u32 $0x7F, v23  }
0x238: {  	s23 =	simm.s32 $0x17;
	v11 =	vld.idx.msk [tilespmem:v20+s13+$0x0], $0xffff;
	v24 =	vmul.f32 v16, v16;
	v23 =	vsub.f32 v27, v63;
	v16 =	vimm.f32 $0.0e+00  }
.LBB2_17:
0x239: {  	p0 =	sne.s32 s23, $0x7F;
	v26 =	vor.u32 v3, v26;
	v25 =	vor.u32 v3, v25;
	v20 =	vld.idx.msk [tilespmem:v20+s15+$0x0], $0xffff;
	v8 =	vsub.f32 v8, v19  }
0x23a: {  	s24 =	sadd.s32 $0xFFFFFFFF, s22;
	v16 =	vadd.f32 v21, v16;
	s22 =	smov.u32 s23;
	v19 =	vld.idx.msk [tilespmem:v18+s13+$0x0], $0xffff;
	v9 =	vadd.f32 v24, v9;
	v21 =	vmul.f32 v23, v23  }
0x23b: {  	v22 =	vor.u32 v3, v22;
	v23 =	vadd.s32 s24, v0;
	v14 =	vsub.f32 v14, v17;
	v18 =	vld.idx.msk [tilespmem:v18+s15+$0x0], $0xffff  }
0x23c: {  	v15 =	vadd.f32 v15, v16;
	v16 =	vmul.f32 v8, v8;
	v17 =	vld.idx.msk [tilespmem:v13+s13+$0x0], $0xffff;
	v9 =	vadd.f32 v21, v9  }
0x23d: {  	v12 =	vmul.f32 v12, v12;
	v23 =	vand.u32 $0x7F, v23;
	v21 =	vadd.s32 s23, v0;
	v13 =	vld.idx.msk [tilespmem:v13+s15+$0x0], $0xffff  }
0x23e: {  	s24 =	sadd.s32 $0xFFFFFFFE, s23;
	v14 =	vmul.f32 v14, v14;
	v10 =	vadd.f32 v10, v15;
	v8 =	vld.idx.msk [tilespmem:v25+s13+$0x0], $0xffff;
	v9 =	vadd.f32 v16, v9  }
0x23f: {  	s25 =	sadd.s32 $0xFFFFFFFC, s23;
	v23 =	vor.u32 v3, v23;
	v15 =	vadd.s32 s24, v0;
	v21 =	vand.u32 $0x7F, v21;
	v24 =	vld.idx.msk [tilespmem:v26+s13+$0x0], $0xffff  }
0x240: {  	v27 =	vadd.s32 s25, v0;
	s24 =	sadd.s32 $0xFFFFFFFA, s23;
	v16 =	vadd.f32 v12, v10;
	v26 =	vld.idx.msk [tilespmem:v26+s15+$0x0], $0xffff;
	v9 =	vadd.f32 v14, v9  }
0x241: {  	v28 =	vor.u32 v3, v21;
	v10 =	vadd.s32 s24, v0;
	v12 =	vand.u32 $0x7F, v15;
	v29 =	vld.idx.msk [tilespmem:v22+s13+$0x0], $0xffff  }
0x242: {  	v11 =	vsub.f32 v11, v20;
	v10 =	vand.u32 $0x7F, v10;
	v14 =	vand.u32 $0x7F, v27;
	v27 =	vld.idx.msk [tilespmem:v22+s15+$0x0], $0xffff  }
0x243: {  	v20 =	vor.u32 v3, v12;
	v15 =	vsub.f32 v19, v18;
	v12 =	vsub.f32 v17, v13;
	v19 =	vld.idx.msk [tilespmem:v25+s15+$0x0], $0xffff  }
.Ltmp7:
0x244: {  	v18 =	vor.u32 v3, v14;
	v13 =	vor.u32 v3, v10;
	v10 =	vmul.f32 v11, v11;
	v14 =	vld.idx.msk [tilespmem:v23+s13+$0x0], $0xffff;
	(pc) =	sbr.rel @p0 .LBB2_17-.Ltmp7, $4  }
0x245: {  	s25 =	sadd.s32 $0xFFFFFFFD, s23;
	s24 =	sadd.s32 $0xFFFFFFFB, s23;
	v15 =	vmul.f32 v15, v15;
	v21 =	vmul.f32 v12, v12;
	v12 =	vsub.f32 v6, v7;
	v17 =	vld.idx.msk [tilespmem:v23+s15+$0x0], $0xffff  }
0x246: {  	s26 =	sadd.s32 $0xFFFFFFF9, s23;
	v11 =	vadd.s32 s25, v0;
	v7 =	vadd.s32 s24, v0;
	v23 =	vsub.f32 v24, v26;
	v6 =	vld.idx.msk [tilespmem:v28+s13+$0x0], $0xffff  }
0x247: {  	v25 =	vand.u32 $0x7F, v11;
	v24 =	vadd.s32 s26, v0;
	v22 =	vand.u32 $0x7F, v7;
	v7 =	vld.idx.msk [tilespmem:v28+s15+$0x0], $0xffff  }
0x248: {  	s23 =	sadd.s32 $0x8, s23;
	v26 =	vand.u32 $0x7F, v24;
	v24 =	vmul.f32 v23, v23;
	v23 =	vsub.f32 v29, v27;
	v11 =	vld.idx.msk [tilespmem:v20+s13+$0x0], $0xffff  }
0x249: {  	_ =	sdelay $0x3  }
0x24a: {  	v25 =	vor.u32 v3, v25;
	v20 =	vld.idx.msk [tilespmem:v20+s15+$0x0], $0xffff  }
0x24b: {  	v26 =	vor.u32 v3, v26;
	v27 =	vld.idx.msk [tilespmem:v18+s13+$0x0], $0xffff  }
0x24c: {  	v18 =	vld.idx.msk [tilespmem:v18+s15+$0x0], $0xffff  }
0x24d: {  	s22 =	sadd.s32 $0xFFFFFFFF, s22;
	v22 =	vor.u32 v3, v22;
	v28 =	vld.idx.msk [tilespmem:v13+s13+$0x0], $0xffff  }
0x24e: {  	v8 =	vsub.f32 v8, v19;
	v13 =	vld.idx.msk [tilespmem:v13+s15+$0x0], $0xffff;
	v19 =	vadd.s32 s22, v0  }
0x24f: {  	v9 =	vadd.f32 v24, v9;
	v23 =	vmul.f32 v23, v23;
	v19 =	vand.u32 $0x7F, v19;
	v24 =	vld.idx.msk [tilespmem:v25+s13+$0x0], $0xffff  }
0x250: {  	v16 =	vadd.f32 v21, v16;
	v19 =	vor.u32 v3, v19;
	v21 =	vld.idx.msk [tilespmem:v26+s13+$0x0], $0xffff  }
0x251: {  	v14 =	vsub.f32 v14, v17;
	v8 =	vmul.f32 v8, v8;
	v9 =	vadd.f32 v23, v9;
	v17 =	vld.idx.msk [tilespmem:v26+s15+$0x0], $0xffff  }
0x252: {  	v15 =	vadd.f32 v15, v16;
	v23 =	vld.idx.msk [tilespmem:v22+s13+$0x0], $0xffff  }
0x253: {  	v8 =	vadd.f32 v8, v9;
	v9 =	vmul.f32 v14, v14;
	v14 =	vld.idx.msk [tilespmem:v22+s15+$0x0], $0xffff  }
0x254: {  	v10 =	vadd.f32 v10, v15;
	v16 =	vld.idx.msk [tilespmem:v25+s15+$0x0], $0xffff  }
0x255: {  	v12 =	vmul.f32 v12, v12;
	v13 =	vsub.f32 v28, v13;
	v8 =	vadd.f32 v9, v8;
	v9 =	vld.idx.msk [tilespmem:v19+s13+$0x0], $0xffff  }
0x256: {  	v15 =	vld.idx.msk [tilespmem:v19+s15+$0x0], $0xffff;
	v17 =	vsub.f32 v21, v17  }
0x257: {  	v10 =	vadd.f32 v12, v10;
	v12 =	vsub.f32 v27, v18;
	v13 =	vmul.f32 v13, v13  }
0x258: {  	v14 =	vsub.f32 v23, v14;
	v17 =	vmul.f32 v17, v17  }
0x259: {  	v11 =	vsub.f32 v11, v20;
	v12 =	vmul.f32 v12, v12;
	v10 =	vadd.f32 v13, v10  }
0x25a: {  	v16 =	vsub.f32 v24, v16;
	v13 =	vmul.f32 v14, v14;
	v8 =	vadd.f32 v17, v8  }
0x25b: {  	v6 =	vsub.f32 v6, v7;
	v11 =	vmul.f32 v11, v11;
	v7 =	vsub.f32 v9, v15  }
0x25c: {  	v9 =	vadd.f32 v12, v10;
	v10 =	vmul.f32 v16, v16;
	v8 =	vadd.f32 v13, v8  }
0x25d: {  	v6 =	vmul.f32 v6, v6  }
0x25e: {  	v9 =	vadd.f32 v11, v9;
	v7 =	vmul.f32 v7, v7;
	v8 =	vadd.f32 v10, v8;
	_ =	sdelay $0x1  }
0x25f: {  	v6 =	vadd.f32 v6, v9;
	v7 =	vadd.f32 v7, v8;
	_ =	sdelay $0x1  }
0x260: {  	v6 =	vadd.f32 v6, v7;
	_ =	sdelay $0x1  }
0x261: {  	v6 =	vadd.f32 $-2.000000000e+00, v6;
	_ =	sdelay $0x1  }
0x262: {  	v6 =	vmul.f32 $1.442695020e+00, v6;
	_ =	sdelay $0x1  }
0x263: {  	(erf) = vpow2.f32 v6;
	_ =	sdelay $0x8  }
0x264: {  	v6 =	vpop (erf)  }
0x265: {  	v6 =	vadd.f32 $1.000000000e+00, v6;
	_ =	sdelay $0x1  }
0x266: {  	(erf) = vrcp.f32 v6;
	_ =	sdelay $0x2  }
0x267: {  	s29 =	simm.s32 $0x7  }
0x268: {  	v6 =	vadd.s32 s29, v0  }
0x269: {  	s30 =	simm.s32 $0x5;
	v6 =	vand.u32 $0x7F, v6  }
0x26a: {  	v7 =	vadd.s32 s30, v0;
	v6 =	vor.u32 v4, v6  }
0x26b: {  	s31 =	simm.s32 $0x3;
	v7 =	vand.u32 $0x7F, v7  }
0x26c: {  	v8 =	vadd.s32 s31, v0;
	v7 =	vor.u32 v4, v7  }
0x26d: {  	s25 =	simm.s32 $0x2;
	v8 =	vand.u32 $0x7F, v8;
	v9 =	vpop (erf)  }
0x26e: {  	v14 =	vadd.s32 s25, v0;
	v8 =	vor.u32 v4, v8;
	[tilespmem:s21+$0x4F70] =	vst v9  }
0x26f: {  	s23 =	simm.s32 $0x1;
	v14 =	vand.u32 $0x7F, v14;
	v11 =	vld.idx.msk [tilespmem:v6+s13+$0x0], $0xffff  }
0x270: {  	v14 =	vor.u32 v4, v14;
	v9 =	vadd.s32 s23, v0;
	v6 =	vld.idx.msk [tilespmem:v6+s15+$0x0], $0xffff  }
0x271: {  	s23 =	simm.s32 $0x0;
	v9 =	vand.u32 $0x7F, v9;
	v13 =	vld.idx.msk [tilespmem:v7+s13+$0x0], $0xffff  }
0x272: {  	v12 =	vadd.s32 s23, v0;
	v7 =	vld.idx.msk [tilespmem:v7+s15+$0x0], $0xffff;
	v9 =	vor.u32 v4, v9  }
0x273: {  	s24 =	simm.s32 $0x4;
	v15 =	vld.idx.msk [tilespmem:v8+s13+$0x0], $0xffff;
	v12 =	vand.u32 $0x7F, v12  }
0x274: {  	v10 =	vadd.s32 s24, v0;
	v16 =	vld.idx.msk [tilespmem:v8+s15+$0x0], $0xffff;
	v12 =	vor.u32 v4, v12  }
0x275: {  	s26 =	simm.s32 $0x6;
	v10 =	vand.u32 $0x7F, v10;
	v27 =	vld.idx.msk [tilespmem:v14+s13+$0x0], $0xffff  }
0x276: {  	s22 =	simm.s32 $0xF;
	v10 =	vor.u32 v4, v10;
	v8 =	vadd.s32 s26, v0;
	v63 =	vld.idx.msk [tilespmem:v14+s15+$0x0], $0xffff  }
0x277: {  	s28 =	simm.s32 $0xD;
	v20 =	vadd.s32 s22, v0;
	v19 =	vand.u32 $0x7F, v8;
	v17 =	vld.idx.msk [tilespmem:v9+s13+$0x0], $0xffff  }
0x278: {  	v21 =	vadd.s32 s28, v0;
	s24 =	simm.s32 $0xB;
	v23 =	vor.u32 v4, v19;
	v19 =	vand.u32 $0x7F, v20;
	v18 =	vld.idx.msk [tilespmem:v9+s15+$0x0], $0xffff  }
0x279: {  	v21 =	vand.u32 $0x7F, v21;
	v20 =	vadd.s32 s24, v0;
	v26 =	vor.u32 v4, v19;
	v22 =	vld.idx.msk [tilespmem:v12+s13+$0x0], $0xffff  }
0x27a: {  	s29 =	simm.s32 $0x9;
	v25 =	vand.u32 $0x7F, v20;
	v7 =	vsub.f32 v13, v7;
	v15 =	vsub.f32 v15, v16;
	v24 =	vld.idx.msk [tilespmem:v12+s15+$0x0], $0xffff  }
0x27b: {  	v8 =	vld.idx.msk [tilespmem:v10+s13+$0x0], $0xffff;
	v20 =	vor.u32 v4, v21;
	v9 =	vimm.f32 $0.0e+00;
	v12 =	vadd.s32 s29, v0  }
0x27c: {  	s30 =	simm.s32 $0xA;
	v19 =	vld.idx.msk [tilespmem:v10+s15+$0x0], $0xffff;
	v10 =	vmul.f32 v7, v7;
	v15 =	vmul.f32 v15, v15;
	v12 =	vand.u32 $0x7F, v12  }
0x27d: {  	s31 =	simm.s32 $0xC;
	v14 =	vld.idx.msk [tilespmem:v23+s13+$0x0], $0xffff;
	v7 =	vadd.s32 s30, v0;
	v13 =	vor.u32 v4, v12;
	v17 =	vsub.f32 v17, v18  }
0x27e: {  	s25 =	simm.s32 $0x8;
	v12 =	vsub.f32 v11, v6;
	v11 =	vadd.s32 s31, v0;
	v6 =	vld.idx.msk [tilespmem:v26+s13+$0x0], $0xffff;
	v18 =	vor.u32 v4, v25  }
0x27f: {  	v16 =	vsub.f32 v22, v24;
	v21 =	vmul.f32 v17, v17;
	v17 =	vld.idx.msk [tilespmem:v23+s15+$0x0], $0xffff;
	v23 =	vadd.s32 s25, v0  }
0x280: {  	v25 =	vand.u32 $0x7F, v11;
	v22 =	vand.u32 $0x7F, v7;
	v7 =	vld.idx.msk [tilespmem:v26+s15+$0x0], $0xffff;
	v26 =	vand.u32 $0x7F, v23  }
0x281: {  	s23 =	simm.s32 $0x17;
	v11 =	vld.idx.msk [tilespmem:v20+s13+$0x0], $0xffff;
	v24 =	vmul.f32 v16, v16;
	v23 =	vsub.f32 v27, v63;
	v16 =	vimm.f32 $0.0e+00  }
.LBB2_19:
0x282: {  	p0 =	sne.s32 s23, $0x7F;
	v26 =	vor.u32 v4, v26;
	v25 =	vor.u32 v4, v25;
	v20 =	vld.idx.msk [tilespmem:v20+s15+$0x0], $0xffff;
	v8 =	vsub.f32 v8, v19  }
0x283: {  	s24 =	sadd.s32 $0xFFFFFFFF, s22;
	v16 =	vadd.f32 v21, v16;
	s22 =	smov.u32 s23;
	v19 =	vld.idx.msk [tilespmem:v18+s13+$0x0], $0xffff;
	v9 =	vadd.f32 v24, v9;
	v21 =	vmul.f32 v23, v23  }
0x284: {  	v22 =	vor.u32 v4, v22;
	v23 =	vadd.s32 s24, v0;
	v14 =	vsub.f32 v14, v17;
	v18 =	vld.idx.msk [tilespmem:v18+s15+$0x0], $0xffff  }
0x285: {  	v15 =	vadd.f32 v15, v16;
	v16 =	vmul.f32 v8, v8;
	v17 =	vld.idx.msk [tilespmem:v13+s13+$0x0], $0xffff;
	v9 =	vadd.f32 v21, v9  }
0x286: {  	v12 =	vmul.f32 v12, v12;
	v23 =	vand.u32 $0x7F, v23;
	v21 =	vadd.s32 s23, v0;
	v13 =	vld.idx.msk [tilespmem:v13+s15+$0x0], $0xffff  }
0x287: {  	s24 =	sadd.s32 $0xFFFFFFFE, s23;
	v14 =	vmul.f32 v14, v14;
	v10 =	vadd.f32 v10, v15;
	v8 =	vld.idx.msk [tilespmem:v25+s13+$0x0], $0xffff;
	v9 =	vadd.f32 v16, v9  }
0x288: {  	s25 =	sadd.s32 $0xFFFFFFFC, s23;
	v23 =	vor.u32 v4, v23;
	v15 =	vadd.s32 s24, v0;
	v21 =	vand.u32 $0x7F, v21;
	v24 =	vld.idx.msk [tilespmem:v26+s13+$0x0], $0xffff  }
0x289: {  	v27 =	vadd.s32 s25, v0;
	s24 =	sadd.s32 $0xFFFFFFFA, s23;
	v16 =	vadd.f32 v12, v10;
	v26 =	vld.idx.msk [tilespmem:v26+s15+$0x0], $0xffff;
	v9 =	vadd.f32 v14, v9  }
0x28a: {  	v28 =	vor.u32 v4, v21;
	v10 =	vadd.s32 s24, v0;
	v12 =	vand.u32 $0x7F, v15;
	v29 =	vld.idx.msk [tilespmem:v22+s13+$0x0], $0xffff  }
0x28b: {  	v11 =	vsub.f32 v11, v20;
	v10 =	vand.u32 $0x7F, v10;
	v14 =	vand.u32 $0x7F, v27;
	v27 =	vld.idx.msk [tilespmem:v22+s15+$0x0], $0xffff  }
0x28c: {  	v20 =	vor.u32 v4, v12;
	v15 =	vsub.f32 v19, v18;
	v12 =	vsub.f32 v17, v13;
	v19 =	vld.idx.msk [tilespmem:v25+s15+$0x0], $0xffff  }
.Ltmp8:
0x28d: {  	v18 =	vor.u32 v4, v14;
	v13 =	vor.u32 v4, v10;
	v10 =	vmul.f32 v11, v11;
	v14 =	vld.idx.msk [tilespmem:v23+s13+$0x0], $0xffff;
	(pc) =	sbr.rel @p0 .LBB2_19-.Ltmp8, $4  }
0x28e: {  	s25 =	sadd.s32 $0xFFFFFFFD, s23;
	s24 =	sadd.s32 $0xFFFFFFFB, s23;
	v15 =	vmul.f32 v15, v15;
	v21 =	vmul.f32 v12, v12;
	v12 =	vsub.f32 v6, v7;
	v17 =	vld.idx.msk [tilespmem:v23+s15+$0x0], $0xffff  }
0x28f: {  	s26 =	sadd.s32 $0xFFFFFFF9, s23;
	v11 =	vadd.s32 s25, v0;
	v7 =	vadd.s32 s24, v0;
	v23 =	vsub.f32 v24, v26;
	v6 =	vld.idx.msk [tilespmem:v28+s13+$0x0], $0xffff  }
0x290: {  	v25 =	vand.u32 $0x7F, v11;
	v24 =	vadd.s32 s26, v0;
	v22 =	vand.u32 $0x7F, v7;
	v7 =	vld.idx.msk [tilespmem:v28+s15+$0x0], $0xffff  }
0x291: {  	s23 =	sadd.s32 $0x8, s23;
	v26 =	vand.u32 $0x7F, v24;
	v24 =	vmul.f32 v23, v23;
	v23 =	vsub.f32 v29, v27;
	v11 =	vld.idx.msk [tilespmem:v20+s13+$0x0], $0xffff  }
0x292: {  	_ =	sdelay $0x3  }
0x293: {  	v25 =	vor.u32 v4, v25;
	v20 =	vld.idx.msk [tilespmem:v20+s15+$0x0], $0xffff  }
0x294: {  	v26 =	vor.u32 v4, v26;
	v27 =	vld.idx.msk [tilespmem:v18+s13+$0x0], $0xffff  }
0x295: {  	v18 =	vld.idx.msk [tilespmem:v18+s15+$0x0], $0xffff  }
0x296: {  	s22 =	sadd.s32 $0xFFFFFFFF, s22;
	v22 =	vor.u32 v4, v22;
	v28 =	vld.idx.msk [tilespmem:v13+s13+$0x0], $0xffff  }
0x297: {  	v8 =	vsub.f32 v8, v19;
	v13 =	vld.idx.msk [tilespmem:v13+s15+$0x0], $0xffff;
	v19 =	vadd.s32 s22, v0  }
0x298: {  	v9 =	vadd.f32 v24, v9;
	v23 =	vmul.f32 v23, v23;
	v19 =	vand.u32 $0x7F, v19;
	v24 =	vld.idx.msk [tilespmem:v25+s13+$0x0], $0xffff  }
0x299: {  	v16 =	vadd.f32 v21, v16;
	v19 =	vor.u32 v4, v19;
	v21 =	vld.idx.msk [tilespmem:v26+s13+$0x0], $0xffff  }
0x29a: {  	v14 =	vsub.f32 v14, v17;
	v8 =	vmul.f32 v8, v8;
	v9 =	vadd.f32 v23, v9;
	v17 =	vld.idx.msk [tilespmem:v26+s15+$0x0], $0xffff  }
0x29b: {  	v15 =	vadd.f32 v15, v16;
	v23 =	vld.idx.msk [tilespmem:v22+s13+$0x0], $0xffff  }
0x29c: {  	v8 =	vadd.f32 v8, v9;
	v9 =	vmul.f32 v14, v14;
	v14 =	vld.idx.msk [tilespmem:v22+s15+$0x0], $0xffff  }
0x29d: {  	v10 =	vadd.f32 v10, v15;
	v16 =	vld.idx.msk [tilespmem:v25+s15+$0x0], $0xffff  }
0x29e: {  	v12 =	vmul.f32 v12, v12;
	v13 =	vsub.f32 v28, v13;
	v8 =	vadd.f32 v9, v8;
	v9 =	vld.idx.msk [tilespmem:v19+s13+$0x0], $0xffff  }
0x29f: {  	v15 =	vld.idx.msk [tilespmem:v19+s15+$0x0], $0xffff;
	v17 =	vsub.f32 v21, v17  }
0x2a0: {  	v10 =	vadd.f32 v12, v10;
	v12 =	vsub.f32 v27, v18;
	v13 =	vmul.f32 v13, v13  }
0x2a1: {  	v14 =	vsub.f32 v23, v14;
	v17 =	vmul.f32 v17, v17  }
0x2a2: {  	v11 =	vsub.f32 v11, v20;
	v12 =	vmul.f32 v12, v12;
	v10 =	vadd.f32 v13, v10  }
0x2a3: {  	v16 =	vsub.f32 v24, v16;
	v13 =	vmul.f32 v14, v14;
	v8 =	vadd.f32 v17, v8  }
0x2a4: {  	v6 =	vsub.f32 v6, v7;
	v11 =	vmul.f32 v11, v11;
	v7 =	vsub.f32 v9, v15  }
0x2a5: {  	v9 =	vadd.f32 v12, v10;
	v10 =	vmul.f32 v16, v16;
	v8 =	vadd.f32 v13, v8  }
0x2a6: {  	v6 =	vmul.f32 v6, v6  }
0x2a7: {  	v9 =	vadd.f32 v11, v9;
	v7 =	vmul.f32 v7, v7;
	v8 =	vadd.f32 v10, v8;
	_ =	sdelay $0x1  }
0x2a8: {  	v6 =	vadd.f32 v6, v9;
	v7 =	vadd.f32 v7, v8;
	_ =	sdelay $0x1  }
0x2a9: {  	v6 =	vadd.f32 v6, v7;
	_ =	sdelay $0x1  }
0x2aa: {  	v6 =	vadd.f32 $-2.000000000e+00, v6;
	_ =	sdelay $0x1  }
0x2ab: {  	v6 =	vmul.f32 $1.442695020e+00, v6;
	_ =	sdelay $0x1  }
0x2ac: {  	(erf) = vpow2.f32 v6;
	_ =	sdelay $0x8  }
0x2ad: {  	v6 =	vpop (erf)  }
0x2ae: {  	v6 =	vadd.f32 $1.000000000e+00, v6;
	_ =	sdelay $0x1  }
0x2af: {  	(erf) = vrcp.f32 v6;
	_ =	sdelay $0x2  }
0x2b0: {  	s28 =	simm.s32 $0x7  }
0x2b1: {  	v6 =	vadd.s32 s28, v0  }
0x2b2: {  	s29 =	simm.s32 $0x5;
	v6 =	vand.u32 $0x7F, v6  }
0x2b3: {  	v7 =	vadd.s32 s29, v0;
	v6 =	vor.u32 v5, v6  }
0x2b4: {  	s30 =	simm.s32 $0x3;
	v7 =	vand.u32 $0x7F, v7  }
0x2b5: {  	v8 =	vadd.s32 s30, v0;
	v7 =	vor.u32 v5, v7  }
0x2b6: {  	s31 =	sand.u32 $0x3FE0, s21;
	s24 =	simm.s32 $0x0;
	v8 =	vand.u32 $0x7F, v8;
	v9 =	vpop (erf)  }
0x2b7: {  	v12 =	vadd.s32 s24, v0;
	v8 =	vor.u32 v5, v8;
	[tilespmem:s31+$0x4F80] =	vst v9  }
0x2b8: {  	s23 =	simm.s32 $0x1;
	v12 =	vand.u32 $0x7F, v12;
	v11 =	vld.idx.msk [tilespmem:v6+s13+$0x0], $0xffff  }
0x2b9: {  	v12 =	vor.u32 v5, v12;
	v9 =	vadd.s32 s23, v0;
	v6 =	vld.idx.msk [tilespmem:v6+s15+$0x0], $0xffff  }
0x2ba: {  	s25 =	simm.s32 $0x2;
	v9 =	vand.u32 $0x7F, v9;
	v13 =	vld.idx.msk [tilespmem:v7+s13+$0x0], $0xffff  }
0x2bb: {  	v14 =	vadd.s32 s25, v0;
	v7 =	vld.idx.msk [tilespmem:v7+s15+$0x0], $0xffff;
	v9 =	vor.u32 v5, v9  }
0x2bc: {  	v14 =	vand.u32 $0x7F, v14;
	s23 =	simm.s32 $0x4;
	v15 =	vld.idx.msk [tilespmem:v8+s13+$0x0], $0xffff  }
0x2bd: {  	v14 =	vor.u32 v5, v14;
	v10 =	vadd.s32 s23, v0;
	v16 =	vld.idx.msk [tilespmem:v8+s15+$0x0], $0xffff  }
0x2be: {  	s26 =	simm.s32 $0x6;
	v22 =	vld.idx.msk [tilespmem:v12+s13+$0x0], $0xffff;
	v10 =	vand.u32 $0x7F, v10  }
0x2bf: {  	s22 =	simm.s32 $0xF;
	v8 =	vadd.s32 s26, v0;
	v24 =	vld.idx.msk [tilespmem:v12+s15+$0x0], $0xffff;
	v10 =	vor.u32 v5, v10  }
0x2c0: {  	v20 =	vadd.s32 s22, v0;
	s28 =	simm.s32 $0xD;
	v19 =	vand.u32 $0x7F, v8;
	v17 =	vld.idx.msk [tilespmem:v9+s13+$0x0], $0xffff  }
0x2c1: {  	s24 =	simm.s32 $0xB;
	s29 =	simm.s32 $0x9;
	v21 =	vadd.s32 s28, v0;
	v23 =	vor.u32 v5, v19;
	v19 =	vand.u32 $0x7F, v20;
	v18 =	vld.idx.msk [tilespmem:v9+s15+$0x0], $0xffff  }
0x2c2: {  	v12 =	vadd.s32 s29, v0;
	v27 =	vld.idx.msk [tilespmem:v14+s13+$0x0], $0xffff;
	v20 =	vadd.s32 s24, v0;
	v26 =	vor.u32 v5, v19  }
0x2c3: {  	v21 =	vand.u32 $0x7F, v21;
	v63 =	vld.idx.msk [tilespmem:v14+s15+$0x0], $0xffff;
	v12 =	vand.u32 $0x7F, v12;
	v25 =	vand.u32 $0x7F, v20  }
0x2c4: {  	s31 =	simm.s32 $0xC;
	v20 =	vor.u32 v5, v21;
	v7 =	vsub.f32 v13, v7;
	v15 =	vsub.f32 v15, v16;
	v8 =	vld.idx.msk [tilespmem:v10+s13+$0x0], $0xffff  }
0x2c5: {  	v13 =	vor.u32 v5, v12;
	v12 =	vsub.f32 v11, v6;
	v11 =	vadd.s32 s31, v0;
	v19 =	vld.idx.msk [tilespmem:v10+s15+$0x0], $0xffff  }
0x2c6: {  	v16 =	vsub.f32 v22, v24;
	v9 =	vimm.f32 $0.0e+00;
	v14 =	vld.idx.msk [tilespmem:v23+s13+$0x0], $0xffff;
	v17 =	vsub.f32 v17, v18  }
0x2c7: {  	s30 =	simm.s32 $0xA;
	v10 =	vmul.f32 v7, v7;
	v15 =	vmul.f32 v15, v15;
	v6 =	vld.idx.msk [tilespmem:v26+s13+$0x0], $0xffff;
	v18 =	vor.u32 v5, v25  }
0x2c8: {  	s25 =	simm.s32 $0x8;
	v7 =	vadd.s32 s30, v0;
	v24 =	vmul.f32 v16, v16;
	v21 =	vmul.f32 v17, v17;
	v17 =	vld.idx.msk [tilespmem:v23+s15+$0x0], $0xffff  }
0x2c9: {  	v16 =	vimm.f32 $0.0e+00;
	v22 =	vand.u32 $0x7F, v7;
	v7 =	vld.idx.msk [tilespmem:v26+s15+$0x0], $0xffff;
	v23 =	vadd.s32 s25, v0  }
0x2ca: {  	s23 =	simm.s32 $0x17;
	v25 =	vand.u32 $0x7F, v11;
	v11 =	vld.idx.msk [tilespmem:v20+s13+$0x0], $0xffff;
	v26 =	vand.u32 $0x7F, v23;
	v23 =	vsub.f32 v27, v63  }
.LBB2_21:
0x2cb: {  	p0 =	sne.s32 s23, $0x7F;
	v26 =	vor.u32 v5, v26;
	v25 =	vor.u32 v5, v25;
	v20 =	vld.idx.msk [tilespmem:v20+s15+$0x0], $0xffff;
	v8 =	vsub.f32 v8, v19  }
0x2cc: {  	s24 =	sadd.s32 $0xFFFFFFFF, s22;
	v16 =	vadd.f32 v21, v16;
	s22 =	smov.u32 s23;
	v19 =	vld.idx.msk [tilespmem:v18+s13+$0x0], $0xffff;
	v9 =	vadd.f32 v24, v9;
	v21 =	vmul.f32 v23, v23  }
0x2cd: {  	v22 =	vor.u32 v5, v22;
	v23 =	vadd.s32 s24, v0;
	v14 =	vsub.f32 v14, v17;
	v18 =	vld.idx.msk [tilespmem:v18+s15+$0x0], $0xffff  }
0x2ce: {  	v15 =	vadd.f32 v15, v16;
	v16 =	vmul.f32 v8, v8;
	v17 =	vld.idx.msk [tilespmem:v13+s13+$0x0], $0xffff;
	v9 =	vadd.f32 v21, v9  }
0x2cf: {  	v12 =	vmul.f32 v12, v12;
	v23 =	vand.u32 $0x7F, v23;
	v21 =	vadd.s32 s23, v0;
	v13 =	vld.idx.msk [tilespmem:v13+s15+$0x0], $0xffff  }
0x2d0: {  	s24 =	sadd.s32 $0xFFFFFFFE, s23;
	v14 =	vmul.f32 v14, v14;
	v10 =	vadd.f32 v10, v15;
	v8 =	vld.idx.msk [tilespmem:v25+s13+$0x0], $0xffff;
	v9 =	vadd.f32 v16, v9  }
0x2d1: {  	s25 =	sadd.s32 $0xFFFFFFFC, s23;
	v23 =	vor.u32 v5, v23;
	v15 =	vadd.s32 s24, v0;
	v21 =	vand.u32 $0x7F, v21;
	v24 =	vld.idx.msk [tilespmem:v26+s13+$0x0], $0xffff  }
0x2d2: {  	v27 =	vadd.s32 s25, v0;
	s24 =	sadd.s32 $0xFFFFFFFA, s23;
	v16 =	vadd.f32 v12, v10;
	v26 =	vld.idx.msk [tilespmem:v26+s15+$0x0], $0xffff;
	v9 =	vadd.f32 v14, v9  }
0x2d3: {  	v28 =	vor.u32 v5, v21;
	v10 =	vadd.s32 s24, v0;
	v12 =	vand.u32 $0x7F, v15;
	v29 =	vld.idx.msk [tilespmem:v22+s13+$0x0], $0xffff  }
0x2d4: {  	v11 =	vsub.f32 v11, v20;
	v10 =	vand.u32 $0x7F, v10;
	v14 =	vand.u32 $0x7F, v27;
	v27 =	vld.idx.msk [tilespmem:v22+s15+$0x0], $0xffff  }
0x2d5: {  	v20 =	vor.u32 v5, v12;
	v15 =	vsub.f32 v19, v18;
	v12 =	vsub.f32 v17, v13;
	v19 =	vld.idx.msk [tilespmem:v25+s15+$0x0], $0xffff  }
.Ltmp9:
0x2d6: {  	v18 =	vor.u32 v5, v14;
	v13 =	vor.u32 v5, v10;
	v10 =	vmul.f32 v11, v11;
	v14 =	vld.idx.msk [tilespmem:v23+s13+$0x0], $0xffff;
	(pc) =	sbr.rel @p0 .LBB2_21-.Ltmp9, $4  }
0x2d7: {  	s25 =	sadd.s32 $0xFFFFFFFD, s23;
	s24 =	sadd.s32 $0xFFFFFFFB, s23;
	v15 =	vmul.f32 v15, v15;
	v21 =	vmul.f32 v12, v12;
	v12 =	vsub.f32 v6, v7;
	v17 =	vld.idx.msk [tilespmem:v23+s15+$0x0], $0xffff  }
0x2d8: {  	s26 =	sadd.s32 $0xFFFFFFF9, s23;
	v11 =	vadd.s32 s25, v0;
	v7 =	vadd.s32 s24, v0;
	v23 =	vsub.f32 v24, v26;
	v6 =	vld.idx.msk [tilespmem:v28+s13+$0x0], $0xffff  }
0x2d9: {  	v25 =	vand.u32 $0x7F, v11;
	v24 =	vadd.s32 s26, v0;
	v22 =	vand.u32 $0x7F, v7;
	v7 =	vld.idx.msk [tilespmem:v28+s15+$0x0], $0xffff  }
0x2da: {  	s23 =	sadd.s32 $0x8, s23;
	v26 =	vand.u32 $0x7F, v24;
	v24 =	vmul.f32 v23, v23;
	v23 =	vsub.f32 v29, v27;
	v11 =	vld.idx.msk [tilespmem:v20+s13+$0x0], $0xffff  }
0x2db: {  	_ =	sdelay $0x3  }
0x2dc: {  	v20 =	vld.idx.msk [tilespmem:v20+s15+$0x0], $0xffff;
	v26 =	vor.u32 v5, v26  }
0x2dd: {  	v27 =	vld.idx.msk [tilespmem:v18+s13+$0x0], $0xffff  }
0x2de: {  	v48 =	vld.idx.msk [tilespmem:v18+s15+$0x0], $0xffff;
	v22 =	vor.u32 v5, v22  }
0x2df: {  	s22 =	sadd.s32 $0xFFFFFFFF, s22;
	v28 =	vld.idx.msk [tilespmem:v13+s13+$0x0], $0xffff  }
0x2e0: {  	v25 =	vor.u32 v5, v25;
	v50 =	vld.idx.msk [tilespmem:v13+s15+$0x0], $0xffff;
	v49 =	vadd.s32 s22, v0  }
0x2e1: {  	v8 =	vsub.f32 v8, v19;
	v19 =	vand.u32 $0x7F, v49;
	v52 =	vld.idx.msk [tilespmem:v26+s13+$0x0], $0xffff  }
0x2e2: {  	v16 =	vadd.f32 v21, v16;
	v19 =	vor.u32 v5, v19;
	v53 =	vld.idx.msk [tilespmem:v26+s15+$0x0], $0xffff  }
0x2e3: {  	v9 =	vadd.f32 v24, v9;
	v23 =	vmul.f32 v23, v23;
	v54 =	vld.idx.msk [tilespmem:v22+s13+$0x0], $0xffff  }
0x2e4: {  	v15 =	vadd.f32 v15, v16;
	v56 =	vld.idx.msk [tilespmem:v22+s15+$0x0], $0xffff  }
0x2e5: {  	v14 =	vsub.f32 v14, v17;
	v8 =	vmul.f32 v8, v8;
	v9 =	vadd.f32 v23, v9;
	v51 =	vld.idx.msk [tilespmem:v25+s13+$0x0], $0xffff  }
0x2e6: {  	v12 =	vmul.f32 v12, v12;
	v10 =	vadd.f32 v10, v15;
	v57 =	vld.idx.msk [tilespmem:v25+s15+$0x0], $0xffff;
	v13 =	vsub.f32 v28, v50  }
0x2e7: {  	v55 =	vmul.f32 v14, v14;
	v8 =	vadd.f32 v8, v9;
	v58 =	vld.idx.msk [tilespmem:v19+s13+$0x0], $0xffff;
	v17 =	vsub.f32 v52, v53  }
0x2e8: {  	v60 =	vsub.f32 v27, v48;
	v10 =	vadd.f32 v12, v10;
	v13 =	vmul.f32 v13, v13;
	v59 =	vld.idx.msk [tilespmem:v19+s15+$0x0], $0xffff  }
0x2e9: {  	v8 =	vadd.f32 v55, v8;
	v14 =	vsub.f32 v54, v56;
	v17 =	vmul.f32 v17, v17  }
0x2ea: {  	v11 =	vsub.f32 v11, v20;
	v12 =	vmul.f32 v60, v60;
	v10 =	vadd.f32 v13, v10  }
0x2eb: {  	v16 =	vsub.f32 v51, v57;
	v61 =	vmul.f32 v14, v14;
	v8 =	vadd.f32 v17, v8  }
0x2ec: {  	v6 =	vsub.f32 v6, v7;
	v11 =	vmul.f32 v11, v11;
	v62 =	vadd.f32 v12, v10  }
0x2ed: {  	v63 =	vmul.f32 v16, v16;
	v7 =	vsub.f32 v58, v59;
	v8 =	vadd.f32 v61, v8  }
0x2ee: {  	v6 =	vmul.f32 v6, v6  }
0x2ef: {  	v9 =	vadd.f32 v11, v62;
	v7 =	vmul.f32 v7, v7;
	v8 =	vadd.f32 v63, v8;
	_ =	sdelay $0x1  }
0x2f0: {  	v6 =	vadd.f32 v6, v9;
	v7 =	vadd.f32 v7, v8;
	_ =	sdelay $0x1  }
0x2f1: {  	v6 =	vadd.f32 v6, v7;
	_ =	sdelay $0x1  }
0x2f2: {  	v6 =	vadd.f32 $-2.000000000e+00, v6;
	_ =	sdelay $0x1  }
0x2f3: {  	v6 =	vmul.f32 $1.442695020e+00, v6;
	_ =	sdelay $0x1  }
0x2f4: {  	(erf) = vpow2.f32 v6;
	_ =	sdelay $0x8  }
0x2f5: {  	v6 =	vpop (erf)  }
0x2f6: {  	v6 =	vadd.f32 $1.000000000e+00, v6;
	_ =	sdelay $0x1  }
0x2f7: {  	(erf) = vrcp.f32 v6;
	_ =	sdelay $0x4  }
0x2f8: {  	p0 =	seq.s32 s20, $0x3D  }
.Ltmp10:
0x2f9: {  	_ = 	snop;
	(pc) =	sbr.rel @p0 .LBB2_24-.Ltmp10, $3  }
0x2fa: {  	_ =	sdelay $0x1  }
0x2fb: {  	v6 =	vpop (erf)  }
0x2fc: {  	[tilespmem:s21+$0x4F90] =	vst v6  }
.Ltmp11:
0x2fd: {  	(pc) =	sbr.rel .LBB2_2-.Ltmp11, $4  }
0x2fe: {  	s22 =	sadd.s32 $0xF0, s21  }
0x2ff: {  	[tilespmem:s13], [sflag:$0x2] =	stream.indirect.gather [hbm4b:s3+s10], $0x80, s22, s10, $0xb8;
	[tilespmem:$0x11680] =	vst v63  }
0x300: {  	s31 =	sadd.s32 $0x2870, s21;
	s20 =	sadd.s32 $0x1, s20  }
0x301: {  	[tilespmem:s15], [sflag:$0x2] =	stream.indirect.gather [hbm4b:s3+s10], $0x80, s31, s10, $0xb8;
	[tilespmem:$0x11680] =	vst v63  }
.LBB2_24:
0x302: {  	s20 =	simm.s32 $0x7  }
0x303: {  	v6 =	vadd.s32 s20, v0  }
0x304: {  	_ =	swait.ge [sflag:s16], $0x2800;
	s21 =	simm.s32 $0x5;
	v6 =	vand.u32 $0x7F, v6  }
0x305: {  	[sflag:s16] =	ssyncset.done $0x0;
	v7 =	vadd.s32 s21, v0;
	v6 =	vor.u32 v1, v6  }
0x306: {  	s22 =	simm.s32 $0x3;
	[sflag:s16] =	ssyncadd.s32 $0xFFFFD800;
	v7 =	vand.u32 $0x7F, v7  }
0x307: {  	v8 =	vadd.s32 s22, v0;
	_ =	swait.ge [sflag:s16], $0x2800;
	v7 =	vor.u32 v1, v7  }
0x308: {  	s23 =	simm.s32 $0x1;
	v8 =	vand.u32 $0x7F, v8;
	[sflag:s16] =	ssyncset.done $0x0  }
0x309: {  	v9 =	vadd.s32 s23, v0;
	v8 =	vor.u32 v1, v8;
	[sflag:s16] =	ssyncadd.s32 $0xFFFFD800  }
0x30a: {  	s25 =	simm.s32 $0x2;
	v9 =	vand.u32 $0x7F, v9;
	v11 =	vld.idx.msk [tilespmem:v6+s11+$0x0], $0xffff  }
0x30b: {  	s21 =	simm.s32 $0x0;
	v14 =	vadd.s32 s25, v0;
	v9 =	vor.u32 v1, v9;
	v6 =	vld.idx.msk [tilespmem:v6+s12+$0x0], $0xffff  }
0x30c: {  	v12 =	vadd.s32 s21, v0;
	v14 =	vand.u32 $0x7F, v14;
	v13 =	vld.idx.msk [tilespmem:v7+s11+$0x0], $0xffff  }
0x30d: {  	v12 =	vand.u32 $0x7F, v12;
	v14 =	vor.u32 v1, v14;
	v7 =	vld.idx.msk [tilespmem:v7+s12+$0x0], $0xffff  }
0x30e: {  	s24 =	simm.s32 $0x4;
	v12 =	vor.u32 v1, v12;
	v15 =	vld.idx.msk [tilespmem:v8+s11+$0x0], $0xffff  }
0x30f: {  	v10 =	vadd.s32 s24, v0;
	v16 =	vld.idx.msk [tilespmem:v8+s12+$0x0], $0xffff  }
0x310: {  	s26 =	simm.s32 $0x6;
	v10 =	vand.u32 $0x7F, v10;
	v17 =	vld.idx.msk [tilespmem:v9+s11+$0x0], $0xffff  }
0x311: {  	s28 =	simm.s32 $0xD;
	v10 =	vor.u32 v1, v10;
	v8 =	vadd.s32 s26, v0;
	v18 =	vld.idx.msk [tilespmem:v9+s12+$0x0], $0xffff  }
0x312: {  	s20 =	simm.s32 $0xF;
	v21 =	vadd.s32 s28, v0;
	v27 =	vld.idx.msk [tilespmem:v14+s11+$0x0], $0xffff;
	v19 =	vand.u32 $0x7F, v8  }
0x313: {  	s29 =	simm.s32 $0x9;
	v20 =	vadd.s32 s20, v0;
	v21 =	vand.u32 $0x7F, v21;
	v22 =	vld.idx.msk [tilespmem:v12+s11+$0x0], $0xffff;
	v23 =	vor.u32 v1, v19  }
0x314: {  	s22 =	simm.s32 $0xB;
	v9 =	vimm.f32 $0.0e+00;
	v24 =	vld.idx.msk [tilespmem:v12+s12+$0x0], $0xffff;
	v12 =	vadd.s32 s29, v0;
	v19 =	vand.u32 $0x7F, v20  }
0x315: {  	v28 =	vld.idx.msk [tilespmem:v14+s12+$0x0], $0xffff;
	v20 =	vadd.s32 s22, v0;
	v12 =	vand.u32 $0x7F, v12;
	v26 =	vor.u32 v1, v19  }
0x316: {  	v8 =	vld.idx.msk [tilespmem:v10+s11+$0x0], $0xffff;
	v25 =	vand.u32 $0x7F, v20;
	v20 =	vor.u32 v1, v21;
	v7 =	vsub.f32 v13, v7  }
0x317: {  	s31 =	simm.s32 $0xC;
	v19 =	vld.idx.msk [tilespmem:v10+s12+$0x0], $0xffff;
	v17 =	vsub.f32 v17, v18;
	v15 =	vsub.f32 v15, v16;
	v13 =	vor.u32 v1, v12  }
0x318: {  	v18 =	vor.u32 v1, v25;
	v12 =	vsub.f32 v11, v6;
	v11 =	vadd.s32 s31, v0;
	v14 =	vld.idx.msk [tilespmem:v23+s11+$0x0], $0xffff  }
0x319: {  	s30 =	simm.s32 $0xA;
	s23 =	simm.s32 $0x8;
	v16 =	vsub.f32 v22, v24;
	v25 =	vand.u32 $0x7F, v11;
	v21 =	vmul.f32 v17, v17;
	v17 =	vld.idx.msk [tilespmem:v23+s12+$0x0], $0xffff  }
0x31a: {  	v10 =	vmul.f32 v7, v7;
	v7 =	vadd.s32 s30, v0;
	v23 =	vadd.s32 s23, v0;
	v6 =	vld.idx.msk [tilespmem:v26+s11+$0x0], $0xffff  }
0x31b: {  	v15 =	vmul.f32 v15, v15;
	v22 =	vand.u32 $0x7F, v7;
	v7 =	vld.idx.msk [tilespmem:v26+s12+$0x0], $0xffff;
	v26 =	vand.u32 $0x7F, v23  }
0x31c: {  	s21 =	simm.s32 $0x17;
	v11 =	vld.idx.msk [tilespmem:v20+s11+$0x0], $0xffff;
	v24 =	vmul.f32 v16, v16;
	v23 =	vsub.f32 v27, v28;
	v16 =	vimm.f32 $0.0e+00  }
.LBB2_25:
0x31d: {  	p0 =	sne.s32 s21, $0x7F;
	v26 =	vor.u32 v1, v26;
	v25 =	vor.u32 v1, v25;
	v20 =	vld.idx.msk [tilespmem:v20+s12+$0x0], $0xffff;
	v8 =	vsub.f32 v8, v19  }
0x31e: {  	s22 =	sadd.s32 $0xFFFFFFFF, s20;
	v16 =	vadd.f32 v21, v16;
	s20 =	smov.u32 s21;
	v19 =	vld.idx.msk [tilespmem:v18+s11+$0x0], $0xffff;
	v9 =	vadd.f32 v24, v9;
	v21 =	vmul.f32 v23, v23  }
0x31f: {  	v22 =	vor.u32 v1, v22;
	v23 =	vadd.s32 s22, v0;
	v14 =	vsub.f32 v14, v17;
	v18 =	vld.idx.msk [tilespmem:v18+s12+$0x0], $0xffff  }
0x320: {  	v15 =	vadd.f32 v15, v16;
	v16 =	vmul.f32 v8, v8;
	v17 =	vld.idx.msk [tilespmem:v13+s11+$0x0], $0xffff;
	v9 =	vadd.f32 v21, v9  }
0x321: {  	v12 =	vmul.f32 v12, v12;
	v23 =	vand.u32 $0x7F, v23;
	v21 =	vadd.s32 s21, v0;
	v13 =	vld.idx.msk [tilespmem:v13+s12+$0x0], $0xffff  }
0x322: {  	s22 =	sadd.s32 $0xFFFFFFFE, s21;
	v14 =	vmul.f32 v14, v14;
	v10 =	vadd.f32 v10, v15;
	v8 =	vld.idx.msk [tilespmem:v25+s11+$0x0], $0xffff;
	v9 =	vadd.f32 v16, v9  }
0x323: {  	s23 =	sadd.s32 $0xFFFFFFFC, s21;
	v23 =	vor.u32 v1, v23;
	v15 =	vadd.s32 s22, v0;
	v21 =	vand.u32 $0x7F, v21;
	v24 =	vld.idx.msk [tilespmem:v26+s11+$0x0], $0xffff  }
0x324: {  	v27 =	vadd.s32 s23, v0;
	s22 =	sadd.s32 $0xFFFFFFFA, s21;
	v16 =	vadd.f32 v12, v10;
	v26 =	vld.idx.msk [tilespmem:v26+s12+$0x0], $0xffff;
	v9 =	vadd.f32 v14, v9  }
0x325: {  	v28 =	vor.u32 v1, v21;
	v10 =	vadd.s32 s22, v0;
	v12 =	vand.u32 $0x7F, v15;
	v29 =	vld.idx.msk [tilespmem:v22+s11+$0x0], $0xffff  }
0x326: {  	v11 =	vsub.f32 v11, v20;
	v10 =	vand.u32 $0x7F, v10;
	v14 =	vand.u32 $0x7F, v27;
	v27 =	vld.idx.msk [tilespmem:v22+s12+$0x0], $0xffff  }
0x327: {  	v20 =	vor.u32 v1, v12;
	v15 =	vsub.f32 v19, v18;
	v12 =	vsub.f32 v17, v13;
	v19 =	vld.idx.msk [tilespmem:v25+s12+$0x0], $0xffff  }
.Ltmp12:
0x328: {  	v18 =	vor.u32 v1, v14;
	v13 =	vor.u32 v1, v10;
	v10 =	vmul.f32 v11, v11;
	v14 =	vld.idx.msk [tilespmem:v23+s11+$0x0], $0xffff;
	(pc) =	sbr.rel @p0 .LBB2_25-.Ltmp12, $4  }
0x329: {  	s23 =	sadd.s32 $0xFFFFFFFD, s21;
	s22 =	sadd.s32 $0xFFFFFFFB, s21;
	v15 =	vmul.f32 v15, v15;
	v21 =	vmul.f32 v12, v12;
	v12 =	vsub.f32 v6, v7;
	v17 =	vld.idx.msk [tilespmem:v23+s12+$0x0], $0xffff  }
0x32a: {  	s24 =	sadd.s32 $0xFFFFFFF9, s21;
	v11 =	vadd.s32 s23, v0;
	v7 =	vadd.s32 s22, v0;
	v23 =	vsub.f32 v24, v26;
	v6 =	vld.idx.msk [tilespmem:v28+s11+$0x0], $0xffff  }
0x32b: {  	v25 =	vand.u32 $0x7F, v11;
	v24 =	vadd.s32 s24, v0;
	v22 =	vand.u32 $0x7F, v7;
	v7 =	vld.idx.msk [tilespmem:v28+s12+$0x0], $0xffff  }
0x32c: {  	s21 =	sadd.s32 $0x8, s21;
	v26 =	vand.u32 $0x7F, v24;
	v24 =	vmul.f32 v23, v23;
	v23 =	vsub.f32 v29, v27;
	v11 =	vld.idx.msk [tilespmem:v20+s11+$0x0], $0xffff  }
0x32d: {  	_ =	sdelay $0x3  }
0x32e: {  	v25 =	vor.u32 v1, v25;
	v20 =	vld.idx.msk [tilespmem:v20+s12+$0x0], $0xffff  }
0x32f: {  	v26 =	vor.u32 v1, v26;
	v27 =	vld.idx.msk [tilespmem:v18+s11+$0x0], $0xffff  }
0x330: {  	v18 =	vld.idx.msk [tilespmem:v18+s12+$0x0], $0xffff  }
0x331: {  	s20 =	sadd.s32 $0xFFFFFFFF, s20;
	v22 =	vor.u32 v1, v22;
	v28 =	vld.idx.msk [tilespmem:v13+s11+$0x0], $0xffff  }
0x332: {  	v8 =	vsub.f32 v8, v19;
	v13 =	vld.idx.msk [tilespmem:v13+s12+$0x0], $0xffff;
	v19 =	vadd.s32 s20, v0  }
0x333: {  	v9 =	vadd.f32 v24, v9;
	v23 =	vmul.f32 v23, v23;
	v19 =	vand.u32 $0x7F, v19;
	v24 =	vld.idx.msk [tilespmem:v25+s11+$0x0], $0xffff  }
0x334: {  	v16 =	vadd.f32 v21, v16;
	v19 =	vor.u32 v1, v19;
	v21 =	vld.idx.msk [tilespmem:v26+s11+$0x0], $0xffff  }
0x335: {  	v14 =	vsub.f32 v14, v17;
	v8 =	vmul.f32 v8, v8;
	v9 =	vadd.f32 v23, v9;
	v17 =	vld.idx.msk [tilespmem:v26+s12+$0x0], $0xffff  }
0x336: {  	v15 =	vadd.f32 v15, v16;
	v23 =	vld.idx.msk [tilespmem:v22+s11+$0x0], $0xffff  }
0x337: {  	v8 =	vadd.f32 v8, v9;
	v9 =	vmul.f32 v14, v14;
	v14 =	vld.idx.msk [tilespmem:v22+s12+$0x0], $0xffff  }
0x338: {  	v10 =	vadd.f32 v10, v15;
	v16 =	vld.idx.msk [tilespmem:v25+s12+$0x0], $0xffff  }
0x339: {  	v12 =	vmul.f32 v12, v12;
	v13 =	vsub.f32 v28, v13;
	v8 =	vadd.f32 v9, v8;
	v9 =	vld.idx.msk [tilespmem:v19+s11+$0x0], $0xffff  }
0x33a: {  	v15 =	vld.idx.msk [tilespmem:v19+s12+$0x0], $0xffff;
	v17 =	vsub.f32 v21, v17  }
0x33b: {  	v10 =	vadd.f32 v12, v10;
	v12 =	vsub.f32 v27, v18;
	v13 =	vmul.f32 v13, v13  }
0x33c: {  	v14 =	vsub.f32 v23, v14;
	v17 =	vmul.f32 v17, v17  }
0x33d: {  	v11 =	vsub.f32 v11, v20;
	v12 =	vmul.f32 v12, v12;
	v10 =	vadd.f32 v13, v10  }
0x33e: {  	v16 =	vsub.f32 v24, v16;
	v13 =	vmul.f32 v14, v14;
	v8 =	vadd.f32 v17, v8  }
0x33f: {  	v6 =	vsub.f32 v6, v7;
	v11 =	vmul.f32 v11, v11;
	v7 =	vsub.f32 v9, v15  }
0x340: {  	v9 =	vadd.f32 v12, v10;
	v10 =	vmul.f32 v16, v16;
	v8 =	vadd.f32 v13, v8  }
0x341: {  	v6 =	vmul.f32 v6, v6  }
0x342: {  	v9 =	vadd.f32 v11, v9;
	v7 =	vmul.f32 v7, v7;
	v8 =	vadd.f32 v10, v8;
	_ =	sdelay $0x1  }
0x343: {  	v6 =	vadd.f32 v6, v9;
	v7 =	vadd.f32 v7, v8;
	_ =	sdelay $0x1  }
0x344: {  	v6 =	vadd.f32 v6, v7;
	_ =	sdelay $0x1  }
0x345: {  	v6 =	vadd.f32 $-2.000000000e+00, v6;
	_ =	sdelay $0x1  }
0x346: {  	v6 =	vmul.f32 $1.442695020e+00, v6;
	_ =	sdelay $0x1  }
0x347: {  	(erf) = vpow2.f32 v6;
	_ =	sdelay $0x8  }
0x348: {  	v6 =	vpop (erf)  }
0x349: {  	v6 =	vadd.f32 $1.000000000e+00, v6;
	_ =	sdelay $0x1  }
0x34a: {  	(erf) = vrcp.f32 v6;
	_ =	sdelay $0x2  }
0x34b: {  	s31 =	simm.s32 $0x7  }
0x34c: {  	v6 =	vadd.s32 s31, v0  }
0x34d: {  	s21 =	simm.s32 $0x5;
	v6 =	vand.u32 $0x7F, v6  }
0x34e: {  	v7 =	vadd.s32 s21, v0;
	v6 =	vor.u32 v2, v6  }
0x34f: {  	s22 =	simm.s32 $0x3;
	v7 =	vand.u32 $0x7F, v7  }
0x350: {  	v8 =	vadd.s32 s22, v0;
	v7 =	vor.u32 v2, v7  }
0x351: {  	v8 =	vand.u32 $0x7F, v8;
	s21 =	simm.s32 $0x0;
	v9 =	vpop (erf)  }
0x352: {  	v8 =	vor.u32 v2, v8;
	v12 =	vadd.s32 s21, v0;
	[tilespmem:$0x75C0] =	vst v9  }
0x353: {  	s23 =	simm.s32 $0x1;
	v12 =	vand.u32 $0x7F, v12;
	v11 =	vld.idx.msk [tilespmem:v6+s11+$0x0], $0xffff  }
0x354: {  	v12 =	vor.u32 v2, v12;
	v9 =	vadd.s32 s23, v0;
	v6 =	vld.idx.msk [tilespmem:v6+s12+$0x0], $0xffff  }
0x355: {  	s25 =	simm.s32 $0x2;
	v9 =	vand.u32 $0x7F, v9;
	v13 =	vld.idx.msk [tilespmem:v7+s11+$0x0], $0xffff  }
0x356: {  	v14 =	vadd.s32 s25, v0;
	v7 =	vld.idx.msk [tilespmem:v7+s12+$0x0], $0xffff;
	v9 =	vor.u32 v2, v9  }
0x357: {  	s24 =	simm.s32 $0x4;
	v14 =	vand.u32 $0x7F, v14;
	v15 =	vld.idx.msk [tilespmem:v8+s11+$0x0], $0xffff  }
0x358: {  	v14 =	vor.u32 v2, v14;
	v10 =	vadd.s32 s24, v0;
	v16 =	vld.idx.msk [tilespmem:v8+s12+$0x0], $0xffff  }
0x359: {  	s26 =	simm.s32 $0x6;
	v10 =	vand.u32 $0x7F, v10;
	v22 =	vld.idx.msk [tilespmem:v12+s11+$0x0], $0xffff  }
0x35a: {  	s20 =	simm.s32 $0xF;
	v10 =	vor.u32 v2, v10;
	v8 =	vadd.s32 s26, v0;
	v24 =	vld.idx.msk [tilespmem:v12+s12+$0x0], $0xffff  }
0x35b: {  	s28 =	simm.s32 $0xD;
	v20 =	vadd.s32 s20, v0;
	v19 =	vand.u32 $0x7F, v8;
	v17 =	vld.idx.msk [tilespmem:v9+s11+$0x0], $0xffff  }
0x35c: {  	s29 =	simm.s32 $0x9;
	v21 =	vadd.s32 s28, v0;
	s22 =	simm.s32 $0xB;
	v23 =	vor.u32 v2, v19;
	v19 =	vand.u32 $0x7F, v20;
	v18 =	vld.idx.msk [tilespmem:v9+s12+$0x0], $0xffff  }
0x35d: {  	v12 =	vadd.s32 s29, v0;
	v27 =	vld.idx.msk [tilespmem:v14+s11+$0x0], $0xffff;
	v20 =	vadd.s32 s22, v0;
	v26 =	vor.u32 v2, v19  }
0x35e: {  	v21 =	vand.u32 $0x7F, v21;
	v63 =	vld.idx.msk [tilespmem:v14+s12+$0x0], $0xffff;
	v12 =	vand.u32 $0x7F, v12;
	v25 =	vand.u32 $0x7F, v20  }
0x35f: {  	s31 =	simm.s32 $0xC;
	v8 =	vld.idx.msk [tilespmem:v10+s11+$0x0], $0xffff;
	v20 =	vor.u32 v2, v21;
	v7 =	vsub.f32 v13, v7;
	v15 =	vsub.f32 v15, v16  }
0x360: {  	v19 =	vld.idx.msk [tilespmem:v10+s12+$0x0], $0xffff;
	v13 =	vor.u32 v2, v12;
	v12 =	vsub.f32 v11, v6;
	v11 =	vadd.s32 s31, v0  }
0x361: {  	v16 =	vsub.f32 v22, v24;
	v9 =	vimm.f32 $0.0e+00;
	v14 =	vld.idx.msk [tilespmem:v23+s11+$0x0], $0xffff;
	v17 =	vsub.f32 v17, v18  }
0x362: {  	s30 =	simm.s32 $0xA;
	v10 =	vmul.f32 v7, v7;
	v15 =	vmul.f32 v15, v15;
	v6 =	vld.idx.msk [tilespmem:v26+s11+$0x0], $0xffff;
	v18 =	vor.u32 v2, v25  }
0x363: {  	s23 =	simm.s32 $0x8;
	v7 =	vadd.s32 s30, v0;
	v24 =	vmul.f32 v16, v16;
	v21 =	vmul.f32 v17, v17;
	v17 =	vld.idx.msk [tilespmem:v23+s12+$0x0], $0xffff  }
0x364: {  	v16 =	vimm.f32 $0.0e+00;
	v22 =	vand.u32 $0x7F, v7;
	v7 =	vld.idx.msk [tilespmem:v26+s12+$0x0], $0xffff;
	v23 =	vadd.s32 s23, v0  }
0x365: {  	s21 =	simm.s32 $0x17;
	v25 =	vand.u32 $0x7F, v11;
	v11 =	vld.idx.msk [tilespmem:v20+s11+$0x0], $0xffff;
	v26 =	vand.u32 $0x7F, v23;
	v23 =	vsub.f32 v27, v63  }
.LBB2_27:
0x366: {  	p0 =	sne.s32 s21, $0x7F;
	v26 =	vor.u32 v2, v26;
	v25 =	vor.u32 v2, v25;
	v20 =	vld.idx.msk [tilespmem:v20+s12+$0x0], $0xffff;
	v8 =	vsub.f32 v8, v19  }
0x367: {  	s22 =	sadd.s32 $0xFFFFFFFF, s20;
	v16 =	vadd.f32 v21, v16;
	s20 =	smov.u32 s21;
	v19 =	vld.idx.msk [tilespmem:v18+s11+$0x0], $0xffff;
	v9 =	vadd.f32 v24, v9;
	v21 =	vmul.f32 v23, v23  }
0x368: {  	v22 =	vor.u32 v2, v22;
	v23 =	vadd.s32 s22, v0;
	v14 =	vsub.f32 v14, v17;
	v18 =	vld.idx.msk [tilespmem:v18+s12+$0x0], $0xffff  }
0x369: {  	v15 =	vadd.f32 v15, v16;
	v16 =	vmul.f32 v8, v8;
	v17 =	vld.idx.msk [tilespmem:v13+s11+$0x0], $0xffff;
	v9 =	vadd.f32 v21, v9  }
0x36a: {  	v12 =	vmul.f32 v12, v12;
	v23 =	vand.u32 $0x7F, v23;
	v21 =	vadd.s32 s21, v0;
	v13 =	vld.idx.msk [tilespmem:v13+s12+$0x0], $0xffff  }
0x36b: {  	s22 =	sadd.s32 $0xFFFFFFFE, s21;
	v14 =	vmul.f32 v14, v14;
	v10 =	vadd.f32 v10, v15;
	v8 =	vld.idx.msk [tilespmem:v25+s11+$0x0], $0xffff;
	v9 =	vadd.f32 v16, v9  }
0x36c: {  	s23 =	sadd.s32 $0xFFFFFFFC, s21;
	v23 =	vor.u32 v2, v23;
	v15 =	vadd.s32 s22, v0;
	v21 =	vand.u32 $0x7F, v21;
	v24 =	vld.idx.msk [tilespmem:v26+s11+$0x0], $0xffff  }
0x36d: {  	v27 =	vadd.s32 s23, v0;
	s22 =	sadd.s32 $0xFFFFFFFA, s21;
	v16 =	vadd.f32 v12, v10;
	v26 =	vld.idx.msk [tilespmem:v26+s12+$0x0], $0xffff;
	v9 =	vadd.f32 v14, v9  }
0x36e: {  	v28 =	vor.u32 v2, v21;
	v10 =	vadd.s32 s22, v0;
	v12 =	vand.u32 $0x7F, v15;
	v29 =	vld.idx.msk [tilespmem:v22+s11+$0x0], $0xffff  }
0x36f: {  	v11 =	vsub.f32 v11, v20;
	v10 =	vand.u32 $0x7F, v10;
	v14 =	vand.u32 $0x7F, v27;
	v27 =	vld.idx.msk [tilespmem:v22+s12+$0x0], $0xffff  }
0x370: {  	v20 =	vor.u32 v2, v12;
	v15 =	vsub.f32 v19, v18;
	v12 =	vsub.f32 v17, v13;
	v19 =	vld.idx.msk [tilespmem:v25+s12+$0x0], $0xffff  }
.Ltmp13:
0x371: {  	v18 =	vor.u32 v2, v14;
	v13 =	vor.u32 v2, v10;
	v10 =	vmul.f32 v11, v11;
	v14 =	vld.idx.msk [tilespmem:v23+s11+$0x0], $0xffff;
	(pc) =	sbr.rel @p0 .LBB2_27-.Ltmp13, $4  }
0x372: {  	s23 =	sadd.s32 $0xFFFFFFFD, s21;
	s22 =	sadd.s32 $0xFFFFFFFB, s21;
	v15 =	vmul.f32 v15, v15;
	v21 =	vmul.f32 v12, v12;
	v12 =	vsub.f32 v6, v7;
	v17 =	vld.idx.msk [tilespmem:v23+s12+$0x0], $0xffff  }
0x373: {  	s24 =	sadd.s32 $0xFFFFFFF9, s21;
	v11 =	vadd.s32 s23, v0;
	v7 =	vadd.s32 s22, v0;
	v23 =	vsub.f32 v24, v26;
	v6 =	vld.idx.msk [tilespmem:v28+s11+$0x0], $0xffff  }
0x374: {  	v25 =	vand.u32 $0x7F, v11;
	v24 =	vadd.s32 s24, v0;
	v22 =	vand.u32 $0x7F, v7;
	v7 =	vld.idx.msk [tilespmem:v28+s12+$0x0], $0xffff  }
0x375: {  	s21 =	sadd.s32 $0x8, s21;
	v26 =	vand.u32 $0x7F, v24;
	v24 =	vmul.f32 v23, v23;
	v23 =	vsub.f32 v29, v27;
	v11 =	vld.idx.msk [tilespmem:v20+s11+$0x0], $0xffff  }
0x376: {  	_ =	sdelay $0x3  }
0x377: {  	v25 =	vor.u32 v2, v25;
	v20 =	vld.idx.msk [tilespmem:v20+s12+$0x0], $0xffff  }
0x378: {  	v26 =	vor.u32 v2, v26;
	v27 =	vld.idx.msk [tilespmem:v18+s11+$0x0], $0xffff  }
0x379: {  	v18 =	vld.idx.msk [tilespmem:v18+s12+$0x0], $0xffff  }
0x37a: {  	s20 =	sadd.s32 $0xFFFFFFFF, s20;
	v22 =	vor.u32 v2, v22;
	v28 =	vld.idx.msk [tilespmem:v13+s11+$0x0], $0xffff  }
0x37b: {  	v8 =	vsub.f32 v8, v19;
	v13 =	vld.idx.msk [tilespmem:v13+s12+$0x0], $0xffff;
	v19 =	vadd.s32 s20, v0  }
0x37c: {  	v9 =	vadd.f32 v24, v9;
	v23 =	vmul.f32 v23, v23;
	v19 =	vand.u32 $0x7F, v19;
	v24 =	vld.idx.msk [tilespmem:v25+s11+$0x0], $0xffff  }
0x37d: {  	v16 =	vadd.f32 v21, v16;
	v19 =	vor.u32 v2, v19;
	v21 =	vld.idx.msk [tilespmem:v26+s11+$0x0], $0xffff  }
0x37e: {  	v14 =	vsub.f32 v14, v17;
	v8 =	vmul.f32 v8, v8;
	v9 =	vadd.f32 v23, v9;
	v17 =	vld.idx.msk [tilespmem:v26+s12+$0x0], $0xffff  }
0x37f: {  	v15 =	vadd.f32 v15, v16;
	v23 =	vld.idx.msk [tilespmem:v22+s11+$0x0], $0xffff  }
0x380: {  	v8 =	vadd.f32 v8, v9;
	v9 =	vmul.f32 v14, v14;
	v14 =	vld.idx.msk [tilespmem:v22+s12+$0x0], $0xffff  }
0x381: {  	v10 =	vadd.f32 v10, v15;
	v16 =	vld.idx.msk [tilespmem:v25+s12+$0x0], $0xffff  }
0x382: {  	v12 =	vmul.f32 v12, v12;
	v13 =	vsub.f32 v28, v13;
	v8 =	vadd.f32 v9, v8;
	v9 =	vld.idx.msk [tilespmem:v19+s11+$0x0], $0xffff  }
0x383: {  	v15 =	vld.idx.msk [tilespmem:v19+s12+$0x0], $0xffff;
	v17 =	vsub.f32 v21, v17  }
0x384: {  	v10 =	vadd.f32 v12, v10;
	v12 =	vsub.f32 v27, v18;
	v13 =	vmul.f32 v13, v13  }
0x385: {  	v14 =	vsub.f32 v23, v14;
	v17 =	vmul.f32 v17, v17  }
0x386: {  	v11 =	vsub.f32 v11, v20;
	v12 =	vmul.f32 v12, v12;
	v10 =	vadd.f32 v13, v10  }
0x387: {  	v16 =	vsub.f32 v24, v16;
	v13 =	vmul.f32 v14, v14;
	v8 =	vadd.f32 v17, v8  }
0x388: {  	v6 =	vsub.f32 v6, v7;
	v11 =	vmul.f32 v11, v11;
	v7 =	vsub.f32 v9, v15  }
0x389: {  	v9 =	vadd.f32 v12, v10;
	v10 =	vmul.f32 v16, v16;
	v8 =	vadd.f32 v13, v8  }
0x38a: {  	v6 =	vmul.f32 v6, v6  }
0x38b: {  	v9 =	vadd.f32 v11, v9;
	v7 =	vmul.f32 v7, v7;
	v8 =	vadd.f32 v10, v8;
	_ =	sdelay $0x1  }
0x38c: {  	v6 =	vadd.f32 v6, v9;
	v7 =	vadd.f32 v7, v8;
	_ =	sdelay $0x1  }
0x38d: {  	v6 =	vadd.f32 v6, v7;
	_ =	sdelay $0x1  }
0x38e: {  	v6 =	vadd.f32 $-2.000000000e+00, v6;
	_ =	sdelay $0x1  }
0x38f: {  	v6 =	vmul.f32 $1.442695020e+00, v6;
	_ =	sdelay $0x1  }
0x390: {  	(erf) = vpow2.f32 v6;
	_ =	sdelay $0x8  }
0x391: {  	v6 =	vpop (erf)  }
0x392: {  	v6 =	vadd.f32 $1.000000000e+00, v6;
	_ =	sdelay $0x1  }
0x393: {  	(erf) = vrcp.f32 v6;
	_ =	sdelay $0x2  }
0x394: {  	s31 =	simm.s32 $0x7  }
0x395: {  	v6 =	vadd.s32 s31, v0  }
0x396: {  	s21 =	simm.s32 $0x5;
	v6 =	vand.u32 $0x7F, v6  }
0x397: {  	v7 =	vadd.s32 s21, v0;
	v6 =	vor.u32 v3, v6  }
0x398: {  	s22 =	simm.s32 $0x3;
	v7 =	vand.u32 $0x7F, v7  }
0x399: {  	v8 =	vadd.s32 s22, v0;
	v7 =	vor.u32 v3, v7  }
0x39a: {  	v8 =	vand.u32 $0x7F, v8;
	s21 =	simm.s32 $0x0;
	v9 =	vpop (erf)  }
0x39b: {  	v8 =	vor.u32 v3, v8;
	v12 =	vadd.s32 s21, v0;
	[tilespmem:$0x75D0] =	vst v9  }
0x39c: {  	s23 =	simm.s32 $0x1;
	v12 =	vand.u32 $0x7F, v12;
	v11 =	vld.idx.msk [tilespmem:v6+s11+$0x0], $0xffff  }
0x39d: {  	v12 =	vor.u32 v3, v12;
	v9 =	vadd.s32 s23, v0;
	v6 =	vld.idx.msk [tilespmem:v6+s12+$0x0], $0xffff  }
0x39e: {  	s25 =	simm.s32 $0x2;
	v9 =	vand.u32 $0x7F, v9;
	v13 =	vld.idx.msk [tilespmem:v7+s11+$0x0], $0xffff  }
0x39f: {  	v14 =	vadd.s32 s25, v0;
	v7 =	vld.idx.msk [tilespmem:v7+s12+$0x0], $0xffff;
	v9 =	vor.u32 v3, v9  }
0x3a0: {  	s24 =	simm.s32 $0x4;
	v14 =	vand.u32 $0x7F, v14;
	v15 =	vld.idx.msk [tilespmem:v8+s11+$0x0], $0xffff  }
0x3a1: {  	v14 =	vor.u32 v3, v14;
	v10 =	vadd.s32 s24, v0;
	v16 =	vld.idx.msk [tilespmem:v8+s12+$0x0], $0xffff  }
0x3a2: {  	s26 =	simm.s32 $0x6;
	v10 =	vand.u32 $0x7F, v10;
	v22 =	vld.idx.msk [tilespmem:v12+s11+$0x0], $0xffff  }
0x3a3: {  	s20 =	simm.s32 $0xF;
	v10 =	vor.u32 v3, v10;
	v8 =	vadd.s32 s26, v0;
	v24 =	vld.idx.msk [tilespmem:v12+s12+$0x0], $0xffff  }
0x3a4: {  	s28 =	simm.s32 $0xD;
	v20 =	vadd.s32 s20, v0;
	v19 =	vand.u32 $0x7F, v8;
	v17 =	vld.idx.msk [tilespmem:v9+s11+$0x0], $0xffff  }
0x3a5: {  	s29 =	simm.s32 $0x9;
	v21 =	vadd.s32 s28, v0;
	s22 =	simm.s32 $0xB;
	v23 =	vor.u32 v3, v19;
	v19 =	vand.u32 $0x7F, v20;
	v18 =	vld.idx.msk [tilespmem:v9+s12+$0x0], $0xffff  }
0x3a6: {  	v12 =	vadd.s32 s29, v0;
	v27 =	vld.idx.msk [tilespmem:v14+s11+$0x0], $0xffff;
	v20 =	vadd.s32 s22, v0;
	v26 =	vor.u32 v3, v19  }
0x3a7: {  	v21 =	vand.u32 $0x7F, v21;
	v63 =	vld.idx.msk [tilespmem:v14+s12+$0x0], $0xffff;
	v12 =	vand.u32 $0x7F, v12;
	v25 =	vand.u32 $0x7F, v20  }
0x3a8: {  	s31 =	simm.s32 $0xC;
	v8 =	vld.idx.msk [tilespmem:v10+s11+$0x0], $0xffff;
	v20 =	vor.u32 v3, v21;
	v7 =	vsub.f32 v13, v7;
	v15 =	vsub.f32 v15, v16  }
0x3a9: {  	v19 =	vld.idx.msk [tilespmem:v10+s12+$0x0], $0xffff;
	v13 =	vor.u32 v3, v12;
	v12 =	vsub.f32 v11, v6;
	v11 =	vadd.s32 s31, v0  }
0x3aa: {  	v16 =	vsub.f32 v22, v24;
	v9 =	vimm.f32 $0.0e+00;
	v14 =	vld.idx.msk [tilespmem:v23+s11+$0x0], $0xffff;
	v17 =	vsub.f32 v17, v18  }
0x3ab: {  	s30 =	simm.s32 $0xA;
	v10 =	vmul.f32 v7, v7;
	v15 =	vmul.f32 v15, v15;
	v6 =	vld.idx.msk [tilespmem:v26+s11+$0x0], $0xffff;
	v18 =	vor.u32 v3, v25  }
0x3ac: {  	s23 =	simm.s32 $0x8;
	v7 =	vadd.s32 s30, v0;
	v24 =	vmul.f32 v16, v16;
	v21 =	vmul.f32 v17, v17;
	v17 =	vld.idx.msk [tilespmem:v23+s12+$0x0], $0xffff  }
0x3ad: {  	v16 =	vimm.f32 $0.0e+00;
	v22 =	vand.u32 $0x7F, v7;
	v7 =	vld.idx.msk [tilespmem:v26+s12+$0x0], $0xffff;
	v23 =	vadd.s32 s23, v0  }
0x3ae: {  	s21 =	simm.s32 $0x17;
	v25 =	vand.u32 $0x7F, v11;
	v11 =	vld.idx.msk [tilespmem:v20+s11+$0x0], $0xffff;
	v26 =	vand.u32 $0x7F, v23;
	v23 =	vsub.f32 v27, v63  }
.LBB2_29:
0x3af: {  	p0 =	sne.s32 s21, $0x7F;
	v26 =	vor.u32 v3, v26;
	v25 =	vor.u32 v3, v25;
	v20 =	vld.idx.msk [tilespmem:v20+s12+$0x0], $0xffff;
	v8 =	vsub.f32 v8, v19  }
0x3b0: {  	s22 =	sadd.s32 $0xFFFFFFFF, s20;
	v16 =	vadd.f32 v21, v16;
	s20 =	smov.u32 s21;
	v19 =	vld.idx.msk [tilespmem:v18+s11+$0x0], $0xffff;
	v9 =	vadd.f32 v24, v9;
	v21 =	vmul.f32 v23, v23  }
0x3b1: {  	v22 =	vor.u32 v3, v22;
	v23 =	vadd.s32 s22, v0;
	v14 =	vsub.f32 v14, v17;
	v18 =	vld.idx.msk [tilespmem:v18+s12+$0x0], $0xffff  }
0x3b2: {  	v15 =	vadd.f32 v15, v16;
	v16 =	vmul.f32 v8, v8;
	v17 =	vld.idx.msk [tilespmem:v13+s11+$0x0], $0xffff;
	v9 =	vadd.f32 v21, v9  }
0x3b3: {  	v12 =	vmul.f32 v12, v12;
	v23 =	vand.u32 $0x7F, v23;
	v21 =	vadd.s32 s21, v0;
	v13 =	vld.idx.msk [tilespmem:v13+s12+$0x0], $0xffff  }
0x3b4: {  	s22 =	sadd.s32 $0xFFFFFFFE, s21;
	v14 =	vmul.f32 v14, v14;
	v10 =	vadd.f32 v10, v15;
	v8 =	vld.idx.msk [tilespmem:v25+s11+$0x0], $0xffff;
	v9 =	vadd.f32 v16, v9  }
0x3b5: {  	s23 =	sadd.s32 $0xFFFFFFFC, s21;
	v23 =	vor.u32 v3, v23;
	v15 =	vadd.s32 s22, v0;
	v21 =	vand.u32 $0x7F, v21;
	v24 =	vld.idx.msk [tilespmem:v26+s11+$0x0], $0xffff  }
0x3b6: {  	v27 =	vadd.s32 s23, v0;
	s22 =	sadd.s32 $0xFFFFFFFA, s21;
	v16 =	vadd.f32 v12, v10;
	v26 =	vld.idx.msk [tilespmem:v26+s12+$0x0], $0xffff;
	v9 =	vadd.f32 v14, v9  }
0x3b7: {  	v28 =	vor.u32 v3, v21;
	v10 =	vadd.s32 s22, v0;
	v12 =	vand.u32 $0x7F, v15;
	v29 =	vld.idx.msk [tilespmem:v22+s11+$0x0], $0xffff  }
0x3b8: {  	v11 =	vsub.f32 v11, v20;
	v10 =	vand.u32 $0x7F, v10;
	v14 =	vand.u32 $0x7F, v27;
	v27 =	vld.idx.msk [tilespmem:v22+s12+$0x0], $0xffff  }
0x3b9: {  	v20 =	vor.u32 v3, v12;
	v15 =	vsub.f32 v19, v18;
	v12 =	vsub.f32 v17, v13;
	v19 =	vld.idx.msk [tilespmem:v25+s12+$0x0], $0xffff  }
.Ltmp14:
0x3ba: {  	v18 =	vor.u32 v3, v14;
	v13 =	vor.u32 v3, v10;
	v10 =	vmul.f32 v11, v11;
	v14 =	vld.idx.msk [tilespmem:v23+s11+$0x0], $0xffff;
	(pc) =	sbr.rel @p0 .LBB2_29-.Ltmp14, $4  }
0x3bb: {  	s23 =	sadd.s32 $0xFFFFFFFD, s21;
	s22 =	sadd.s32 $0xFFFFFFFB, s21;
	v15 =	vmul.f32 v15, v15;
	v21 =	vmul.f32 v12, v12;
	v12 =	vsub.f32 v6, v7;
	v17 =	vld.idx.msk [tilespmem:v23+s12+$0x0], $0xffff  }
0x3bc: {  	s24 =	sadd.s32 $0xFFFFFFF9, s21;
	v11 =	vadd.s32 s23, v0;
	v7 =	vadd.s32 s22, v0;
	v23 =	vsub.f32 v24, v26;
	v6 =	vld.idx.msk [tilespmem:v28+s11+$0x0], $0xffff  }
0x3bd: {  	v25 =	vand.u32 $0x7F, v11;
	v24 =	vadd.s32 s24, v0;
	v22 =	vand.u32 $0x7F, v7;
	v7 =	vld.idx.msk [tilespmem:v28+s12+$0x0], $0xffff  }
0x3be: {  	s21 =	sadd.s32 $0x8, s21;
	v26 =	vand.u32 $0x7F, v24;
	v24 =	vmul.f32 v23, v23;
	v23 =	vsub.f32 v29, v27;
	v11 =	vld.idx.msk [tilespmem:v20+s11+$0x0], $0xffff  }
0x3bf: {  	_ =	sdelay $0x3  }
0x3c0: {  	v25 =	vor.u32 v3, v25;
	v20 =	vld.idx.msk [tilespmem:v20+s12+$0x0], $0xffff  }
0x3c1: {  	v26 =	vor.u32 v3, v26;
	v27 =	vld.idx.msk [tilespmem:v18+s11+$0x0], $0xffff  }
0x3c2: {  	v18 =	vld.idx.msk [tilespmem:v18+s12+$0x0], $0xffff  }
0x3c3: {  	s20 =	sadd.s32 $0xFFFFFFFF, s20;
	v22 =	vor.u32 v3, v22;
	v28 =	vld.idx.msk [tilespmem:v13+s11+$0x0], $0xffff  }
0x3c4: {  	v8 =	vsub.f32 v8, v19;
	v13 =	vld.idx.msk [tilespmem:v13+s12+$0x0], $0xffff;
	v19 =	vadd.s32 s20, v0  }
0x3c5: {  	v9 =	vadd.f32 v24, v9;
	v23 =	vmul.f32 v23, v23;
	v19 =	vand.u32 $0x7F, v19;
	v24 =	vld.idx.msk [tilespmem:v25+s11+$0x0], $0xffff  }
0x3c6: {  	v16 =	vadd.f32 v21, v16;
	v19 =	vor.u32 v3, v19;
	v21 =	vld.idx.msk [tilespmem:v26+s11+$0x0], $0xffff  }
0x3c7: {  	v14 =	vsub.f32 v14, v17;
	v8 =	vmul.f32 v8, v8;
	v9 =	vadd.f32 v23, v9;
	v17 =	vld.idx.msk [tilespmem:v26+s12+$0x0], $0xffff  }
0x3c8: {  	v15 =	vadd.f32 v15, v16;
	v23 =	vld.idx.msk [tilespmem:v22+s11+$0x0], $0xffff  }
0x3c9: {  	v8 =	vadd.f32 v8, v9;
	v9 =	vmul.f32 v14, v14;
	v14 =	vld.idx.msk [tilespmem:v22+s12+$0x0], $0xffff  }
0x3ca: {  	v10 =	vadd.f32 v10, v15;
	v16 =	vld.idx.msk [tilespmem:v25+s12+$0x0], $0xffff  }
0x3cb: {  	v12 =	vmul.f32 v12, v12;
	v13 =	vsub.f32 v28, v13;
	v8 =	vadd.f32 v9, v8;
	v9 =	vld.idx.msk [tilespmem:v19+s11+$0x0], $0xffff  }
0x3cc: {  	v15 =	vld.idx.msk [tilespmem:v19+s12+$0x0], $0xffff;
	v17 =	vsub.f32 v21, v17  }
0x3cd: {  	v10 =	vadd.f32 v12, v10;
	v12 =	vsub.f32 v27, v18;
	v13 =	vmul.f32 v13, v13  }
0x3ce: {  	v14 =	vsub.f32 v23, v14;
	v17 =	vmul.f32 v17, v17  }
0x3cf: {  	v11 =	vsub.f32 v11, v20;
	v12 =	vmul.f32 v12, v12;
	v10 =	vadd.f32 v13, v10  }
0x3d0: {  	v16 =	vsub.f32 v24, v16;
	v13 =	vmul.f32 v14, v14;
	v8 =	vadd.f32 v17, v8  }
0x3d1: {  	v6 =	vsub.f32 v6, v7;
	v11 =	vmul.f32 v11, v11;
	v7 =	vsub.f32 v9, v15  }
0x3d2: {  	v9 =	vadd.f32 v12, v10;
	v10 =	vmul.f32 v16, v16;
	v8 =	vadd.f32 v13, v8  }
0x3d3: {  	v6 =	vmul.f32 v6, v6  }
0x3d4: {  	v9 =	vadd.f32 v11, v9;
	v7 =	vmul.f32 v7, v7;
	v8 =	vadd.f32 v10, v8;
	_ =	sdelay $0x1  }
0x3d5: {  	v6 =	vadd.f32 v6, v9;
	v7 =	vadd.f32 v7, v8;
	_ =	sdelay $0x1  }
0x3d6: {  	v6 =	vadd.f32 v6, v7;
	_ =	sdelay $0x1  }
0x3d7: {  	v6 =	vadd.f32 $-2.000000000e+00, v6;
	_ =	sdelay $0x1  }
0x3d8: {  	v6 =	vmul.f32 $1.442695020e+00, v6;
	_ =	sdelay $0x1  }
0x3d9: {  	(erf) = vpow2.f32 v6;
	_ =	sdelay $0x8  }
0x3da: {  	v6 =	vpop (erf)  }
0x3db: {  	v6 =	vadd.f32 $1.000000000e+00, v6;
	_ =	sdelay $0x1  }
0x3dc: {  	(erf) = vrcp.f32 v6;
	_ =	sdelay $0x2  }
0x3dd: {  	s31 =	simm.s32 $0x7  }
0x3de: {  	v6 =	vadd.s32 s31, v0  }
0x3df: {  	s21 =	simm.s32 $0x5;
	v6 =	vand.u32 $0x7F, v6  }
0x3e0: {  	v7 =	vadd.s32 s21, v0;
	v6 =	vor.u32 v4, v6  }
0x3e1: {  	s22 =	simm.s32 $0x3;
	v7 =	vand.u32 $0x7F, v7  }
0x3e2: {  	v8 =	vadd.s32 s22, v0;
	v7 =	vor.u32 v4, v7  }
0x3e3: {  	v8 =	vand.u32 $0x7F, v8;
	s21 =	simm.s32 $0x0;
	v9 =	vpop (erf)  }
0x3e4: {  	v8 =	vor.u32 v4, v8;
	v12 =	vadd.s32 s21, v0;
	[tilespmem:$0x75E0] =	vst v9  }
0x3e5: {  	s23 =	simm.s32 $0x1;
	v12 =	vand.u32 $0x7F, v12;
	v11 =	vld.idx.msk [tilespmem:v6+s11+$0x0], $0xffff  }
0x3e6: {  	v12 =	vor.u32 v4, v12;
	v9 =	vadd.s32 s23, v0;
	v6 =	vld.idx.msk [tilespmem:v6+s12+$0x0], $0xffff  }
0x3e7: {  	s25 =	simm.s32 $0x2;
	v9 =	vand.u32 $0x7F, v9;
	v13 =	vld.idx.msk [tilespmem:v7+s11+$0x0], $0xffff  }
0x3e8: {  	v14 =	vadd.s32 s25, v0;
	v7 =	vld.idx.msk [tilespmem:v7+s12+$0x0], $0xffff;
	v9 =	vor.u32 v4, v9  }
0x3e9: {  	s24 =	simm.s32 $0x4;
	v14 =	vand.u32 $0x7F, v14;
	v15 =	vld.idx.msk [tilespmem:v8+s11+$0x0], $0xffff  }
0x3ea: {  	v14 =	vor.u32 v4, v14;
	v10 =	vadd.s32 s24, v0;
	v16 =	vld.idx.msk [tilespmem:v8+s12+$0x0], $0xffff  }
0x3eb: {  	s26 =	simm.s32 $0x6;
	v10 =	vand.u32 $0x7F, v10;
	v22 =	vld.idx.msk [tilespmem:v12+s11+$0x0], $0xffff  }
0x3ec: {  	s20 =	simm.s32 $0xF;
	v10 =	vor.u32 v4, v10;
	v8 =	vadd.s32 s26, v0;
	v24 =	vld.idx.msk [tilespmem:v12+s12+$0x0], $0xffff  }
0x3ed: {  	s28 =	simm.s32 $0xD;
	v20 =	vadd.s32 s20, v0;
	v19 =	vand.u32 $0x7F, v8;
	v17 =	vld.idx.msk [tilespmem:v9+s11+$0x0], $0xffff  }
0x3ee: {  	s29 =	simm.s32 $0x9;
	v21 =	vadd.s32 s28, v0;
	s22 =	simm.s32 $0xB;
	v23 =	vor.u32 v4, v19;
	v19 =	vand.u32 $0x7F, v20;
	v18 =	vld.idx.msk [tilespmem:v9+s12+$0x0], $0xffff  }
0x3ef: {  	v12 =	vadd.s32 s29, v0;
	v27 =	vld.idx.msk [tilespmem:v14+s11+$0x0], $0xffff;
	v20 =	vadd.s32 s22, v0;
	v26 =	vor.u32 v4, v19  }
0x3f0: {  	v21 =	vand.u32 $0x7F, v21;
	v63 =	vld.idx.msk [tilespmem:v14+s12+$0x0], $0xffff;
	v12 =	vand.u32 $0x7F, v12;
	v25 =	vand.u32 $0x7F, v20  }
0x3f1: {  	s31 =	simm.s32 $0xC;
	v8 =	vld.idx.msk [tilespmem:v10+s11+$0x0], $0xffff;
	v20 =	vor.u32 v4, v21;
	v7 =	vsub.f32 v13, v7;
	v15 =	vsub.f32 v15, v16  }
0x3f2: {  	v19 =	vld.idx.msk [tilespmem:v10+s12+$0x0], $0xffff;
	v13 =	vor.u32 v4, v12;
	v12 =	vsub.f32 v11, v6;
	v11 =	vadd.s32 s31, v0  }
0x3f3: {  	v16 =	vsub.f32 v22, v24;
	v9 =	vimm.f32 $0.0e+00;
	v14 =	vld.idx.msk [tilespmem:v23+s11+$0x0], $0xffff;
	v17 =	vsub.f32 v17, v18  }
0x3f4: {  	s30 =	simm.s32 $0xA;
	v10 =	vmul.f32 v7, v7;
	v15 =	vmul.f32 v15, v15;
	v6 =	vld.idx.msk [tilespmem:v26+s11+$0x0], $0xffff;
	v18 =	vor.u32 v4, v25  }
0x3f5: {  	s23 =	simm.s32 $0x8;
	v7 =	vadd.s32 s30, v0;
	v24 =	vmul.f32 v16, v16;
	v21 =	vmul.f32 v17, v17;
	v17 =	vld.idx.msk [tilespmem:v23+s12+$0x0], $0xffff  }
0x3f6: {  	v16 =	vimm.f32 $0.0e+00;
	v22 =	vand.u32 $0x7F, v7;
	v7 =	vld.idx.msk [tilespmem:v26+s12+$0x0], $0xffff;
	v23 =	vadd.s32 s23, v0  }
0x3f7: {  	s21 =	simm.s32 $0x17;
	v25 =	vand.u32 $0x7F, v11;
	v11 =	vld.idx.msk [tilespmem:v20+s11+$0x0], $0xffff;
	v26 =	vand.u32 $0x7F, v23;
	v23 =	vsub.f32 v27, v63  }
.LBB2_31:
0x3f8: {  	p0 =	sne.s32 s21, $0x7F;
	v26 =	vor.u32 v4, v26;
	v25 =	vor.u32 v4, v25;
	v20 =	vld.idx.msk [tilespmem:v20+s12+$0x0], $0xffff;
	v8 =	vsub.f32 v8, v19  }
0x3f9: {  	s22 =	sadd.s32 $0xFFFFFFFF, s20;
	v16 =	vadd.f32 v21, v16;
	s20 =	smov.u32 s21;
	v19 =	vld.idx.msk [tilespmem:v18+s11+$0x0], $0xffff;
	v9 =	vadd.f32 v24, v9;
	v21 =	vmul.f32 v23, v23  }
0x3fa: {  	v22 =	vor.u32 v4, v22;
	v23 =	vadd.s32 s22, v0;
	v14 =	vsub.f32 v14, v17;
	v18 =	vld.idx.msk [tilespmem:v18+s12+$0x0], $0xffff  }
0x3fb: {  	v15 =	vadd.f32 v15, v16;
	v16 =	vmul.f32 v8, v8;
	v17 =	vld.idx.msk [tilespmem:v13+s11+$0x0], $0xffff;
	v9 =	vadd.f32 v21, v9  }
0x3fc: {  	v12 =	vmul.f32 v12, v12;
	v23 =	vand.u32 $0x7F, v23;
	v21 =	vadd.s32 s21, v0;
	v13 =	vld.idx.msk [tilespmem:v13+s12+$0x0], $0xffff  }
0x3fd: {  	s22 =	sadd.s32 $0xFFFFFFFE, s21;
	v14 =	vmul.f32 v14, v14;
	v10 =	vadd.f32 v10, v15;
	v8 =	vld.idx.msk [tilespmem:v25+s11+$0x0], $0xffff;
	v9 =	vadd.f32 v16, v9  }
0x3fe: {  	s23 =	sadd.s32 $0xFFFFFFFC, s21;
	v23 =	vor.u32 v4, v23;
	v15 =	vadd.s32 s22, v0;
	v21 =	vand.u32 $0x7F, v21;
	v24 =	vld.idx.msk [tilespmem:v26+s11+$0x0], $0xffff  }
0x3ff: {  	v27 =	vadd.s32 s23, v0;
	s22 =	sadd.s32 $0xFFFFFFFA, s21;
	v16 =	vadd.f32 v12, v10;
	v26 =	vld.idx.msk [tilespmem:v26+s12+$0x0], $0xffff;
	v9 =	vadd.f32 v14, v9  }
0x400: {  	v28 =	vor.u32 v4, v21;
	v10 =	vadd.s32 s22, v0;
	v12 =	vand.u32 $0x7F, v15;
	v29 =	vld.idx.msk [tilespmem:v22+s11+$0x0], $0xffff  }
0x401: {  	v11 =	vsub.f32 v11, v20;
	v10 =	vand.u32 $0x7F, v10;
	v14 =	vand.u32 $0x7F, v27;
	v27 =	vld.idx.msk [tilespmem:v22+s12+$0x0], $0xffff  }
0x402: {  	v20 =	vor.u32 v4, v12;
	v15 =	vsub.f32 v19, v18;
	v12 =	vsub.f32 v17, v13;
	v19 =	vld.idx.msk [tilespmem:v25+s12+$0x0], $0xffff  }
.Ltmp15:
0x403: {  	v18 =	vor.u32 v4, v14;
	v13 =	vor.u32 v4, v10;
	v10 =	vmul.f32 v11, v11;
	v14 =	vld.idx.msk [tilespmem:v23+s11+$0x0], $0xffff;
	(pc) =	sbr.rel @p0 .LBB2_31-.Ltmp15, $4  }
0x404: {  	s23 =	sadd.s32 $0xFFFFFFFD, s21;
	s22 =	sadd.s32 $0xFFFFFFFB, s21;
	v15 =	vmul.f32 v15, v15;
	v21 =	vmul.f32 v12, v12;
	v12 =	vsub.f32 v6, v7;
	v17 =	vld.idx.msk [tilespmem:v23+s12+$0x0], $0xffff  }
0x405: {  	s24 =	sadd.s32 $0xFFFFFFF9, s21;
	v11 =	vadd.s32 s23, v0;
	v7 =	vadd.s32 s22, v0;
	v23 =	vsub.f32 v24, v26;
	v6 =	vld.idx.msk [tilespmem:v28+s11+$0x0], $0xffff  }
0x406: {  	v25 =	vand.u32 $0x7F, v11;
	v24 =	vadd.s32 s24, v0;
	v22 =	vand.u32 $0x7F, v7;
	v7 =	vld.idx.msk [tilespmem:v28+s12+$0x0], $0xffff  }
0x407: {  	s21 =	sadd.s32 $0x8, s21;
	v26 =	vand.u32 $0x7F, v24;
	v24 =	vmul.f32 v23, v23;
	v23 =	vsub.f32 v29, v27;
	v11 =	vld.idx.msk [tilespmem:v20+s11+$0x0], $0xffff  }
0x408: {  	_ =	sdelay $0x3  }
0x409: {  	v25 =	vor.u32 v4, v25;
	v20 =	vld.idx.msk [tilespmem:v20+s12+$0x0], $0xffff  }
0x40a: {  	v26 =	vor.u32 v4, v26;
	v27 =	vld.idx.msk [tilespmem:v18+s11+$0x0], $0xffff  }
0x40b: {  	v18 =	vld.idx.msk [tilespmem:v18+s12+$0x0], $0xffff  }
0x40c: {  	s20 =	sadd.s32 $0xFFFFFFFF, s20;
	v22 =	vor.u32 v4, v22;
	v28 =	vld.idx.msk [tilespmem:v13+s11+$0x0], $0xffff  }
0x40d: {  	v8 =	vsub.f32 v8, v19;
	v13 =	vld.idx.msk [tilespmem:v13+s12+$0x0], $0xffff;
	v19 =	vadd.s32 s20, v0  }
0x40e: {  	v9 =	vadd.f32 v24, v9;
	v23 =	vmul.f32 v23, v23;
	v19 =	vand.u32 $0x7F, v19;
	v24 =	vld.idx.msk [tilespmem:v25+s11+$0x0], $0xffff  }
0x40f: {  	v16 =	vadd.f32 v21, v16;
	v19 =	vor.u32 v4, v19;
	v21 =	vld.idx.msk [tilespmem:v26+s11+$0x0], $0xffff  }
0x410: {  	v14 =	vsub.f32 v14, v17;
	v8 =	vmul.f32 v8, v8;
	v9 =	vadd.f32 v23, v9;
	v17 =	vld.idx.msk [tilespmem:v26+s12+$0x0], $0xffff  }
0x411: {  	v15 =	vadd.f32 v15, v16;
	v23 =	vld.idx.msk [tilespmem:v22+s11+$0x0], $0xffff  }
0x412: {  	v8 =	vadd.f32 v8, v9;
	v9 =	vmul.f32 v14, v14;
	v14 =	vld.idx.msk [tilespmem:v22+s12+$0x0], $0xffff  }
0x413: {  	v10 =	vadd.f32 v10, v15;
	v16 =	vld.idx.msk [tilespmem:v25+s12+$0x0], $0xffff  }
0x414: {  	v12 =	vmul.f32 v12, v12;
	v13 =	vsub.f32 v28, v13;
	v8 =	vadd.f32 v9, v8;
	v9 =	vld.idx.msk [tilespmem:v19+s11+$0x0], $0xffff  }
0x415: {  	v15 =	vld.idx.msk [tilespmem:v19+s12+$0x0], $0xffff;
	v17 =	vsub.f32 v21, v17  }
0x416: {  	v10 =	vadd.f32 v12, v10;
	v12 =	vsub.f32 v27, v18;
	v13 =	vmul.f32 v13, v13  }
0x417: {  	v14 =	vsub.f32 v23, v14;
	v17 =	vmul.f32 v17, v17  }
0x418: {  	v11 =	vsub.f32 v11, v20;
	v12 =	vmul.f32 v12, v12;
	v10 =	vadd.f32 v13, v10  }
0x419: {  	v16 =	vsub.f32 v24, v16;
	v13 =	vmul.f32 v14, v14;
	v8 =	vadd.f32 v17, v8  }
0x41a: {  	v6 =	vsub.f32 v6, v7;
	v11 =	vmul.f32 v11, v11;
	v7 =	vsub.f32 v9, v15  }
0x41b: {  	v9 =	vadd.f32 v12, v10;
	v10 =	vmul.f32 v16, v16;
	v8 =	vadd.f32 v13, v8  }
0x41c: {  	v6 =	vmul.f32 v6, v6  }
0x41d: {  	v9 =	vadd.f32 v11, v9;
	v7 =	vmul.f32 v7, v7;
	v8 =	vadd.f32 v10, v8;
	_ =	sdelay $0x1  }
0x41e: {  	v6 =	vadd.f32 v6, v9;
	v7 =	vadd.f32 v7, v8;
	_ =	sdelay $0x1  }
0x41f: {  	v6 =	vadd.f32 v6, v7;
	_ =	sdelay $0x1  }
0x420: {  	v6 =	vadd.f32 $-2.000000000e+00, v6;
	_ =	sdelay $0x1  }
0x421: {  	v6 =	vmul.f32 $1.442695020e+00, v6;
	_ =	sdelay $0x1  }
0x422: {  	(erf) = vpow2.f32 v6;
	_ =	sdelay $0x8  }
0x423: {  	v6 =	vpop (erf)  }
0x424: {  	v6 =	vadd.f32 $1.000000000e+00, v6;
	_ =	sdelay $0x1  }
0x425: {  	(erf) = vrcp.f32 v6;
	_ =	sdelay $0x2  }
0x426: {  	s31 =	simm.s32 $0x7  }
0x427: {  	v6 =	vadd.s32 s31, v0  }
0x428: {  	s21 =	simm.s32 $0x5;
	v6 =	vand.u32 $0x7F, v6  }
0x429: {  	v7 =	vadd.s32 s21, v0;
	v6 =	vor.u32 v5, v6  }
0x42a: {  	s22 =	simm.s32 $0x3;
	v7 =	vand.u32 $0x7F, v7  }
0x42b: {  	v8 =	vadd.s32 s22, v0;
	v7 =	vor.u32 v5, v7  }
0x42c: {  	v8 =	vand.u32 $0x7F, v8;
	s21 =	simm.s32 $0x0;
	v9 =	vpop (erf)  }
0x42d: {  	v8 =	vor.u32 v5, v8;
	v12 =	vadd.s32 s21, v0;
	[tilespmem:$0x75F0] =	vst v9  }
0x42e: {  	s23 =	simm.s32 $0x1;
	v12 =	vand.u32 $0x7F, v12;
	v11 =	vld.idx.msk [tilespmem:v6+s11+$0x0], $0xffff  }
0x42f: {  	v12 =	vor.u32 v5, v12;
	v9 =	vadd.s32 s23, v0;
	v6 =	vld.idx.msk [tilespmem:v6+s12+$0x0], $0xffff  }
0x430: {  	s25 =	simm.s32 $0x2;
	v9 =	vand.u32 $0x7F, v9;
	v13 =	vld.idx.msk [tilespmem:v7+s11+$0x0], $0xffff  }
0x431: {  	v14 =	vadd.s32 s25, v0;
	v7 =	vld.idx.msk [tilespmem:v7+s12+$0x0], $0xffff;
	v9 =	vor.u32 v5, v9  }
0x432: {  	s24 =	simm.s32 $0x4;
	v14 =	vand.u32 $0x7F, v14;
	v15 =	vld.idx.msk [tilespmem:v8+s11+$0x0], $0xffff  }
0x433: {  	v14 =	vor.u32 v5, v14;
	v10 =	vadd.s32 s24, v0;
	v16 =	vld.idx.msk [tilespmem:v8+s12+$0x0], $0xffff  }
0x434: {  	s26 =	simm.s32 $0x6;
	v10 =	vand.u32 $0x7F, v10;
	v22 =	vld.idx.msk [tilespmem:v12+s11+$0x0], $0xffff  }
0x435: {  	s20 =	simm.s32 $0xF;
	v10 =	vor.u32 v5, v10;
	v8 =	vadd.s32 s26, v0;
	v24 =	vld.idx.msk [tilespmem:v12+s12+$0x0], $0xffff  }
0x436: {  	s28 =	simm.s32 $0xD;
	v20 =	vadd.s32 s20, v0;
	v19 =	vand.u32 $0x7F, v8;
	v17 =	vld.idx.msk [tilespmem:v9+s11+$0x0], $0xffff  }
0x437: {  	s29 =	simm.s32 $0x9;
	v21 =	vadd.s32 s28, v0;
	s22 =	simm.s32 $0xB;
	v23 =	vor.u32 v5, v19;
	v19 =	vand.u32 $0x7F, v20;
	v18 =	vld.idx.msk [tilespmem:v9+s12+$0x0], $0xffff  }
0x438: {  	v12 =	vadd.s32 s29, v0;
	v27 =	vld.idx.msk [tilespmem:v14+s11+$0x0], $0xffff;
	v20 =	vadd.s32 s22, v0;
	v26 =	vor.u32 v5, v19  }
0x439: {  	v21 =	vand.u32 $0x7F, v21;
	v63 =	vld.idx.msk [tilespmem:v14+s12+$0x0], $0xffff;
	v12 =	vand.u32 $0x7F, v12;
	v25 =	vand.u32 $0x7F, v20  }
0x43a: {  	s31 =	simm.s32 $0xC;
	v8 =	vld.idx.msk [tilespmem:v10+s11+$0x0], $0xffff;
	v20 =	vor.u32 v5, v21;
	v7 =	vsub.f32 v13, v7;
	v15 =	vsub.f32 v15, v16  }
0x43b: {  	v19 =	vld.idx.msk [tilespmem:v10+s12+$0x0], $0xffff;
	v13 =	vor.u32 v5, v12;
	v12 =	vsub.f32 v11, v6;
	v11 =	vadd.s32 s31, v0  }
0x43c: {  	v16 =	vsub.f32 v22, v24;
	v9 =	vimm.f32 $0.0e+00;
	v14 =	vld.idx.msk [tilespmem:v23+s11+$0x0], $0xffff;
	v17 =	vsub.f32 v17, v18  }
0x43d: {  	s30 =	simm.s32 $0xA;
	v10 =	vmul.f32 v7, v7;
	v15 =	vmul.f32 v15, v15;
	v6 =	vld.idx.msk [tilespmem:v26+s11+$0x0], $0xffff;
	v18 =	vor.u32 v5, v25  }
0x43e: {  	s23 =	simm.s32 $0x8;
	v7 =	vadd.s32 s30, v0;
	v24 =	vmul.f32 v16, v16;
	v21 =	vmul.f32 v17, v17;
	v17 =	vld.idx.msk [tilespmem:v23+s12+$0x0], $0xffff  }
0x43f: {  	v16 =	vimm.f32 $0.0e+00;
	v22 =	vand.u32 $0x7F, v7;
	v7 =	vld.idx.msk [tilespmem:v26+s12+$0x0], $0xffff;
	v23 =	vadd.s32 s23, v0  }
0x440: {  	s21 =	simm.s32 $0x17;
	v25 =	vand.u32 $0x7F, v11;
	v11 =	vld.idx.msk [tilespmem:v20+s11+$0x0], $0xffff;
	v26 =	vand.u32 $0x7F, v23;
	v23 =	vsub.f32 v27, v63  }
.LBB2_33:
0x441: {  	p0 =	sne.s32 s21, $0x7F;
	v26 =	vor.u32 v5, v26;
	v25 =	vor.u32 v5, v25;
	v20 =	vld.idx.msk [tilespmem:v20+s12+$0x0], $0xffff;
	v8 =	vsub.f32 v8, v19  }
0x442: {  	s22 =	sadd.s32 $0xFFFFFFFF, s20;
	v16 =	vadd.f32 v21, v16;
	s20 =	smov.u32 s21;
	v19 =	vld.idx.msk [tilespmem:v18+s11+$0x0], $0xffff;
	v9 =	vadd.f32 v24, v9;
	v21 =	vmul.f32 v23, v23  }
0x443: {  	v22 =	vor.u32 v5, v22;
	v23 =	vadd.s32 s22, v0;
	v14 =	vsub.f32 v14, v17;
	v18 =	vld.idx.msk [tilespmem:v18+s12+$0x0], $0xffff  }
0x444: {  	v15 =	vadd.f32 v15, v16;
	v16 =	vmul.f32 v8, v8;
	v17 =	vld.idx.msk [tilespmem:v13+s11+$0x0], $0xffff;
	v9 =	vadd.f32 v21, v9  }
0x445: {  	v12 =	vmul.f32 v12, v12;
	v23 =	vand.u32 $0x7F, v23;
	v21 =	vadd.s32 s21, v0;
	v13 =	vld.idx.msk [tilespmem:v13+s12+$0x0], $0xffff  }
0x446: {  	s22 =	sadd.s32 $0xFFFFFFFE, s21;
	v14 =	vmul.f32 v14, v14;
	v10 =	vadd.f32 v10, v15;
	v8 =	vld.idx.msk [tilespmem:v25+s11+$0x0], $0xffff;
	v9 =	vadd.f32 v16, v9  }
0x447: {  	s23 =	sadd.s32 $0xFFFFFFFC, s21;
	v23 =	vor.u32 v5, v23;
	v15 =	vadd.s32 s22, v0;
	v21 =	vand.u32 $0x7F, v21;
	v24 =	vld.idx.msk [tilespmem:v26+s11+$0x0], $0xffff  }
0x448: {  	v27 =	vadd.s32 s23, v0;
	s22 =	sadd.s32 $0xFFFFFFFA, s21;
	v16 =	vadd.f32 v12, v10;
	v26 =	vld.idx.msk [tilespmem:v26+s12+$0x0], $0xffff;
	v9 =	vadd.f32 v14, v9  }
0x449: {  	v28 =	vor.u32 v5, v21;
	v10 =	vadd.s32 s22, v0;
	v12 =	vand.u32 $0x7F, v15;
	v29 =	vld.idx.msk [tilespmem:v22+s11+$0x0], $0xffff  }
0x44a: {  	v11 =	vsub.f32 v11, v20;
	v10 =	vand.u32 $0x7F, v10;
	v14 =	vand.u32 $0x7F, v27;
	v27 =	vld.idx.msk [tilespmem:v22+s12+$0x0], $0xffff  }
0x44b: {  	v20 =	vor.u32 v5, v12;
	v15 =	vsub.f32 v19, v18;
	v12 =	vsub.f32 v17, v13;
	v19 =	vld.idx.msk [tilespmem:v25+s12+$0x0], $0xffff  }
.Ltmp16:
0x44c: {  	v18 =	vor.u32 v5, v14;
	v13 =	vor.u32 v5, v10;
	v10 =	vmul.f32 v11, v11;
	v14 =	vld.idx.msk [tilespmem:v23+s11+$0x0], $0xffff;
	(pc) =	sbr.rel @p0 .LBB2_33-.Ltmp16, $4  }
0x44d: {  	s23 =	sadd.s32 $0xFFFFFFFD, s21;
	s22 =	sadd.s32 $0xFFFFFFFB, s21;
	v15 =	vmul.f32 v15, v15;
	v21 =	vmul.f32 v12, v12;
	v12 =	vsub.f32 v6, v7;
	v17 =	vld.idx.msk [tilespmem:v23+s12+$0x0], $0xffff  }
0x44e: {  	s24 =	sadd.s32 $0xFFFFFFF9, s21;
	v11 =	vadd.s32 s23, v0;
	v7 =	vadd.s32 s22, v0;
	v23 =	vsub.f32 v24, v26;
	v6 =	vld.idx.msk [tilespmem:v28+s11+$0x0], $0xffff  }
0x44f: {  	v25 =	vand.u32 $0x7F, v11;
	v24 =	vadd.s32 s24, v0;
	v22 =	vand.u32 $0x7F, v7;
	v7 =	vld.idx.msk [tilespmem:v28+s12+$0x0], $0xffff  }
0x450: {  	s21 =	sadd.s32 $0x8, s21;
	v26 =	vand.u32 $0x7F, v24;
	v24 =	vmul.f32 v23, v23;
	v23 =	vsub.f32 v29, v27;
	v11 =	vld.idx.msk [tilespmem:v20+s11+$0x0], $0xffff  }
0x451: {  	_ =	sdelay $0x3  }
0x452: {  	v20 =	vld.idx.msk [tilespmem:v20+s12+$0x0], $0xffff;
	v26 =	vor.u32 v5, v26  }
0x453: {  	v27 =	vld.idx.msk [tilespmem:v18+s11+$0x0], $0xffff  }
0x454: {  	v48 =	vld.idx.msk [tilespmem:v18+s12+$0x0], $0xffff;
	v22 =	vor.u32 v5, v22  }
0x455: {  	s20 =	sadd.s32 $0xFFFFFFFF, s20;
	v28 =	vld.idx.msk [tilespmem:v13+s11+$0x0], $0xffff  }
0x456: {  	v25 =	vor.u32 v5, v25;
	v50 =	vld.idx.msk [tilespmem:v13+s12+$0x0], $0xffff;
	v49 =	vadd.s32 s20, v0  }
0x457: {  	v8 =	vsub.f32 v8, v19;
	v19 =	vand.u32 $0x7F, v49;
	v52 =	vld.idx.msk [tilespmem:v26+s11+$0x0], $0xffff  }
0x458: {  	v16 =	vadd.f32 v21, v16;
	v5 =	vor.u32 v5, v19;
	v53 =	vld.idx.msk [tilespmem:v26+s12+$0x0], $0xffff  }
0x459: {  	v9 =	vadd.f32 v24, v9;
	v23 =	vmul.f32 v23, v23;
	v54 =	vld.idx.msk [tilespmem:v22+s11+$0x0], $0xffff  }
0x45a: {  	v15 =	vadd.f32 v15, v16;
	v56 =	vld.idx.msk [tilespmem:v22+s12+$0x0], $0xffff  }
0x45b: {  	v14 =	vsub.f32 v14, v17;
	v8 =	vmul.f32 v8, v8;
	v9 =	vadd.f32 v23, v9;
	v51 =	vld.idx.msk [tilespmem:v25+s11+$0x0], $0xffff  }
0x45c: {  	v12 =	vmul.f32 v12, v12;
	v10 =	vadd.f32 v10, v15;
	v57 =	vld.idx.msk [tilespmem:v25+s12+$0x0], $0xffff;
	v13 =	vsub.f32 v28, v50  }
0x45d: {  	v55 =	vmul.f32 v14, v14;
	v8 =	vadd.f32 v8, v9;
	v58 =	vld.idx.msk [tilespmem:v5+s11+$0x0], $0xffff;
	v59 =	vsub.f32 v52, v53  }
0x45e: {  	v60 =	vsub.f32 v27, v48;
	v10 =	vadd.f32 v12, v10;
	v13 =	vmul.f32 v13, v13;
	v5 =	vld.idx.msk [tilespmem:v5+s12+$0x0], $0xffff  }
0x45f: {  	v8 =	vadd.f32 v55, v8;
	v14 =	vsub.f32 v54, v56;
	v15 =	vmul.f32 v59, v59  }
0x460: {  	v11 =	vsub.f32 v11, v20;
	v12 =	vmul.f32 v60, v60;
	v10 =	vadd.f32 v13, v10  }
0x461: {  	v16 =	vsub.f32 v51, v57;
	v61 =	vmul.f32 v14, v14;
	v8 =	vadd.f32 v15, v8  }
0x462: {  	v6 =	vsub.f32 v6, v7;
	v11 =	vmul.f32 v11, v11;
	v62 =	vadd.f32 v12, v10  }
0x463: {  	v63 =	vmul.f32 v16, v16;
	v5 =	vsub.f32 v58, v5;
	v7 =	vadd.f32 v61, v8  }
0x464: {  	v6 =	vmul.f32 v6, v6  }
0x465: {  	v5 =	vmul.f32 v5, v5;
	v8 =	vadd.f32 v11, v62;
	v7 =	vadd.f32 v63, v7;
	_ =	sdelay $0x1  }
0x466: {  	v6 =	vadd.f32 v6, v8;
	v5 =	vadd.f32 v5, v7;
	_ =	sdelay $0x1  }
0x467: {  	v5 =	vadd.f32 v6, v5;
	_ =	sdelay $0x1  }
0x468: {  	v5 =	vadd.f32 $-2.000000000e+00, v5;
	_ =	sdelay $0x1  }
0x469: {  	v5 =	vmul.f32 $1.442695020e+00, v5;
	_ =	sdelay $0x1  }
0x46a: {  	(erf) = vpow2.f32 v5;
	_ =	sdelay $0x8  }
0x46b: {  	v5 =	vpop (erf)  }
0x46c: {  	v5 =	vadd.f32 $1.000000000e+00, v5;
	_ =	sdelay $0x1  }
0x46d: {  	(erf) = vrcp.f32 v5;
	_ =	sdelay $0x7  }
0x46e: {  	s19 =	sadd.s32 $0x1, s19  }
0x46f: {  	p0 =	sne.s32 s19, s7;
	v5 =	vpop (erf)  }
.Ltmp17:
0x470: {  	[tilespmem:$0x7600] =	vst v5;
	(pc) =	sbr.rel @p0 .LBB2_1-.Ltmp17, $4  }
0x471: {  	[hbm4b:s6+s2] =	stream.linear.scatter [tilespmem:s18], [sflag:$0x3], $0x2710, $0x38;
	[tilespmem:$0x11680] =	vst v63  }
0x472: {  	_ =	swait.ge [sflag:s8], $0x2710  }
0x473: {  	[sflag:s8] =	ssyncset.done $0x0  }
0x474: {  	[sflag:s8] =	ssyncadd.s32 $0xFFFFD8F0  }
0x475: {  	_ =	sfence.sel $0x180000  }
0x476: {  	[bflag:$0x0] =	sbarrier.arrive $0xFFFF  }
0x477: {  	p0 =	sne.s32 s0, $0x0;
	_ =	strace $0x90000047  }
0x478: {  	s0 =	sadd.s32 @!p0 $0x100000, s1;
	[bflag:$0x2] =	sbarrier.arrive $0xFFFF  }
0x479: {  	[sflag:s0] =	ssyncadd.tile.s32 @!p0 $0x1;
	_ =	shalt  }
.Lfunc_end2:
_tile_overlayer_lowered:
.L_overlay_start_2:
0x47a: {  	(tag) =	ssettag $0x2  }
0x47b: {  	s0 =	rddreg [dreg:$0x0];
	s2 =	stileid.u32  }
0x47c: {  	s1 =	rddreg [dreg:$0x1];
	p0 =	sne.s32 s2, $0x0  }
0x47d: {  	s3 =	rddreg [dreg:$0x2];
	[bflag:$0x3] =	sbarrier.arrive $0xFFFF;
	s2 =	simm.s32 @!p0 $0x1C03  }
0x47e: {  	[timem:s3], [sflag:s2] =	dma.local @!p0 [hbm:s0], s1  }
0x47f: {  	s0 =	simm.s32 @!p0 $0x3  }
0x480: {  	_ =	swait.ge @!p0 [sflag:s0], s1  }
0x481: {  	s1 =	ssub.s32 @!p0 $0x0, s1;
	[sflag:s0] =	ssyncset.done @!p0 $0x0  }
0x482: {  	[sflag:s0] =	ssyncadd.s32 @!p0 s1  }
0x483: {  	[bflag:$0x3] =	sbarrier.arrive $0xFFFF  }
0x484: {  	_ =	shalt  }

</sc_bundles>
